<compile_context>
chip_gen: v7x
topology: tpu7x:2x2x1
jax: 0.10.2.dev20260603
libtpu: 0.0.44.dev20260713+nightly
codegen_flags: <defaults>
</compile_context>

<pallas_src>
import dataclasses

import jax
import jax.numpy as jnp
from jax import lax
from jax.experimental import pallas as pl
from jax.experimental.pallas import tpu as pltpu
from jax.experimental.pallas import tpu_sc as plsc

N = 10000
E = 160000
F_IN = 256
F_HID = 512
F_OUT = 256
NC = 2
NS = 16
LANES = 16
HALF = 128

EB = 128
NBLK = E // EB
KMAX = 80

ROWS = 624
ROWS_LAST = N - ROWS * (NS - 1)
DEGW = 128


def _sc_compiler_params():
  cp = pltpu.CompilerParams()
  if "needs_layout_passes" in pltpu.CompilerParams.__dataclass_fields__:
    cp = dataclasses.replace(cp, needs_layout_passes=False)
  return cp


def _vmesh():
  return plsc.VectorSubcoreMesh(core_axis_name="c", subcore_axis_name="s")


def _zero_fill(ref, rows, width):
  @pl.loop(0, rows)
  def _(i):
    for j in range(width // LANES):
      ref[i, pl.ds(j * LANES, LANES)] = jnp.zeros((LANES,), jnp.float32)


_ZCHUNKS = ((0, 128), (128, 128), (256, 128), (384, 128), (512, 112))


def _zero_spmem(acc_sp, zbuf, s, zsem):
  base = ROWS * s
  for off, n in _ZCHUNKS:
    pltpu.async_copy(zbuf.at[pl.ds(0, n)], acc_sp.at[pl.ds(base + off, n)],
                     zsem)

  @pl.when(s == NS - 1)
  def _():
    pltpu.async_copy(zbuf.at[pl.ds(0, ROWS_LAST - ROWS)],
                     acc_sp.at[pl.ds(ROWS * NS, ROWS_LAST - ROWS)], zsem)

  for off, n in _ZCHUNKS:
    pltpu.make_async_copy(zbuf.at[pl.ds(0, n)],
                          acc_sp.at[pl.ds(base + off, n)], zsem).wait()

  @pl.when(s == NS - 1)
  def _():
    pltpu.make_async_copy(zbuf.at[pl.ds(0, ROWS_LAST - ROWS)],
                          acc_sp.at[pl.ds(ROWS * NS, ROWS_LAST - ROWS)],
                          zsem).wait()


def _copy_out(acc_sp, out_hbm, c, s):
  row0 = ROWS * s
  pltpu.sync_copy(acc_sp.at[pl.ds(row0, ROWS)],
                  out_hbm.at[c].at[pl.ds(row0, ROWS)])

  @pl.when(s == NS - 1)
  def _():
    row1 = ROWS * NS
    pltpu.sync_copy(acc_sp.at[pl.ds(row1, ROWS_LAST - ROWS)],
                    out_hbm.at[c].at[pl.ds(row1, ROWS_LAST - ROWS)])


HROWS = 80


def _deg_body(src_hbm, dst_hbm, cnt_hbm, acc_sp,
              idx0, idx1, hist_v, ident_v, isem0, isem1):
  c = lax.axis_index("c")
  s = lax.axis_index("s")
  idx_vs = (idx0, idx1)
  isems = (isem0, isem1)

  _zero_fill(hist_v, HROWS, DEGW)
  for g in range(HROWS // LANES):
    ident_v[pl.ds(g * LANES, LANES)] = (
        lax.iota(jnp.int32, LANES) + g * LANES)

  @pl.when(s == 0)
  def _():
    pltpu.sync_copy(hist_v, acc_sp)
  plsc.subcore_barrier()

  def valid(k):
    return (k * NS + s) < NBLK

  def issue_idx(k, slot):
    sl = pl.ds((k * NS + s) * EB, EB)

    @pl.when(c == 0)
    def _():
      pltpu.async_copy(src_hbm.at[sl], idx_vs[slot], isems[slot])

    @pl.when(c == 1)
    def _():
      pltpu.async_copy(dst_hbm.at[sl], idx_vs[slot], isems[slot])

  def wait_idx(slot):
    pltpu.make_async_copy(src_hbm.at[pl.ds(0, EB)], idx_vs[slot],
                          isems[slot]).wait()

  issue_idx(0, 0)
  ones16 = jnp.ones((LANES,), jnp.float32)

  @pl.loop(0, KMAX, step=2)
  def _(k0):
    for dk in (0, 1):
      k = k0 + dk
      r, o = dk, 1 - dk

      @pl.when(valid(k + 1))
      def _():
        issue_idx(k + 1, o)

      @pl.when(valid(k))
      def _():
        wait_idx(r)
        for g in range(EB // LANES):
          idx16 = idx_vs[r][pl.ds(g * LANES, LANES)]
          row16 = lax.shift_right_logical(idx16, 7)
          col16 = lax.bitwise_and(idx16, 127)
          plsc.addupdate_scatter(hist_v, [row16, col16], ones16)

  pltpu.sync_copy(hist_v, acc_sp.at[ident_v], add=True)
  plsc.subcore_barrier()

  @pl.when(s == 0)
  def _():
    pltpu.sync_copy(acc_sp, cnt_hbm.at[c])


def _sc_degrees(src, dst):
  kern = pl.kernel(
      _deg_body,
      out_type=jax.ShapeDtypeStruct((NC, HROWS, DEGW), jnp.float32),
      mesh=_vmesh(),
      scratch_types=[
          pltpu.VMEM_SHARED((HROWS, DEGW), jnp.float32),
          pltpu.VMEM((EB,), jnp.int32),
          pltpu.VMEM((EB,), jnp.int32),
          pltpu.VMEM((HROWS, DEGW), jnp.float32),
          pltpu.VMEM((HROWS,), jnp.int32),
          pltpu.SemaphoreType.DMA,
          pltpu.SemaphoreType.DMA,
      ],
      compiler_params=_sc_compiler_params(),
  )
  return kern(src, dst)


def _agg_body(tbl_hbm, src_hbm, dst_hbm, w_hbm, scale_hbm, out_hbm, acc_sp,
              idx0, idx1, dst0, dst1, w0, w1, rows0, rows1, dstS, dstS2,
              scale_v, scale_sp, isem0, isem1, gsem0, gsem1, ssem):
  c = lax.axis_index("c")
  s = lax.axis_index("s")
  idx_vs = (idx0, idx1)
  dst_vs = (dst0, dst1)
  w_vs = (w0, w1)
  rows_vs = (rows0, rows1)
  isems = (isem0, isem1)
  gsems = (gsem0, gsem1)

  _zero_fill(rows0, EB, HALF)
  _zero_spmem(acc_sp, rows0, s, ssem)

  @pl.when(s == 0)
  def _():
    pltpu.sync_copy(scale_hbm, scale_sp)
  plsc.subcore_barrier()
  pltpu.sync_copy(scale_sp, scale_v)

  def valid(k):
    return (k * NS + s) < NBLK

  def issue_idx(k, slot):
    sl = pl.ds((k * NS + s) * EB, EB)
    pltpu.async_copy(src_hbm.at[sl], idx_vs[slot], isems[slot])
    pltpu.async_copy(dst_hbm.at[sl], dst_vs[slot], isems[slot])
    pltpu.async_copy(w_hbm.at[sl], w_vs[slot], isems[slot])

  def wait_idx(slot):
    pltpu.make_async_copy(src_hbm.at[pl.ds(0, EB)], idx_vs[slot],
                          isems[slot]).wait()
    pltpu.make_async_copy(dst_hbm.at[pl.ds(0, EB)], dst_vs[slot],
                          isems[slot]).wait()
    pltpu.make_async_copy(w_hbm.at[pl.ds(0, EB)], w_vs[slot],
                          isems[slot]).wait()

  def transform_idx(slot):
    for g in range(EB // LANES):
      gsl = pl.ds(g * LANES, LANES)
      s16 = idx_vs[slot][gsl]
      idx_vs[slot][gsl] = s16 + s16 + c

  def fold_weight(slot):
    for g in range(EB // LANES):
      gsl = pl.ds(g * LANES, LANES)
      s16 = lax.shift_right_logical(idx_vs[slot][gsl], 1)
      w_vs[slot][gsl] = w_vs[slot][gsl] * plsc.load_gather(scale_v, [s16])

  HB = EB // 2

  def issue_gather(slot):
    pltpu.async_copy(tbl_hbm.at[idx_vs[slot].at[pl.ds(0, HB)]],
                     rows_vs[slot].at[pl.ds(0, HB)], gsems[slot])
    pltpu.async_copy(tbl_hbm.at[idx_vs[slot].at[pl.ds(HB, HB)]],
                     rows_vs[slot].at[pl.ds(HB, HB)], gsems[slot])

  def wait_gather(slot):
    pltpu.make_async_copy(tbl_hbm.at[idx_vs[slot].at[pl.ds(0, HB)]],
                          rows_vs[slot].at[pl.ds(0, HB)], gsems[slot]).wait()
    pltpu.make_async_copy(tbl_hbm.at[idx_vs[slot].at[pl.ds(HB, HB)]],
                          rows_vs[slot].at[pl.ds(HB, HB)], gsems[slot]).wait()

  issue_idx(0, 0)
  wait_idx(0)
  transform_idx(0)
  issue_gather(0)
  fold_weight(0)
  issue_idx(1, 1)

  @pl.loop(0, KMAX, step=2)
  def _(k0):
    for dk in (0, 1):
      k = k0 + dk
      r, o = dk, 1 - dk

      @pl.when(jnp.logical_and(k >= 1, valid(k - 1)))
      def _():
        pltpu.make_async_copy(rows_vs[o].at[pl.ds(0, HB)],
                              acc_sp.at[dstS], ssem).wait()
        pltpu.make_async_copy(rows_vs[o].at[pl.ds(HB, HB)],
                              acc_sp.at[dstS2], ssem).wait()

      @pl.when(valid(k + 1))
      def _():
        wait_idx(o)
        transform_idx(o)
        issue_gather(o)
        fold_weight(o)

      @pl.when(valid(k))
      def _():
        wait_gather(r)

        for g in range(EB // LANES):
          gsl = pl.ds(g * LANES, LANES)
          if g < HB // LANES:
            dstS[gsl] = dst_vs[r][gsl]
          else:
            dstS2[pl.ds(g * LANES - HB, LANES)] = dst_vs[r][gsl]

        @plsc.parallel_loop(0, EB, unroll=4)
        def _(i):
          wspl = plsc.load_gather(w_vs[r], [jnp.broadcast_to(i, (LANES,))])
          for j in range(HALF // LANES):
            jsl = pl.ds(j * LANES, LANES)
            rows_vs[r][i, jsl] = rows_vs[r][i, jsl] * wspl

        pltpu.async_copy(rows_vs[r].at[pl.ds(0, HB)], acc_sp.at[dstS],
                         ssem, add=True)
        pltpu.async_copy(rows_vs[r].at[pl.ds(HB, HB)], acc_sp.at[dstS2],
                         ssem, add=True)

      @pl.when(valid(k + 2))
      def _():
        issue_idx(k + 2, r)

  plsc.subcore_barrier()
  _copy_out(acc_sp, out_hbm, c, s)


def _sc_agg(table, src, dst, w, scale):
  kern = pl.kernel(
      _agg_body,
      out_type=jax.ShapeDtypeStruct((NC, N, HALF), jnp.float32),
      mesh=_vmesh(),
      scratch_types=[
          pltpu.VMEM_SHARED((N, HALF), jnp.float32),
          pltpu.VMEM((EB,), jnp.int32),
          pltpu.VMEM((EB,), jnp.int32),
          pltpu.VMEM((EB,), jnp.int32),
          pltpu.VMEM((EB,), jnp.int32),
          pltpu.VMEM((EB,), jnp.float32),
          pltpu.VMEM((EB,), jnp.float32),
          pltpu.VMEM((EB, HALF), jnp.float32),
          pltpu.VMEM((EB, HALF), jnp.float32),
          pltpu.VMEM((EB // 2,), jnp.int32),
          pltpu.VMEM((EB // 2,), jnp.int32),
          pltpu.VMEM((N,), jnp.float32),
          pltpu.VMEM_SHARED((N,), jnp.float32),
          pltpu.SemaphoreType.DMA,
          pltpu.SemaphoreType.DMA,
          pltpu.SemaphoreType.DMA,
          pltpu.SemaphoreType.DMA,
          pltpu.SemaphoreType.DMA,
      ],
      compiler_params=_sc_compiler_params(),
  )
  return kern(table, src, dst, w, scale)


def _norm_body(cnt_ref, out_ref):
  flat = cnt_ref[...].reshape(NC, HROWS * DEGW)[:, :N]
  out_ref[...] = lax.rsqrt(jnp.maximum(flat, 1.0))[:, :, None]


def _tc_norm(cnt):
  return pl.pallas_call(
      _norm_body,
      out_shape=jax.ShapeDtypeStruct((NC, N, 1), jnp.float32),
  )(cnt)


_MM_BLK = 1000


def _mm_body(agg_ref, ndst_ref, w1_ref, b1_ref, w2_ref, out_ref):
  a = jnp.concatenate([agg_ref[0], agg_ref[1]], axis=-1)
  a = a * ndst_ref[0]
  h = jnp.dot(a, w1_ref[...], preferred_element_type=jnp.float32,
              precision=lax.Precision.DEFAULT)
  h = jnp.maximum(h + b1_ref[...][None, :], 0.0)
  out_ref[...] = jnp.dot(h, w2_ref[...], preferred_element_type=jnp.float32,
                         precision=lax.Precision.DEFAULT)


def _tc_mm(agg, norm3, W1, b1, W2):
  return pl.pallas_call(
      _mm_body,
      grid=(N // _MM_BLK,),
      in_specs=[
          pl.BlockSpec((NC, _MM_BLK, HALF), lambda i: (0, i, 0)),
          pl.BlockSpec((1, _MM_BLK, 1), lambda i: (1, i, 0)),
          pl.BlockSpec((F_IN, F_HID), lambda i: (0, 0)),
          pl.BlockSpec((F_HID,), lambda i: (0,)),
          pl.BlockSpec((F_HID, F_OUT), lambda i: (0, 0)),
      ],
      out_specs=pl.BlockSpec((_MM_BLK, F_OUT), lambda i: (i, 0)),
      out_shape=jax.ShapeDtypeStruct((N, F_OUT), jnp.float32),
  )(agg, norm3, W1, b1, W2)


def _out_body(agg_ref, ndst_ref, b2_ref, out_ref):
  o = jnp.concatenate([agg_ref[0], agg_ref[1]], axis=-1)
  out_ref[...] = o * ndst_ref[0] + b2_ref[...][None, :]


def _tc_out(agg, norm3, b2):
  return pl.pallas_call(
      _out_body,
      grid=(N // _MM_BLK,),
      in_specs=[
          pl.BlockSpec((NC, _MM_BLK, HALF), lambda i: (0, i, 0)),
          pl.BlockSpec((1, _MM_BLK, 1), lambda i: (1, i, 0)),
          pl.BlockSpec((F_OUT,), lambda i: (0,)),
      ],
      out_specs=pl.BlockSpec((_MM_BLK, F_OUT), lambda i: (i, 0)),
      out_shape=jax.ShapeDtypeStruct((N, F_OUT), jnp.float32),
  )(agg, norm3, b2)


def kernel(node_feats, edge_index, edge_weight, W1, b1, W2, b2):
  ei = edge_index.astype(jnp.int32)
  src = ei[0]
  dst = ei[1]
  w = edge_weight.astype(jnp.float32)

  cnt = _sc_degrees(src, dst)
  norm3 = _tc_norm(cnt)
  nsrc = norm3[0, :, 0]

  agg1 = _sc_agg(node_feats.reshape(NC * N, HALF), src, dst, w, nsrc)
  g2 = _tc_mm(agg1, norm3, W1, b1, W2)
  agg2 = _sc_agg(g2.reshape(NC * N, HALF), src, dst, w, nsrc)
  return _tc_out(agg2, norm3, b2)

# --- scband reference (transcript-rebuilt; emitter-appended) ---
"""Pipeline reference for scband-gcnwith-weight-edge-180388626679 (READ-ONLY COPY).

The authoritative reference and input builder live on the scoring server;
editing this copy changes nothing except your own understanding.
"""

import jax, jax.numpy as jnp
import numpy as np

N_NODES = 10000
N_EDGES = 160000
IN_FEATS = 256
HIDDEN_FEATS = 512
OUT_FEATS = 256


def setup_inputs(seed: int = 0) -> dict:
    key = jax.random.key(seed)
    k1, k2, k3, k4, k5, k6 = jax.random.split(key, 6)
    node_feats = jax.random.normal(k1, (N_NODES, IN_FEATS), dtype=jnp.float32)
    edge_index = jax.random.randint(k2, (2, N_EDGES), 0, N_NODES, dtype=jnp.int64)
    edge_weight = jax.random.uniform(k3, (N_EDGES,), dtype=jnp.float32)
    # GraphConv weights (Glorot-style scale)
    W1 = jax.random.normal(k4, (IN_FEATS, HIDDEN_FEATS), dtype=jnp.float32) * (1.0 / np.sqrt(IN_FEATS))
    b1 = jnp.zeros((HIDDEN_FEATS,), dtype=jnp.float32)
    W2 = jax.random.normal(k5, (HIDDEN_FEATS, OUT_FEATS), dtype=jnp.float32) * (1.0 / np.sqrt(HIDDEN_FEATS))
    b2 = jnp.zeros((OUT_FEATS,), dtype=jnp.float32)
    return {
        "node_feats": node_feats,
        "edge_index": edge_index,
        "edge_weight": edge_weight,
        "W1": W1,
        "b1": b1,
        "W2": W2,
        "b2": b2,
    }


def _graph_conv(feat, src, dst, edge_weight, W, b, norm_src, norm_dst, n_nodes):
    # DGL GraphConv with norm='both' and edge_weight:
    #   h = D_out^{-1/2} X; m_e = h[src] * w_e; agg = scatter_add(m, dst);
    #   out = (D_in^{-1/2} agg) @ W + b
    h = feat * norm_src[:, None]
    msgs = h[src] * edge_weight[:, None]
    agg = jax.ops.segment_sum(msgs, dst, num_segments=n_nodes)
    agg = agg * norm_dst[:, None]
    return agg @ W + b


def reference(node_feats, edge_index, edge_weight, W1, b1, W2, b2):
    src = edge_index[0]
    dst = edge_index[1]
    n_nodes = node_feats.shape[0]
    ones = jnp.ones((src.shape[0],), dtype=jnp.float32)
    out_deg = jnp.clip(jax.ops.segment_sum(ones, src, num_segments=n_nodes), 1.0)
    in_deg = jnp.clip(jax.ops.segment_sum(ones, dst, num_segments=n_nodes), 1.0)
    norm_src = jax.lax.rsqrt(out_deg)
    norm_dst = jax.lax.rsqrt(in_deg)
    h = _graph_conv(node_feats, src, dst, edge_weight, W1, b1, norm_src, norm_dst, n_nodes)
    h = jax.nn.relu(h)
    out = _graph_conv(h, src, dst, edge_weight, W2, b2, norm_src, norm_dst, n_nodes)
    return out

if __name__ == "__main__":
    import jax
    _d = setup_inputs()
    print(jax.jit(kernel)(*tuple(_d.values())))

</pallas_src>

<mosaic_0001>
#map = affine_map<(d0, d1) -> (0)>
#map1 = affine_map<(d0, d1) -> (0, 0, 0)>
module attributes {stable_mosaic.version = 14 : i64} {
  func.func @_deg_body(%arg0: i32, %arg1: i32, %arg2: memref<160000xi32, #tpu.memory_space<hbm>>, %arg3: memref<160000xi32, #tpu.memory_space<hbm>>, %arg4: memref<2x80x128xf32, #tpu.memory_space<hbm>>, %arg5: memref<80x128xf32, #tpu.memory_space<vmem_shared>>, %arg6: memref<128xi32, #tpu.memory_space<vmem>>, %arg7: memref<128xi32, #tpu.memory_space<vmem>>, %arg8: memref<80x128xf32, #tpu.memory_space<vmem>>, %arg9: memref<80xi32, #tpu.memory_space<vmem>>, %arg10: memref<!tpu.dma_semaphore, #tpu.memory_space<semaphore_mem>>, %arg11: memref<!tpu.dma_semaphore, #tpu.memory_space<semaphore_mem>>) attributes {dimension_semantics = [#tpu.dimension_semantics<core_parallel>, #tpu.dimension_semantics<subcore_parallel>], iteration_bounds = array<i64: 2, 16>, scalar_prefetch = 0 : i64, scratch_operands = 7 : i64, tpu.core_type = #tpu.core_type<sc_vector_subcore>, window_params = [{transform_indices = #map}, {transform_indices = #map}, {transform_indices = #map1}]} {
    %scan3A = arith.constant 0 : i32
    %scan3A_0 = arith.constant 80 : i32
    %scan3A_1 = arith.addi %scan3A, %scan3A_0 : i32
    %scan3A_2 = arith.constant 1 : i32
    scf.for %scan3A_58 = %scan3A to %scan3A_1 step %scan3A_2  : i32 {
      %mul3A_59 = arith.constant 1 : i32
      %mul3A_60 = arith.muli %scan3A_58, %mul3A_59 : i32
      %add3A_61 = arith.constant 0 : i32
      %add3A_62 = arith.addi %add3A_61, %mul3A_60 : i32
      %broadcast_in_dim3A_63 = arith.constant 0.000000e+00 : f32
      %broadcast_in_dim3A_64 = vector.broadcast %broadcast_in_dim3A_63 : f32 to vector<16xf32>
      %swap3A_65 = arith.index_cast %add3A_62 : i32 to index
      %swap3A_66 = arith.constant 0 : index
      %swap3A_67 = tpu.vector_load %arg8[%swap3A_65, %swap3A_66] {strides = array<i32>} : memref<80x128xf32, #tpu.memory_space<vmem>>, vector<16xf32>,
      tpu.vector_store %arg8[%swap3A_65, %swap3A_66], %broadcast_in_dim3A_64 {strides = array<i32>} : memref<80x128xf32, #tpu.memory_space<vmem>>, vector<16xf32>,
      %broadcast_in_dim3A_68 = arith.constant 0.000000e+00 : f32
      %broadcast_in_dim3A_69 = vector.broadcast %broadcast_in_dim3A_68 : f32 to vector<16xf32>
      %swap3A_70 = arith.index_cast %add3A_62 : i32 to index
      %swap3A_71 = arith.constant 16 : index
      %swap3A_72 = tpu.vector_load %arg8[%swap3A_70, %swap3A_71] {strides = array<i32>} : memref<80x128xf32, #tpu.memory_space<vmem>>, vector<16xf32>,
      tpu.vector_store %arg8[%swap3A_70, %swap3A_71], %broadcast_in_dim3A_69 {strides = array<i32>} : memref<80x128xf32, #tpu.memory_space<vmem>>, vector<16xf32>,
      %broadcast_in_dim3A_73 = arith.constant 0.000000e+00 : f32
      %broadcast_in_dim3A_74 = vector.broadcast %broadcast_in_dim3A_73 : f32 to vector<16xf32>
      %swap3A_75 = arith.index_cast %add3A_62 : i32 to index
      %swap3A_76 = arith.constant 32 : index
      %swap3A_77 = tpu.vector_load %arg8[%swap3A_75, %swap3A_76] {strides = array<i32>} : memref<80x128xf32, #tpu.memory_space<vmem>>, vector<16xf32>,
      tpu.vector_store %arg8[%swap3A_75, %swap3A_76], %broadcast_in_dim3A_74 {strides = array<i32>} : memref<80x128xf32, #tpu.memory_space<vmem>>, vector<16xf32>,
      %broadcast_in_dim3A_78 = arith.constant 0.000000e+00 : f32
      %broadcast_in_dim3A_79 = vector.broadcast %broadcast_in_dim3A_78 : f32 to vector<16xf32>
      %swap3A_80 = arith.index_cast %add3A_62 : i32 to index
      %swap3A_81 = arith.constant 48 : index
      %swap3A_82 = tpu.vector_load %arg8[%swap3A_80, %swap3A_81] {strides = array<i32>} : memref<80x128xf32, #tpu.memory_space<vmem>>, vector<16xf32>,
      tpu.vector_store %arg8[%swap3A_80, %swap3A_81], %broadcast_in_dim3A_79 {strides = array<i32>} : memref<80x128xf32, #tpu.memory_space<vmem>>, vector<16xf32>,
      %broadcast_in_dim3A_83 = arith.constant 0.000000e+00 : f32
      %broadcast_in_dim3A_84 = vector.broadcast %broadcast_in_dim3A_83 : f32 to vector<16xf32>
      %swap3A_85 = arith.index_cast %add3A_62 : i32 to index
      %swap3A_86 = arith.constant 64 : index
      %swap3A_87 = tpu.vector_load %arg8[%swap3A_85, %swap3A_86] {strides = array<i32>} : memref<80x128xf32, #tpu.memory_space<vmem>>, vector<16xf32>,
      tpu.vector_store %arg8[%swap3A_85, %swap3A_86], %broadcast_in_dim3A_84 {strides = array<i32>} : memref<80x128xf32, #tpu.memory_space<vmem>>, vector<16xf32>,
      %broadcast_in_dim3A_88 = arith.constant 0.000000e+00 : f32
      %broadcast_in_dim3A_89 = vector.broadcast %broadcast_in_dim3A_88 : f32 to vector<16xf32>
      %swap3A_90 = arith.index_cast %add3A_62 : i32 to index
      %swap3A_91 = arith.constant 80 : index
      %swap3A_92 = tpu.vector_load %arg8[%swap3A_90, %swap3A_91] {strides = array<i32>} : memref<80x128xf32, #tpu.memory_space<vmem>>, vector<16xf32>,
      tpu.vector_store %arg8[%swap3A_90, %swap3A_91], %broadcast_in_dim3A_89 {strides = array<i32>} : memref<80x128xf32, #tpu.memory_space<vmem>>, vector<16xf32>,
      %broadcast_in_dim3A_93 = arith.constant 0.000000e+00 : f32
      %broadcast_in_dim3A_94 = vector.broadcast %broadcast_in_dim3A_93 : f32 to vector<16xf32>
      %swap3A_95 = arith.index_cast %add3A_62 : i32 to index
      %swap3A_96 = arith.constant 96 : index
      %swap3A_97 = tpu.vector_load %arg8[%swap3A_95, %swap3A_96] {strides = array<i32>} : memref<80x128xf32, #tpu.memory_space<vmem>>, vector<16xf32>,
      tpu.vector_store %arg8[%swap3A_95, %swap3A_96], %broadcast_in_dim3A_94 {strides = array<i32>} : memref<80x128xf32, #tpu.memory_space<vmem>>, vector<16xf32>,
      %broadcast_in_dim3A_98 = arith.constant 0.000000e+00 : f32
      %broadcast_in_dim3A_99 = vector.broadcast %broadcast_in_dim3A_98 : f32 to vector<16xf32>
      %swap3A_100 = arith.index_cast %add3A_62 : i32 to index
      %swap3A_101 = arith.constant 112 : index
      %swap3A_102 = tpu.vector_load %arg8[%swap3A_100, %swap3A_101] {strides = array<i32>} : memref<80x128xf32, #tpu.memory_space<vmem>>, vector<16xf32>,
      tpu.vector_store %arg8[%swap3A_100, %swap3A_101], %broadcast_in_dim3A_99 {strides = array<i32>} : memref<80x128xf32, #tpu.memory_space<vmem>>, vector<16xf32>,
    }
    %scan3A_3 = arith.constant 80 : i32
    %iota3A = tpu.iota {dimensions = array<i32: 0>} : vector<16xi32>
    %add3A = arith.constant 0 : i32
    %add3A_4 = vector.broadcast %add3A : i32 to vector<16xi32>
    %add3A_5 = arith.addi %iota3A, %add3A_4 : vector<16xi32>
    %swap3A = arith.constant 0 : index
    %swap3A_6 = tpu.vector_load %arg9[%swap3A] {strides = array<i32>} : memref<80xi32, #tpu.memory_space<vmem>>, vector<16xi32>,
    tpu.vector_store %arg9[%swap3A], %add3A_5 {strides = array<i32>} : memref<80xi32, #tpu.memory_space<vmem>>, vector<16xi32>,
    %iota3A_7 = tpu.iota {dimensions = array<i32: 0>} : vector<16xi32>
    %add3A_8 = arith.constant 16 : i32
    %add3A_9 = vector.broadcast %add3A_8 : i32 to vector<16xi32>
    %add3A_10 = arith.addi %iota3A_7, %add3A_9 : vector<16xi32>
    %swap3A_11 = arith.constant 16 : index
    %swap3A_12 = tpu.vector_load %arg9[%swap3A_11] {strides = array<i32>} : memref<80xi32, #tpu.memory_space<vmem>>, vector<16xi32>,
    tpu.vector_store %arg9[%swap3A_11], %add3A_10 {strides = array<i32>} : memref<80xi32, #tpu.memory_space<vmem>>, vector<16xi32>,
    %iota3A_13 = tpu.iota {dimensions = array<i32: 0>} : vector<16xi32>
    %add3A_14 = arith.constant 32 : i32
    %add3A_15 = vector.broadcast %add3A_14 : i32 to vector<16xi32>
    %add3A_16 = arith.addi %iota3A_13, %add3A_15 : vector<16xi32>
    %swap3A_17 = arith.constant 32 : index
    %swap3A_18 = tpu.vector_load %arg9[%swap3A_17] {strides = array<i32>} : memref<80xi32, #tpu.memory_space<vmem>>, vector<16xi32>,
    tpu.vector_store %arg9[%swap3A_17], %add3A_16 {strides = array<i32>} : memref<80xi32, #tpu.memory_space<vmem>>, vector<16xi32>,
    %iota3A_19 = tpu.iota {dimensions = array<i32: 0>} : vector<16xi32>
    %add3A_20 = arith.constant 48 : i32
    %add3A_21 = vector.broadcast %add3A_20 : i32 to vector<16xi32>
    %add3A_22 = arith.addi %iota3A_19, %add3A_21 : vector<16xi32>
    %swap3A_23 = arith.constant 48 : index
    %swap3A_24 = tpu.vector_load %arg9[%swap3A_23] {strides = array<i32>} : memref<80xi32, #tpu.memory_space<vmem>>, vector<16xi32>,
    tpu.vector_store %arg9[%swap3A_23], %add3A_22 {strides = array<i32>} : memref<80xi32, #tpu.memory_space<vmem>>, vector<16xi32>,
    %iota3A_25 = tpu.iota {dimensions = array<i32: 0>} : vector<16xi32>
    %add3A_26 = arith.constant 64 : i32
    %add3A_27 = vector.broadcast %add3A_26 : i32 to vector<16xi32>
    %add3A_28 = arith.addi %iota3A_25, %add3A_27 : vector<16xi32>
    %swap3A_29 = arith.constant 64 : index
    %swap3A_30 = tpu.vector_load %arg9[%swap3A_29] {strides = array<i32>} : memref<80xi32, #tpu.memory_space<vmem>>, vector<16xi32>,
    tpu.vector_store %arg9[%swap3A_29], %add3A_28 {strides = array<i32>} : memref<80xi32, #tpu.memory_space<vmem>>, vector<16xi32>,
    %eq3A = arith.constant 0 : i32
    %eq3A_31 = arith.cmpi eq, %arg1, %eq3A : i32
    %convert_element_type3A = arith.extui %eq3A_31 : i1 to i32
    %cond3A = arith.constant 0 : i32
    %cond3A_32 = arith.cmpi ne, %convert_element_type3A, %cond3A : i32
    scf.if %cond3A_32 {
      "tpu.region"() ({
        %run_scoped3A = tpu.sem_alloc : memref<!tpu.dma_semaphore, #tpu.memory_space<semaphore_mem>>
        tpu.enqueue_dma source(%arg8 : memref<80x128xf32, #tpu.memory_space<vmem>>) target(%arg5 : memref<80x128xf32, #tpu.memory_space<vmem_shared>>) target_semaphore(%run_scoped3A : memref<!tpu.dma_semaphore, #tpu.memory_space<semaphore_mem>>)
        tpu.wait_dma2 semaphore(%run_scoped3A : memref<!tpu.dma_semaphore, #tpu.memory_space<semaphore_mem>>) src(%arg8 : memref<80x128xf32, #tpu.memory_space<vmem>>) dst(%arg5 : memref<80x128xf32, #tpu.memory_space<vmem_shared>>)
        tpu.yield
      }) : () -> ()
    } else {
    }
    %barrier3A = arith.constant 0 : index
    tpu.barrier barrier_id(%barrier3A)
    %add3A_33 = arith.constant 0 : i32
    %add3A_34 = arith.addi %add3A_33, %arg1 : i32
    %mul3A = arith.constant 128 : i32
    %mul3A_35 = arith.muli %add3A_34, %mul3A : i32
    %eq3A_36 = arith.constant 0 : i32
    %eq3A_37 = arith.cmpi eq, %arg0, %eq3A_36 : i32
    %convert_element_type3A_38 = arith.extui %eq3A_37 : i1 to i32
    %cond3A_39 = arith.constant 0 : i32
    %cond3A_40 = arith.cmpi ne, %convert_element_type3A_38, %cond3A_39 : i32
    scf.if %cond3A_40 {
      %dma_start3A = tpu.memref_slice %arg2[%mul3A_35] : memref<160000xi32, #tpu.memory_space<hbm>> -> memref<128xi32, #tpu.memory_space<hbm>>
      %dma_start3A_58 = tpu.memref_slice %arg2[%mul3A_35] : memref<160000xi32, #tpu.memory_space<hbm>> -> memref<128xi32, #tpu.memory_space<hbm>>
      tpu.enqueue_dma source(%dma_start3A_58 : memref<128xi32, #tpu.memory_space<hbm>>) target(%arg6 : memref<128xi32, #tpu.memory_space<vmem>>) target_semaphore(%arg10 : memref<!tpu.dma_semaphore, #tpu.memory_space<semaphore_mem>>)
    } else {
    }
    %eq3A_41 = arith.constant 1 : i32
    %eq3A_42 = arith.cmpi eq, %arg0, %eq3A_41 : i32
    %convert_element_type3A_43 = arith.extui %eq3A_42 : i1 to i32
    %cond3A_44 = arith.constant 0 : i32
    %cond3A_45 = arith.cmpi ne, %convert_element_type3A_43, %cond3A_44 : i32
    scf.if %cond3A_45 {
      %dma_start3A = tpu.memref_slice %arg3[%mul3A_35] : memref<160000xi32, #tpu.memory_space<hbm>> -> memref<128xi32, #tpu.memory_space<hbm>>
      %dma_start3A_58 = tpu.memref_slice %arg3[%mul3A_35] : memref<160000xi32, #tpu.memory_space<hbm>> -> memref<128xi32, #tpu.memory_space<hbm>>
      tpu.enqueue_dma source(%dma_start3A_58 : memref<128xi32, #tpu.memory_space<hbm>>) target(%arg6 : memref<128xi32, #tpu.memory_space<vmem>>) target_semaphore(%arg10 : memref<!tpu.dma_semaphore, #tpu.memory_space<semaphore_mem>>)
    } else {
    }
    %broadcast_in_dim3A = arith.constant 1.000000e+00 : f32
    %broadcast_in_dim3A_46 = vector.broadcast %broadcast_in_dim3A : f32 to vector<16xf32>
    %scan3A_47 = arith.constant 0 : i32
    %scan3A_48 = arith.constant 40 : i32
    %scan3A_49 = arith.addi %scan3A_47, %scan3A_48 : i32
    %scan3A_50 = arith.constant 1 : i32
    scf.for %scan3A_58 = %scan3A_47 to %scan3A_49 step %scan3A_50  : i32 {
      %mul3A_59 = arith.constant 2 : i32
      %mul3A_60 = arith.muli %scan3A_58, %mul3A_59 : i32
      %add3A_61 = arith.constant 0 : i32
      %add3A_62 = arith.addi %add3A_61, %mul3A_60 : i32
      %add3A_63 = arith.constant 0 : i32
      %add3A_64 = arith.addi %add3A_62, %add3A_63 : i32
      %add3A_65 = arith.constant 1 : i32
      %add3A_66 = arith.addi %add3A_64, %add3A_65 : i32
      %mul3A_67 = arith.constant 16 : i32
      %mul3A_68 = arith.muli %add3A_66, %mul3A_67 : i32
      %add3A_69 = arith.addi %mul3A_68, %arg1 : i32
      %lt3A = arith.constant 1250 : i32
      %lt3A_70 = arith.cmpi slt, %add3A_69, %lt3A : i32
      %convert_element_type3A_71 = arith.extui %lt3A_70 : i1 to i32
      %cond3A_72 = arith.constant 0 : i32
      %cond3A_73 = arith.cmpi ne, %convert_element_type3A_71, %cond3A_72 : i32
      scf.if %cond3A_73 {
        %add3A_102 = arith.constant 1 : i32
        %add3A_103 = arith.addi %add3A_64, %add3A_102 : i32
        %mul3A_104 = arith.constant 16 : i32
        %mul3A_105 = arith.muli %add3A_103, %mul3A_104 : i32
        %add3A_106 = arith.addi %mul3A_105, %arg1 : i32
        %mul3A_107 = arith.constant 128 : i32
        %mul3A_108 = arith.muli %add3A_106, %mul3A_107 : i32
        %eq3A_109 = arith.constant 0 : i32
        %eq3A_110 = arith.cmpi eq, %arg0, %eq3A_109 : i32
        %convert_element_type3A_111 = arith.extui %eq3A_110 : i1 to i32
        %cond3A_112 = arith.constant 0 : i32
        %cond3A_113 = arith.cmpi ne, %convert_element_type3A_111, %cond3A_112 : i32
        scf.if %cond3A_113 {
          %dma_start3A = tpu.memref_slice %arg2[%mul3A_108] : memref<160000xi32, #tpu.memory_space<hbm>> -> memref<128xi32, #tpu.memory_space<hbm>>
          %dma_start3A_119 = tpu.memref_slice %arg2[%mul3A_108] : memref<160000xi32, #tpu.memory_space<hbm>> -> memref<128xi32, #tpu.memory_space<hbm>>
          tpu.enqueue_dma source(%dma_start3A_119 : memref<128xi32, #tpu.memory_space<hbm>>) target(%arg7 : memref<128xi32, #tpu.memory_space<vmem>>) target_semaphore(%arg11 : memref<!tpu.dma_semaphore, #tpu.memory_space<semaphore_mem>>)
        } else {
        }
        %eq3A_114 = arith.constant 1 : i32
        %eq3A_115 = arith.cmpi eq, %arg0, %eq3A_114 : i32
        %convert_element_type3A_116 = arith.extui %eq3A_115 : i1 to i32
        %cond3A_117 = arith.constant 0 : i32
        %cond3A_118 = arith.cmpi ne, %convert_element_type3A_116, %cond3A_117 : i32
        scf.if %cond3A_118 {
          %dma_start3A = tpu.memref_slice %arg3[%mul3A_108] : memref<160000xi32, #tpu.memory_space<hbm>> -> memref<128xi32, #tpu.memory_space<hbm>>
          %dma_start3A_119 = tpu.memref_slice %arg3[%mul3A_108] : memref<160000xi32, #tpu.memory_space<hbm>> -> memref<128xi32, #tpu.memory_space<hbm>>
          tpu.enqueue_dma source(%dma_start3A_119 : memref<128xi32, #tpu.memory_space<hbm>>) target(%arg7 : memref<128xi32, #tpu.memory_space<vmem>>) target_semaphore(%arg11 : memref<!tpu.dma_semaphore, #tpu.memory_space<semaphore_mem>>)
        } else {
        }
      } else {
      }
      %mul3A_74 = arith.constant 16 : i32
      %mul3A_75 = arith.muli %add3A_64, %mul3A_74 : i32
      %add3A_76 = arith.addi %mul3A_75, %arg1 : i32
      %lt3A_77 = arith.constant 1250 : i32
      %lt3A_78 = arith.cmpi slt, %add3A_76, %lt3A_77 : i32
      %convert_element_type3A_79 = arith.extui %lt3A_78 : i1 to i32
      %cond3A_80 = arith.constant 0 : i32
      %cond3A_81 = arith.cmpi ne, %convert_element_type3A_79, %cond3A_80 : i32
      scf.if %cond3A_81 {
        %dma_wait3A = arith.constant 0 : i32
        %dma_wait3A_102 = tpu.memref_slice %arg2[%dma_wait3A] : memref<160000xi32, #tpu.memory_space<hbm>> -> memref<128xi32, #tpu.memory_space<hbm>>
        %dma_wait3A_103 = arith.constant 0 : i32
        %dma_wait3A_104 = tpu.memref_slice %arg2[%dma_wait3A_103] : memref<160000xi32, #tpu.memory_space<hbm>> -> memref<128xi32, #tpu.memory_space<hbm>>
        tpu.wait_dma2 semaphore(%arg10 : memref<!tpu.dma_semaphore, #tpu.memory_space<semaphore_mem>>) src(%dma_wait3A_104 : memref<128xi32, #tpu.memory_space<hbm>>) dst(%arg6 : memref<128xi32, #tpu.memory_space<vmem>>)
        %get3A = arith.constant 0 : index
        %get3A_105 = tpu.vector_load %arg6[%get3A] {strides = array<i32>} : memref<128xi32, #tpu.memory_space<vmem>>, vector<16xi32>,
        %shift_right_logical3A = arith.constant 7 : i32
        %shift_right_logical3A_106 = vector.broadcast %shift_right_logical3A : i32 to vector<16xi32>
        %shift_right_logical3A_107 = arith.shrui %get3A_105, %shift_right_logical3A_106 : vector<16xi32>
        %and3A = arith.constant 127 : i32
        %and3A_108 = vector.broadcast %and3A : i32 to vector<16xi32>
        %and3A_109 = arith.andi %get3A_105, %and3A_108 : vector<16xi32>
        tpu.vector_store_idx %arg8[%shift_right_logical3A_107, %and3A_109], %broadcast_in_dim3A_46 {add = true} : memref<80x128xf32, #tpu.memory_space<vmem>>[vector<16xi32>, vector<16xi32>], vector<16xf32>,
        %get3A_110 = arith.constant 16 : index
        %get3A_111 = tpu.vector_load %arg6[%get3A_110] {strides = array<i32>} : memref<128xi32, #tpu.memory_space<vmem>>, vector<16xi32>,
        %shift_right_logical3A_112 = arith.constant 7 : i32
        %shift_right_logical3A_113 = vector.broadcast %shift_right_logical3A_112 : i32 to vector<16xi32>
        %shift_right_logical3A_114 = arith.shrui %get3A_111, %shift_right_logical3A_113 : vector<16xi32>
        %and3A_115 = arith.constant 127 : i32
        %and3A_116 = vector.broadcast %and3A_115 : i32 to vector<16xi32>
        %and3A_117 = arith.andi %get3A_111, %and3A_116 : vector<16xi32>
        tpu.vector_store_idx %arg8[%shift_right_logical3A_114, %and3A_117], %broadcast_in_dim3A_46 {add = true} : memref<80x128xf32, #tpu.memory_space<vmem>>[vector<16xi32>, vector<16xi32>], vector<16xf32>,
        %get3A_118 = arith.constant 32 : index
        %get3A_119 = tpu.vector_load %arg6[%get3A_118] {strides = array<i32>} : memref<128xi32, #tpu.memory_space<vmem>>, vector<16xi32>,
        %shift_right_logical3A_120 = arith.constant 7 : i32
        %shift_right_logical3A_121 = vector.broadcast %shift_right_logical3A_120 : i32 to vector<16xi32>
        %shift_right_logical3A_122 = arith.shrui %get3A_119, %shift_right_logical3A_121 : vector<16xi32>
        %and3A_123 = arith.constant 127 : i32
        %and3A_124 = vector.broadcast %and3A_123 : i32 to vector<16xi32>
        %and3A_125 = arith.andi %get3A_119, %and3A_124 : vector<16xi32>
        tpu.vector_store_idx %arg8[%shift_right_logical3A_122, %and3A_125], %broadcast_in_dim3A_46 {add = true} : memref<80x128xf32, #tpu.memory_space<vmem>>[vector<16xi32>, vector<16xi32>], vector<16xf32>,
        %get3A_126 = arith.constant 48 : index
        %get3A_127 = tpu.vector_load %arg6[%get3A_126] {strides = array<i32>} : memref<128xi32, #tpu.memory_space<vmem>>, vector<16xi32>,
        %shift_right_logical3A_128 = arith.constant 7 : i32
        %shift_right_logical3A_129 = vector.broadcast %shift_right_logical3A_128 : i32 to vector<16xi32>
        %shift_right_logical3A_130 = arith.shrui %get3A_127, %shift_right_logical3A_129 : vector<16xi32>
        %and3A_131 = arith.constant 127 : i32
        %and3A_132 = vector.broadcast %and3A_131 : i32 to vector<16xi32>
        %and3A_133 = arith.andi %get3A_127, %and3A_132 : vector<16xi32>
        tpu.vector_store_idx %arg8[%shift_right_logical3A_130, %and3A_133], %broadcast_in_dim3A_46 {add = true} : memref<80x128xf32, #tpu.memory_space<vmem>>[vector<16xi32>, vector<16xi32>], vector<16xf32>,
        %get3A_134 = arith.constant 64 : index
        %get3A_135 = tpu.vector_load %arg6[%get3A_134] {strides = array<i32>} : memref<128xi32, #tpu.memory_space<vmem>>, vector<16xi32>,
        %shift_right_logical3A_136 = arith.constant 7 : i32
        %shift_right_logical3A_137 = vector.broadcast %shift_right_logical3A_136 : i32 to vector<16xi32>
        %shift_right_logical3A_138 = arith.shrui %get3A_135, %shift_right_logical3A_137 : vector<16xi32>
        %and3A_139 = arith.constant 127 : i32
        %and3A_140 = vector.broadcast %and3A_139 : i32 to vector<16xi32>
        %and3A_141 = arith.andi %get3A_135, %and3A_140 : vector<16xi32>
        tpu.vector_store_idx %arg8[%shift_right_logical3A_138, %and3A_141], %broadcast_in_dim3A_46 {add = true} : memref<80x128xf32, #tpu.memory_space<vmem>>[vector<16xi32>, vector<16xi32>], vector<16xf32>,
        %get3A_142 = arith.constant 80 : index
        %get3A_143 = tpu.vector_load %arg6[%get3A_142] {strides = array<i32>} : memref<128xi32, #tpu.memory_space<vmem>>, vector<16xi32>,
        %shift_right_logical3A_144 = arith.constant 7 : i32
        %shift_right_logical3A_145 = vector.broadcast %shift_right_logical3A_144 : i32 to vector<16xi32>
        %shift_right_logical3A_146 = arith.shrui %get3A_143, %shift_right_logical3A_145 : vector<16xi32>
        %and3A_147 = arith.constant 127 : i32
        %and3A_148 = vector.broadcast %and3A_147 : i32 to vector<16xi32>
        %and3A_149 = arith.andi %get3A_143, %and3A_148 : vector<16xi32>
        tpu.vector_store_idx %arg8[%shift_right_logical3A_146, %and3A_149], %broadcast_in_dim3A_46 {add = true} : memref<80x128xf32, #tpu.memory_space<vmem>>[vector<16xi32>, vector<16xi32>], vector<16xf32>,
        %get3A_150 = arith.constant 96 : index
        %get3A_151 = tpu.vector_load %arg6[%get3A_150] {strides = array<i32>} : memref<128xi32, #tpu.memory_space<vmem>>, vector<16xi32>,
        %shift_right_logical3A_152 = arith.constant 7 : i32
        %shift_right_logical3A_153 = vector.broadcast %shift_right_logical3A_152 : i32 to vector<16xi32>
        %shift_right_logical3A_154 = arith.shrui %get3A_151, %shift_right_logical3A_153 : vector<16xi32>
        %and3A_155 = arith.constant 127 : i32
        %and3A_156 = vector.broadcast %and3A_155 : i32 to vector<16xi32>
        %and3A_157 = arith.andi %get3A_151, %and3A_156 : vector<16xi32>
        tpu.vector_store_idx %arg8[%shift_right_logical3A_154, %and3A_157], %broadcast_in_dim3A_46 {add = true} : memref<80x128xf32, #tpu.memory_space<vmem>>[vector<16xi32>, vector<16xi32>], vector<16xf32>,
        %get3A_158 = arith.constant 112 : index
        %get3A_159 = tpu.vector_load %arg6[%get3A_158] {strides = array<i32>} : memref<128xi32, #tpu.memory_space<vmem>>, vector<16xi32>,
        %shift_right_logical3A_160 = arith.constant 7 : i32
        %shift_right_logical3A_161 = vector.broadcast %shift_right_logical3A_160 : i32 to vector<16xi32>
        %shift_right_logical3A_162 = arith.shrui %get3A_159, %shift_right_logical3A_161 : vector<16xi32>
        %and3A_163 = arith.constant 127 : i32
        %and3A_164 = vector.broadcast %and3A_163 : i32 to vector<16xi32>
        %and3A_165 = arith.andi %get3A_159, %and3A_164 : vector<16xi32>
        tpu.vector_store_idx %arg8[%shift_right_logical3A_162, %and3A_165], %broadcast_in_dim3A_46 {add = true} : memref<80x128xf32, #tpu.memory_space<vmem>>[vector<16xi32>, vector<16xi32>], vector<16xf32>,
      } else {
      }
      %add3A_82 = arith.constant 1 : i32
      %add3A_83 = arith.addi %add3A_62, %add3A_82 : i32
      %add3A_84 = arith.constant 1 : i32
      %add3A_85 = arith.addi %add3A_83, %add3A_84 : i32
      %mul3A_86 = arith.constant 16 : i32
      %mul3A_87 = arith.muli %add3A_85, %mul3A_86 : i32
      %add3A_88 = arith.addi %mul3A_87, %arg1 : i32
      %lt3A_89 = arith.constant 1250 : i32
      %lt3A_90 = arith.cmpi slt, %add3A_88, %lt3A_89 : i32
      %convert_element_type3A_91 = arith.extui %lt3A_90 : i1 to i32
      %cond3A_92 = arith.constant 0 : i32
      %cond3A_93 = arith.cmpi ne, %convert_element_type3A_91, %cond3A_92 : i32
      scf.if %cond3A_93 {
        %add3A_102 = arith.constant 1 : i32
        %add3A_103 = arith.addi %add3A_83, %add3A_102 : i32
        %mul3A_104 = arith.constant 16 : i32
        %mul3A_105 = arith.muli %add3A_103, %mul3A_104 : i32
        %add3A_106 = arith.addi %mul3A_105, %arg1 : i32
        %mul3A_107 = arith.constant 128 : i32
        %mul3A_108 = arith.muli %add3A_106, %mul3A_107 : i32
        %eq3A_109 = arith.constant 0 : i32
        %eq3A_110 = arith.cmpi eq, %arg0, %eq3A_109 : i32
        %convert_element_type3A_111 = arith.extui %eq3A_110 : i1 to i32
        %cond3A_112 = arith.constant 0 : i32
        %cond3A_113 = arith.cmpi ne, %convert_element_type3A_111, %cond3A_112 : i32
        scf.if %cond3A_113 {
          %dma_start3A = tpu.memref_slice %arg2[%mul3A_108] : memref<160000xi32, #tpu.memory_space<hbm>> -> memref<128xi32, #tpu.memory_space<hbm>>
          %dma_start3A_119 = tpu.memref_slice %arg2[%mul3A_108] : memref<160000xi32, #tpu.memory_space<hbm>> -> memref<128xi32, #tpu.memory_space<hbm>>
          tpu.enqueue_dma source(%dma_start3A_119 : memref<128xi32, #tpu.memory_space<hbm>>) target(%arg6 : memref<128xi32, #tpu.memory_space<vmem>>) target_semaphore(%arg10 : memref<!tpu.dma_semaphore, #tpu.memory_space<semaphore_mem>>)
        } else {
        }
        %eq3A_114 = arith.constant 1 : i32
        %eq3A_115 = arith.cmpi eq, %arg0, %eq3A_114 : i32
        %convert_element_type3A_116 = arith.extui %eq3A_115 : i1 to i32
        %cond3A_117 = arith.constant 0 : i32
        %cond3A_118 = arith.cmpi ne, %convert_element_type3A_116, %cond3A_117 : i32
        scf.if %cond3A_118 {
          %dma_start3A = tpu.memref_slice %arg3[%mul3A_108] : memref<160000xi32, #tpu.memory_space<hbm>> -> memref<128xi32, #tpu.memory_space<hbm>>
          %dma_start3A_119 = tpu.memref_slice %arg3[%mul3A_108] : memref<160000xi32, #tpu.memory_space<hbm>> -> memref<128xi32, #tpu.memory_space<hbm>>
          tpu.enqueue_dma source(%dma_start3A_119 : memref<128xi32, #tpu.memory_space<hbm>>) target(%arg6 : memref<128xi32, #tpu.memory_space<vmem>>) target_semaphore(%arg10 : memref<!tpu.dma_semaphore, #tpu.memory_space<semaphore_mem>>)
        } else {
        }
      } else {
      }
      %mul3A_94 = arith.constant 16 : i32
      %mul3A_95 = arith.muli %add3A_83, %mul3A_94 : i32
      %add3A_96 = arith.addi %mul3A_95, %arg1 : i32
      %lt3A_97 = arith.constant 1250 : i32
      %lt3A_98 = arith.cmpi slt, %add3A_96, %lt3A_97 : i32
      %convert_element_type3A_99 = arith.extui %lt3A_98 : i1 to i32
      %cond3A_100 = arith.constant 0 : i32
      %cond3A_101 = arith.cmpi ne, %convert_element_type3A_99, %cond3A_100 : i32
      scf.if %cond3A_101 {
        %dma_wait3A = arith.constant 0 : i32
        %dma_wait3A_102 = tpu.memref_slice %arg2[%dma_wait3A] : memref<160000xi32, #tpu.memory_space<hbm>> -> memref<128xi32, #tpu.memory_space<hbm>>
        %dma_wait3A_103 = arith.constant 0 : i32
        %dma_wait3A_104 = tpu.memref_slice %arg2[%dma_wait3A_103] : memref<160000xi32, #tpu.memory_space<hbm>> -> memref<128xi32, #tpu.memory_space<hbm>>
        tpu.wait_dma2 semaphore(%arg11 : memref<!tpu.dma_semaphore, #tpu.memory_space<semaphore_mem>>) src(%dma_wait3A_104 : memref<128xi32, #tpu.memory_space<hbm>>) dst(%arg7 : memref<128xi32, #tpu.memory_space<vmem>>)
        %get3A = arith.constant 0 : index
        %get3A_105 = tpu.vector_load %arg7[%get3A] {strides = array<i32>} : memref<128xi32, #tpu.memory_space<vmem>>, vector<16xi32>,
        %shift_right_logical3A = arith.constant 7 : i32
        %shift_right_logical3A_106 = vector.broadcast %shift_right_logical3A : i32 to vector<16xi32>
        %shift_right_logical3A_107 = arith.shrui %get3A_105, %shift_right_logical3A_106 : vector<16xi32>
        %and3A = arith.constant 127 : i32
        %and3A_108 = vector.broadcast %and3A : i32 to vector<16xi32>
        %and3A_109 = arith.andi %get3A_105, %and3A_108 : vector<16xi32>
        tpu.vector_store_idx %arg8[%shift_right_logical3A_107, %and3A_109], %broadcast_in_dim3A_46 {add = true} : memref<80x128xf32, #tpu.memory_space<vmem>>[vector<16xi32>, vector<16xi32>], vector<16xf32>,
        %get3A_110 = arith.constant 16 : index
        %get3A_111 = tpu.vector_load %arg7[%get3A_110] {strides = array<i32>} : memref<128xi32, #tpu.memory_space<vmem>>, vector<16xi32>,
        %shift_right_logical3A_112 = arith.constant 7 : i32
        %shift_right_logical3A_113 = vector.broadcast %shift_right_logical3A_112 : i32 to vector<16xi32>
        %shift_right_logical3A_114 = arith.shrui %get3A_111, %shift_right_logical3A_113 : vector<16xi32>
        %and3A_115 = arith.constant 127 : i32
        %and3A_116 = vector.broadcast %and3A_115 : i32 to vector<16xi32>
        %and3A_117 = arith.andi %get3A_111, %and3A_116 : vector<16xi32>
        tpu.vector_store_idx %arg8[%shift_right_logical3A_114, %and3A_117], %broadcast_in_dim3A_46 {add = true} : memref<80x128xf32, #tpu.memory_space<vmem>>[vector<16xi32>, vector<16xi32>], vector<16xf32>,
        %get3A_118 = arith.constant 32 : index
        %get3A_119 = tpu.vector_load %arg7[%get3A_118] {strides = array<i32>} : memref<128xi32, #tpu.memory_space<vmem>>, vector<16xi32>,
        %shift_right_logical3A_120 = arith.constant 7 : i32
        %shift_right_logical3A_121 = vector.broadcast %shift_right_logical3A_120 : i32 to vector<16xi32>
        %shift_right_logical3A_122 = arith.shrui %get3A_119, %shift_right_logical3A_121 : vector<16xi32>
        %and3A_123 = arith.constant 127 : i32
        %and3A_124 = vector.broadcast %and3A_123 : i32 to vector<16xi32>
        %and3A_125 = arith.andi %get3A_119, %and3A_124 : vector<16xi32>
        tpu.vector_store_idx %arg8[%shift_right_logical3A_122, %and3A_125], %broadcast_in_dim3A_46 {add = true} : memref<80x128xf32, #tpu.memory_space<vmem>>[vector<16xi32>, vector<16xi32>], vector<16xf32>,
        %get3A_126 = arith.constant 48 : index
        %get3A_127 = tpu.vector_load %arg7[%get3A_126] {strides = array<i32>} : memref<128xi32, #tpu.memory_space<vmem>>, vector<16xi32>,
        %shift_right_logical3A_128 = arith.constant 7 : i32
        %shift_right_logical3A_129 = vector.broadcast %shift_right_logical3A_128 : i32 to vector<16xi32>
        %shift_right_logical3A_130 = arith.shrui %get3A_127, %shift_right_logical3A_129 : vector<16xi32>
        %and3A_131 = arith.constant 127 : i32
        %and3A_132 = vector.broadcast %and3A_131 : i32 to vector<16xi32>
        %and3A_133 = arith.andi %get3A_127, %and3A_132 : vector<16xi32>
        tpu.vector_store_idx %arg8[%shift_right_logical3A_130, %and3A_133], %broadcast_in_dim3A_46 {add = true} : memref<80x128xf32, #tpu.memory_space<vmem>>[vector<16xi32>, vector<16xi32>], vector<16xf32>,
        %get3A_134 = arith.constant 64 : index
        %get3A_135 = tpu.vector_load %arg7[%get3A_134] {strides = array<i32>} : memref<128xi32, #tpu.memory_space<vmem>>, vector<16xi32>,
        %shift_right_logical3A_136 = arith.constant 7 : i32
        %shift_right_logical3A_137 = vector.broadcast %shift_right_logical3A_136 : i32 to vector<16xi32>
        %shift_right_logical3A_138 = arith.shrui %get3A_135, %shift_right_logical3A_137 : vector<16xi32>
        %and3A_139 = arith.constant 127 : i32
        %and3A_140 = vector.broadcast %and3A_139 : i32 to vector<16xi32>
        %and3A_141 = arith.andi %get3A_135, %and3A_140 : vector<16xi32>
        tpu.vector_store_idx %arg8[%shift_right_logical3A_138, %and3A_141], %broadcast_in_dim3A_46 {add = true} : memref<80x128xf32, #tpu.memory_space<vmem>>[vector<16xi32>, vector<16xi32>], vector<16xf32>,
        %get3A_142 = arith.constant 80 : index
        %get3A_143 = tpu.vector_load %arg7[%get3A_142] {strides = array<i32>} : memref<128xi32, #tpu.memory_space<vmem>>, vector<16xi32>,
        %shift_right_logical3A_144 = arith.constant 7 : i32
        %shift_right_logical3A_145 = vector.broadcast %shift_right_logical3A_144 : i32 to vector<16xi32>
        %shift_right_logical3A_146 = arith.shrui %get3A_143, %shift_right_logical3A_145 : vector<16xi32>
        %and3A_147 = arith.constant 127 : i32
        %and3A_148 = vector.broadcast %and3A_147 : i32 to vector<16xi32>
        %and3A_149 = arith.andi %get3A_143, %and3A_148 : vector<16xi32>
        tpu.vector_store_idx %arg8[%shift_right_logical3A_146, %and3A_149], %broadcast_in_dim3A_46 {add = true} : memref<80x128xf32, #tpu.memory_space<vmem>>[vector<16xi32>, vector<16xi32>], vector<16xf32>,
        %get3A_150 = arith.constant 96 : index
        %get3A_151 = tpu.vector_load %arg7[%get3A_150] {strides = array<i32>} : memref<128xi32, #tpu.memory_space<vmem>>, vector<16xi32>,
        %shift_right_logical3A_152 = arith.constant 7 : i32
        %shift_right_logical3A_153 = vector.broadcast %shift_right_logical3A_152 : i32 to vector<16xi32>
        %shift_right_logical3A_154 = arith.shrui %get3A_151, %shift_right_logical3A_153 : vector<16xi32>
        %and3A_155 = arith.constant 127 : i32
        %and3A_156 = vector.broadcast %and3A_155 : i32 to vector<16xi32>
        %and3A_157 = arith.andi %get3A_151, %and3A_156 : vector<16xi32>
        tpu.vector_store_idx %arg8[%shift_right_logical3A_154, %and3A_157], %broadcast_in_dim3A_46 {add = true} : memref<80x128xf32, #tpu.memory_space<vmem>>[vector<16xi32>, vector<16xi32>], vector<16xf32>,
        %get3A_158 = arith.constant 112 : index
        %get3A_159 = tpu.vector_load %arg7[%get3A_158] {strides = array<i32>} : memref<128xi32, #tpu.memory_space<vmem>>, vector<16xi32>,
        %shift_right_logical3A_160 = arith.constant 7 : i32
        %shift_right_logical3A_161 = vector.broadcast %shift_right_logical3A_160 : i32 to vector<16xi32>
        %shift_right_logical3A_162 = arith.shrui %get3A_159, %shift_right_logical3A_161 : vector<16xi32>
        %and3A_163 = arith.constant 127 : i32
        %and3A_164 = vector.broadcast %and3A_163 : i32 to vector<16xi32>
        %and3A_165 = arith.andi %get3A_159, %and3A_164 : vector<16xi32>
        tpu.vector_store_idx %arg8[%shift_right_logical3A_162, %and3A_165], %broadcast_in_dim3A_46 {add = true} : memref<80x128xf32, #tpu.memory_space<vmem>>[vector<16xi32>, vector<16xi32>], vector<16xf32>,
      } else {
      }
    }
    %scan3A_51 = arith.constant 40 : i32
    "tpu.region"() ({
      %run_scoped3A = tpu.sem_alloc : memref<!tpu.dma_semaphore, #tpu.memory_space<semaphore_mem>>
      %dma_start3A = arith.constant 0 : i32
      %dma_start3A_58 = arith.constant 0 : i32
      %dma_start3A_59 = tpu.memref_slice %arg5[%dma_start3A, %dma_start3A_58] : memref<80x128xf32, #tpu.memory_space<vmem_shared>> -> memref<80x128xf32, #tpu.memory_space<vmem_shared>>
      tpu.enqueue_indirect_dma source(%arg8 : memref<80x128xf32, #tpu.memory_space<vmem>>) target(%dma_start3A_59 : memref<80x128xf32, #tpu.memory_space<vmem_shared>>) offsets(%arg9 : memref<80xi32, #tpu.memory_space<vmem>>) semaphore(%run_scoped3A : memref<!tpu.dma_semaphore, #tpu.memory_space<semaphore_mem>>) {add = true}
      %dma_wait3A = arith.constant 0 : i32
      %dma_wait3A_60 = arith.constant 0 : i32
      %dma_wait3A_61 = tpu.memref_slice %arg5[%dma_wait3A, %dma_wait3A_60] : memref<80x128xf32, #tpu.memory_space<vmem_shared>> -> memref<80x128xf32, #tpu.memory_space<vmem_shared>>
      tpu.wait_indirect_dma semaphore(%run_scoped3A : memref<!tpu.dma_semaphore, #tpu.memory_space<semaphore_mem>>) src(%arg8 : memref<80x128xf32, #tpu.memory_space<vmem>>) dst(%dma_wait3A_61 : memref<80x128xf32, #tpu.memory_space<vmem_shared>>)
      tpu.yield
    }) : () -> ()
    %barrier3A_52 = arith.constant 0 : index
    tpu.barrier barrier_id(%barrier3A_52)
    %eq3A_53 = arith.constant 0 : i32
    %eq3A_54 = arith.cmpi eq, %arg1, %eq3A_53 : i32
    %convert_element_type3A_55 = arith.extui %eq3A_54 : i1 to i32
    %cond3A_56 = arith.constant 0 : i32
    %cond3A_57 = arith.cmpi ne, %convert_element_type3A_55, %cond3A_56 : i32
    scf.if %cond3A_57 {
      "tpu.region"() ({
        %run_scoped3A = tpu.sem_alloc : memref<!tpu.dma_semaphore, #tpu.memory_space<semaphore_mem>>
        %dma_start3A = arith.constant 0 : i32
        %dma_start3A_58 = arith.constant 0 : i32
        %dma_start3A_59 = tpu.memref_slice %arg4[%arg0, %dma_start3A, %dma_start3A_58] : memref<2x80x128xf32, #tpu.memory_space<hbm>> -> memref<1x80x128xf32, #tpu.memory_space<hbm>>
        %dma_start3A_60 = tpu.memref_squeeze %dma_start3A_59 : memref<1x80x128xf32, #tpu.memory_space<hbm>> -> memref<80x128xf32, #tpu.memory_space<hbm>>
        tpu.enqueue_dma source(%arg5 : memref<80x128xf32, #tpu.memory_space<vmem_shared>>) target(%dma_start3A_60 : memref<80x128xf32, #tpu.memory_space<hbm>>) target_semaphore(%run_scoped3A : memref<!tpu.dma_semaphore, #tpu.memory_space<semaphore_mem>>)
        %dma_wait3A = arith.constant 0 : i32
        %dma_wait3A_61 = arith.constant 0 : i32
        %dma_wait3A_62 = tpu.memref_slice %arg4[%arg0, %dma_wait3A, %dma_wait3A_61] : memref<2x80x128xf32, #tpu.memory_space<hbm>> -> memref<1x80x128xf32, #tpu.memory_space<hbm>>
        %dma_wait3A_63 = tpu.memref_squeeze %dma_wait3A_62 : memref<1x80x128xf32, #tpu.memory_space<hbm>> -> memref<80x128xf32, #tpu.memory_space<hbm>>
        tpu.wait_dma2 semaphore(%run_scoped3A : memref<!tpu.dma_semaphore, #tpu.memory_space<semaphore_mem>>) src(%arg5 : memref<80x128xf32, #tpu.memory_space<vmem_shared>>) dst(%dma_wait3A_63 : memref<80x128xf32, #tpu.memory_space<hbm>>)
        tpu.yield
      }) : () -> ()
    } else {
    }
    return
  }
}

#map = affine_map<(d0, d1) -> (0, 0)>
#map1 = affine_map<(d0, d1) -> (0)>
#map2 = affine_map<(d0, d1) -> (0, 0, 0)>
module attributes {stable_mosaic.version = 14 : i64} {
  func.func @_agg_body(%arg0: i32, %arg1: i32, %arg2: memref<20000x128xf32, #tpu.memory_space<hbm>>, %arg3: memref<160000xi32, #tpu.memory_space<hbm>>, %arg4: memref<160000xi32, #tpu.memory_space<hbm>>, %arg5: memref<160000xf32, #tpu.memory_space<hbm>>, %arg6: memref<10000xf32, #tpu.memory_space<hbm>>, %arg7: memref<2x10000x128xf32, #tpu.memory_space<hbm>>, %arg8: memref<10000x128xf32, #tpu.memory_space<vmem_shared>>, %arg9: memref<128xi32, #tpu.memory_space<vmem>>, %arg10: memref<128xi32, #tpu.memory_space<vmem>>, %arg11: memref<128xi32, #tpu.memory_space<vmem>>, %arg12: memref<128xi32, #tpu.memory_space<vmem>>, %arg13: memref<128xf32, #tpu.memory_space<vmem>>, %arg14: memref<128xf32, #tpu.memory_space<vmem>>, %arg15: memref<128x128xf32, #tpu.memory_space<vmem>>, %arg16: memref<128x128xf32, #tpu.memory_space<vmem>>, %arg17: memref<64xi32, #tpu.memory_space<vmem>>, %arg18: memref<64xi32, #tpu.memory_space<vmem>>, %arg19: memref<10000xf32, #tpu.memory_space<vmem>>, %arg20: memref<10000xf32, #tpu.memory_space<vmem_shared>>, %arg21: memref<!tpu.dma_semaphore, #tpu.memory_space<semaphore_mem>>, %arg22: memref<!tpu.dma_semaphore, #tpu.memory_space<semaphore_mem>>, %arg23: memref<!tpu.dma_semaphore, #tpu.memory_space<semaphore_mem>>, %arg24: memref<!tpu.dma_semaphore, #tpu.memory_space<semaphore_mem>>, %arg25: memref<!tpu.dma_semaphore, #tpu.memory_space<semaphore_mem>>) attributes {dimension_semantics = [#tpu.dimension_semantics<core_parallel>, #tpu.dimension_semantics<subcore_parallel>], iteration_bounds = array<i64: 2, 16>, scalar_prefetch = 0 : i64, scratch_operands = 18 : i64, tpu.core_type = #tpu.core_type<sc_vector_subcore>, window_params = [{transform_indices = #map}, {transform_indices = #map1}, {transform_indices = #map1}, {transform_indices = #map1}, {transform_indices = #map1}, {transform_indices = #map2}]} {
    %scan3A = arith.constant 0 : i32
    %scan3A_0 = arith.constant 128 : i32
    %scan3A_1 = arith.addi %scan3A, %scan3A_0 : i32
    %scan3A_2 = arith.constant 1 : i32
    scf.for %scan3A_335 = %scan3A to %scan3A_1 step %scan3A_2  : i32 {
      %mul3A_336 = arith.constant 1 : i32
      %mul3A_337 = arith.muli %scan3A_335, %mul3A_336 : i32
      %add3A_338 = arith.constant 0 : i32
      %add3A_339 = arith.addi %add3A_338, %mul3A_337 : i32
      %broadcast_in_dim3A = arith.constant 0.000000e+00 : f32
      %broadcast_in_dim3A_340 = vector.broadcast %broadcast_in_dim3A : f32 to vector<16xf32>
      %swap3A_341 = arith.index_cast %add3A_339 : i32 to index
      %swap3A_342 = arith.constant 0 : index
      %swap3A_343 = tpu.vector_load %arg15[%swap3A_341, %swap3A_342] {strides = array<i32>} : memref<128x128xf32, #tpu.memory_space<vmem>>, vector<16xf32>,
      tpu.vector_store %arg15[%swap3A_341, %swap3A_342], %broadcast_in_dim3A_340 {strides = array<i32>} : memref<128x128xf32, #tpu.memory_space<vmem>>, vector<16xf32>,
      %broadcast_in_dim3A_344 = arith.constant 0.000000e+00 : f32
      %broadcast_in_dim3A_345 = vector.broadcast %broadcast_in_dim3A_344 : f32 to vector<16xf32>
      %swap3A_346 = arith.index_cast %add3A_339 : i32 to index
      %swap3A_347 = arith.constant 16 : index
      %swap3A_348 = tpu.vector_load %arg15[%swap3A_346, %swap3A_347] {strides = array<i32>} : memref<128x128xf32, #tpu.memory_space<vmem>>, vector<16xf32>,
      tpu.vector_store %arg15[%swap3A_346, %swap3A_347], %broadcast_in_dim3A_345 {strides = array<i32>} : memref<128x128xf32, #tpu.memory_space<vmem>>, vector<16xf32>,
      %broadcast_in_dim3A_349 = arith.constant 0.000000e+00 : f32
      %broadcast_in_dim3A_350 = vector.broadcast %broadcast_in_dim3A_349 : f32 to vector<16xf32>
      %swap3A_351 = arith.index_cast %add3A_339 : i32 to index
      %swap3A_352 = arith.constant 32 : index
      %swap3A_353 = tpu.vector_load %arg15[%swap3A_351, %swap3A_352] {strides = array<i32>} : memref<128x128xf32, #tpu.memory_space<vmem>>, vector<16xf32>,
      tpu.vector_store %arg15[%swap3A_351, %swap3A_352], %broadcast_in_dim3A_350 {strides = array<i32>} : memref<128x128xf32, #tpu.memory_space<vmem>>, vector<16xf32>,
      %broadcast_in_dim3A_354 = arith.constant 0.000000e+00 : f32
      %broadcast_in_dim3A_355 = vector.broadcast %broadcast_in_dim3A_354 : f32 to vector<16xf32>
      %swap3A_356 = arith.index_cast %add3A_339 : i32 to index
      %swap3A_357 = arith.constant 48 : index
      %swap3A_358 = tpu.vector_load %arg15[%swap3A_356, %swap3A_357] {strides = array<i32>} : memref<128x128xf32, #tpu.memory_space<vmem>>, vector<16xf32>,
      tpu.vector_store %arg15[%swap3A_356, %swap3A_357], %broadcast_in_dim3A_355 {strides = array<i32>} : memref<128x128xf32, #tpu.memory_space<vmem>>, vector<16xf32>,
      %broadcast_in_dim3A_359 = arith.constant 0.000000e+00 : f32
      %broadcast_in_dim3A_360 = vector.broadcast %broadcast_in_dim3A_359 : f32 to vector<16xf32>
      %swap3A_361 = arith.index_cast %add3A_339 : i32 to index
      %swap3A_362 = arith.constant 64 : index
      %swap3A_363 = tpu.vector_load %arg15[%swap3A_361, %swap3A_362] {strides = array<i32>} : memref<128x128xf32, #tpu.memory_space<vmem>>, vector<16xf32>,
      tpu.vector_store %arg15[%swap3A_361, %swap3A_362], %broadcast_in_dim3A_360 {strides = array<i32>} : memref<128x128xf32, #tpu.memory_space<vmem>>, vector<16xf32>,
      %broadcast_in_dim3A_364 = arith.constant 0.000000e+00 : f32
      %broadcast_in_dim3A_365 = vector.broadcast %broadcast_in_dim3A_364 : f32 to vector<16xf32>
      %swap3A_366 = arith.index_cast %add3A_339 : i32 to index
      %swap3A_367 = arith.constant 80 : index
      %swap3A_368 = tpu.vector_load %arg15[%swap3A_366, %swap3A_367] {strides = array<i32>} : memref<128x128xf32, #tpu.memory_space<vmem>>, vector<16xf32>,
      tpu.vector_store %arg15[%swap3A_366, %swap3A_367], %broadcast_in_dim3A_365 {strides = array<i32>} : memref<128x128xf32, #tpu.memory_space<vmem>>, vector<16xf32>,
      %broadcast_in_dim3A_369 = arith.constant 0.000000e+00 : f32
      %broadcast_in_dim3A_370 = vector.broadcast %broadcast_in_dim3A_369 : f32 to vector<16xf32>
      %swap3A_371 = arith.index_cast %add3A_339 : i32 to index
      %swap3A_372 = arith.constant 96 : index
      %swap3A_373 = tpu.vector_load %arg15[%swap3A_371, %swap3A_372] {strides = array<i32>} : memref<128x128xf32, #tpu.memory_space<vmem>>, vector<16xf32>,
      tpu.vector_store %arg15[%swap3A_371, %swap3A_372], %broadcast_in_dim3A_370 {strides = array<i32>} : memref<128x128xf32, #tpu.memory_space<vmem>>, vector<16xf32>,
      %broadcast_in_dim3A_374 = arith.constant 0.000000e+00 : f32
      %broadcast_in_dim3A_375 = vector.broadcast %broadcast_in_dim3A_374 : f32 to vector<16xf32>
      %swap3A_376 = arith.index_cast %add3A_339 : i32 to index
      %swap3A_377 = arith.constant 112 : index
      %swap3A_378 = tpu.vector_load %arg15[%swap3A_376, %swap3A_377] {strides = array<i32>} : memref<128x128xf32, #tpu.memory_space<vmem>>, vector<16xf32>,
      tpu.vector_store %arg15[%swap3A_376, %swap3A_377], %broadcast_in_dim3A_375 {strides = array<i32>} : memref<128x128xf32, #tpu.memory_space<vmem>>, vector<16xf32>,
    }
    %scan3A_3 = arith.constant 128 : i32
    %mul3A = arith.constant 624 : i32
    %mul3A_4 = arith.muli %mul3A, %arg1 : i32
    %add3A = arith.constant 0 : i32
    %add3A_5 = arith.addi %mul3A_4, %add3A : i32
    %dma_start3A = arith.constant 0 : i32
    %dma_start3A_6 = arith.constant 0 : i32
    %dma_start3A_7 = tpu.memref_slice %arg15[%dma_start3A, %dma_start3A_6] : memref<128x128xf32, #tpu.memory_space<vmem>> -> memref<128x128xf32, #tpu.memory_space<vmem>>
    %dma_start3A_8 = arith.constant 0 : i32
    %dma_start3A_9 = tpu.memref_slice %arg8[%add3A_5, %dma_start3A_8] : memref<10000x128xf32, #tpu.memory_space<vmem_shared>> -> memref<128x128xf32, #tpu.memory_space<vmem_shared>>
    %dma_start3A_10 = arith.constant 0 : i32
    %dma_start3A_11 = tpu.memref_slice %arg8[%add3A_5, %dma_start3A_10] : memref<10000x128xf32, #tpu.memory_space<vmem_shared>> -> memref<128x128xf32, #tpu.memory_space<vmem_shared>>
    %dma_start3A_12 = arith.constant 0 : i32
    %dma_start3A_13 = arith.constant 0 : i32
    %dma_start3A_14 = tpu.memref_slice %arg15[%dma_start3A_12, %dma_start3A_13] : memref<128x128xf32, #tpu.memory_space<vmem>> -> memref<128x128xf32, #tpu.memory_space<vmem>>
    tpu.enqueue_dma source(%dma_start3A_14 : memref<128x128xf32, #tpu.memory_space<vmem>>) target(%dma_start3A_11 : memref<128x128xf32, #tpu.memory_space<vmem_shared>>) target_semaphore(%arg25 : memref<!tpu.dma_semaphore, #tpu.memory_space<semaphore_mem>>)
    %add3A_15 = arith.constant 128 : i32
    %add3A_16 = arith.addi %mul3A_4, %add3A_15 : i32
    %dma_start3A_17 = arith.constant 0 : i32
    %dma_start3A_18 = arith.constant 0 : i32
    %dma_start3A_19 = tpu.memref_slice %arg15[%dma_start3A_17, %dma_start3A_18] : memref<128x128xf32, #tpu.memory_space<vmem>> -> memref<128x128xf32, #tpu.memory_space<vmem>>
    %dma_start3A_20 = arith.constant 0 : i32
    %dma_start3A_21 = tpu.memref_slice %arg8[%add3A_16, %dma_start3A_20] : memref<10000x128xf32, #tpu.memory_space<vmem_shared>> -> memref<128x128xf32, #tpu.memory_space<vmem_shared>>
    %dma_start3A_22 = arith.constant 0 : i32
    %dma_start3A_23 = tpu.memref_slice %arg8[%add3A_16, %dma_start3A_22] : memref<10000x128xf32, #tpu.memory_space<vmem_shared>> -> memref<128x128xf32, #tpu.memory_space<vmem_shared>>
    %dma_start3A_24 = arith.constant 0 : i32
    %dma_start3A_25 = arith.constant 0 : i32
    %dma_start3A_26 = tpu.memref_slice %arg15[%dma_start3A_24, %dma_start3A_25] : memref<128x128xf32, #tpu.memory_space<vmem>> -> memref<128x128xf32, #tpu.memory_space<vmem>>
    tpu.enqueue_dma source(%dma_start3A_26 : memref<128x128xf32, #tpu.memory_space<vmem>>) target(%dma_start3A_23 : memref<128x128xf32, #tpu.memory_space<vmem_shared>>) target_semaphore(%arg25 : memref<!tpu.dma_semaphore, #tpu.memory_space<semaphore_mem>>)
    %add3A_27 = arith.constant 256 : i32
    %add3A_28 = arith.addi %mul3A_4, %add3A_27 : i32
    %dma_start3A_29 = arith.constant 0 : i32
    %dma_start3A_30 = arith.constant 0 : i32
    %dma_start3A_31 = tpu.memref_slice %arg15[%dma_start3A_29, %dma_start3A_30] : memref<128x128xf32, #tpu.memory_space<vmem>> -> memref<128x128xf32, #tpu.memory_space<vmem>>
    %dma_start3A_32 = arith.constant 0 : i32
    %dma_start3A_33 = tpu.memref_slice %arg8[%add3A_28, %dma_start3A_32] : memref<10000x128xf32, #tpu.memory_space<vmem_shared>> -> memref<128x128xf32, #tpu.memory_space<vmem_shared>>
    %dma_start3A_34 = arith.constant 0 : i32
    %dma_start3A_35 = tpu.memref_slice %arg8[%add3A_28, %dma_start3A_34] : memref<10000x128xf32, #tpu.memory_space<vmem_shared>> -> memref<128x128xf32, #tpu.memory_space<vmem_shared>>
    %dma_start3A_36 = arith.constant 0 : i32
    %dma_start3A_37 = arith.constant 0 : i32
    %dma_start3A_38 = tpu.memref_slice %arg15[%dma_start3A_36, %dma_start3A_37] : memref<128x128xf32, #tpu.memory_space<vmem>> -> memref<128x128xf32, #tpu.memory_space<vmem>>
    tpu.enqueue_dma source(%dma_start3A_38 : memref<128x128xf32, #tpu.memory_space<vmem>>) target(%dma_start3A_35 : memref<128x128xf32, #tpu.memory_space<vmem_shared>>) target_semaphore(%arg25 : memref<!tpu.dma_semaphore, #tpu.memory_space<semaphore_mem>>)
    %add3A_39 = arith.constant 384 : i32
    %add3A_40 = arith.addi %mul3A_4, %add3A_39 : i32
    %dma_start3A_41 = arith.constant 0 : i32
    %dma_start3A_42 = arith.constant 0 : i32
    %dma_start3A_43 = tpu.memref_slice %arg15[%dma_start3A_41, %dma_start3A_42] : memref<128x128xf32, #tpu.memory_space<vmem>> -> memref<128x128xf32, #tpu.memory_space<vmem>>
    %dma_start3A_44 = arith.constant 0 : i32
    %dma_start3A_45 = tpu.memref_slice %arg8[%add3A_40, %dma_start3A_44] : memref<10000x128xf32, #tpu.memory_space<vmem_shared>> -> memref<128x128xf32, #tpu.memory_space<vmem_shared>>
    %dma_start3A_46 = arith.constant 0 : i32
    %dma_start3A_47 = tpu.memref_slice %arg8[%add3A_40, %dma_start3A_46] : memref<10000x128xf32, #tpu.memory_space<vmem_shared>> -> memref<128x128xf32, #tpu.memory_space<vmem_shared>>
    %dma_start3A_48 = arith.constant 0 : i32
    %dma_start3A_49 = arith.constant 0 : i32
    %dma_start3A_50 = tpu.memref_slice %arg15[%dma_start3A_48, %dma_start3A_49] : memref<128x128xf32, #tpu.memory_space<vmem>> -> memref<128x128xf32, #tpu.memory_space<vmem>>
    tpu.enqueue_dma source(%dma_start3A_50 : memref<128x128xf32, #tpu.memory_space<vmem>>) target(%dma_start3A_47 : memref<128x128xf32, #tpu.memory_space<vmem_shared>>) target_semaphore(%arg25 : memref<!tpu.dma_semaphore, #tpu.memory_space<semaphore_mem>>)
    %add3A_51 = arith.constant 512 : i32
    %add3A_52 = arith.addi %mul3A_4, %add3A_51 : i32
    %dma_start3A_53 = arith.constant 0 : i32
    %dma_start3A_54 = arith.constant 0 : i32
    %dma_start3A_55 = tpu.memref_slice %arg15[%dma_start3A_53, %dma_start3A_54] : memref<128x128xf32, #tpu.memory_space<vmem>> -> memref<112x128xf32, #tpu.memory_space<vmem>>
    %dma_start3A_56 = arith.constant 0 : i32
    %dma_start3A_57 = tpu.memref_slice %arg8[%add3A_52, %dma_start3A_56] : memref<10000x128xf32, #tpu.memory_space<vmem_shared>> -> memref<112x128xf32, #tpu.memory_space<vmem_shared>>
    %dma_start3A_58 = arith.constant 0 : i32
    %dma_start3A_59 = tpu.memref_slice %arg8[%add3A_52, %dma_start3A_58] : memref<10000x128xf32, #tpu.memory_space<vmem_shared>> -> memref<112x128xf32, #tpu.memory_space<vmem_shared>>
    %dma_start3A_60 = arith.constant 0 : i32
    %dma_start3A_61 = arith.constant 0 : i32
    %dma_start3A_62 = tpu.memref_slice %arg15[%dma_start3A_60, %dma_start3A_61] : memref<128x128xf32, #tpu.memory_space<vmem>> -> memref<112x128xf32, #tpu.memory_space<vmem>>
    tpu.enqueue_dma source(%dma_start3A_62 : memref<112x128xf32, #tpu.memory_space<vmem>>) target(%dma_start3A_59 : memref<112x128xf32, #tpu.memory_space<vmem_shared>>) target_semaphore(%arg25 : memref<!tpu.dma_semaphore, #tpu.memory_space<semaphore_mem>>)
    %eq3A = arith.constant 15 : i32
    %eq3A_63 = arith.cmpi eq, %arg1, %eq3A : i32
    %convert_element_type3A = arith.extui %eq3A_63 : i1 to i32
    %cond3A = arith.constant 0 : i32
    %cond3A_64 = arith.cmpi ne, %convert_element_type3A, %cond3A : i32
    scf.if %cond3A_64 {
      %dma_start3A_335 = arith.constant 0 : i32
      %dma_start3A_336 = arith.constant 0 : i32
      %dma_start3A_337 = tpu.memref_slice %arg15[%dma_start3A_335, %dma_start3A_336] : memref<128x128xf32, #tpu.memory_space<vmem>> -> memref<16x128xf32, #tpu.memory_space<vmem>>
      %dma_start3A_338 = arith.constant 9984 : i32
      %dma_start3A_339 = arith.constant 0 : i32
      %dma_start3A_340 = tpu.memref_slice %arg8[%dma_start3A_338, %dma_start3A_339] : memref<10000x128xf32, #tpu.memory_space<vmem_shared>> -> memref<16x128xf32, #tpu.memory_space<vmem_shared>>
      %dma_start3A_341 = arith.constant 9984 : i32
      %dma_start3A_342 = arith.constant 0 : i32
      %dma_start3A_343 = tpu.memref_slice %arg8[%dma_start3A_341, %dma_start3A_342] : memref<10000x128xf32, #tpu.memory_space<vmem_shared>> -> memref<16x128xf32, #tpu.memory_space<vmem_shared>>
      %dma_start3A_344 = arith.constant 0 : i32
      %dma_start3A_345 = arith.constant 0 : i32
      %dma_start3A_346 = tpu.memref_slice %arg15[%dma_start3A_344, %dma_start3A_345] : memref<128x128xf32, #tpu.memory_space<vmem>> -> memref<16x128xf32, #tpu.memory_space<vmem>>
      tpu.enqueue_dma source(%dma_start3A_346 : memref<16x128xf32, #tpu.memory_space<vmem>>) target(%dma_start3A_343 : memref<16x128xf32, #tpu.memory_space<vmem_shared>>) target_semaphore(%arg25 : memref<!tpu.dma_semaphore, #tpu.memory_space<semaphore_mem>>)
    } else {
    }
    %add3A_65 = arith.constant 0 : i32
    %add3A_66 = arith.addi %mul3A_4, %add3A_65 : i32
    %dma_wait3A = arith.constant 0 : i32
    %dma_wait3A_67 = arith.constant 0 : i32
    %dma_wait3A_68 = tpu.memref_slice %arg15[%dma_wait3A, %dma_wait3A_67] : memref<128x128xf32, #tpu.memory_space<vmem>> -> memref<128x128xf32, #tpu.memory_space<vmem>>
    %dma_wait3A_69 = arith.constant 0 : i32
    %dma_wait3A_70 = tpu.memref_slice %arg8[%add3A_66, %dma_wait3A_69] : memref<10000x128xf32, #tpu.memory_space<vmem_shared>> -> memref<128x128xf32, #tpu.memory_space<vmem_shared>>
    %dma_wait3A_71 = arith.constant 0 : i32
    %dma_wait3A_72 = tpu.memref_slice %arg8[%add3A_66, %dma_wait3A_71] : memref<10000x128xf32, #tpu.memory_space<vmem_shared>> -> memref<128x128xf32, #tpu.memory_space<vmem_shared>>
    %dma_wait3A_73 = arith.constant 0 : i32
    %dma_wait3A_74 = arith.constant 0 : i32
    %dma_wait3A_75 = tpu.memref_slice %arg15[%dma_wait3A_73, %dma_wait3A_74] : memref<128x128xf32, #tpu.memory_space<vmem>> -> memref<128x128xf32, #tpu.memory_space<vmem>>
    tpu.wait_dma2 semaphore(%arg25 : memref<!tpu.dma_semaphore, #tpu.memory_space<semaphore_mem>>) src(%dma_wait3A_75 : memref<128x128xf32, #tpu.memory_space<vmem>>) dst(%dma_wait3A_72 : memref<128x128xf32, #tpu.memory_space<vmem_shared>>)
    %add3A_76 = arith.constant 128 : i32
    %add3A_77 = arith.addi %mul3A_4, %add3A_76 : i32
    %dma_wait3A_78 = arith.constant 0 : i32
    %dma_wait3A_79 = arith.constant 0 : i32
    %dma_wait3A_80 = tpu.memref_slice %arg15[%dma_wait3A_78, %dma_wait3A_79] : memref<128x128xf32, #tpu.memory_space<vmem>> -> memref<128x128xf32, #tpu.memory_space<vmem>>
    %dma_wait3A_81 = arith.constant 0 : i32
    %dma_wait3A_82 = tpu.memref_slice %arg8[%add3A_77, %dma_wait3A_81] : memref<10000x128xf32, #tpu.memory_space<vmem_shared>> -> memref<128x128xf32, #tpu.memory_space<vmem_shared>>
    %dma_wait3A_83 = arith.constant 0 : i32
    %dma_wait3A_84 = tpu.memref_slice %arg8[%add3A_77, %dma_wait3A_83] : memref<10000x128xf32, #tpu.memory_space<vmem_shared>> -> memref<128x128xf32, #tpu.memory_space<vmem_shared>>
    %dma_wait3A_85 = arith.constant 0 : i32
    %dma_wait3A_86 = arith.constant 0 : i32
    %dma_wait3A_87 = tpu.memref_slice %arg15[%dma_wait3A_85, %dma_wait3A_86] : memref<128x128xf32, #tpu.memory_space<vmem>> -> memref<128x128xf32, #tpu.memory_space<vmem>>
    tpu.wait_dma2 semaphore(%arg25 : memref<!tpu.dma_semaphore, #tpu.memory_space<semaphore_mem>>) src(%dma_wait3A_87 : memref<128x128xf32, #tpu.memory_space<vmem>>) dst(%dma_wait3A_84 : memref<128x128xf32, #tpu.memory_space<vmem_shared>>)
    %add3A_88 = arith.constant 256 : i32
    %add3A_89 = arith.addi %mul3A_4, %add3A_88 : i32
    %dma_wait3A_90 = arith.constant 0 : i32
    %dma_wait3A_91 = arith.constant 0 : i32
    %dma_wait3A_92 = tpu.memref_slice %arg15[%dma_wait3A_90, %dma_wait3A_91] : memref<128x128xf32, #tpu.memory_space<vmem>> -> memref<128x128xf32, #tpu.memory_space<vmem>>
    %dma_wait3A_93 = arith.constant 0 : i32
    %dma_wait3A_94 = tpu.memref_slice %arg8[%add3A_89, %dma_wait3A_93] : memref<10000x128xf32, #tpu.memory_space<vmem_shared>> -> memref<128x128xf32, #tpu.memory_space<vmem_shared>>
    %dma_wait3A_95 = arith.constant 0 : i32
    %dma_wait3A_96 = tpu.memref_slice %arg8[%add3A_89, %dma_wait3A_95] : memref<10000x128xf32, #tpu.memory_space<vmem_shared>> -> memref<128x128xf32, #tpu.memory_space<vmem_shared>>
    %dma_wait3A_97 = arith.constant 0 : i32
    %dma_wait3A_98 = arith.constant 0 : i32
    %dma_wait3A_99 = tpu.memref_slice %arg15[%dma_wait3A_97, %dma_wait3A_98] : memref<128x128xf32, #tpu.memory_space<vmem>> -> memref<128x128xf32, #tpu.memory_space<vmem>>
    tpu.wait_dma2 semaphore(%arg25 : memref<!tpu.dma_semaphore, #tpu.memory_space<semaphore_mem>>) src(%dma_wait3A_99 : memref<128x128xf32, #tpu.memory_space<vmem>>) dst(%dma_wait3A_96 : memref<128x128xf32, #tpu.memory_space<vmem_shared>>)
    %add3A_100 = arith.constant 384 : i32
    %add3A_101 = arith.addi %mul3A_4, %add3A_100 : i32
    %dma_wait3A_102 = arith.constant 0 : i32
    %dma_wait3A_103 = arith.constant 0 : i32
    %dma_wait3A_104 = tpu.memref_slice %arg15[%dma_wait3A_102, %dma_wait3A_103] : memref<128x128xf32, #tpu.memory_space<vmem>> -> memref<128x128xf32, #tpu.memory_space<vmem>>
    %dma_wait3A_105 = arith.constant 0 : i32
    %dma_wait3A_106 = tpu.memref_slice %arg8[%add3A_101, %dma_wait3A_105] : memref<10000x128xf32, #tpu.memory_space<vmem_shared>> -> memref<128x128xf32, #tpu.memory_space<vmem_shared>>
    %dma_wait3A_107 = arith.constant 0 : i32
    %dma_wait3A_108 = tpu.memref_slice %arg8[%add3A_101, %dma_wait3A_107] : memref<10000x128xf32, #tpu.memory_space<vmem_shared>> -> memref<128x128xf32, #tpu.memory_space<vmem_shared>>
    %dma_wait3A_109 = arith.constant 0 : i32
    %dma_wait3A_110 = arith.constant 0 : i32
    %dma_wait3A_111 = tpu.memref_slice %arg15[%dma_wait3A_109, %dma_wait3A_110] : memref<128x128xf32, #tpu.memory_space<vmem>> -> memref<128x128xf32, #tpu.memory_space<vmem>>
    tpu.wait_dma2 semaphore(%arg25 : memref<!tpu.dma_semaphore, #tpu.memory_space<semaphore_mem>>) src(%dma_wait3A_111 : memref<128x128xf32, #tpu.memory_space<vmem>>) dst(%dma_wait3A_108 : memref<128x128xf32, #tpu.memory_space<vmem_shared>>)
    %add3A_112 = arith.constant 512 : i32
    %add3A_113 = arith.addi %mul3A_4, %add3A_112 : i32
    %dma_wait3A_114 = arith.constant 0 : i32
    %dma_wait3A_115 = arith.constant 0 : i32
    %dma_wait3A_116 = tpu.memref_slice %arg15[%dma_wait3A_114, %dma_wait3A_115] : memref<128x128xf32, #tpu.memory_space<vmem>> -> memref<112x128xf32, #tpu.memory_space<vmem>>
    %dma_wait3A_117 = arith.constant 0 : i32
    %dma_wait3A_118 = tpu.memref_slice %arg8[%add3A_113, %dma_wait3A_117] : memref<10000x128xf32, #tpu.memory_space<vmem_shared>> -> memref<112x128xf32, #tpu.memory_space<vmem_shared>>
    %dma_wait3A_119 = arith.constant 0 : i32
    %dma_wait3A_120 = tpu.memref_slice %arg8[%add3A_113, %dma_wait3A_119] : memref<10000x128xf32, #tpu.memory_space<vmem_shared>> -> memref<112x128xf32, #tpu.memory_space<vmem_shared>>
    %dma_wait3A_121 = arith.constant 0 : i32
    %dma_wait3A_122 = arith.constant 0 : i32
    %dma_wait3A_123 = tpu.memref_slice %arg15[%dma_wait3A_121, %dma_wait3A_122] : memref<128x128xf32, #tpu.memory_space<vmem>> -> memref<112x128xf32, #tpu.memory_space<vmem>>
    tpu.wait_dma2 semaphore(%arg25 : memref<!tpu.dma_semaphore, #tpu.memory_space<semaphore_mem>>) src(%dma_wait3A_123 : memref<112x128xf32, #tpu.memory_space<vmem>>) dst(%dma_wait3A_120 : memref<112x128xf32, #tpu.memory_space<vmem_shared>>)
    %eq3A_124 = arith.constant 15 : i32
    %eq3A_125 = arith.cmpi eq, %arg1, %eq3A_124 : i32
    %convert_element_type3A_126 = arith.extui %eq3A_125 : i1 to i32
    %cond3A_127 = arith.constant 0 : i32
    %cond3A_128 = arith.cmpi ne, %convert_element_type3A_126, %cond3A_127 : i32
    scf.if %cond3A_128 {
      %dma_wait3A_335 = arith.constant 0 : i32
      %dma_wait3A_336 = arith.constant 0 : i32
      %dma_wait3A_337 = tpu.memref_slice %arg15[%dma_wait3A_335, %dma_wait3A_336] : memref<128x128xf32, #tpu.memory_space<vmem>> -> memref<16x128xf32, #tpu.memory_space<vmem>>
      %dma_wait3A_338 = arith.constant 9984 : i32
      %dma_wait3A_339 = arith.constant 0 : i32
      %dma_wait3A_340 = tpu.memref_slice %arg8[%dma_wait3A_338, %dma_wait3A_339] : memref<10000x128xf32, #tpu.memory_space<vmem_shared>> -> memref<16x128xf32, #tpu.memory_space<vmem_shared>>
      %dma_wait3A_341 = arith.constant 9984 : i32
      %dma_wait3A_342 = arith.constant 0 : i32
      %dma_wait3A_343 = tpu.memref_slice %arg8[%dma_wait3A_341, %dma_wait3A_342] : memref<10000x128xf32, #tpu.memory_space<vmem_shared>> -> memref<16x128xf32, #tpu.memory_space<vmem_shared>>
      %dma_wait3A_344 = arith.constant 0 : i32
      %dma_wait3A_345 = arith.constant 0 : i32
      %dma_wait3A_346 = tpu.memref_slice %arg15[%dma_wait3A_344, %dma_wait3A_345] : memref<128x128xf32, #tpu.memory_space<vmem>> -> memref<16x128xf32, #tpu.memory_space<vmem>>
      tpu.wait_dma2 semaphore(%arg25 : memref<!tpu.dma_semaphore, #tpu.memory_space<semaphore_mem>>) src(%dma_wait3A_346 : memref<16x128xf32, #tpu.memory_space<vmem>>) dst(%dma_wait3A_343 : memref<16x128xf32, #tpu.memory_space<vmem_shared>>)
    } else {
    }
    %eq3A_129 = arith.constant 0 : i32
    %eq3A_130 = arith.cmpi eq, %arg1, %eq3A_129 : i32
    %convert_element_type3A_131 = arith.extui %eq3A_130 : i1 to i32
    %cond3A_132 = arith.constant 0 : i32
    %cond3A_133 = arith.cmpi ne, %convert_element_type3A_131, %cond3A_132 : i32
    scf.if %cond3A_133 {
      "tpu.region"() ({
        %run_scoped3A = tpu.sem_alloc : memref<!tpu.dma_semaphore, #tpu.memory_space<semaphore_mem>>
        tpu.enqueue_dma source(%arg6 : memref<10000xf32, #tpu.memory_space<hbm>>) target(%arg20 : memref<10000xf32, #tpu.memory_space<vmem_shared>>) target_semaphore(%run_scoped3A : memref<!tpu.dma_semaphore, #tpu.memory_space<semaphore_mem>>)
        tpu.wait_dma2 semaphore(%run_scoped3A : memref<!tpu.dma_semaphore, #tpu.memory_space<semaphore_mem>>) src(%arg6 : memref<10000xf32, #tpu.memory_space<hbm>>) dst(%arg20 : memref<10000xf32, #tpu.memory_space<vmem_shared>>)
        tpu.yield
      }) : () -> ()
    } else {
    }
    %barrier3A = arith.constant 0 : index
    tpu.barrier barrier_id(%barrier3A)
    "tpu.region"() ({
      %run_scoped3A = tpu.sem_alloc : memref<!tpu.dma_semaphore, #tpu.memory_space<semaphore_mem>>
      tpu.enqueue_dma source(%arg20 : memref<10000xf32, #tpu.memory_space<vmem_shared>>) target(%arg19 : memref<10000xf32, #tpu.memory_space<vmem>>) target_semaphore(%run_scoped3A : memref<!tpu.dma_semaphore, #tpu.memory_space<semaphore_mem>>)
      tpu.wait_dma2 semaphore(%run_scoped3A : memref<!tpu.dma_semaphore, #tpu.memory_space<semaphore_mem>>) src(%arg20 : memref<10000xf32, #tpu.memory_space<vmem_shared>>) dst(%arg19 : memref<10000xf32, #tpu.memory_space<vmem>>)
      tpu.yield
    }) : () -> ()
    %add3A_134 = arith.constant 0 : i32
    %add3A_135 = arith.addi %add3A_134, %arg1 : i32
    %mul3A_136 = arith.constant 128 : i32
    %mul3A_137 = arith.muli %add3A_135, %mul3A_136 : i32
    %dma_start3A_138 = tpu.memref_slice %arg3[%mul3A_137] : memref<160000xi32, #tpu.memory_space<hbm>> -> memref<128xi32, #tpu.memory_space<hbm>>
    %dma_start3A_139 = tpu.memref_slice %arg3[%mul3A_137] : memref<160000xi32, #tpu.memory_space<hbm>> -> memref<128xi32, #tpu.memory_space<hbm>>
    tpu.enqueue_dma source(%dma_start3A_139 : memref<128xi32, #tpu.memory_space<hbm>>) target(%arg9 : memref<128xi32, #tpu.memory_space<vmem>>) target_semaphore(%arg21 : memref<!tpu.dma_semaphore, #tpu.memory_space<semaphore_mem>>)
    %dma_start3A_140 = tpu.memref_slice %arg4[%mul3A_137] : memref<160000xi32, #tpu.memory_space<hbm>> -> memref<128xi32, #tpu.memory_space<hbm>>
    %dma_start3A_141 = tpu.memref_slice %arg4[%mul3A_137] : memref<160000xi32, #tpu.memory_space<hbm>> -> memref<128xi32, #tpu.memory_space<hbm>>
    tpu.enqueue_dma source(%dma_start3A_141 : memref<128xi32, #tpu.memory_space<hbm>>) target(%arg11 : memref<128xi32, #tpu.memory_space<vmem>>) target_semaphore(%arg21 : memref<!tpu.dma_semaphore, #tpu.memory_space<semaphore_mem>>)
    %dma_start3A_142 = tpu.memref_slice %arg5[%mul3A_137] : memref<160000xf32, #tpu.memory_space<hbm>> -> memref<128xf32, #tpu.memory_space<hbm>>
    %dma_start3A_143 = tpu.memref_slice %arg5[%mul3A_137] : memref<160000xf32, #tpu.memory_space<hbm>> -> memref<128xf32, #tpu.memory_space<hbm>>
    tpu.enqueue_dma source(%dma_start3A_143 : memref<128xf32, #tpu.memory_space<hbm>>) target(%arg13 : memref<128xf32, #tpu.memory_space<vmem>>) target_semaphore(%arg21 : memref<!tpu.dma_semaphore, #tpu.memory_space<semaphore_mem>>)
    %dma_wait3A_144 = arith.constant 0 : i32
    %dma_wait3A_145 = tpu.memref_slice %arg3[%dma_wait3A_144] : memref<160000xi32, #tpu.memory_space<hbm>> -> memref<128xi32, #tpu.memory_space<hbm>>
    %dma_wait3A_146 = arith.constant 0 : i32
    %dma_wait3A_147 = tpu.memref_slice %arg3[%dma_wait3A_146] : memref<160000xi32, #tpu.memory_space<hbm>> -> memref<128xi32, #tpu.memory_space<hbm>>
    tpu.wait_dma2 semaphore(%arg21 : memref<!tpu.dma_semaphore, #tpu.memory_space<semaphore_mem>>) src(%dma_wait3A_147 : memref<128xi32, #tpu.memory_space<hbm>>) dst(%arg9 : memref<128xi32, #tpu.memory_space<vmem>>)
    %dma_wait3A_148 = arith.constant 0 : i32
    %dma_wait3A_149 = tpu.memref_slice %arg4[%dma_wait3A_148] : memref<160000xi32, #tpu.memory_space<hbm>> -> memref<128xi32, #tpu.memory_space<hbm>>
    %dma_wait3A_150 = arith.constant 0 : i32
    %dma_wait3A_151 = tpu.memref_slice %arg4[%dma_wait3A_150] : memref<160000xi32, #tpu.memory_space<hbm>> -> memref<128xi32, #tpu.memory_space<hbm>>
    tpu.wait_dma2 semaphore(%arg21 : memref<!tpu.dma_semaphore, #tpu.memory_space<semaphore_mem>>) src(%dma_wait3A_151 : memref<128xi32, #tpu.memory_space<hbm>>) dst(%arg11 : memref<128xi32, #tpu.memory_space<vmem>>)
    %dma_wait3A_152 = arith.constant 0 : i32
    %dma_wait3A_153 = tpu.memref_slice %arg5[%dma_wait3A_152] : memref<160000xf32, #tpu.memory_space<hbm>> -> memref<128xf32, #tpu.memory_space<hbm>>
    %dma_wait3A_154 = arith.constant 0 : i32
    %dma_wait3A_155 = tpu.memref_slice %arg5[%dma_wait3A_154] : memref<160000xf32, #tpu.memory_space<hbm>> -> memref<128xf32, #tpu.memory_space<hbm>>
    tpu.wait_dma2 semaphore(%arg21 : memref<!tpu.dma_semaphore, #tpu.memory_space<semaphore_mem>>) src(%dma_wait3A_155 : memref<128xf32, #tpu.memory_space<hbm>>) dst(%arg13 : memref<128xf32, #tpu.memory_space<vmem>>)
    %get3A = arith.constant 0 : index
    %get3A_156 = tpu.vector_load %arg9[%get3A] {strides = array<i32>} : memref<128xi32, #tpu.memory_space<vmem>>, vector<16xi32>,
    %add3A_157 = arith.addi %get3A_156, %get3A_156 : vector<16xi32>
    %add3A_158 = vector.broadcast %arg0 : i32 to vector<16xi32>
    %add3A_159 = arith.addi %add3A_157, %add3A_158 : vector<16xi32>
    %swap3A = arith.constant 0 : index
    %swap3A_160 = tpu.vector_load %arg9[%swap3A] {strides = array<i32>} : memref<128xi32, #tpu.memory_space<vmem>>, vector<16xi32>,
    tpu.vector_store %arg9[%swap3A], %add3A_159 {strides = array<i32>} : memref<128xi32, #tpu.memory_space<vmem>>, vector<16xi32>,
    %get3A_161 = arith.constant 16 : index
    %get3A_162 = tpu.vector_load %arg9[%get3A_161] {strides = array<i32>} : memref<128xi32, #tpu.memory_space<vmem>>, vector<16xi32>,
    %add3A_163 = arith.addi %get3A_162, %get3A_162 : vector<16xi32>
    %add3A_164 = vector.broadcast %arg0 : i32 to vector<16xi32>
    %add3A_165 = arith.addi %add3A_163, %add3A_164 : vector<16xi32>
    %swap3A_166 = arith.constant 16 : index
    %swap3A_167 = tpu.vector_load %arg9[%swap3A_166] {strides = array<i32>} : memref<128xi32, #tpu.memory_space<vmem>>, vector<16xi32>,
    tpu.vector_store %arg9[%swap3A_166], %add3A_165 {strides = array<i32>} : memref<128xi32, #tpu.memory_space<vmem>>, vector<16xi32>,
    %get3A_168 = arith.constant 32 : index
    %get3A_169 = tpu.vector_load %arg9[%get3A_168] {strides = array<i32>} : memref<128xi32, #tpu.memory_space<vmem>>, vector<16xi32>,
    %add3A_170 = arith.addi %get3A_169, %get3A_169 : vector<16xi32>
    %add3A_171 = vector.broadcast %arg0 : i32 to vector<16xi32>
    %add3A_172 = arith.addi %add3A_170, %add3A_171 : vector<16xi32>
    %swap3A_173 = arith.constant 32 : index
    %swap3A_174 = tpu.vector_load %arg9[%swap3A_173] {strides = array<i32>} : memref<128xi32, #tpu.memory_space<vmem>>, vector<16xi32>,
    tpu.vector_store %arg9[%swap3A_173], %add3A_172 {strides = array<i32>} : memref<128xi32, #tpu.memory_space<vmem>>, vector<16xi32>,
    %get3A_175 = arith.constant 48 : index
    %get3A_176 = tpu.vector_load %arg9[%get3A_175] {strides = array<i32>} : memref<128xi32, #tpu.memory_space<vmem>>, vector<16xi32>,
    %add3A_177 = arith.addi %get3A_176, %get3A_176 : vector<16xi32>
    %add3A_178 = vector.broadcast %arg0 : i32 to vector<16xi32>
    %add3A_179 = arith.addi %add3A_177, %add3A_178 : vector<16xi32>
    %swap3A_180 = arith.constant 48 : index
    %swap3A_181 = tpu.vector_load %arg9[%swap3A_180] {strides = array<i32>} : memref<128xi32, #tpu.memory_space<vmem>>, vector<16xi32>,
    tpu.vector_store %arg9[%swap3A_180], %add3A_179 {strides = array<i32>} : memref<128xi32, #tpu.memory_space<vmem>>, vector<16xi32>,
    %get3A_182 = arith.constant 64 : index
    %get3A_183 = tpu.vector_load %arg9[%get3A_182] {strides = array<i32>} : memref<128xi32, #tpu.memory_space<vmem>>, vector<16xi32>,
    %add3A_184 = arith.addi %get3A_183, %get3A_183 : vector<16xi32>
    %add3A_185 = vector.broadcast %arg0 : i32 to vector<16xi32>
    %add3A_186 = arith.addi %add3A_184, %add3A_185 : vector<16xi32>
    %swap3A_187 = arith.constant 64 : index
    %swap3A_188 = tpu.vector_load %arg9[%swap3A_187] {strides = array<i32>} : memref<128xi32, #tpu.memory_space<vmem>>, vector<16xi32>,
    tpu.vector_store %arg9[%swap3A_187], %add3A_186 {strides = array<i32>} : memref<128xi32, #tpu.memory_space<vmem>>, vector<16xi32>,
    %get3A_189 = arith.constant 80 : index
    %get3A_190 = tpu.vector_load %arg9[%get3A_189] {strides = array<i32>} : memref<128xi32, #tpu.memory_space<vmem>>, vector<16xi32>,
    %add3A_191 = arith.addi %get3A_190, %get3A_190 : vector<16xi32>
    %add3A_192 = vector.broadcast %arg0 : i32 to vector<16xi32>
    %add3A_193 = arith.addi %add3A_191, %add3A_192 : vector<16xi32>
    %swap3A_194 = arith.constant 80 : index
    %swap3A_195 = tpu.vector_load %arg9[%swap3A_194] {strides = array<i32>} : memref<128xi32, #tpu.memory_space<vmem>>, vector<16xi32>,
    tpu.vector_store %arg9[%swap3A_194], %add3A_193 {strides = array<i32>} : memref<128xi32, #tpu.memory_space<vmem>>, vector<16xi32>,
    %get3A_196 = arith.constant 96 : index
    %get3A_197 = tpu.vector_load %arg9[%get3A_196] {strides = array<i32>} : memref<128xi32, #tpu.memory_space<vmem>>, vector<16xi32>,
    %add3A_198 = arith.addi %get3A_197, %get3A_197 : vector<16xi32>
    %add3A_199 = vector.broadcast %arg0 : i32 to vector<16xi32>
    %add3A_200 = arith.addi %add3A_198, %add3A_199 : vector<16xi32>
    %swap3A_201 = arith.constant 96 : index
    %swap3A_202 = tpu.vector_load %arg9[%swap3A_201] {strides = array<i32>} : memref<128xi32, #tpu.memory_space<vmem>>, vector<16xi32>,
    tpu.vector_store %arg9[%swap3A_201], %add3A_200 {strides = array<i32>} : memref<128xi32, #tpu.memory_space<vmem>>, vector<16xi32>,
    %get3A_203 = arith.constant 112 : index
    %get3A_204 = tpu.vector_load %arg9[%get3A_203] {strides = array<i32>} : memref<128xi32, #tpu.memory_space<vmem>>, vector<16xi32>,
    %add3A_205 = arith.addi %get3A_204, %get3A_204 : vector<16xi32>
    %add3A_206 = vector.broadcast %arg0 : i32 to vector<16xi32>
    %add3A_207 = arith.addi %add3A_205, %add3A_206 : vector<16xi32>
    %swap3A_208 = arith.constant 112 : index
    %swap3A_209 = tpu.vector_load %arg9[%swap3A_208] {strides = array<i32>} : memref<128xi32, #tpu.memory_space<vmem>>, vector<16xi32>,
    tpu.vector_store %arg9[%swap3A_208], %add3A_207 {strides = array<i32>} : memref<128xi32, #tpu.memory_space<vmem>>, vector<16xi32>,
    %dma_start3A_210 = arith.constant 0 : i32
    %dma_start3A_211 = arith.constant 0 : i32
    %dma_start3A_212 = tpu.memref_slice %arg15[%dma_start3A_210, %dma_start3A_211] : memref<128x128xf32, #tpu.memory_space<vmem>> -> memref<64x128xf32, #tpu.memory_space<vmem>>
    %dma_start3A_213 = arith.constant 0 : i32
    %dma_start3A_214 = tpu.memref_slice %arg9[%dma_start3A_213] : memref<128xi32, #tpu.memory_space<vmem>> -> memref<64xi32, #tpu.memory_space<vmem>>
    %dma_start3A_215 = arith.constant 0 : i32
    %dma_start3A_216 = arith.constant 0 : i32
    %dma_start3A_217 = tpu.memref_slice %arg2[%dma_start3A_215, %dma_start3A_216] : memref<20000x128xf32, #tpu.memory_space<hbm>> -> memref<20000x128xf32, #tpu.memory_space<hbm>>
    tpu.enqueue_indirect_dma source(%dma_start3A_217 : memref<20000x128xf32, #tpu.memory_space<hbm>>) target(%dma_start3A_212 : memref<64x128xf32, #tpu.memory_space<vmem>>) offsets(%dma_start3A_214 : memref<64xi32, #tpu.memory_space<vmem>>) semaphore(%arg23 : memref<!tpu.dma_semaphore, #tpu.memory_space<semaphore_mem>>)
    %dma_start3A_218 = arith.constant 64 : i32
    %dma_start3A_219 = arith.constant 0 : i32
    %dma_start3A_220 = tpu.memref_slice %arg15[%dma_start3A_218, %dma_start3A_219] : memref<128x128xf32, #tpu.memory_space<vmem>> -> memref<64x128xf32, #tpu.memory_space<vmem>>
    %dma_start3A_221 = arith.constant 64 : i32
    %dma_start3A_222 = tpu.memref_slice %arg9[%dma_start3A_221] : memref<128xi32, #tpu.memory_space<vmem>> -> memref<64xi32, #tpu.memory_space<vmem>>
    %dma_start3A_223 = arith.constant 0 : i32
    %dma_start3A_224 = arith.constant 0 : i32
    %dma_start3A_225 = tpu.memref_slice %arg2[%dma_start3A_223, %dma_start3A_224] : memref<20000x128xf32, #tpu.memory_space<hbm>> -> memref<20000x128xf32, #tpu.memory_space<hbm>>
    tpu.enqueue_indirect_dma source(%dma_start3A_225 : memref<20000x128xf32, #tpu.memory_space<hbm>>) target(%dma_start3A_220 : memref<64x128xf32, #tpu.memory_space<vmem>>) offsets(%dma_start3A_222 : memref<64xi32, #tpu.memory_space<vmem>>) semaphore(%arg23 : memref<!tpu.dma_semaphore, #tpu.memory_space<semaphore_mem>>)
    %get3A_226 = arith.constant 0 : index
    %get3A_227 = tpu.vector_load %arg9[%get3A_226] {strides = array<i32>} : memref<128xi32, #tpu.memory_space<vmem>>, vector<16xi32>,
    %shift_right_logical3A = arith.constant 1 : i32
    %shift_right_logical3A_228 = vector.broadcast %shift_right_logical3A : i32 to vector<16xi32>
    %shift_right_logical3A_229 = arith.shrui %get3A_227, %shift_right_logical3A_228 : vector<16xi32>
    %get3A_230 = arith.constant 0 : index
    %get3A_231 = tpu.vector_load %arg13[%get3A_230] {strides = array<i32>} : memref<128xf32, #tpu.memory_space<vmem>>, vector<16xf32>,
    %gather3A = tpu.vector_load_idx %arg19[%shift_right_logical3A_229] : memref<10000xf32, #tpu.memory_space<vmem>>[vector<16xi32>], vector<16xf32>,
    %mul3A_232 = arith.mulf %get3A_231, %gather3A : vector<16xf32>
    %swap3A_233 = arith.constant 0 : index
    %swap3A_234 = tpu.vector_load %arg13[%swap3A_233] {strides = array<i32>} : memref<128xf32, #tpu.memory_space<vmem>>, vector<16xf32>,
    tpu.vector_store %arg13[%swap3A_233], %mul3A_232 {strides = array<i32>} : memref<128xf32, #tpu.memory_space<vmem>>, vector<16xf32>,
    %get3A_235 = arith.constant 16 : index
    %get3A_236 = tpu.vector_load %arg9[%get3A_235] {strides = array<i32>} : memref<128xi32, #tpu.memory_space<vmem>>, vector<16xi32>,
    %shift_right_logical3A_237 = arith.constant 1 : i32
    %shift_right_logical3A_238 = vector.broadcast %shift_right_logical3A_237 : i32 to vector<16xi32>
    %shift_right_logical3A_239 = arith.shrui %get3A_236, %shift_right_logical3A_238 : vector<16xi32>
    %get3A_240 = arith.constant 16 : index
    %get3A_241 = tpu.vector_load %arg13[%get3A_240] {strides = array<i32>} : memref<128xf32, #tpu.memory_space<vmem>>, vector<16xf32>,
    %gather3A_242 = tpu.vector_load_idx %arg19[%shift_right_logical3A_239] : memref<10000xf32, #tpu.memory_space<vmem>>[vector<16xi32>], vector<16xf32>,
    %mul3A_243 = arith.mulf %get3A_241, %gather3A_242 : vector<16xf32>
    %swap3A_244 = arith.constant 16 : index
    %swap3A_245 = tpu.vector_load %arg13[%swap3A_244] {strides = array<i32>} : memref<128xf32, #tpu.memory_space<vmem>>, vector<16xf32>,
    tpu.vector_store %arg13[%swap3A_244], %mul3A_243 {strides = array<i32>} : memref<128xf32, #tpu.memory_space<vmem>>, vector<16xf32>,
    %get3A_246 = arith.constant 32 : index
    %get3A_247 = tpu.vector_load %arg9[%get3A_246] {strides = array<i32>} : memref<128xi32, #tpu.memory_space<vmem>>, vector<16xi32>,
    %shift_right_logical3A_248 = arith.constant 1 : i32
    %shift_right_logical3A_249 = vector.broadcast %shift_right_logical3A_248 : i32 to vector<16xi32>
    %shift_right_logical3A_250 = arith.shrui %get3A_247, %shift_right_logical3A_249 : vector<16xi32>
    %get3A_251 = arith.constant 32 : index
    %get3A_252 = tpu.vector_load %arg13[%get3A_251] {strides = array<i32>} : memref<128xf32, #tpu.memory_space<vmem>>, vector<16xf32>,
    %gather3A_253 = tpu.vector_load_idx %arg19[%shift_right_logical3A_250] : memref<10000xf32, #tpu.memory_space<vmem>>[vector<16xi32>], vector<16xf32>,
    %mul3A_254 = arith.mulf %get3A_252, %gather3A_253 : vector<16xf32>
    %swap3A_255 = arith.constant 32 : index
    %swap3A_256 = tpu.vector_load %arg13[%swap3A_255] {strides = array<i32>} : memref<128xf32, #tpu.memory_space<vmem>>, vector<16xf32>,
    tpu.vector_store %arg13[%swap3A_255], %mul3A_254 {strides = array<i32>} : memref<128xf32, #tpu.memory_space<vmem>>, vector<16xf32>,
    %get3A_257 = arith.constant 48 : index
    %get3A_258 = tpu.vector_load %arg9[%get3A_257] {strides = array<i32>} : memref<128xi32, #tpu.memory_space<vmem>>, vector<16xi32>,
    %shift_right_logical3A_259 = arith.constant 1 : i32
    %shift_right_logical3A_260 = vector.broadcast %shift_right_logical3A_259 : i32 to vector<16xi32>
    %shift_right_logical3A_261 = arith.shrui %get3A_258, %shift_right_logical3A_260 : vector<16xi32>
    %get3A_262 = arith.constant 48 : index
    %get3A_263 = tpu.vector_load %arg13[%get3A_262] {strides = array<i32>} : memref<128xf32, #tpu.memory_space<vmem>>, vector<16xf32>,
    %gather3A_264 = tpu.vector_load_idx %arg19[%shift_right_logical3A_261] : memref<10000xf32, #tpu.memory_space<vmem>>[vector<16xi32>], vector<16xf32>,
    %mul3A_265 = arith.mulf %get3A_263, %gather3A_264 : vector<16xf32>
    %swap3A_266 = arith.constant 48 : index
    %swap3A_267 = tpu.vector_load %arg13[%swap3A_266] {strides = array<i32>} : memref<128xf32, #tpu.memory_space<vmem>>, vector<16xf32>,
    tpu.vector_store %arg13[%swap3A_266], %mul3A_265 {strides = array<i32>} : memref<128xf32, #tpu.memory_space<vmem>>, vector<16xf32>,
    %get3A_268 = arith.constant 64 : index
    %get3A_269 = tpu.vector_load %arg9[%get3A_268] {strides = array<i32>} : memref<128xi32, #tpu.memory_space<vmem>>, vector<16xi32>,
    %shift_right_logical3A_270 = arith.constant 1 : i32
    %shift_right_logical3A_271 = vector.broadcast %shift_right_logical3A_270 : i32 to vector<16xi32>
    %shift_right_logical3A_272 = arith.shrui %get3A_269, %shift_right_logical3A_271 : vector<16xi32>
    %get3A_273 = arith.constant 64 : index
    %get3A_274 = tpu.vector_load %arg13[%get3A_273] {strides = array<i32>} : memref<128xf32, #tpu.memory_space<vmem>>, vector<16xf32>,
    %gather3A_275 = tpu.vector_load_idx %arg19[%shift_right_logical3A_272] : memref<10000xf32, #tpu.memory_space<vmem>>[vector<16xi32>], vector<16xf32>,
    %mul3A_276 = arith.mulf %get3A_274, %gather3A_275 : vector<16xf32>
    %swap3A_277 = arith.constant 64 : index
    %swap3A_278 = tpu.vector_load %arg13[%swap3A_277] {strides = array<i32>} : memref<128xf32, #tpu.memory_space<vmem>>, vector<16xf32>,
    tpu.vector_store %arg13[%swap3A_277], %mul3A_276 {strides = array<i32>} : memref<128xf32, #tpu.memory_space<vmem>>, vector<16xf32>,
    %get3A_279 = arith.constant 80 : index
    %get3A_280 = tpu.vector_load %arg9[%get3A_279] {strides = array<i32>} : memref<128xi32, #tpu.memory_space<vmem>>, vector<16xi32>,
    %shift_right_logical3A_281 = arith.constant 1 : i32
    %shift_right_logical3A_282 = vector.broadcast %shift_right_logical3A_281 : i32 to vector<16xi32>
    %shift_right_logical3A_283 = arith.shrui %get3A_280, %shift_right_logical3A_282 : vector<16xi32>
    %get3A_284 = arith.constant 80 : index
    %get3A_285 = tpu.vector_load %arg13[%get3A_284] {strides = array<i32>} : memref<128xf32, #tpu.memory_space<vmem>>, vector<16xf32>,
    %gather3A_286 = tpu.vector_load_idx %arg19[%shift_right_logical3A_283] : memref<10000xf32, #tpu.memory_space<vmem>>[vector<16xi32>], vector<16xf32>,
    %mul3A_287 = arith.mulf %get3A_285, %gather3A_286 : vector<16xf32>
    %swap3A_288 = arith.constant 80 : index
    %swap3A_289 = tpu.vector_load %arg13[%swap3A_288] {strides = array<i32>} : memref<128xf32, #tpu.memory_space<vmem>>, vector<16xf32>,
    tpu.vector_store %arg13[%swap3A_288], %mul3A_287 {strides = array<i32>} : memref<128xf32, #tpu.memory_space<vmem>>, vector<16xf32>,
    %get3A_290 = arith.constant 96 : index
    %get3A_291 = tpu.vector_load %arg9[%get3A_290] {strides = array<i32>} : memref<128xi32, #tpu.memory_space<vmem>>, vector<16xi32>,
    %shift_right_logical3A_292 = arith.constant 1 : i32
    %shift_right_logical3A_293 = vector.broadcast %shift_right_logical3A_292 : i32 to vector<16xi32>
    %shift_right_logical3A_294 = arith.shrui %get3A_291, %shift_right_logical3A_293 : vector<16xi32>
    %get3A_295 = arith.constant 96 : index
    %get3A_296 = tpu.vector_load %arg13[%get3A_295] {strides = array<i32>} : memref<128xf32, #tpu.memory_space<vmem>>, vector<16xf32>,
    %gather3A_297 = tpu.vector_load_idx %arg19[%shift_right_logical3A_294] : memref<10000xf32, #tpu.memory_space<vmem>>[vector<16xi32>], vector<16xf32>,
    %mul3A_298 = arith.mulf %get3A_296, %gather3A_297 : vector<16xf32>
    %swap3A_299 = arith.constant 96 : index
    %swap3A_300 = tpu.vector_load %arg13[%swap3A_299] {strides = array<i32>} : memref<128xf32, #tpu.memory_space<vmem>>, vector<16xf32>,
    tpu.vector_store %arg13[%swap3A_299], %mul3A_298 {strides = array<i32>} : memref<128xf32, #tpu.memory_space<vmem>>, vector<16xf32>,
    %get3A_301 = arith.constant 112 : index
    %get3A_302 = tpu.vector_load %arg9[%get3A_301] {strides = array<i32>} : memref<128xi32, #tpu.memory_space<vmem>>, vector<16xi32>,
    %shift_right_logical3A_303 = arith.constant 1 : i32
    %shift_right_logical3A_304 = vector.broadcast %shift_right_logical3A_303 : i32 to vector<16xi32>
    %shift_right_logical3A_305 = arith.shrui %get3A_302, %shift_right_logical3A_304 : vector<16xi32>
    %get3A_306 = arith.constant 112 : index
    %get3A_307 = tpu.vector_load %arg13[%get3A_306] {strides = array<i32>} : memref<128xf32, #tpu.memory_space<vmem>>, vector<16xf32>,
    %gather3A_308 = tpu.vector_load_idx %arg19[%shift_right_logical3A_305] : memref<10000xf32, #tpu.memory_space<vmem>>[vector<16xi32>], vector<16xf32>,
    %mul3A_309 = arith.mulf %get3A_307, %gather3A_308 : vector<16xf32>
    %swap3A_310 = arith.constant 112 : index
    %swap3A_311 = tpu.vector_load %arg13[%swap3A_310] {strides = array<i32>} : memref<128xf32, #tpu.memory_space<vmem>>, vector<16xf32>,
    tpu.vector_store %arg13[%swap3A_310], %mul3A_309 {strides = array<i32>} : memref<128xf32, #tpu.memory_space<vmem>>, vector<16xf32>,
    %add3A_312 = arith.constant 16 : i32
    %add3A_313 = arith.addi %add3A_312, %arg1 : i32
    %mul3A_314 = arith.constant 128 : i32
    %mul3A_315 = arith.muli %add3A_313, %mul3A_314 : i32
    %dma_start3A_316 = tpu.memref_slice %arg3[%mul3A_315] : memref<160000xi32, #tpu.memory_space<hbm>> -> memref<128xi32, #tpu.memory_space<hbm>>
    %dma_start3A_317 = tpu.memref_slice %arg3[%mul3A_315] : memref<160000xi32, #tpu.memory_space<hbm>> -> memref<128xi32, #tpu.memory_space<hbm>>
    tpu.enqueue_dma source(%dma_start3A_317 : memref<128xi32, #tpu.memory_space<hbm>>) target(%arg10 : memref<128xi32, #tpu.memory_space<vmem>>) target_semaphore(%arg22 : memref<!tpu.dma_semaphore, #tpu.memory_space<semaphore_mem>>)
    %dma_start3A_318 = tpu.memref_slice %arg4[%mul3A_315] : memref<160000xi32, #tpu.memory_space<hbm>> -> memref<128xi32, #tpu.memory_space<hbm>>
    %dma_start3A_319 = tpu.memref_slice %arg4[%mul3A_315] : memref<160000xi32, #tpu.memory_space<hbm>> -> memref<128xi32, #tpu.memory_space<hbm>>
    tpu.enqueue_dma source(%dma_start3A_319 : memref<128xi32, #tpu.memory_space<hbm>>) target(%arg12 : memref<128xi32, #tpu.memory_space<vmem>>) target_semaphore(%arg22 : memref<!tpu.dma_semaphore, #tpu.memory_space<semaphore_mem>>)
    %dma_start3A_320 = tpu.memref_slice %arg5[%mul3A_315] : memref<160000xf32, #tpu.memory_space<hbm>> -> memref<128xf32, #tpu.memory_space<hbm>>
    %dma_start3A_321 = tpu.memref_slice %arg5[%mul3A_315] : memref<160000xf32, #tpu.memory_space<hbm>> -> memref<128xf32, #tpu.memory_space<hbm>>
    tpu.enqueue_dma source(%dma_start3A_321 : memref<128xf32, #tpu.memory_space<hbm>>) target(%arg14 : memref<128xf32, #tpu.memory_space<vmem>>) target_semaphore(%arg22 : memref<!tpu.dma_semaphore, #tpu.memory_space<semaphore_mem>>)
    %scan3A_322 = arith.constant 0 : i32
    %scan3A_323 = arith.constant 40 : i32
    %scan3A_324 = arith.addi %scan3A_322, %scan3A_323 : i32
    %scan3A_325 = arith.constant 1 : i32
    scf.for %scan3A_335 = %scan3A_322 to %scan3A_324 step %scan3A_325  : i32 {
      %mul3A_336 = arith.constant 2 : i32
      %mul3A_337 = arith.muli %scan3A_335, %mul3A_336 : i32
      %add3A_338 = arith.constant 0 : i32
      %add3A_339 = arith.addi %add3A_338, %mul3A_337 : i32
      %add3A_340 = arith.constant 0 : i32
      %add3A_341 = arith.addi %add3A_339, %add3A_340 : i32
      %ge3A = arith.constant 1 : i32
      %ge3A_342 = arith.cmpi sge, %add3A_341, %ge3A : i32
      %sub3A = arith.constant 1 : i32
      %sub3A_343 = arith.subi %add3A_341, %sub3A : i32
      %mul3A_344 = arith.constant 16 : i32
      %mul3A_345 = arith.muli %sub3A_343, %mul3A_344 : i32
      %add3A_346 = arith.addi %mul3A_345, %arg1 : i32
      %lt3A = arith.constant 1250 : i32
      %lt3A_347 = arith.cmpi slt, %add3A_346, %lt3A : i32
      %and3A = arith.andi %ge3A_342, %lt3A_347 : i1
      %convert_element_type3A_348 = arith.extui %and3A : i1 to i32
      %cond3A_349 = arith.constant 0 : i32
      %cond3A_350 = arith.cmpi ne, %convert_element_type3A_348, %cond3A_349 : i32
      scf.if %cond3A_350 {
        %dma_wait3A_422 = arith.constant 0 : i32
        %dma_wait3A_423 = arith.constant 0 : i32
        %dma_wait3A_424 = tpu.memref_slice %arg16[%dma_wait3A_422, %dma_wait3A_423] : memref<128x128xf32, #tpu.memory_space<vmem>> -> memref<64x128xf32, #tpu.memory_space<vmem>>
        %dma_wait3A_425 = arith.constant 0 : i32
        %dma_wait3A_426 = arith.constant 0 : i32
        %dma_wait3A_427 = tpu.memref_slice %arg8[%dma_wait3A_425, %dma_wait3A_426] : memref<10000x128xf32, #tpu.memory_space<vmem_shared>> -> memref<10000x128xf32, #tpu.memory_space<vmem_shared>>
        tpu.wait_indirect_dma semaphore(%arg25 : memref<!tpu.dma_semaphore, #tpu.memory_space<semaphore_mem>>) src(%dma_wait3A_424 : memref<64x128xf32, #tpu.memory_space<vmem>>) dst(%dma_wait3A_427 : memref<10000x128xf32, #tpu.memory_space<vmem_shared>>)
        %dma_wait3A_428 = arith.constant 64 : i32
        %dma_wait3A_429 = arith.constant 0 : i32
        %dma_wait3A_430 = tpu.memref_slice %arg16[%dma_wait3A_428, %dma_wait3A_429] : memref<128x128xf32, #tpu.memory_space<vmem>> -> memref<64x128xf32, #tpu.memory_space<vmem>>
        %dma_wait3A_431 = arith.constant 0 : i32
        %dma_wait3A_432 = arith.constant 0 : i32
        %dma_wait3A_433 = tpu.memref_slice %arg8[%dma_wait3A_431, %dma_wait3A_432] : memref<10000x128xf32, #tpu.memory_space<vmem_shared>> -> memref<10000x128xf32, #tpu.memory_space<vmem_shared>>
        tpu.wait_indirect_dma semaphore(%arg25 : memref<!tpu.dma_semaphore, #tpu.memory_space<semaphore_mem>>) src(%dma_wait3A_430 : memref<64x128xf32, #tpu.memory_space<vmem>>) dst(%dma_wait3A_433 : memref<10000x128xf32, #tpu.memory_space<vmem_shared>>)
      } else {
      }
      %add3A_351 = arith.constant 1 : i32
      %add3A_352 = arith.addi %add3A_341, %add3A_351 : i32
      %mul3A_353 = arith.constant 16 : i32
      %mul3A_354 = arith.muli %add3A_352, %mul3A_353 : i32
      %add3A_355 = arith.addi %mul3A_354, %arg1 : i32
      %lt3A_356 = arith.constant 1250 : i32
      %lt3A_357 = arith.cmpi slt, %add3A_355, %lt3A_356 : i32
      %convert_element_type3A_358 = arith.extui %lt3A_357 : i1 to i32
      %cond3A_359 = arith.constant 0 : i32
      %cond3A_360 = arith.cmpi ne, %convert_element_type3A_358, %cond3A_359 : i32
      scf.if %cond3A_360 {
        %dma_wait3A_422 = arith.constant 0 : i32
        %dma_wait3A_423 = tpu.memref_slice %arg3[%dma_wait3A_422] : memref<160000xi32, #tpu.memory_space<hbm>> -> memref<128xi32, #tpu.memory_space<hbm>>
        %dma_wait3A_424 = arith.constant 0 : i32
        %dma_wait3A_425 = tpu.memref_slice %arg3[%dma_wait3A_424] : memref<160000xi32, #tpu.memory_space<hbm>> -> memref<128xi32, #tpu.memory_space<hbm>>
        tpu.wait_dma2 semaphore(%arg22 : memref<!tpu.dma_semaphore, #tpu.memory_space<semaphore_mem>>) src(%dma_wait3A_425 : memref<128xi32, #tpu.memory_space<hbm>>) dst(%arg10 : memref<128xi32, #tpu.memory_space<vmem>>)
        %dma_wait3A_426 = arith.constant 0 : i32
        %dma_wait3A_427 = tpu.memref_slice %arg4[%dma_wait3A_426] : memref<160000xi32, #tpu.memory_space<hbm>> -> memref<128xi32, #tpu.memory_space<hbm>>
        %dma_wait3A_428 = arith.constant 0 : i32
        %dma_wait3A_429 = tpu.memref_slice %arg4[%dma_wait3A_428] : memref<160000xi32, #tpu.memory_space<hbm>> -> memref<128xi32, #tpu.memory_space<hbm>>
        tpu.wait_dma2 semaphore(%arg22 : memref<!tpu.dma_semaphore, #tpu.memory_space<semaphore_mem>>) src(%dma_wait3A_429 : memref<128xi32, #tpu.memory_space<hbm>>) dst(%arg12 : memref<128xi32, #tpu.memory_space<vmem>>)
        %dma_wait3A_430 = arith.constant 0 : i32
        %dma_wait3A_431 = tpu.memref_slice %arg5[%dma_wait3A_430] : memref<160000xf32, #tpu.memory_space<hbm>> -> memref<128xf32, #tpu.memory_space<hbm>>
        %dma_wait3A_432 = arith.constant 0 : i32
        %dma_wait3A_433 = tpu.memref_slice %arg5[%dma_wait3A_432] : memref<160000xf32, #tpu.memory_space<hbm>> -> memref<128xf32, #tpu.memory_space<hbm>>
        tpu.wait_dma2 semaphore(%arg22 : memref<!tpu.dma_semaphore, #tpu.memory_space<semaphore_mem>>) src(%dma_wait3A_433 : memref<128xf32, #tpu.memory_space<hbm>>) dst(%arg14 : memref<128xf32, #tpu.memory_space<vmem>>)
        %get3A_434 = arith.constant 0 : index
        %get3A_435 = tpu.vector_load %arg10[%get3A_434] {strides = array<i32>} : memref<128xi32, #tpu.memory_space<vmem>>, vector<16xi32>,
        %add3A_436 = arith.addi %get3A_435, %get3A_435 : vector<16xi32>
        %add3A_437 = vector.broadcast %arg0 : i32 to vector<16xi32>
        %add3A_438 = arith.addi %add3A_436, %add3A_437 : vector<16xi32>
        %swap3A_439 = arith.constant 0 : index
        %swap3A_440 = tpu.vector_load %arg10[%swap3A_439] {strides = array<i32>} : memref<128xi32, #tpu.memory_space<vmem>>, vector<16xi32>,
        tpu.vector_store %arg10[%swap3A_439], %add3A_438 {strides = array<i32>} : memref<128xi32, #tpu.memory_space<vmem>>, vector<16xi32>,
        %get3A_441 = arith.constant 16 : index
        %get3A_442 = tpu.vector_load %arg10[%get3A_441] {strides = array<i32>} : memref<128xi32, #tpu.memory_space<vmem>>, vector<16xi32>,
        %add3A_443 = arith.addi %get3A_442, %get3A_442 : vector<16xi32>
        %add3A_444 = vector.broadcast %arg0 : i32 to vector<16xi32>
        %add3A_445 = arith.addi %add3A_443, %add3A_444 : vector<16xi32>
        %swap3A_446 = arith.constant 16 : index
        %swap3A_447 = tpu.vector_load %arg10[%swap3A_446] {strides = array<i32>} : memref<128xi32, #tpu.memory_space<vmem>>, vector<16xi32>,
        tpu.vector_store %arg10[%swap3A_446], %add3A_445 {strides = array<i32>} : memref<128xi32, #tpu.memory_space<vmem>>, vector<16xi32>,
        %get3A_448 = arith.constant 32 : index
        %get3A_449 = tpu.vector_load %arg10[%get3A_448] {strides = array<i32>} : memref<128xi32, #tpu.memory_space<vmem>>, vector<16xi32>,
        %add3A_450 = arith.addi %get3A_449, %get3A_449 : vector<16xi32>
        %add3A_451 = vector.broadcast %arg0 : i32 to vector<16xi32>
        %add3A_452 = arith.addi %add3A_450, %add3A_451 : vector<16xi32>
        %swap3A_453 = arith.constant 32 : index
        %swap3A_454 = tpu.vector_load %arg10[%swap3A_453] {strides = array<i32>} : memref<128xi32, #tpu.memory_space<vmem>>, vector<16xi32>,
        tpu.vector_store %arg10[%swap3A_453], %add3A_452 {strides = array<i32>} : memref<128xi32, #tpu.memory_space<vmem>>, vector<16xi32>,
        %get3A_455 = arith.constant 48 : index
        %get3A_456 = tpu.vector_load %arg10[%get3A_455] {strides = array<i32>} : memref<128xi32, #tpu.memory_space<vmem>>, vector<16xi32>,
        %add3A_457 = arith.addi %get3A_456, %get3A_456 : vector<16xi32>
        %add3A_458 = vector.broadcast %arg0 : i32 to vector<16xi32>
        %add3A_459 = arith.addi %add3A_457, %add3A_458 : vector<16xi32>
        %swap3A_460 = arith.constant 48 : index
        %swap3A_461 = tpu.vector_load %arg10[%swap3A_460] {strides = array<i32>} : memref<128xi32, #tpu.memory_space<vmem>>, vector<16xi32>,
        tpu.vector_store %arg10[%swap3A_460], %add3A_459 {strides = array<i32>} : memref<128xi32, #tpu.memory_space<vmem>>, vector<16xi32>,
        %get3A_462 = arith.constant 64 : index
        %get3A_463 = tpu.vector_load %arg10[%get3A_462] {strides = array<i32>} : memref<128xi32, #tpu.memory_space<vmem>>, vector<16xi32>,
        %add3A_464 = arith.addi %get3A_463, %get3A_463 : vector<16xi32>
        %add3A_465 = vector.broadcast %arg0 : i32 to vector<16xi32>
        %add3A_466 = arith.addi %add3A_464, %add3A_465 : vector<16xi32>
        %swap3A_467 = arith.constant 64 : index
        %swap3A_468 = tpu.vector_load %arg10[%swap3A_467] {strides = array<i32>} : memref<128xi32, #tpu.memory_space<vmem>>, vector<16xi32>,
        tpu.vector_store %arg10[%swap3A_467], %add3A_466 {strides = array<i32>} : memref<128xi32, #tpu.memory_space<vmem>>, vector<16xi32>,
        %get3A_469 = arith.constant 80 : index
        %get3A_470 = tpu.vector_load %arg10[%get3A_469] {strides = array<i32>} : memref<128xi32, #tpu.memory_space<vmem>>, vector<16xi32>,
        %add3A_471 = arith.addi %get3A_470, %get3A_470 : vector<16xi32>
        %add3A_472 = vector.broadcast %arg0 : i32 to vector<16xi32>
        %add3A_473 = arith.addi %add3A_471, %add3A_472 : vector<16xi32>
        %swap3A_474 = arith.constant 80 : index
        %swap3A_475 = tpu.vector_load %arg10[%swap3A_474] {strides = array<i32>} : memref<128xi32, #tpu.memory_space<vmem>>, vector<16xi32>,
        tpu.vector_store %arg10[%swap3A_474], %add3A_473 {strides = array<i32>} : memref<128xi32, #tpu.memory_space<vmem>>, vector<16xi32>,
        %get3A_476 = arith.constant 96 : index
        %get3A_477 = tpu.vector_load %arg10[%get3A_476] {strides = array<i32>} : memref<128xi32, #tpu.memory_space<vmem>>, vector<16xi32>,
        %add3A_478 = arith.addi %get3A_477, %get3A_477 : vector<16xi32>
        %add3A_479 = vector.broadcast %arg0 : i32 to vector<16xi32>
        %add3A_480 = arith.addi %add3A_478, %add3A_479 : vector<16xi32>
        %swap3A_481 = arith.constant 96 : index
        %swap3A_482 = tpu.vector_load %arg10[%swap3A_481] {strides = array<i32>} : memref<128xi32, #tpu.memory_space<vmem>>, vector<16xi32>,
        tpu.vector_store %arg10[%swap3A_481], %add3A_480 {strides = array<i32>} : memref<128xi32, #tpu.memory_space<vmem>>, vector<16xi32>,
        %get3A_483 = arith.constant 112 : index
        %get3A_484 = tpu.vector_load %arg10[%get3A_483] {strides = array<i32>} : memref<128xi32, #tpu.memory_space<vmem>>, vector<16xi32>,
        %add3A_485 = arith.addi %get3A_484, %get3A_484 : vector<16xi32>
        %add3A_486 = vector.broadcast %arg0 : i32 to vector<16xi32>
        %add3A_487 = arith.addi %add3A_485, %add3A_486 : vector<16xi32>
        %swap3A_488 = arith.constant 112 : index
        %swap3A_489 = tpu.vector_load %arg10[%swap3A_488] {strides = array<i32>} : memref<128xi32, #tpu.memory_space<vmem>>, vector<16xi32>,
        tpu.vector_store %arg10[%swap3A_488], %add3A_487 {strides = array<i32>} : memref<128xi32, #tpu.memory_space<vmem>>, vector<16xi32>,
        %dma_start3A_490 = arith.constant 0 : i32
        %dma_start3A_491 = arith.constant 0 : i32
        %dma_start3A_492 = tpu.memref_slice %arg16[%dma_start3A_490, %dma_start3A_491] : memref<128x128xf32, #tpu.memory_space<vmem>> -> memref<64x128xf32, #tpu.memory_space<vmem>>
        %dma_start3A_493 = arith.constant 0 : i32
        %dma_start3A_494 = tpu.memref_slice %arg10[%dma_start3A_493] : memref<128xi32, #tpu.memory_space<vmem>> -> memref<64xi32, #tpu.memory_space<vmem>>
        %dma_start3A_495 = arith.constant 0 : i32
        %dma_start3A_496 = arith.constant 0 : i32
        %dma_start3A_497 = tpu.memref_slice %arg2[%dma_start3A_495, %dma_start3A_496] : memref<20000x128xf32, #tpu.memory_space<hbm>> -> memref<20000x128xf32, #tpu.memory_space<hbm>>
        tpu.enqueue_indirect_dma source(%dma_start3A_497 : memref<20000x128xf32, #tpu.memory_space<hbm>>) target(%dma_start3A_492 : memref<64x128xf32, #tpu.memory_space<vmem>>) offsets(%dma_start3A_494 : memref<64xi32, #tpu.memory_space<vmem>>) semaphore(%arg24 : memref<!tpu.dma_semaphore, #tpu.memory_space<semaphore_mem>>)
        %dma_start3A_498 = arith.constant 64 : i32
        %dma_start3A_499 = arith.constant 0 : i32
        %dma_start3A_500 = tpu.memref_slice %arg16[%dma_start3A_498, %dma_start3A_499] : memref<128x128xf32, #tpu.memory_space<vmem>> -> memref<64x128xf32, #tpu.memory_space<vmem>>
        %dma_start3A_501 = arith.constant 64 : i32
        %dma_start3A_502 = tpu.memref_slice %arg10[%dma_start3A_501] : memref<128xi32, #tpu.memory_space<vmem>> -> memref<64xi32, #tpu.memory_space<vmem>>
        %dma_start3A_503 = arith.constant 0 : i32
        %dma_start3A_504 = arith.constant 0 : i32
        %dma_start3A_505 = tpu.memref_slice %arg2[%dma_start3A_503, %dma_start3A_504] : memref<20000x128xf32, #tpu.memory_space<hbm>> -> memref<20000x128xf32, #tpu.memory_space<hbm>>
        tpu.enqueue_indirect_dma source(%dma_start3A_505 : memref<20000x128xf32, #tpu.memory_space<hbm>>) target(%dma_start3A_500 : memref<64x128xf32, #tpu.memory_space<vmem>>) offsets(%dma_start3A_502 : memref<64xi32, #tpu.memory_space<vmem>>) semaphore(%arg24 : memref<!tpu.dma_semaphore, #tpu.memory_space<semaphore_mem>>)
        %get3A_506 = arith.constant 0 : index
        %get3A_507 = tpu.vector_load %arg10[%get3A_506] {strides = array<i32>} : memref<128xi32, #tpu.memory_space<vmem>>, vector<16xi32>,
        %shift_right_logical3A_508 = arith.constant 1 : i32
        %shift_right_logical3A_509 = vector.broadcast %shift_right_logical3A_508 : i32 to vector<16xi32>
        %shift_right_logical3A_510 = arith.shrui %get3A_507, %shift_right_logical3A_509 : vector<16xi32>
        %get3A_511 = arith.constant 0 : index
        %get3A_512 = tpu.vector_load %arg14[%get3A_511] {strides = array<i32>} : memref<128xf32, #tpu.memory_space<vmem>>, vector<16xf32>,
        %gather3A_513 = tpu.vector_load_idx %arg19[%shift_right_logical3A_510] : memref<10000xf32, #tpu.memory_space<vmem>>[vector<16xi32>], vector<16xf32>,
        %mul3A_514 = arith.mulf %get3A_512, %gather3A_513 : vector<16xf32>
        %swap3A_515 = arith.constant 0 : index
        %swap3A_516 = tpu.vector_load %arg14[%swap3A_515] {strides = array<i32>} : memref<128xf32, #tpu.memory_space<vmem>>, vector<16xf32>,
        tpu.vector_store %arg14[%swap3A_515], %mul3A_514 {strides = array<i32>} : memref<128xf32, #tpu.memory_space<vmem>>, vector<16xf32>,
        %get3A_517 = arith.constant 16 : index
        %get3A_518 = tpu.vector_load %arg10[%get3A_517] {strides = array<i32>} : memref<128xi32, #tpu.memory_space<vmem>>, vector<16xi32>,
        %shift_right_logical3A_519 = arith.constant 1 : i32
        %shift_right_logical3A_520 = vector.broadcast %shift_right_logical3A_519 : i32 to vector<16xi32>
        %shift_right_logical3A_521 = arith.shrui %get3A_518, %shift_right_logical3A_520 : vector<16xi32>
        %get3A_522 = arith.constant 16 : index
        %get3A_523 = tpu.vector_load %arg14[%get3A_522] {strides = array<i32>} : memref<128xf32, #tpu.memory_space<vmem>>, vector<16xf32>,
        %gather3A_524 = tpu.vector_load_idx %arg19[%shift_right_logical3A_521] : memref<10000xf32, #tpu.memory_space<vmem>>[vector<16xi32>], vector<16xf32>,
        %mul3A_525 = arith.mulf %get3A_523, %gather3A_524 : vector<16xf32>
        %swap3A_526 = arith.constant 16 : index
        %swap3A_527 = tpu.vector_load %arg14[%swap3A_526] {strides = array<i32>} : memref<128xf32, #tpu.memory_space<vmem>>, vector<16xf32>,
        tpu.vector_store %arg14[%swap3A_526], %mul3A_525 {strides = array<i32>} : memref<128xf32, #tpu.memory_space<vmem>>, vector<16xf32>,
        %get3A_528 = arith.constant 32 : index
        %get3A_529 = tpu.vector_load %arg10[%get3A_528] {strides = array<i32>} : memref<128xi32, #tpu.memory_space<vmem>>, vector<16xi32>,
        %shift_right_logical3A_530 = arith.constant 1 : i32
        %shift_right_logical3A_531 = vector.broadcast %shift_right_logical3A_530 : i32 to vector<16xi32>
        %shift_right_logical3A_532 = arith.shrui %get3A_529, %shift_right_logical3A_531 : vector<16xi32>
        %get3A_533 = arith.constant 32 : index
        %get3A_534 = tpu.vector_load %arg14[%get3A_533] {strides = array<i32>} : memref<128xf32, #tpu.memory_space<vmem>>, vector<16xf32>,
        %gather3A_535 = tpu.vector_load_idx %arg19[%shift_right_logical3A_532] : memref<10000xf32, #tpu.memory_space<vmem>>[vector<16xi32>], vector<16xf32>,
        %mul3A_536 = arith.mulf %get3A_534, %gather3A_535 : vector<16xf32>
        %swap3A_537 = arith.constant 32 : index
        %swap3A_538 = tpu.vector_load %arg14[%swap3A_537] {strides = array<i32>} : memref<128xf32, #tpu.memory_space<vmem>>, vector<16xf32>,
        tpu.vector_store %arg14[%swap3A_537], %mul3A_536 {strides = array<i32>} : memref<128xf32, #tpu.memory_space<vmem>>, vector<16xf32>,
        %get3A_539 = arith.constant 48 : index
        %get3A_540 = tpu.vector_load %arg10[%get3A_539] {strides = array<i32>} : memref<128xi32, #tpu.memory_space<vmem>>, vector<16xi32>,
        %shift_right_logical3A_541 = arith.constant 1 : i32
        %shift_right_logical3A_542 = vector.broadcast %shift_right_logical3A_541 : i32 to vector<16xi32>
        %shift_right_logical3A_543 = arith.shrui %get3A_540, %shift_right_logical3A_542 : vector<16xi32>
        %get3A_544 = arith.constant 48 : index
        %get3A_545 = tpu.vector_load %arg14[%get3A_544] {strides = array<i32>} : memref<128xf32, #tpu.memory_space<vmem>>, vector<16xf32>,
        %gather3A_546 = tpu.vector_load_idx %arg19[%shift_right_logical3A_543] : memref<10000xf32, #tpu.memory_space<vmem>>[vector<16xi32>], vector<16xf32>,
        %mul3A_547 = arith.mulf %get3A_545, %gather3A_546 : vector<16xf32>
        %swap3A_548 = arith.constant 48 : index
        %swap3A_549 = tpu.vector_load %arg14[%swap3A_548] {strides = array<i32>} : memref<128xf32, #tpu.memory_space<vmem>>, vector<16xf32>,
        tpu.vector_store %arg14[%swap3A_548], %mul3A_547 {strides = array<i32>} : memref<128xf32, #tpu.memory_space<vmem>>, vector<16xf32>,
        %get3A_550 = arith.constant 64 : index
        %get3A_551 = tpu.vector_load %arg10[%get3A_550] {strides = array<i32>} : memref<128xi32, #tpu.memory_space<vmem>>, vector<16xi32>,
        %shift_right_logical3A_552 = arith.constant 1 : i32
        %shift_right_logical3A_553 = vector.broadcast %shift_right_logical3A_552 : i32 to vector<16xi32>
        %shift_right_logical3A_554 = arith.shrui %get3A_551, %shift_right_logical3A_553 : vector<16xi32>
        %get3A_555 = arith.constant 64 : index
        %get3A_556 = tpu.vector_load %arg14[%get3A_555] {strides = array<i32>} : memref<128xf32, #tpu.memory_space<vmem>>, vector<16xf32>,
        %gather3A_557 = tpu.vector_load_idx %arg19[%shift_right_logical3A_554] : memref<10000xf32, #tpu.memory_space<vmem>>[vector<16xi32>], vector<16xf32>,
        %mul3A_558 = arith.mulf %get3A_556, %gather3A_557 : vector<16xf32>
        %swap3A_559 = arith.constant 64 : index
        %swap3A_560 = tpu.vector_load %arg14[%swap3A_559] {strides = array<i32>} : memref<128xf32, #tpu.memory_space<vmem>>, vector<16xf32>,
        tpu.vector_store %arg14[%swap3A_559], %mul3A_558 {strides = array<i32>} : memref<128xf32, #tpu.memory_space<vmem>>, vector<16xf32>,
        %get3A_561 = arith.constant 80 : index
        %get3A_562 = tpu.vector_load %arg10[%get3A_561] {strides = array<i32>} : memref<128xi32, #tpu.memory_space<vmem>>, vector<16xi32>,
        %shift_right_logical3A_563 = arith.constant 1 : i32
        %shift_right_logical3A_564 = vector.broadcast %shift_right_logical3A_563 : i32 to vector<16xi32>
        %shift_right_logical3A_565 = arith.shrui %get3A_562, %shift_right_logical3A_564 : vector<16xi32>
        %get3A_566 = arith.constant 80 : index
        %get3A_567 = tpu.vector_load %arg14[%get3A_566] {strides = array<i32>} : memref<128xf32, #tpu.memory_space<vmem>>, vector<16xf32>,
        %gather3A_568 = tpu.vector_load_idx %arg19[%shift_right_logical3A_565] : memref<10000xf32, #tpu.memory_space<vmem>>[vector<16xi32>], vector<16xf32>,
        %mul3A_569 = arith.mulf %get3A_567, %gather3A_568 : vector<16xf32>
        %swap3A_570 = arith.constant 80 : index
        %swap3A_571 = tpu.vector_load %arg14[%swap3A_570] {strides = array<i32>} : memref<128xf32, #tpu.memory_space<vmem>>, vector<16xf32>,
        tpu.vector_store %arg14[%swap3A_570], %mul3A_569 {strides = array<i32>} : memref<128xf32, #tpu.memory_space<vmem>>, vector<16xf32>,
        %get3A_572 = arith.constant 96 : index
        %get3A_573 = tpu.vector_load %arg10[%get3A_572] {strides = array<i32>} : memref<128xi32, #tpu.memory_space<vmem>>, vector<16xi32>,
        %shift_right_logical3A_574 = arith.constant 1 : i32
        %shift_right_logical3A_575 = vector.broadcast %shift_right_logical3A_574 : i32 to vector<16xi32>
        %shift_right_logical3A_576 = arith.shrui %get3A_573, %shift_right_logical3A_575 : vector<16xi32>
        %get3A_577 = arith.constant 96 : index
        %get3A_578 = tpu.vector_load %arg14[%get3A_577] {strides = array<i32>} : memref<128xf32, #tpu.memory_space<vmem>>, vector<16xf32>,
        %gather3A_579 = tpu.vector_load_idx %arg19[%shift_right_logical3A_576] : memref<10000xf32, #tpu.memory_space<vmem>>[vector<16xi32>], vector<16xf32>,
        %mul3A_580 = arith.mulf %get3A_578, %gather3A_579 : vector<16xf32>
        %swap3A_581 = arith.constant 96 : index
        %swap3A_582 = tpu.vector_load %arg14[%swap3A_581] {strides = array<i32>} : memref<128xf32, #tpu.memory_space<vmem>>, vector<16xf32>,
        tpu.vector_store %arg14[%swap3A_581], %mul3A_580 {strides = array<i32>} : memref<128xf32, #tpu.memory_space<vmem>>, vector<16xf32>,
        %get3A_583 = arith.constant 112 : index
        %get3A_584 = tpu.vector_load %arg10[%get3A_583] {strides = array<i32>} : memref<128xi32, #tpu.memory_space<vmem>>, vector<16xi32>,
        %shift_right_logical3A_585 = arith.constant 1 : i32
        %shift_right_logical3A_586 = vector.broadcast %shift_right_logical3A_585 : i32 to vector<16xi32>
        %shift_right_logical3A_587 = arith.shrui %get3A_584, %shift_right_logical3A_586 : vector<16xi32>
        %get3A_588 = arith.constant 112 : index
        %get3A_589 = tpu.vector_load %arg14[%get3A_588] {strides = array<i32>} : memref<128xf32, #tpu.memory_space<vmem>>, vector<16xf32>,
        %gather3A_590 = tpu.vector_load_idx %arg19[%shift_right_logical3A_587] : memref<10000xf32, #tpu.memory_space<vmem>>[vector<16xi32>], vector<16xf32>,
        %mul3A_591 = arith.mulf %get3A_589, %gather3A_590 : vector<16xf32>
        %swap3A_592 = arith.constant 112 : index
        %swap3A_593 = tpu.vector_load %arg14[%swap3A_592] {strides = array<i32>} : memref<128xf32, #tpu.memory_space<vmem>>, vector<16xf32>,
        tpu.vector_store %arg14[%swap3A_592], %mul3A_591 {strides = array<i32>} : memref<128xf32, #tpu.memory_space<vmem>>, vector<16xf32>,
      } else {
      }
      %mul3A_361 = arith.constant 16 : i32
      %mul3A_362 = arith.muli %add3A_341, %mul3A_361 : i32
      %add3A_363 = arith.addi %mul3A_362, %arg1 : i32
      %lt3A_364 = arith.constant 1250 : i32
      %lt3A_365 = arith.cmpi slt, %add3A_363, %lt3A_364 : i32
      %convert_element_type3A_366 = arith.extui %lt3A_365 : i1 to i32
      %cond3A_367 = arith.constant 0 : i32
      %cond3A_368 = arith.cmpi ne, %convert_element_type3A_366, %cond3A_367 : i32
      scf.if %cond3A_368 {
        %dma_wait3A_422 = arith.constant 0 : i32
        %dma_wait3A_423 = arith.constant 0 : i32
        %dma_wait3A_424 = tpu.memref_slice %arg15[%dma_wait3A_422, %dma_wait3A_423] : memref<128x128xf32, #tpu.memory_space<vmem>> -> memref<64x128xf32, #tpu.memory_space<vmem>>
        %dma_wait3A_425 = arith.constant 0 : i32
        %dma_wait3A_426 = tpu.memref_slice %arg9[%dma_wait3A_425] : memref<128xi32, #tpu.memory_space<vmem>> -> memref<64xi32, #tpu.memory_space<vmem>>
        %dma_wait3A_427 = arith.constant 0 : i32
        %dma_wait3A_428 = arith.constant 0 : i32
        %dma_wait3A_429 = tpu.memref_slice %arg2[%dma_wait3A_427, %dma_wait3A_428] : memref<20000x128xf32, #tpu.memory_space<hbm>> -> memref<20000x128xf32, #tpu.memory_space<hbm>>
        tpu.wait_indirect_dma semaphore(%arg23 : memref<!tpu.dma_semaphore, #tpu.memory_space<semaphore_mem>>) src(%dma_wait3A_429 : memref<20000x128xf32, #tpu.memory_space<hbm>>) dst(%dma_wait3A_424 : memref<64x128xf32, #tpu.memory_space<vmem>>)
        %dma_wait3A_430 = arith.constant 64 : i32
        %dma_wait3A_431 = arith.constant 0 : i32
        %dma_wait3A_432 = tpu.memref_slice %arg15[%dma_wait3A_430, %dma_wait3A_431] : memref<128x128xf32, #tpu.memory_space<vmem>> -> memref<64x128xf32, #tpu.memory_space<vmem>>
        %dma_wait3A_433 = arith.constant 64 : i32
        %dma_wait3A_434 = tpu.memref_slice %arg9[%dma_wait3A_433] : memref<128xi32, #tpu.memory_space<vmem>> -> memref<64xi32, #tpu.memory_space<vmem>>
        %dma_wait3A_435 = arith.constant 0 : i32
        %dma_wait3A_436 = arith.constant 0 : i32
        %dma_wait3A_437 = tpu.memref_slice %arg2[%dma_wait3A_435, %dma_wait3A_436] : memref<20000x128xf32, #tpu.memory_space<hbm>> -> memref<20000x128xf32, #tpu.memory_space<hbm>>
        tpu.wait_indirect_dma semaphore(%arg23 : memref<!tpu.dma_semaphore, #tpu.memory_space<semaphore_mem>>) src(%dma_wait3A_437 : memref<20000x128xf32, #tpu.memory_space<hbm>>) dst(%dma_wait3A_432 : memref<64x128xf32, #tpu.memory_space<vmem>>)
        %get3A_438 = arith.constant 0 : index
        %get3A_439 = tpu.vector_load %arg11[%get3A_438] {strides = array<i32>} : memref<128xi32, #tpu.memory_space<vmem>>, vector<16xi32>,
        %swap3A_440 = arith.constant 0 : index
        %swap3A_441 = tpu.vector_load %arg17[%swap3A_440] {strides = array<i32>} : memref<64xi32, #tpu.memory_space<vmem>>, vector<16xi32>,
        tpu.vector_store %arg17[%swap3A_440], %get3A_439 {strides = array<i32>} : memref<64xi32, #tpu.memory_space<vmem>>, vector<16xi32>,
        %get3A_442 = arith.constant 16 : index
        %get3A_443 = tpu.vector_load %arg11[%get3A_442] {strides = array<i32>} : memref<128xi32, #tpu.memory_space<vmem>>, vector<16xi32>,
        %swap3A_444 = arith.constant 16 : index
        %swap3A_445 = tpu.vector_load %arg17[%swap3A_444] {strides = array<i32>} : memref<64xi32, #tpu.memory_space<vmem>>, vector<16xi32>,
        tpu.vector_store %arg17[%swap3A_444], %get3A_443 {strides = array<i32>} : memref<64xi32, #tpu.memory_space<vmem>>, vector<16xi32>,
        %get3A_446 = arith.constant 32 : index
        %get3A_447 = tpu.vector_load %arg11[%get3A_446] {strides = array<i32>} : memref<128xi32, #tpu.memory_space<vmem>>, vector<16xi32>,
        %swap3A_448 = arith.constant 32 : index
        %swap3A_449 = tpu.vector_load %arg17[%swap3A_448] {strides = array<i32>} : memref<64xi32, #tpu.memory_space<vmem>>, vector<16xi32>,
        tpu.vector_store %arg17[%swap3A_448], %get3A_447 {strides = array<i32>} : memref<64xi32, #tpu.memory_space<vmem>>, vector<16xi32>,
        %get3A_450 = arith.constant 48 : index
        %get3A_451 = tpu.vector_load %arg11[%get3A_450] {strides = array<i32>} : memref<128xi32, #tpu.memory_space<vmem>>, vector<16xi32>,
        %swap3A_452 = arith.constant 48 : index
        %swap3A_453 = tpu.vector_load %arg17[%swap3A_452] {strides = array<i32>} : memref<64xi32, #tpu.memory_space<vmem>>, vector<16xi32>,
        tpu.vector_store %arg17[%swap3A_452], %get3A_451 {strides = array<i32>} : memref<64xi32, #tpu.memory_space<vmem>>, vector<16xi32>,
        %get3A_454 = arith.constant 64 : index
        %get3A_455 = tpu.vector_load %arg11[%get3A_454] {strides = array<i32>} : memref<128xi32, #tpu.memory_space<vmem>>, vector<16xi32>,
        %swap3A_456 = arith.constant 0 : index
        %swap3A_457 = tpu.vector_load %arg18[%swap3A_456] {strides = array<i32>} : memref<64xi32, #tpu.memory_space<vmem>>, vector<16xi32>,
        tpu.vector_store %arg18[%swap3A_456], %get3A_455 {strides = array<i32>} : memref<64xi32, #tpu.memory_space<vmem>>, vector<16xi32>,
        %get3A_458 = arith.constant 80 : index
        %get3A_459 = tpu.vector_load %arg11[%get3A_458] {strides = array<i32>} : memref<128xi32, #tpu.memory_space<vmem>>, vector<16xi32>,
        %swap3A_460 = arith.constant 16 : index
        %swap3A_461 = tpu.vector_load %arg18[%swap3A_460] {strides = array<i32>} : memref<64xi32, #tpu.memory_space<vmem>>, vector<16xi32>,
        tpu.vector_store %arg18[%swap3A_460], %get3A_459 {strides = array<i32>} : memref<64xi32, #tpu.memory_space<vmem>>, vector<16xi32>,
        %get3A_462 = arith.constant 96 : index
        %get3A_463 = tpu.vector_load %arg11[%get3A_462] {strides = array<i32>} : memref<128xi32, #tpu.memory_space<vmem>>, vector<16xi32>,
        %swap3A_464 = arith.constant 32 : index
        %swap3A_465 = tpu.vector_load %arg18[%swap3A_464] {strides = array<i32>} : memref<64xi32, #tpu.memory_space<vmem>>, vector<16xi32>,
        tpu.vector_store %arg18[%swap3A_464], %get3A_463 {strides = array<i32>} : memref<64xi32, #tpu.memory_space<vmem>>, vector<16xi32>,
        %get3A_466 = arith.constant 112 : index
        %get3A_467 = tpu.vector_load %arg11[%get3A_466] {strides = array<i32>} : memref<128xi32, #tpu.memory_space<vmem>>, vector<16xi32>,
        %swap3A_468 = arith.constant 48 : index
        %swap3A_469 = tpu.vector_load %arg18[%swap3A_468] {strides = array<i32>} : memref<64xi32, #tpu.memory_space<vmem>>, vector<16xi32>,
        tpu.vector_store %arg18[%swap3A_468], %get3A_467 {strides = array<i32>} : memref<64xi32, #tpu.memory_space<vmem>>, vector<16xi32>,
        %parallel_loop3A = arith.constant 0 : i32
        %parallel_loop3A_470 = arith.constant 128 : i32
        %parallel_loop3A_471 = arith.constant 1 : i32
        scf.for %parallel_loop3A_484 = %parallel_loop3A to %parallel_loop3A_470 step %parallel_loop3A_471  : i32 {
          %parallel_loop3A_485 = vector.broadcast %parallel_loop3A_484 : i32 to vector<16xi32>
          %parallel_loop3A_486 = tpu.vector_load_idx %arg13[%parallel_loop3A_485] : memref<128xf32, #tpu.memory_space<vmem>>[vector<16xi32>], vector<16xf32>,
          %parallel_loop3A_487 = arith.index_cast %parallel_loop3A_484 : i32 to index
          %parallel_loop3A_488 = arith.constant 0 : index
          %parallel_loop3A_489 = tpu.vector_load %arg15[%parallel_loop3A_487, %parallel_loop3A_488] {strides = array<i32>} : memref<128x128xf32, #tpu.memory_space<vmem>>, vector<16xf32>,
          %parallel_loop3A_490 = arith.mulf %parallel_loop3A_489, %parallel_loop3A_486 : vector<16xf32>
          %parallel_loop3A_491 = arith.index_cast %parallel_loop3A_484 : i32 to index
          %parallel_loop3A_492 = arith.constant 0 : index
          %parallel_loop3A_493 = tpu.vector_load %arg15[%parallel_loop3A_491, %parallel_loop3A_492] {strides = array<i32>} : memref<128x128xf32, #tpu.memory_space<vmem>>, vector<16xf32>,
          tpu.vector_store %arg15[%parallel_loop3A_491, %parallel_loop3A_492], %parallel_loop3A_490 {strides = array<i32>} : memref<128x128xf32, #tpu.memory_space<vmem>>, vector<16xf32>,
          %parallel_loop3A_494 = arith.index_cast %parallel_loop3A_484 : i32 to index
          %parallel_loop3A_495 = arith.constant 16 : index
          %parallel_loop3A_496 = tpu.vector_load %arg15[%parallel_loop3A_494, %parallel_loop3A_495] {strides = array<i32>} : memref<128x128xf32, #tpu.memory_space<vmem>>, vector<16xf32>,
          %parallel_loop3A_497 = arith.mulf %parallel_loop3A_496, %parallel_loop3A_486 : vector<16xf32>
          %parallel_loop3A_498 = arith.index_cast %parallel_loop3A_484 : i32 to index
          %parallel_loop3A_499 = arith.constant 16 : index
          %parallel_loop3A_500 = tpu.vector_load %arg15[%parallel_loop3A_498, %parallel_loop3A_499] {strides = array<i32>} : memref<128x128xf32, #tpu.memory_space<vmem>>, vector<16xf32>,
          tpu.vector_store %arg15[%parallel_loop3A_498, %parallel_loop3A_499], %parallel_loop3A_497 {strides = array<i32>} : memref<128x128xf32, #tpu.memory_space<vmem>>, vector<16xf32>,
          %parallel_loop3A_501 = arith.index_cast %parallel_loop3A_484 : i32 to index
          %parallel_loop3A_502 = arith.constant 32 : index
          %parallel_loop3A_503 = tpu.vector_load %arg15[%parallel_loop3A_501, %parallel_loop3A_502] {strides = array<i32>} : memref<128x128xf32, #tpu.memory_space<vmem>>, vector<16xf32>,
          %parallel_loop3A_504 = arith.mulf %parallel_loop3A_503, %parallel_loop3A_486 : vector<16xf32>
          %parallel_loop3A_505 = arith.index_cast %parallel_loop3A_484 : i32 to index
          %parallel_loop3A_506 = arith.constant 32 : index
          %parallel_loop3A_507 = tpu.vector_load %arg15[%parallel_loop3A_505, %parallel_loop3A_506] {strides = array<i32>} : memref<128x128xf32, #tpu.memory_space<vmem>>, vector<16xf32>,
          tpu.vector_store %arg15[%parallel_loop3A_505, %parallel_loop3A_506], %parallel_loop3A_504 {strides = array<i32>} : memref<128x128xf32, #tpu.memory_space<vmem>>, vector<16xf32>,
          %parallel_loop3A_508 = arith.index_cast %parallel_loop3A_484 : i32 to index
          %parallel_loop3A_509 = arith.constant 48 : index
          %parallel_loop3A_510 = tpu.vector_load %arg15[%parallel_loop3A_508, %parallel_loop3A_509] {strides = array<i32>} : memref<128x128xf32, #tpu.memory_space<vmem>>, vector<16xf32>,
          %parallel_loop3A_511 = arith.mulf %parallel_loop3A_510, %parallel_loop3A_486 : vector<16xf32>
          %parallel_loop3A_512 = arith.index_cast %parallel_loop3A_484 : i32 to index
          %parallel_loop3A_513 = arith.constant 48 : index
          %parallel_loop3A_514 = tpu.vector_load %arg15[%parallel_loop3A_512, %parallel_loop3A_513] {strides = array<i32>} : memref<128x128xf32, #tpu.memory_space<vmem>>, vector<16xf32>,
          tpu.vector_store %arg15[%parallel_loop3A_512, %parallel_loop3A_513], %parallel_loop3A_511 {strides = array<i32>} : memref<128x128xf32, #tpu.memory_space<vmem>>, vector<16xf32>,
          %parallel_loop3A_515 = arith.index_cast %parallel_loop3A_484 : i32 to index
          %parallel_loop3A_516 = arith.constant 64 : index
          %parallel_loop3A_517 = tpu.vector_load %arg15[%parallel_loop3A_515, %parallel_loop3A_516] {strides = array<i32>} : memref<128x128xf32, #tpu.memory_space<vmem>>, vector<16xf32>,
          %parallel_loop3A_518 = arith.mulf %parallel_loop3A_517, %parallel_loop3A_486 : vector<16xf32>
          %parallel_loop3A_519 = arith.index_cast %parallel_loop3A_484 : i32 to index
          %parallel_loop3A_520 = arith.constant 64 : index
          %parallel_loop3A_521 = tpu.vector_load %arg15[%parallel_loop3A_519, %parallel_loop3A_520] {strides = array<i32>} : memref<128x128xf32, #tpu.memory_space<vmem>>, vector<16xf32>,
          tpu.vector_store %arg15[%parallel_loop3A_519, %parallel_loop3A_520], %parallel_loop3A_518 {strides = array<i32>} : memref<128x128xf32, #tpu.memory_space<vmem>>, vector<16xf32>,
          %parallel_loop3A_522 = arith.index_cast %parallel_loop3A_484 : i32 to index
          %parallel_loop3A_523 = arith.constant 80 : index
          %parallel_loop3A_524 = tpu.vector_load %arg15[%parallel_loop3A_522, %parallel_loop3A_523] {strides = array<i32>} : memref<128x128xf32, #tpu.memory_space<vmem>>, vector<16xf32>,
          %parallel_loop3A_525 = arith.mulf %parallel_loop3A_524, %parallel_loop3A_486 : vector<16xf32>
          %parallel_loop3A_526 = arith.index_cast %parallel_loop3A_484 : i32 to index
          %parallel_loop3A_527 = arith.constant 80 : index
          %parallel_loop3A_528 = tpu.vector_load %arg15[%parallel_loop3A_526, %parallel_loop3A_527] {strides = array<i32>} : memref<128x128xf32, #tpu.memory_space<vmem>>, vector<16xf32>,
          tpu.vector_store %arg15[%parallel_loop3A_526, %parallel_loop3A_527], %parallel_loop3A_525 {strides = array<i32>} : memref<128x128xf32, #tpu.memory_space<vmem>>, vector<16xf32>,
          %parallel_loop3A_529 = arith.index_cast %parallel_loop3A_484 : i32 to index
          %parallel_loop3A_530 = arith.constant 96 : index
          %parallel_loop3A_531 = tpu.vector_load %arg15[%parallel_loop3A_529, %parallel_loop3A_530] {strides = array<i32>} : memref<128x128xf32, #tpu.memory_space<vmem>>, vector<16xf32>,
          %parallel_loop3A_532 = arith.mulf %parallel_loop3A_531, %parallel_loop3A_486 : vector<16xf32>
          %parallel_loop3A_533 = arith.index_cast %parallel_loop3A_484 : i32 to index
          %parallel_loop3A_534 = arith.constant 96 : index
          %parallel_loop3A_535 = tpu.vector_load %arg15[%parallel_loop3A_533, %parallel_loop3A_534] {strides = array<i32>} : memref<128x128xf32, #tpu.memory_space<vmem>>, vector<16xf32>,
          tpu.vector_store %arg15[%parallel_loop3A_533, %parallel_loop3A_534], %parallel_loop3A_532 {strides = array<i32>} : memref<128x128xf32, #tpu.memory_space<vmem>>, vector<16xf32>,
          %parallel_loop3A_536 = arith.index_cast %parallel_loop3A_484 : i32 to index
          %parallel_loop3A_537 = arith.constant 112 : index
          %parallel_loop3A_538 = tpu.vector_load %arg15[%parallel_loop3A_536, %parallel_loop3A_537] {strides = array<i32>} : memref<128x128xf32, #tpu.memory_space<vmem>>, vector<16xf32>,
          %parallel_loop3A_539 = arith.mulf %parallel_loop3A_538, %parallel_loop3A_486 : vector<16xf32>
          %parallel_loop3A_540 = arith.index_cast %parallel_loop3A_484 : i32 to index
          %parallel_loop3A_541 = arith.constant 112 : index
          %parallel_loop3A_542 = tpu.vector_load %arg15[%parallel_loop3A_540, %parallel_loop3A_541] {strides = array<i32>} : memref<128x128xf32, #tpu.memory_space<vmem>>, vector<16xf32>,
          tpu.vector_store %arg15[%parallel_loop3A_540, %parallel_loop3A_541], %parallel_loop3A_539 {strides = array<i32>} : memref<128x128xf32, #tpu.memory_space<vmem>>, vector<16xf32>,
        } {sc.loop_unroll_factor = 4 : i64, sc.parallel_access}
        %dma_start3A_472 = arith.constant 0 : i32
        %dma_start3A_473 = arith.constant 0 : i32
        %dma_start3A_474 = tpu.memref_slice %arg15[%dma_start3A_472, %dma_start3A_473] : memref<128x128xf32, #tpu.memory_space<vmem>> -> memref<64x128xf32, #tpu.memory_space<vmem>>
        %dma_start3A_475 = arith.constant 0 : i32
        %dma_start3A_476 = arith.constant 0 : i32
        %dma_start3A_477 = tpu.memref_slice %arg8[%dma_start3A_475, %dma_start3A_476] : memref<10000x128xf32, #tpu.memory_space<vmem_shared>> -> memref<10000x128xf32, #tpu.memory_space<vmem_shared>>
        tpu.enqueue_indirect_dma source(%dma_start3A_474 : memref<64x128xf32, #tpu.memory_space<vmem>>) target(%dma_start3A_477 : memref<10000x128xf32, #tpu.memory_space<vmem_shared>>) offsets(%arg17 : memref<64xi32, #tpu.memory_space<vmem>>) semaphore(%arg25 : memref<!tpu.dma_semaphore, #tpu.memory_space<semaphore_mem>>) {add = true}
        %dma_start3A_478 = arith.constant 64 : i32
        %dma_start3A_479 = arith.constant 0 : i32
        %dma_start3A_480 = tpu.memref_slice %arg15[%dma_start3A_478, %dma_start3A_479] : memref<128x128xf32, #tpu.memory_space<vmem>> -> memref<64x128xf32, #tpu.memory_space<vmem>>
        %dma_start3A_481 = arith.constant 0 : i32
        %dma_start3A_482 = arith.constant 0 : i32
        %dma_start3A_483 = tpu.memref_slice %arg8[%dma_start3A_481, %dma_start3A_482] : memref<10000x128xf32, #tpu.memory_space<vmem_shared>> -> memref<10000x128xf32, #tpu.memory_space<vmem_shared>>
        tpu.enqueue_indirect_dma source(%dma_start3A_480 : memref<64x128xf32, #tpu.memory_space<vmem>>) target(%dma_start3A_483 : memref<10000x128xf32, #tpu.memory_space<vmem_shared>>) offsets(%arg18 : memref<64xi32, #tpu.memory_space<vmem>>) semaphore(%arg25 : memref<!tpu.dma_semaphore, #tpu.memory_space<semaphore_mem>>) {add = true}
      } else {
      }
      %add3A_369 = arith.constant 2 : i32
      %add3A_370 = arith.addi %add3A_341, %add3A_369 : i32
      %mul3A_371 = arith.constant 16 : i32
      %mul3A_372 = arith.muli %add3A_370, %mul3A_371 : i32
      %add3A_373 = arith.addi %mul3A_372, %arg1 : i32
      %lt3A_374 = arith.constant 1250 : i32
      %lt3A_375 = arith.cmpi slt, %add3A_373, %lt3A_374 : i32
      %convert_element_type3A_376 = arith.extui %lt3A_375 : i1 to i32
      %cond3A_377 = arith.constant 0 : i32
      %cond3A_378 = arith.cmpi ne, %convert_element_type3A_376, %cond3A_377 : i32
      scf.if %cond3A_378 {
        %add3A_422 = arith.constant 2 : i32
        %add3A_423 = arith.addi %add3A_341, %add3A_422 : i32
        %mul3A_424 = arith.constant 16 : i32
        %mul3A_425 = arith.muli %add3A_423, %mul3A_424 : i32
        %add3A_426 = arith.addi %mul3A_425, %arg1 : i32
        %mul3A_427 = arith.constant 128 : i32
        %mul3A_428 = arith.muli %add3A_426, %mul3A_427 : i32
        %dma_start3A_429 = tpu.memref_slice %arg3[%mul3A_428] : memref<160000xi32, #tpu.memory_space<hbm>> -> memref<128xi32, #tpu.memory_space<hbm>>
        %dma_start3A_430 = tpu.memref_slice %arg3[%mul3A_428] : memref<160000xi32, #tpu.memory_space<hbm>> -> memref<128xi32, #tpu.memory_space<hbm>>
        tpu.enqueue_dma source(%dma_start3A_430 : memref<128xi32, #tpu.memory_space<hbm>>) target(%arg9 : memref<128xi32, #tpu.memory_space<vmem>>) target_semaphore(%arg21 : memref<!tpu.dma_semaphore, #tpu.memory_space<semaphore_mem>>)
        %dma_start3A_431 = tpu.memref_slice %arg4[%mul3A_428] : memref<160000xi32, #tpu.memory_space<hbm>> -> memref<128xi32, #tpu.memory_space<hbm>>
        %dma_start3A_432 = tpu.memref_slice %arg4[%mul3A_428] : memref<160000xi32, #tpu.memory_space<hbm>> -> memref<128xi32, #tpu.memory_space<hbm>>
        tpu.enqueue_dma source(%dma_start3A_432 : memref<128xi32, #tpu.memory_space<hbm>>) target(%arg11 : memref<128xi32, #tpu.memory_space<vmem>>) target_semaphore(%arg21 : memref<!tpu.dma_semaphore, #tpu.memory_space<semaphore_mem>>)
        %dma_start3A_433 = tpu.memref_slice %arg5[%mul3A_428] : memref<160000xf32, #tpu.memory_space<hbm>> -> memref<128xf32, #tpu.memory_space<hbm>>
        %dma_start3A_434 = tpu.memref_slice %arg5[%mul3A_428] : memref<160000xf32, #tpu.memory_space<hbm>> -> memref<128xf32, #tpu.memory_space<hbm>>
        tpu.enqueue_dma source(%dma_start3A_434 : memref<128xf32, #tpu.memory_space<hbm>>) target(%arg13 : memref<128xf32, #tpu.memory_space<vmem>>) target_semaphore(%arg21 : memref<!tpu.dma_semaphore, #tpu.memory_space<semaphore_mem>>)
      } else {
      }
      %add3A_379 = arith.constant 1 : i32
      %add3A_380 = arith.addi %add3A_339, %add3A_379 : i32
      %ge3A_381 = arith.constant 1 : i32
      %ge3A_382 = arith.cmpi sge, %add3A_380, %ge3A_381 : i32
      %sub3A_383 = arith.constant 1 : i32
      %sub3A_384 = arith.subi %add3A_380, %sub3A_383 : i32
      %mul3A_385 = arith.constant 16 : i32
      %mul3A_386 = arith.muli %sub3A_384, %mul3A_385 : i32
      %add3A_387 = arith.addi %mul3A_386, %arg1 : i32
      %lt3A_388 = arith.constant 1250 : i32
      %lt3A_389 = arith.cmpi slt, %add3A_387, %lt3A_388 : i32
      %and3A_390 = arith.andi %ge3A_382, %lt3A_389 : i1
      %convert_element_type3A_391 = arith.extui %and3A_390 : i1 to i32
      %cond3A_392 = arith.constant 0 : i32
      %cond3A_393 = arith.cmpi ne, %convert_element_type3A_391, %cond3A_392 : i32
      scf.if %cond3A_393 {
        %dma_wait3A_422 = arith.constant 0 : i32
        %dma_wait3A_423 = arith.constant 0 : i32
        %dma_wait3A_424 = tpu.memref_slice %arg15[%dma_wait3A_422, %dma_wait3A_423] : memref<128x128xf32, #tpu.memory_space<vmem>> -> memref<64x128xf32, #tpu.memory_space<vmem>>
        %dma_wait3A_425 = arith.constant 0 : i32
        %dma_wait3A_426 = arith.constant 0 : i32
        %dma_wait3A_427 = tpu.memref_slice %arg8[%dma_wait3A_425, %dma_wait3A_426] : memref<10000x128xf32, #tpu.memory_space<vmem_shared>> -> memref<10000x128xf32, #tpu.memory_space<vmem_shared>>
        tpu.wait_indirect_dma semaphore(%arg25 : memref<!tpu.dma_semaphore, #tpu.memory_space<semaphore_mem>>) src(%dma_wait3A_424 : memref<64x128xf32, #tpu.memory_space<vmem>>) dst(%dma_wait3A_427 : memref<10000x128xf32, #tpu.memory_space<vmem_shared>>)
        %dma_wait3A_428 = arith.constant 64 : i32
        %dma_wait3A_429 = arith.constant 0 : i32
        %dma_wait3A_430 = tpu.memref_slice %arg15[%dma_wait3A_428, %dma_wait3A_429] : memref<128x128xf32, #tpu.memory_space<vmem>> -> memref<64x128xf32, #tpu.memory_space<vmem>>
        %dma_wait3A_431 = arith.constant 0 : i32
        %dma_wait3A_432 = arith.constant 0 : i32
        %dma_wait3A_433 = tpu.memref_slice %arg8[%dma_wait3A_431, %dma_wait3A_432] : memref<10000x128xf32, #tpu.memory_space<vmem_shared>> -> memref<10000x128xf32, #tpu.memory_space<vmem_shared>>
        tpu.wait_indirect_dma semaphore(%arg25 : memref<!tpu.dma_semaphore, #tpu.memory_space<semaphore_mem>>) src(%dma_wait3A_430 : memref<64x128xf32, #tpu.memory_space<vmem>>) dst(%dma_wait3A_433 : memref<10000x128xf32, #tpu.memory_space<vmem_shared>>)
      } else {
      }
      %add3A_394 = arith.constant 1 : i32
      %add3A_395 = arith.addi %add3A_380, %add3A_394 : i32
      %mul3A_396 = arith.constant 16 : i32
      %mul3A_397 = arith.muli %add3A_395, %mul3A_396 : i32
      %add3A_398 = arith.addi %mul3A_397, %arg1 : i32
      %lt3A_399 = arith.constant 1250 : i32
      %lt3A_400 = arith.cmpi slt, %add3A_398, %lt3A_399 : i32
      %convert_element_type3A_401 = arith.extui %lt3A_400 : i1 to i32
      %cond3A_402 = arith.constant 0 : i32
      %cond3A_403 = arith.cmpi ne, %convert_element_type3A_401, %cond3A_402 : i32
      scf.if %cond3A_403 {
        %dma_wait3A_422 = arith.constant 0 : i32
        %dma_wait3A_423 = tpu.memref_slice %arg3[%dma_wait3A_422] : memref<160000xi32, #tpu.memory_space<hbm>> -> memref<128xi32, #tpu.memory_space<hbm>>
        %dma_wait3A_424 = arith.constant 0 : i32
        %dma_wait3A_425 = tpu.memref_slice %arg3[%dma_wait3A_424] : memref<160000xi32, #tpu.memory_space<hbm>> -> memref<128xi32, #tpu.memory_space<hbm>>
        tpu.wait_dma2 semaphore(%arg21 : memref<!tpu.dma_semaphore, #tpu.memory_space<semaphore_mem>>) src(%dma_wait3A_425 : memref<128xi32, #tpu.memory_space<hbm>>) dst(%arg9 : memref<128xi32, #tpu.memory_space<vmem>>)
        %dma_wait3A_426 = arith.constant 0 : i32
        %dma_wait3A_427 = tpu.memref_slice %arg4[%dma_wait3A_426] : memref<160000xi32, #tpu.memory_space<hbm>> -> memref<128xi32, #tpu.memory_space<hbm>>
        %dma_wait3A_428 = arith.constant 0 : i32
        %dma_wait3A_429 = tpu.memref_slice %arg4[%dma_wait3A_428] : memref<160000xi32, #tpu.memory_space<hbm>> -> memref<128xi32, #tpu.memory_space<hbm>>
        tpu.wait_dma2 semaphore(%arg21 : memref<!tpu.dma_semaphore, #tpu.memory_space<semaphore_mem>>) src(%dma_wait3A_429 : memref<128xi32, #tpu.memory_space<hbm>>) dst(%arg11 : memref<128xi32, #tpu.memory_space<vmem>>)
        %dma_wait3A_430 = arith.constant 0 : i32
        %dma_wait3A_431 = tpu.memref_slice %arg5[%dma_wait3A_430] : memref<160000xf32, #tpu.memory_space<hbm>> -> memref<128xf32, #tpu.memory_space<hbm>>
        %dma_wait3A_432 = arith.constant 0 : i32
        %dma_wait3A_433 = tpu.memref_slice %arg5[%dma_wait3A_432] : memref<160000xf32, #tpu.memory_space<hbm>> -> memref<128xf32, #tpu.memory_space<hbm>>
        tpu.wait_dma2 semaphore(%arg21 : memref<!tpu.dma_semaphore, #tpu.memory_space<semaphore_mem>>) src(%dma_wait3A_433 : memref<128xf32, #tpu.memory_space<hbm>>) dst(%arg13 : memref<128xf32, #tpu.memory_space<vmem>>)
        %get3A_434 = arith.constant 0 : index
        %get3A_435 = tpu.vector_load %arg9[%get3A_434] {strides = array<i32>} : memref<128xi32, #tpu.memory_space<vmem>>, vector<16xi32>,
        %add3A_436 = arith.addi %get3A_435, %get3A_435 : vector<16xi32>
        %add3A_437 = vector.broadcast %arg0 : i32 to vector<16xi32>
        %add3A_438 = arith.addi %add3A_436, %add3A_437 : vector<16xi32>
        %swap3A_439 = arith.constant 0 : index
        %swap3A_440 = tpu.vector_load %arg9[%swap3A_439] {strides = array<i32>} : memref<128xi32, #tpu.memory_space<vmem>>, vector<16xi32>,
        tpu.vector_store %arg9[%swap3A_439], %add3A_438 {strides = array<i32>} : memref<128xi32, #tpu.memory_space<vmem>>, vector<16xi32>,
        %get3A_441 = arith.constant 16 : index
        %get3A_442 = tpu.vector_load %arg9[%get3A_441] {strides = array<i32>} : memref<128xi32, #tpu.memory_space<vmem>>, vector<16xi32>,
        %add3A_443 = arith.addi %get3A_442, %get3A_442 : vector<16xi32>
        %add3A_444 = vector.broadcast %arg0 : i32 to vector<16xi32>
        %add3A_445 = arith.addi %add3A_443, %add3A_444 : vector<16xi32>
        %swap3A_446 = arith.constant 16 : index
        %swap3A_447 = tpu.vector_load %arg9[%swap3A_446] {strides = array<i32>} : memref<128xi32, #tpu.memory_space<vmem>>, vector<16xi32>,
        tpu.vector_store %arg9[%swap3A_446], %add3A_445 {strides = array<i32>} : memref<128xi32, #tpu.memory_space<vmem>>, vector<16xi32>,
        %get3A_448 = arith.constant 32 : index
        %get3A_449 = tpu.vector_load %arg9[%get3A_448] {strides = array<i32>} : memref<128xi32, #tpu.memory_space<vmem>>, vector<16xi32>,
        %add3A_450 = arith.addi %get3A_449, %get3A_449 : vector<16xi32>
        %add3A_451 = vector.broadcast %arg0 : i32 to vector<16xi32>
        %add3A_452 = arith.addi %add3A_450, %add3A_451 : vector<16xi32>
        %swap3A_453 = arith.constant 32 : index
        %swap3A_454 = tpu.vector_load %arg9[%swap3A_453] {strides = array<i32>} : memref<128xi32, #tpu.memory_space<vmem>>, vector<16xi32>,
        tpu.vector_store %arg9[%swap3A_453], %add3A_452 {strides = array<i32>} : memref<128xi32, #tpu.memory_space<vmem>>, vector<16xi32>,
        %get3A_455 = arith.constant 48 : index
        %get3A_456 = tpu.vector_load %arg9[%get3A_455] {strides = array<i32>} : memref<128xi32, #tpu.memory_space<vmem>>, vector<16xi32>,
        %add3A_457 = arith.addi %get3A_456, %get3A_456 : vector<16xi32>
        %add3A_458 = vector.broadcast %arg0 : i32 to vector<16xi32>
        %add3A_459 = arith.addi %add3A_457, %add3A_458 : vector<16xi32>
        %swap3A_460 = arith.constant 48 : index
        %swap3A_461 = tpu.vector_load %arg9[%swap3A_460] {strides = array<i32>} : memref<128xi32, #tpu.memory_space<vmem>>, vector<16xi32>,
        tpu.vector_store %arg9[%swap3A_460], %add3A_459 {strides = array<i32>} : memref<128xi32, #tpu.memory_space<vmem>>, vector<16xi32>,
        %get3A_462 = arith.constant 64 : index
        %get3A_463 = tpu.vector_load %arg9[%get3A_462] {strides = array<i32>} : memref<128xi32, #tpu.memory_space<vmem>>, vector<16xi32>,
        %add3A_464 = arith.addi %get3A_463, %get3A_463 : vector<16xi32>
        %add3A_465 = vector.broadcast %arg0 : i32 to vector<16xi32>
        %add3A_466 = arith.addi %add3A_464, %add3A_465 : vector<16xi32>
        %swap3A_467 = arith.constant 64 : index
        %swap3A_468 = tpu.vector_load %arg9[%swap3A_467] {strides = array<i32>} : memref<128xi32, #tpu.memory_space<vmem>>, vector<16xi32>,
        tpu.vector_store %arg9[%swap3A_467], %add3A_466 {strides = array<i32>} : memref<128xi32, #tpu.memory_space<vmem>>, vector<16xi32>,
        %get3A_469 = arith.constant 80 : index
        %get3A_470 = tpu.vector_load %arg9[%get3A_469] {strides = array<i32>} : memref<128xi32, #tpu.memory_space<vmem>>, vector<16xi32>,
        %add3A_471 = arith.addi %get3A_470, %get3A_470 : vector<16xi32>
        %add3A_472 = vector.broadcast %arg0 : i32 to vector<16xi32>
        %add3A_473 = arith.addi %add3A_471, %add3A_472 : vector<16xi32>
        %swap3A_474 = arith.constant 80 : index
        %swap3A_475 = tpu.vector_load %arg9[%swap3A_474] {strides = array<i32>} : memref<128xi32, #tpu.memory_space<vmem>>, vector<16xi32>,
        tpu.vector_store %arg9[%swap3A_474], %add3A_473 {strides = array<i32>} : memref<128xi32, #tpu.memory_space<vmem>>, vector<16xi32>,
        %get3A_476 = arith.constant 96 : index
        %get3A_477 = tpu.vector_load %arg9[%get3A_476] {strides = array<i32>} : memref<128xi32, #tpu.memory_space<vmem>>, vector<16xi32>,
        %add3A_478 = arith.addi %get3A_477, %get3A_477 : vector<16xi32>
        %add3A_479 = vector.broadcast %arg0 : i32 to vector<16xi32>
        %add3A_480 = arith.addi %add3A_478, %add3A_479 : vector<16xi32>
        %swap3A_481 = arith.constant 96 : index
        %swap3A_482 = tpu.vector_load %arg9[%swap3A_481] {strides = array<i32>} : memref<128xi32, #tpu.memory_space<vmem>>, vector<16xi32>,
        tpu.vector_store %arg9[%swap3A_481], %add3A_480 {strides = array<i32>} : memref<128xi32, #tpu.memory_space<vmem>>, vector<16xi32>,
        %get3A_483 = arith.constant 112 : index
        %get3A_484 = tpu.vector_load %arg9[%get3A_483] {strides = array<i32>} : memref<128xi32, #tpu.memory_space<vmem>>, vector<16xi32>,
        %add3A_485 = arith.addi %get3A_484, %get3A_484 : vector<16xi32>
        %add3A_486 = vector.broadcast %arg0 : i32 to vector<16xi32>
        %add3A_487 = arith.addi %add3A_485, %add3A_486 : vector<16xi32>
        %swap3A_488 = arith.constant 112 : index
        %swap3A_489 = tpu.vector_load %arg9[%swap3A_488] {strides = array<i32>} : memref<128xi32, #tpu.memory_space<vmem>>, vector<16xi32>,
        tpu.vector_store %arg9[%swap3A_488], %add3A_487 {strides = array<i32>} : memref<128xi32, #tpu.memory_space<vmem>>, vector<16xi32>,
        %dma_start3A_490 = arith.constant 0 : i32
        %dma_start3A_491 = arith.constant 0 : i32
        %dma_start3A_492 = tpu.memref_slice %arg15[%dma_start3A_490, %dma_start3A_491] : memref<128x128xf32, #tpu.memory_space<vmem>> -> memref<64x128xf32, #tpu.memory_space<vmem>>
        %dma_start3A_493 = arith.constant 0 : i32
        %dma_start3A_494 = tpu.memref_slice %arg9[%dma_start3A_493] : memref<128xi32, #tpu.memory_space<vmem>> -> memref<64xi32, #tpu.memory_space<vmem>>
        %dma_start3A_495 = arith.constant 0 : i32
        %dma_start3A_496 = arith.constant 0 : i32
        %dma_start3A_497 = tpu.memref_slice %arg2[%dma_start3A_495, %dma_start3A_496] : memref<20000x128xf32, #tpu.memory_space<hbm>> -> memref<20000x128xf32, #tpu.memory_space<hbm>>
        tpu.enqueue_indirect_dma source(%dma_start3A_497 : memref<20000x128xf32, #tpu.memory_space<hbm>>) target(%dma_start3A_492 : memref<64x128xf32, #tpu.memory_space<vmem>>) offsets(%dma_start3A_494 : memref<64xi32, #tpu.memory_space<vmem>>) semaphore(%arg23 : memref<!tpu.dma_semaphore, #tpu.memory_space<semaphore_mem>>)
        %dma_start3A_498 = arith.constant 64 : i32
        %dma_start3A_499 = arith.constant 0 : i32
        %dma_start3A_500 = tpu.memref_slice %arg15[%dma_start3A_498, %dma_start3A_499] : memref<128x128xf32, #tpu.memory_space<vmem>> -> memref<64x128xf32, #tpu.memory_space<vmem>>
        %dma_start3A_501 = arith.constant 64 : i32
        %dma_start3A_502 = tpu.memref_slice %arg9[%dma_start3A_501] : memref<128xi32, #tpu.memory_space<vmem>> -> memref<64xi32, #tpu.memory_space<vmem>>
        %dma_start3A_503 = arith.constant 0 : i32
        %dma_start3A_504 = arith.constant 0 : i32
        %dma_start3A_505 = tpu.memref_slice %arg2[%dma_start3A_503, %dma_start3A_504] : memref<20000x128xf32, #tpu.memory_space<hbm>> -> memref<20000x128xf32, #tpu.memory_space<hbm>>
        tpu.enqueue_indirect_dma source(%dma_start3A_505 : memref<20000x128xf32, #tpu.memory_space<hbm>>) target(%dma_start3A_500 : memref<64x128xf32, #tpu.memory_space<vmem>>) offsets(%dma_start3A_502 : memref<64xi32, #tpu.memory_space<vmem>>) semaphore(%arg23 : memref<!tpu.dma_semaphore, #tpu.memory_space<semaphore_mem>>)
        %get3A_506 = arith.constant 0 : index
        %get3A_507 = tpu.vector_load %arg9[%get3A_506] {strides = array<i32>} : memref<128xi32, #tpu.memory_space<vmem>>, vector<16xi32>,
        %shift_right_logical3A_508 = arith.constant 1 : i32
        %shift_right_logical3A_509 = vector.broadcast %shift_right_logical3A_508 : i32 to vector<16xi32>
        %shift_right_logical3A_510 = arith.shrui %get3A_507, %shift_right_logical3A_509 : vector<16xi32>
        %get3A_511 = arith.constant 0 : index
        %get3A_512 = tpu.vector_load %arg13[%get3A_511] {strides = array<i32>} : memref<128xf32, #tpu.memory_space<vmem>>, vector<16xf32>,
        %gather3A_513 = tpu.vector_load_idx %arg19[%shift_right_logical3A_510] : memref<10000xf32, #tpu.memory_space<vmem>>[vector<16xi32>], vector<16xf32>,
        %mul3A_514 = arith.mulf %get3A_512, %gather3A_513 : vector<16xf32>
        %swap3A_515 = arith.constant 0 : index
        %swap3A_516 = tpu.vector_load %arg13[%swap3A_515] {strides = array<i32>} : memref<128xf32, #tpu.memory_space<vmem>>, vector<16xf32>,
        tpu.vector_store %arg13[%swap3A_515], %mul3A_514 {strides = array<i32>} : memref<128xf32, #tpu.memory_space<vmem>>, vector<16xf32>,
        %get3A_517 = arith.constant 16 : index
        %get3A_518 = tpu.vector_load %arg9[%get3A_517] {strides = array<i32>} : memref<128xi32, #tpu.memory_space<vmem>>, vector<16xi32>,
        %shift_right_logical3A_519 = arith.constant 1 : i32
        %shift_right_logical3A_520 = vector.broadcast %shift_right_logical3A_519 : i32 to vector<16xi32>
        %shift_right_logical3A_521 = arith.shrui %get3A_518, %shift_right_logical3A_520 : vector<16xi32>
        %get3A_522 = arith.constant 16 : index
        %get3A_523 = tpu.vector_load %arg13[%get3A_522] {strides = array<i32>} : memref<128xf32, #tpu.memory_space<vmem>>, vector<16xf32>,
        %gather3A_524 = tpu.vector_load_idx %arg19[%shift_right_logical3A_521] : memref<10000xf32, #tpu.memory_space<vmem>>[vector<16xi32>], vector<16xf32>,
        %mul3A_525 = arith.mulf %get3A_523, %gather3A_524 : vector<16xf32>
        %swap3A_526 = arith.constant 16 : index
        %swap3A_527 = tpu.vector_load %arg13[%swap3A_526] {strides = array<i32>} : memref<128xf32, #tpu.memory_space<vmem>>, vector<16xf32>,
        tpu.vector_store %arg13[%swap3A_526], %mul3A_525 {strides = array<i32>} : memref<128xf32, #tpu.memory_space<vmem>>, vector<16xf32>,
        %get3A_528 = arith.constant 32 : index
        %get3A_529 = tpu.vector_load %arg9[%get3A_528] {strides = array<i32>} : memref<128xi32, #tpu.memory_space<vmem>>, vector<16xi32>,
        %shift_right_logical3A_530 = arith.constant 1 : i32
        %shift_right_logical3A_531 = vector.broadcast %shift_right_logical3A_530 : i32 to vector<16xi32>
        %shift_right_logical3A_532 = arith.shrui %get3A_529, %shift_right_logical3A_531 : vector<16xi32>
        %get3A_533 = arith.constant 32 : index
        %get3A_534 = tpu.vector_load %arg13[%get3A_533] {strides = array<i32>} : memref<128xf32, #tpu.memory_space<vmem>>, vector<16xf32>,
        %gather3A_535 = tpu.vector_load_idx %arg19[%shift_right_logical3A_532] : memref<10000xf32, #tpu.memory_space<vmem>>[vector<16xi32>], vector<16xf32>,
        %mul3A_536 = arith.mulf %get3A_534, %gather3A_535 : vector<16xf32>
        %swap3A_537 = arith.constant 32 : index
        %swap3A_538 = tpu.vector_load %arg13[%swap3A_537] {strides = array<i32>} : memref<128xf32, #tpu.memory_space<vmem>>, vector<16xf32>,
        tpu.vector_store %arg13[%swap3A_537], %mul3A_536 {strides = array<i32>} : memref<128xf32, #tpu.memory_space<vmem>>, vector<16xf32>,
        %get3A_539 = arith.constant 48 : index
        %get3A_540 = tpu.vector_load %arg9[%get3A_539] {strides = array<i32>} : memref<128xi32, #tpu.memory_space<vmem>>, vector<16xi32>,
        %shift_right_logical3A_541 = arith.constant 1 : i32
        %shift_right_logical3A_542 = vector.broadcast %shift_right_logical3A_541 : i32 to vector<16xi32>
        %shift_right_logical3A_543 = arith.shrui %get3A_540, %shift_right_logical3A_542 : vector<16xi32>
        %get3A_544 = arith.constant 48 : index
        %get3A_545 = tpu.vector_load %arg13[%get3A_544] {strides = array<i32>} : memref<128xf32, #tpu.memory_space<vmem>>, vector<16xf32>,
        %gather3A_546 = tpu.vector_load_idx %arg19[%shift_right_logical3A_543] : memref<10000xf32, #tpu.memory_space<vmem>>[vector<16xi32>], vector<16xf32>,
        %mul3A_547 = arith.mulf %get3A_545, %gather3A_546 : vector<16xf32>
        %swap3A_548 = arith.constant 48 : index
        %swap3A_549 = tpu.vector_load %arg13[%swap3A_548] {strides = array<i32>} : memref<128xf32, #tpu.memory_space<vmem>>, vector<16xf32>,
        tpu.vector_store %arg13[%swap3A_548], %mul3A_547 {strides = array<i32>} : memref<128xf32, #tpu.memory_space<vmem>>, vector<16xf32>,
        %get3A_550 = arith.constant 64 : index
        %get3A_551 = tpu.vector_load %arg9[%get3A_550] {strides = array<i32>} : memref<128xi32, #tpu.memory_space<vmem>>, vector<16xi32>,
        %shift_right_logical3A_552 = arith.constant 1 : i32
        %shift_right_logical3A_553 = vector.broadcast %shift_right_logical3A_552 : i32 to vector<16xi32>
        %shift_right_logical3A_554 = arith.shrui %get3A_551, %shift_right_logical3A_553 : vector<16xi32>
        %get3A_555 = arith.constant 64 : index
        %get3A_556 = tpu.vector_load %arg13[%get3A_555] {strides = array<i32>} : memref<128xf32, #tpu.memory_space<vmem>>, vector<16xf32>,
        %gather3A_557 = tpu.vector_load_idx %arg19[%shift_right_logical3A_554] : memref<10000xf32, #tpu.memory_space<vmem>>[vector<16xi32>], vector<16xf32>,
        %mul3A_558 = arith.mulf %get3A_556, %gather3A_557 : vector<16xf32>
        %swap3A_559 = arith.constant 64 : index
        %swap3A_560 = tpu.vector_load %arg13[%swap3A_559] {strides = array<i32>} : memref<128xf32, #tpu.memory_space<vmem>>, vector<16xf32>,
        tpu.vector_store %arg13[%swap3A_559], %mul3A_558 {strides = array<i32>} : memref<128xf32, #tpu.memory_space<vmem>>, vector<16xf32>,
        %get3A_561 = arith.constant 80 : index
        %get3A_562 = tpu.vector_load %arg9[%get3A_561] {strides = array<i32>} : memref<128xi32, #tpu.memory_space<vmem>>, vector<16xi32>,
        %shift_right_logical3A_563 = arith.constant 1 : i32
        %shift_right_logical3A_564 = vector.broadcast %shift_right_logical3A_563 : i32 to vector<16xi32>
        %shift_right_logical3A_565 = arith.shrui %get3A_562, %shift_right_logical3A_564 : vector<16xi32>
        %get3A_566 = arith.constant 80 : index
        %get3A_567 = tpu.vector_load %arg13[%get3A_566] {strides = array<i32>} : memref<128xf32, #tpu.memory_space<vmem>>, vector<16xf32>,
        %gather3A_568 = tpu.vector_load_idx %arg19[%shift_right_logical3A_565] : memref<10000xf32, #tpu.memory_space<vmem>>[vector<16xi32>], vector<16xf32>,
        %mul3A_569 = arith.mulf %get3A_567, %gather3A_568 : vector<16xf32>
        %swap3A_570 = arith.constant 80 : index
        %swap3A_571 = tpu.vector_load %arg13[%swap3A_570] {strides = array<i32>} : memref<128xf32, #tpu.memory_space<vmem>>, vector<16xf32>,
        tpu.vector_store %arg13[%swap3A_570], %mul3A_569 {strides = array<i32>} : memref<128xf32, #tpu.memory_space<vmem>>, vector<16xf32>,
        %get3A_572 = arith.constant 96 : index
        %get3A_573 = tpu.vector_load %arg9[%get3A_572] {strides = array<i32>} : memref<128xi32, #tpu.memory_space<vmem>>, vector<16xi32>,
        %shift_right_logical3A_574 = arith.constant 1 : i32
        %shift_right_logical3A_575 = vector.broadcast %shift_right_logical3A_574 : i32 to vector<16xi32>
        %shift_right_logical3A_576 = arith.shrui %get3A_573, %shift_right_logical3A_575 : vector<16xi32>
        %get3A_577 = arith.constant 96 : index
        %get3A_578 = tpu.vector_load %arg13[%get3A_577] {strides = array<i32>} : memref<128xf32, #tpu.memory_space<vmem>>, vector<16xf32>,
        %gather3A_579 = tpu.vector_load_idx %arg19[%shift_right_logical3A_576] : memref<10000xf32, #tpu.memory_space<vmem>>[vector<16xi32>], vector<16xf32>,
        %mul3A_580 = arith.mulf %get3A_578, %gather3A_579 : vector<16xf32>
        %swap3A_581 = arith.constant 96 : index
        %swap3A_582 = tpu.vector_load %arg13[%swap3A_581] {strides = array<i32>} : memref<128xf32, #tpu.memory_space<vmem>>, vector<16xf32>,
        tpu.vector_store %arg13[%swap3A_581], %mul3A_580 {strides = array<i32>} : memref<128xf32, #tpu.memory_space<vmem>>, vector<16xf32>,
        %get3A_583 = arith.constant 112 : index
        %get3A_584 = tpu.vector_load %arg9[%get3A_583] {strides = array<i32>} : memref<128xi32, #tpu.memory_space<vmem>>, vector<16xi32>,
        %shift_right_logical3A_585 = arith.constant 1 : i32
        %shift_right_logical3A_586 = vector.broadcast %shift_right_logical3A_585 : i32 to vector<16xi32>
        %shift_right_logical3A_587 = arith.shrui %get3A_584, %shift_right_logical3A_586 : vector<16xi32>
        %get3A_588 = arith.constant 112 : index
        %get3A_589 = tpu.vector_load %arg13[%get3A_588] {strides = array<i32>} : memref<128xf32, #tpu.memory_space<vmem>>, vector<16xf32>,
        %gather3A_590 = tpu.vector_load_idx %arg19[%shift_right_logical3A_587] : memref<10000xf32, #tpu.memory_space<vmem>>[vector<16xi32>], vector<16xf32>,
        %mul3A_591 = arith.mulf %get3A_589, %gather3A_590 : vector<16xf32>
        %swap3A_592 = arith.constant 112 : index
        %swap3A_593 = tpu.vector_load %arg13[%swap3A_592] {strides = array<i32>} : memref<128xf32, #tpu.memory_space<vmem>>, vector<16xf32>,
        tpu.vector_store %arg13[%swap3A_592], %mul3A_591 {strides = array<i32>} : memref<128xf32, #tpu.memory_space<vmem>>, vector<16xf32>,
      } else {
      }
      %mul3A_404 = arith.constant 16 : i32
      %mul3A_405 = arith.muli %add3A_380, %mul3A_404 : i32
      %add3A_406 = arith.addi %mul3A_405, %arg1 : i32
      %lt3A_407 = arith.constant 1250 : i32
      %lt3A_408 = arith.cmpi slt, %add3A_406, %lt3A_407 : i32
      %convert_element_type3A_409 = arith.extui %lt3A_408 : i1 to i32
      %cond3A_410 = arith.constant 0 : i32
      %cond3A_411 = arith.cmpi ne, %convert_element_type3A_409, %cond3A_410 : i32
      scf.if %cond3A_411 {
        %dma_wait3A_422 = arith.constant 0 : i32
        %dma_wait3A_423 = arith.constant 0 : i32
        %dma_wait3A_424 = tpu.memref_slice %arg16[%dma_wait3A_422, %dma_wait3A_423] : memref<128x128xf32, #tpu.memory_space<vmem>> -> memref<64x128xf32, #tpu.memory_space<vmem>>
        %dma_wait3A_425 = arith.constant 0 : i32
        %dma_wait3A_426 = tpu.memref_slice %arg10[%dma_wait3A_425] : memref<128xi32, #tpu.memory_space<vmem>> -> memref<64xi32, #tpu.memory_space<vmem>>
        %dma_wait3A_427 = arith.constant 0 : i32
        %dma_wait3A_428 = arith.constant 0 : i32
        %dma_wait3A_429 = tpu.memref_slice %arg2[%dma_wait3A_427, %dma_wait3A_428] : memref<20000x128xf32, #tpu.memory_space<hbm>> -> memref<20000x128xf32, #tpu.memory_space<hbm>>
        tpu.wait_indirect_dma semaphore(%arg24 : memref<!tpu.dma_semaphore, #tpu.memory_space<semaphore_mem>>) src(%dma_wait3A_429 : memref<20000x128xf32, #tpu.memory_space<hbm>>) dst(%dma_wait3A_424 : memref<64x128xf32, #tpu.memory_space<vmem>>)
        %dma_wait3A_430 = arith.constant 64 : i32
        %dma_wait3A_431 = arith.constant 0 : i32
        %dma_wait3A_432 = tpu.memref_slice %arg16[%dma_wait3A_430, %dma_wait3A_431] : memref<128x128xf32, #tpu.memory_space<vmem>> -> memref<64x128xf32, #tpu.memory_space<vmem>>
        %dma_wait3A_433 = arith.constant 64 : i32
        %dma_wait3A_434 = tpu.memref_slice %arg10[%dma_wait3A_433] : memref<128xi32, #tpu.memory_space<vmem>> -> memref<64xi32, #tpu.memory_space<vmem>>
        %dma_wait3A_435 = arith.constant 0 : i32
        %dma_wait3A_436 = arith.constant 0 : i32
        %dma_wait3A_437 = tpu.memref_slice %arg2[%dma_wait3A_435, %dma_wait3A_436] : memref<20000x128xf32, #tpu.memory_space<hbm>> -> memref<20000x128xf32, #tpu.memory_space<hbm>>
        tpu.wait_indirect_dma semaphore(%arg24 : memref<!tpu.dma_semaphore, #tpu.memory_space<semaphore_mem>>) src(%dma_wait3A_437 : memref<20000x128xf32, #tpu.memory_space<hbm>>) dst(%dma_wait3A_432 : memref<64x128xf32, #tpu.memory_space<vmem>>)
        %get3A_438 = arith.constant 0 : index
        %get3A_439 = tpu.vector_load %arg12[%get3A_438] {strides = array<i32>} : memref<128xi32, #tpu.memory_space<vmem>>, vector<16xi32>,
        %swap3A_440 = arith.constant 0 : index
        %swap3A_441 = tpu.vector_load %arg17[%swap3A_440] {strides = array<i32>} : memref<64xi32, #tpu.memory_space<vmem>>, vector<16xi32>,
        tpu.vector_store %arg17[%swap3A_440], %get3A_439 {strides = array<i32>} : memref<64xi32, #tpu.memory_space<vmem>>, vector<16xi32>,
        %get3A_442 = arith.constant 16 : index
        %get3A_443 = tpu.vector_load %arg12[%get3A_442] {strides = array<i32>} : memref<128xi32, #tpu.memory_space<vmem>>, vector<16xi32>,
        %swap3A_444 = arith.constant 16 : index
        %swap3A_445 = tpu.vector_load %arg17[%swap3A_444] {strides = array<i32>} : memref<64xi32, #tpu.memory_space<vmem>>, vector<16xi32>,
        tpu.vector_store %arg17[%swap3A_444], %get3A_443 {strides = array<i32>} : memref<64xi32, #tpu.memory_space<vmem>>, vector<16xi32>,
        %get3A_446 = arith.constant 32 : index
        %get3A_447 = tpu.vector_load %arg12[%get3A_446] {strides = array<i32>} : memref<128xi32, #tpu.memory_space<vmem>>, vector<16xi32>,
        %swap3A_448 = arith.constant 32 : index
        %swap3A_449 = tpu.vector_load %arg17[%swap3A_448] {strides = array<i32>} : memref<64xi32, #tpu.memory_space<vmem>>, vector<16xi32>,
        tpu.vector_store %arg17[%swap3A_448], %get3A_447 {strides = array<i32>} : memref<64xi32, #tpu.memory_space<vmem>>, vector<16xi32>,
        %get3A_450 = arith.constant 48 : index
        %get3A_451 = tpu.vector_load %arg12[%get3A_450] {strides = array<i32>} : memref<128xi32, #tpu.memory_space<vmem>>, vector<16xi32>,
        %swap3A_452 = arith.constant 48 : index
        %swap3A_453 = tpu.vector_load %arg17[%swap3A_452] {strides = array<i32>} : memref<64xi32, #tpu.memory_space<vmem>>, vector<16xi32>,
        tpu.vector_store %arg17[%swap3A_452], %get3A_451 {strides = array<i32>} : memref<64xi32, #tpu.memory_space<vmem>>, vector<16xi32>,
        %get3A_454 = arith.constant 64 : index
        %get3A_455 = tpu.vector_load %arg12[%get3A_454] {strides = array<i32>} : memref<128xi32, #tpu.memory_space<vmem>>, vector<16xi32>,
        %swap3A_456 = arith.constant 0 : index
        %swap3A_457 = tpu.vector_load %arg18[%swap3A_456] {strides = array<i32>} : memref<64xi32, #tpu.memory_space<vmem>>, vector<16xi32>,
        tpu.vector_store %arg18[%swap3A_456], %get3A_455 {strides = array<i32>} : memref<64xi32, #tpu.memory_space<vmem>>, vector<16xi32>,
        %get3A_458 = arith.constant 80 : index
        %get3A_459 = tpu.vector_load %arg12[%get3A_458] {strides = array<i32>} : memref<128xi32, #tpu.memory_space<vmem>>, vector<16xi32>,
        %swap3A_460 = arith.constant 16 : index
        %swap3A_461 = tpu.vector_load %arg18[%swap3A_460] {strides = array<i32>} : memref<64xi32, #tpu.memory_space<vmem>>, vector<16xi32>,
        tpu.vector_store %arg18[%swap3A_460], %get3A_459 {strides = array<i32>} : memref<64xi32, #tpu.memory_space<vmem>>, vector<16xi32>,
        %get3A_462 = arith.constant 96 : index
        %get3A_463 = tpu.vector_load %arg12[%get3A_462] {strides = array<i32>} : memref<128xi32, #tpu.memory_space<vmem>>, vector<16xi32>,
        %swap3A_464 = arith.constant 32 : index
        %swap3A_465 = tpu.vector_load %arg18[%swap3A_464] {strides = array<i32>} : memref<64xi32, #tpu.memory_space<vmem>>, vector<16xi32>,
        tpu.vector_store %arg18[%swap3A_464], %get3A_463 {strides = array<i32>} : memref<64xi32, #tpu.memory_space<vmem>>, vector<16xi32>,
        %get3A_466 = arith.constant 112 : index
        %get3A_467 = tpu.vector_load %arg12[%get3A_466] {strides = array<i32>} : memref<128xi32, #tpu.memory_space<vmem>>, vector<16xi32>,
        %swap3A_468 = arith.constant 48 : index
        %swap3A_469 = tpu.vector_load %arg18[%swap3A_468] {strides = array<i32>} : memref<64xi32, #tpu.memory_space<vmem>>, vector<16xi32>,
        tpu.vector_store %arg18[%swap3A_468], %get3A_467 {strides = array<i32>} : memref<64xi32, #tpu.memory_space<vmem>>, vector<16xi32>,
        %parallel_loop3A = arith.constant 0 : i32
        %parallel_loop3A_470 = arith.constant 128 : i32
        %parallel_loop3A_471 = arith.constant 1 : i32
        scf.for %parallel_loop3A_484 = %parallel_loop3A to %parallel_loop3A_470 step %parallel_loop3A_471  : i32 {
          %parallel_loop3A_485 = vector.broadcast %parallel_loop3A_484 : i32 to vector<16xi32>
          %parallel_loop3A_486 = tpu.vector_load_idx %arg14[%parallel_loop3A_485] : memref<128xf32, #tpu.memory_space<vmem>>[vector<16xi32>], vector<16xf32>,
          %parallel_loop3A_487 = arith.index_cast %parallel_loop3A_484 : i32 to index
          %parallel_loop3A_488 = arith.constant 0 : index
          %parallel_loop3A_489 = tpu.vector_load %arg16[%parallel_loop3A_487, %parallel_loop3A_488] {strides = array<i32>} : memref<128x128xf32, #tpu.memory_space<vmem>>, vector<16xf32>,
          %parallel_loop3A_490 = arith.mulf %parallel_loop3A_489, %parallel_loop3A_486 : vector<16xf32>
          %parallel_loop3A_491 = arith.index_cast %parallel_loop3A_484 : i32 to index
          %parallel_loop3A_492 = arith.constant 0 : index
          %parallel_loop3A_493 = tpu.vector_load %arg16[%parallel_loop3A_491, %parallel_loop3A_492] {strides = array<i32>} : memref<128x128xf32, #tpu.memory_space<vmem>>, vector<16xf32>,
          tpu.vector_store %arg16[%parallel_loop3A_491, %parallel_loop3A_492], %parallel_loop3A_490 {strides = array<i32>} : memref<128x128xf32, #tpu.memory_space<vmem>>, vector<16xf32>,
          %parallel_loop3A_494 = arith.index_cast %parallel_loop3A_484 : i32 to index
          %parallel_loop3A_495 = arith.constant 16 : index
          %parallel_loop3A_496 = tpu.vector_load %arg16[%parallel_loop3A_494, %parallel_loop3A_495] {strides = array<i32>} : memref<128x128xf32, #tpu.memory_space<vmem>>, vector<16xf32>,
          %parallel_loop3A_497 = arith.mulf %parallel_loop3A_496, %parallel_loop3A_486 : vector<16xf32>
          %parallel_loop3A_498 = arith.index_cast %parallel_loop3A_484 : i32 to index
          %parallel_loop3A_499 = arith.constant 16 : index
          %parallel_loop3A_500 = tpu.vector_load %arg16[%parallel_loop3A_498, %parallel_loop3A_499] {strides = array<i32>} : memref<128x128xf32, #tpu.memory_space<vmem>>, vector<16xf32>,
          tpu.vector_store %arg16[%parallel_loop3A_498, %parallel_loop3A_499], %parallel_loop3A_497 {strides = array<i32>} : memref<128x128xf32, #tpu.memory_space<vmem>>, vector<16xf32>,
          %parallel_loop3A_501 = arith.index_cast %parallel_loop3A_484 : i32 to index
          %parallel_loop3A_502 = arith.constant 32 : index
          %parallel_loop3A_503 = tpu.vector_load %arg16[%parallel_loop3A_501, %parallel_loop3A_502] {strides = array<i32>} : memref<128x128xf32, #tpu.memory_space<vmem>>, vector<16xf32>,
          %parallel_loop3A_504 = arith.mulf %parallel_loop3A_503, %parallel_loop3A_486 : vector<16xf32>
          %parallel_loop3A_505 = arith.index_cast %parallel_loop3A_484 : i32 to index
          %parallel_loop3A_506 = arith.constant 32 : index
          %parallel_loop3A_507 = tpu.vector_load %arg16[%parallel_loop3A_505, %parallel_loop3A_506] {strides = array<i32>} : memref<128x128xf32, #tpu.memory_space<vmem>>, vector<16xf32>,
          tpu.vector_store %arg16[%parallel_loop3A_505, %parallel_loop3A_506], %parallel_loop3A_504 {strides = array<i32>} : memref<128x128xf32, #tpu.memory_space<vmem>>, vector<16xf32>,
          %parallel_loop3A_508 = arith.index_cast %parallel_loop3A_484 : i32 to index
          %parallel_loop3A_509 = arith.constant 48 : index
          %parallel_loop3A_510 = tpu.vector_load %arg16[%parallel_loop3A_508, %parallel_loop3A_509] {strides = array<i32>} : memref<128x128xf32, #tpu.memory_space<vmem>>, vector<16xf32>,
          %parallel_loop3A_511 = arith.mulf %parallel_loop3A_510, %parallel_loop3A_486 : vector<16xf32>
          %parallel_loop3A_512 = arith.index_cast %parallel_loop3A_484 : i32 to index
          %parallel_loop3A_513 = arith.constant 48 : index
          %parallel_loop3A_514 = tpu.vector_load %arg16[%parallel_loop3A_512, %parallel_loop3A_513] {strides = array<i32>} : memref<128x128xf32, #tpu.memory_space<vmem>>, vector<16xf32>,
          tpu.vector_store %arg16[%parallel_loop3A_512, %parallel_loop3A_513], %parallel_loop3A_511 {strides = array<i32>} : memref<128x128xf32, #tpu.memory_space<vmem>>, vector<16xf32>,
          %parallel_loop3A_515 = arith.index_cast %parallel_loop3A_484 : i32 to index
          %parallel_loop3A_516 = arith.constant 64 : index
          %parallel_loop3A_517 = tpu.vector_load %arg16[%parallel_loop3A_515, %parallel_loop3A_516] {strides = array<i32>} : memref<128x128xf32, #tpu.memory_space<vmem>>, vector<16xf32>,
          %parallel_loop3A_518 = arith.mulf %parallel_loop3A_517, %parallel_loop3A_486 : vector<16xf32>
          %parallel_loop3A_519 = arith.index_cast %parallel_loop3A_484 : i32 to index
          %parallel_loop3A_520 = arith.constant 64 : index
          %parallel_loop3A_521 = tpu.vector_load %arg16[%parallel_loop3A_519, %parallel_loop3A_520] {strides = array<i32>} : memref<128x128xf32, #tpu.memory_space<vmem>>, vector<16xf32>,
          tpu.vector_store %arg16[%parallel_loop3A_519, %parallel_loop3A_520], %parallel_loop3A_518 {strides = array<i32>} : memref<128x128xf32, #tpu.memory_space<vmem>>, vector<16xf32>,
          %parallel_loop3A_522 = arith.index_cast %parallel_loop3A_484 : i32 to index
          %parallel_loop3A_523 = arith.constant 80 : index
          %parallel_loop3A_524 = tpu.vector_load %arg16[%parallel_loop3A_522, %parallel_loop3A_523] {strides = array<i32>} : memref<128x128xf32, #tpu.memory_space<vmem>>, vector<16xf32>,
          %parallel_loop3A_525 = arith.mulf %parallel_loop3A_524, %parallel_loop3A_486 : vector<16xf32>
          %parallel_loop3A_526 = arith.index_cast %parallel_loop3A_484 : i32 to index
          %parallel_loop3A_527 = arith.constant 80 : index
          %parallel_loop3A_528 = tpu.vector_load %arg16[%parallel_loop3A_526, %parallel_loop3A_527] {strides = array<i32>} : memref<128x128xf32, #tpu.memory_space<vmem>>, vector<16xf32>,
          tpu.vector_store %arg16[%parallel_loop3A_526, %parallel_loop3A_527], %parallel_loop3A_525 {strides = array<i32>} : memref<128x128xf32, #tpu.memory_space<vmem>>, vector<16xf32>,
          %parallel_loop3A_529 = arith.index_cast %parallel_loop3A_484 : i32 to index
          %parallel_loop3A_530 = arith.constant 96 : index
          %parallel_loop3A_531 = tpu.vector_load %arg16[%parallel_loop3A_529, %parallel_loop3A_530] {strides = array<i32>} : memref<128x128xf32, #tpu.memory_space<vmem>>, vector<16xf32>,
          %parallel_loop3A_532 = arith.mulf %parallel_loop3A_531, %parallel_loop3A_486 : vector<16xf32>
          %parallel_loop3A_533 = arith.index_cast %parallel_loop3A_484 : i32 to index
          %parallel_loop3A_534 = arith.constant 96 : index
          %parallel_loop3A_535 = tpu.vector_load %arg16[%parallel_loop3A_533, %parallel_loop3A_534] {strides = array<i32>} : memref<128x128xf32, #tpu.memory_space<vmem>>, vector<16xf32>,
          tpu.vector_store %arg16[%parallel_loop3A_533, %parallel_loop3A_534], %parallel_loop3A_532 {strides = array<i32>} : memref<128x128xf32, #tpu.memory_space<vmem>>, vector<16xf32>,
          %parallel_loop3A_536 = arith.index_cast %parallel_loop3A_484 : i32 to index
          %parallel_loop3A_537 = arith.constant 112 : index
          %parallel_loop3A_538 = tpu.vector_load %arg16[%parallel_loop3A_536, %parallel_loop3A_537] {strides = array<i32>} : memref<128x128xf32, #tpu.memory_space<vmem>>, vector<16xf32>,
          %parallel_loop3A_539 = arith.mulf %parallel_loop3A_538, %parallel_loop3A_486 : vector<16xf32>
          %parallel_loop3A_540 = arith.index_cast %parallel_loop3A_484 : i32 to index
          %parallel_loop3A_541 = arith.constant 112 : index
          %parallel_loop3A_542 = tpu.vector_load %arg16[%parallel_loop3A_540, %parallel_loop3A_541] {strides = array<i32>} : memref<128x128xf32, #tpu.memory_space<vmem>>, vector<16xf32>,
          tpu.vector_store %arg16[%parallel_loop3A_540, %parallel_loop3A_541], %parallel_loop3A_539 {strides = array<i32>} : memref<128x128xf32, #tpu.memory_space<vmem>>, vector<16xf32>,
        } {sc.loop_unroll_factor = 4 : i64, sc.parallel_access}
        %dma_start3A_472 = arith.constant 0 : i32
        %dma_start3A_473 = arith.constant 0 : i32
        %dma_start3A_474 = tpu.memref_slice %arg16[%dma_start3A_472, %dma_start3A_473] : memref<128x128xf32, #tpu.memory_space<vmem>> -> memref<64x128xf32, #tpu.memory_space<vmem>>
        %dma_start3A_475 = arith.constant 0 : i32
        %dma_start3A_476 = arith.constant 0 : i32
        %dma_start3A_477 = tpu.memref_slice %arg8[%dma_start3A_475, %dma_start3A_476] : memref<10000x128xf32, #tpu.memory_space<vmem_shared>> -> memref<10000x128xf32, #tpu.memory_space<vmem_shared>>
        tpu.enqueue_indirect_dma source(%dma_start3A_474 : memref<64x128xf32, #tpu.memory_space<vmem>>) target(%dma_start3A_477 : memref<10000x128xf32, #tpu.memory_space<vmem_shared>>) offsets(%arg17 : memref<64xi32, #tpu.memory_space<vmem>>) semaphore(%arg25 : memref<!tpu.dma_semaphore, #tpu.memory_space<semaphore_mem>>) {add = true}
        %dma_start3A_478 = arith.constant 64 : i32
        %dma_start3A_479 = arith.constant 0 : i32
        %dma_start3A_480 = tpu.memref_slice %arg16[%dma_start3A_478, %dma_start3A_479] : memref<128x128xf32, #tpu.memory_space<vmem>> -> memref<64x128xf32, #tpu.memory_space<vmem>>
        %dma_start3A_481 = arith.constant 0 : i32
        %dma_start3A_482 = arith.constant 0 : i32
        %dma_start3A_483 = tpu.memref_slice %arg8[%dma_start3A_481, %dma_start3A_482] : memref<10000x128xf32, #tpu.memory_space<vmem_shared>> -> memref<10000x128xf32, #tpu.memory_space<vmem_shared>>
        tpu.enqueue_indirect_dma source(%dma_start3A_480 : memref<64x128xf32, #tpu.memory_space<vmem>>) target(%dma_start3A_483 : memref<10000x128xf32, #tpu.memory_space<vmem_shared>>) offsets(%arg18 : memref<64xi32, #tpu.memory_space<vmem>>) semaphore(%arg25 : memref<!tpu.dma_semaphore, #tpu.memory_space<semaphore_mem>>) {add = true}
      } else {
      }
      %add3A_412 = arith.constant 2 : i32
      %add3A_413 = arith.addi %add3A_380, %add3A_412 : i32
      %mul3A_414 = arith.constant 16 : i32
      %mul3A_415 = arith.muli %add3A_413, %mul3A_414 : i32
      %add3A_416 = arith.addi %mul3A_415, %arg1 : i32
      %lt3A_417 = arith.constant 1250 : i32
      %lt3A_418 = arith.cmpi slt, %add3A_416, %lt3A_417 : i32
      %convert_element_type3A_419 = arith.extui %lt3A_418 : i1 to i32
      %cond3A_420 = arith.constant 0 : i32
      %cond3A_421 = arith.cmpi ne, %convert_element_type3A_419, %cond3A_420 : i32
      scf.if %cond3A_421 {
        %add3A_422 = arith.constant 2 : i32
        %add3A_423 = arith.addi %add3A_380, %add3A_422 : i32
        %mul3A_424 = arith.constant 16 : i32
        %mul3A_425 = arith.muli %add3A_423, %mul3A_424 : i32
        %add3A_426 = arith.addi %mul3A_425, %arg1 : i32
        %mul3A_427 = arith.constant 128 : i32
        %mul3A_428 = arith.muli %add3A_426, %mul3A_427 : i32
        %dma_start3A_429 = tpu.memref_slice %arg3[%mul3A_428] : memref<160000xi32, #tpu.memory_space<hbm>> -> memref<128xi32, #tpu.memory_space<hbm>>
        %dma_start3A_430 = tpu.memref_slice %arg3[%mul3A_428] : memref<160000xi32, #tpu.memory_space<hbm>> -> memref<128xi32, #tpu.memory_space<hbm>>
        tpu.enqueue_dma source(%dma_start3A_430 : memref<128xi32, #tpu.memory_space<hbm>>) target(%arg10 : memref<128xi32, #tpu.memory_space<vmem>>) target_semaphore(%arg22 : memref<!tpu.dma_semaphore, #tpu.memory_space<semaphore_mem>>)
        %dma_start3A_431 = tpu.memref_slice %arg4[%mul3A_428] : memref<160000xi32, #tpu.memory_space<hbm>> -> memref<128xi32, #tpu.memory_space<hbm>>
        %dma_start3A_432 = tpu.memref_slice %arg4[%mul3A_428] : memref<160000xi32, #tpu.memory_space<hbm>> -> memref<128xi32, #tpu.memory_space<hbm>>
        tpu.enqueue_dma source(%dma_start3A_432 : memref<128xi32, #tpu.memory_space<hbm>>) target(%arg12 : memref<128xi32, #tpu.memory_space<vmem>>) target_semaphore(%arg22 : memref<!tpu.dma_semaphore, #tpu.memory_space<semaphore_mem>>)
        %dma_start3A_433 = tpu.memref_slice %arg5[%mul3A_428] : memref<160000xf32, #tpu.memory_space<hbm>> -> memref<128xf32, #tpu.memory_space<hbm>>
        %dma_start3A_434 = tpu.memref_slice %arg5[%mul3A_428] : memref<160000xf32, #tpu.memory_space<hbm>> -> memref<128xf32, #tpu.memory_space<hbm>>
        tpu.enqueue_dma source(%dma_start3A_434 : memref<128xf32, #tpu.memory_space<hbm>>) target(%arg14 : memref<128xf32, #tpu.memory_space<vmem>>) target_semaphore(%arg22 : memref<!tpu.dma_semaphore, #tpu.memory_space<semaphore_mem>>)
      } else {
      }
    }
    %scan3A_326 = arith.constant 40 : i32
    %barrier3A_327 = arith.constant 0 : index
    tpu.barrier barrier_id(%barrier3A_327)
    %mul3A_328 = arith.constant 624 : i32
    %mul3A_329 = arith.muli %mul3A_328, %arg1 : i32
    "tpu.region"() ({
      %run_scoped3A = tpu.sem_alloc : memref<!tpu.dma_semaphore, #tpu.memory_space<semaphore_mem>>
      %dma_start3A_335 = arith.constant 0 : i32
      %dma_start3A_336 = arith.constant 0 : i32
      %dma_start3A_337 = tpu.memref_slice %arg7[%arg0, %dma_start3A_335, %dma_start3A_336] : memref<2x10000x128xf32, #tpu.memory_space<hbm>> -> memref<1x10000x128xf32, #tpu.memory_space<hbm>>
      %dma_start3A_338 = tpu.memref_squeeze %dma_start3A_337 : memref<1x10000x128xf32, #tpu.memory_space<hbm>> -> memref<10000x128xf32, #tpu.memory_space<hbm>>
      %dma_start3A_339 = arith.constant 0 : i32
      %dma_start3A_340 = tpu.memref_slice %dma_start3A_338[%mul3A_329, %dma_start3A_339] : memref<10000x128xf32, #tpu.memory_space<hbm>> -> memref<624x128xf32, #tpu.memory_space<hbm>>
      %dma_start3A_341 = arith.constant 0 : i32
      %dma_start3A_342 = tpu.memref_slice %arg8[%mul3A_329, %dma_start3A_341] : memref<10000x128xf32, #tpu.memory_space<vmem_shared>> -> memref<624x128xf32, #tpu.memory_space<vmem_shared>>
      tpu.enqueue_dma source(%dma_start3A_342 : memref<624x128xf32, #tpu.memory_space<vmem_shared>>) target(%dma_start3A_340 : memref<624x128xf32, #tpu.memory_space<hbm>>) target_semaphore(%run_scoped3A : memref<!tpu.dma_semaphore, #tpu.memory_space<semaphore_mem>>)
      %dma_wait3A_343 = arith.constant 0 : i32
      %dma_wait3A_344 = arith.constant 0 : i32
      %dma_wait3A_345 = tpu.memref_slice %arg7[%arg0, %dma_wait3A_343, %dma_wait3A_344] : memref<2x10000x128xf32, #tpu.memory_space<hbm>> -> memref<1x10000x128xf32, #tpu.memory_space<hbm>>
      %dma_wait3A_346 = tpu.memref_squeeze %dma_wait3A_345 : memref<1x10000x128xf32, #tpu.memory_space<hbm>> -> memref<10000x128xf32, #tpu.memory_space<hbm>>
      %dma_wait3A_347 = arith.constant 0 : i32
      %dma_wait3A_348 = tpu.memref_slice %dma_wait3A_346[%mul3A_329, %dma_wait3A_347] : memref<10000x128xf32, #tpu.memory_space<hbm>> -> memref<624x128xf32, #tpu.memory_space<hbm>>
      %dma_wait3A_349 = arith.constant 0 : i32
      %dma_wait3A_350 = tpu.memref_slice %arg8[%mul3A_329, %dma_wait3A_349] : memref<10000x128xf32, #tpu.memory_space<vmem_shared>> -> memref<624x128xf32, #tpu.memory_space<vmem_shared>>
      tpu.wait_dma2 semaphore(%run_scoped3A : memref<!tpu.dma_semaphore, #tpu.memory_space<semaphore_mem>>) src(%dma_wait3A_350 : memref<624x128xf32, #tpu.memory_space<vmem_shared>>) dst(%dma_wait3A_348 : memref<624x128xf32, #tpu.memory_space<hbm>>)
      tpu.yield
    }) : () -> ()
    %eq3A_330 = arith.constant 15 : i32
    %eq3A_331 = arith.cmpi eq, %arg1, %eq3A_330 : i32
    %convert_element_type3A_332 = arith.extui %eq3A_331 : i1 to i32
    %cond3A_333 = arith.constant 0 : i32
    %cond3A_334 = arith.cmpi ne, %convert_element_type3A_332, %cond3A_333 : i32
    scf.if %cond3A_334 {
      "tpu.region"() ({
        %run_scoped3A = tpu.sem_alloc : memref<!tpu.dma_semaphore, #tpu.memory_space<semaphore_mem>>
        %dma_start3A_335 = arith.constant 0 : i32
        %dma_start3A_336 = arith.constant 0 : i32
        %dma_start3A_337 = tpu.memref_slice %arg7[%arg0, %dma_start3A_335, %dma_start3A_336] : memref<2x10000x128xf32, #tpu.memory_space<hbm>> -> memref<1x10000x128xf32, #tpu.memory_space<hbm>>
        %dma_start3A_338 = tpu.memref_squeeze %dma_start3A_337 : memref<1x10000x128xf32, #tpu.memory_space<hbm>> -> memref<10000x128xf32, #tpu.memory_space<hbm>>
        %dma_start3A_339 = arith.constant 9984 : i32
        %dma_start3A_340 = arith.constant 0 : i32
        %dma_start3A_341 = tpu.memref_slice %dma_start3A_338[%dma_start3A_339, %dma_start3A_340] : memref<10000x128xf32, #tpu.memory_space<hbm>> -> memref<16x128xf32, #tpu.memory_space<hbm>>
        %dma_start3A_342 = arith.constant 9984 : i32
        %dma_start3A_343 = arith.constant 0 : i32
        %dma_start3A_344 = tpu.memref_slice %arg8[%dma_start3A_342, %dma_start3A_343] : memref<10000x128xf32, #tpu.memory_space<vmem_shared>> -> memref<16x128xf32, #tpu.memory_space<vmem_shared>>
        tpu.enqueue_dma source(%dma_start3A_344 : memref<16x128xf32, #tpu.memory_space<vmem_shared>>) target(%dma_start3A_341 : memref<16x128xf32, #tpu.memory_space<hbm>>) target_semaphore(%run_scoped3A : memref<!tpu.dma_semaphore, #tpu.memory_space<semaphore_mem>>)
        %dma_wait3A_345 = arith.constant 0 : i32
        %dma_wait3A_346 = arith.constant 0 : i32
        %dma_wait3A_347 = tpu.memref_slice %arg7[%arg0, %dma_wait3A_345, %dma_wait3A_346] : memref<2x10000x128xf32, #tpu.memory_space<hbm>> -> memref<1x10000x128xf32, #tpu.memory_space<hbm>>
        %dma_wait3A_348 = tpu.memref_squeeze %dma_wait3A_347 : memref<1x10000x128xf32, #tpu.memory_space<hbm>> -> memref<10000x128xf32, #tpu.memory_space<hbm>>
        %dma_wait3A_349 = arith.constant 9984 : i32
        %dma_wait3A_350 = arith.constant 0 : i32
        %dma_wait3A_351 = tpu.memref_slice %dma_wait3A_348[%dma_wait3A_349, %dma_wait3A_350] : memref<10000x128xf32, #tpu.memory_space<hbm>> -> memref<16x128xf32, #tpu.memory_space<hbm>>
        %dma_wait3A_352 = arith.constant 9984 : i32
        %dma_wait3A_353 = arith.constant 0 : i32
        %dma_wait3A_354 = tpu.memref_slice %arg8[%dma_wait3A_352, %dma_wait3A_353] : memref<10000x128xf32, #tpu.memory_space<vmem_shared>> -> memref<16x128xf32, #tpu.memory_space<vmem_shared>>
        tpu.wait_dma2 semaphore(%run_scoped3A : memref<!tpu.dma_semaphore, #tpu.memory_space<semaphore_mem>>) src(%dma_wait3A_354 : memref<16x128xf32, #tpu.memory_space<vmem_shared>>) dst(%dma_wait3A_351 : memref<16x128xf32, #tpu.memory_space<hbm>>)
        tpu.yield
      }) : () -> ()
    } else {
    }
    return
  }
}

#map = affine_map<(d0, d1) -> (0, 0)>
#map1 = affine_map<(d0, d1) -> (0)>
#map2 = affine_map<(d0, d1) -> (0, 0, 0)>
module attributes {stable_mosaic.version = 14 : i64} {
  func.func @_agg_body(%arg0: i32, %arg1: i32, %arg2: memref<20000x128xf32, #tpu.memory_space<hbm>>, %arg3: memref<160000xi32, #tpu.memory_space<hbm>>, %arg4: memref<160000xi32, #tpu.memory_space<hbm>>, %arg5: memref<160000xf32, #tpu.memory_space<hbm>>, %arg6: memref<10000xf32, #tpu.memory_space<hbm>>, %arg7: memref<2x10000x128xf32, #tpu.memory_space<hbm>>, %arg8: memref<10000x128xf32, #tpu.memory_space<vmem_shared>>, %arg9: memref<128xi32, #tpu.memory_space<vmem>>, %arg10: memref<128xi32, #tpu.memory_space<vmem>>, %arg11: memref<128xi32, #tpu.memory_space<vmem>>, %arg12: memref<128xi32, #tpu.memory_space<vmem>>, %arg13: memref<128xf32, #tpu.memory_space<vmem>>, %arg14: memref<128xf32, #tpu.memory_space<vmem>>, %arg15: memref<128x128xf32, #tpu.memory_space<vmem>>, %arg16: memref<128x128xf32, #tpu.memory_space<vmem>>, %arg17: memref<64xi32, #tpu.memory_space<vmem>>, %arg18: memref<64xi32, #tpu.memory_space<vmem>>, %arg19: memref<10000xf32, #tpu.memory_space<vmem>>, %arg20: memref<10000xf32, #tpu.memory_space<vmem_shared>>, %arg21: memref<!tpu.dma_semaphore, #tpu.memory_space<semaphore_mem>>, %arg22: memref<!tpu.dma_semaphore, #tpu.memory_space<semaphore_mem>>, %arg23: memref<!tpu.dma_semaphore, #tpu.memory_space<semaphore_mem>>, %arg24: memref<!tpu.dma_semaphore, #tpu.memory_space<semaphore_mem>>, %arg25: memref<!tpu.dma_semaphore, #tpu.memory_space<semaphore_mem>>) attributes {dimension_semantics = [#tpu.dimension_semantics<core_parallel>, #tpu.dimension_semantics<subcore_parallel>], iteration_bounds = array<i64: 2, 16>, scalar_prefetch = 0 : i64, scratch_operands = 18 : i64, tpu.core_type = #tpu.core_type<sc_vector_subcore>, window_params = [{transform_indices = #map}, {transform_indices = #map1}, {transform_indices = #map1}, {transform_indices = #map1}, {transform_indices = #map1}, {transform_indices = #map2}]} {
    %scan3A = arith.constant 0 : i32
    %scan3A_0 = arith.constant 128 : i32
    %scan3A_1 = arith.addi %scan3A, %scan3A_0 : i32
    %scan3A_2 = arith.constant 1 : i32
    scf.for %scan3A_335 = %scan3A to %scan3A_1 step %scan3A_2  : i32 {
      %mul3A_336 = arith.constant 1 : i32
      %mul3A_337 = arith.muli %scan3A_335, %mul3A_336 : i32
      %add3A_338 = arith.constant 0 : i32
      %add3A_339 = arith.addi %add3A_338, %mul3A_337 : i32
      %broadcast_in_dim3A = arith.constant 0.000000e+00 : f32
      %broadcast_in_dim3A_340 = vector.broadcast %broadcast_in_dim3A : f32 to vector<16xf32>
      %swap3A_341 = arith.index_cast %add3A_339 : i32 to index
      %swap3A_342 = arith.constant 0 : index
      %swap3A_343 = tpu.vector_load %arg15[%swap3A_341, %swap3A_342] {strides = array<i32>} : memref<128x128xf32, #tpu.memory_space<vmem>>, vector<16xf32>,
      tpu.vector_store %arg15[%swap3A_341, %swap3A_342], %broadcast_in_dim3A_340 {strides = array<i32>} : memref<128x128xf32, #tpu.memory_space<vmem>>, vector<16xf32>,
      %broadcast_in_dim3A_344 = arith.constant 0.000000e+00 : f32
      %broadcast_in_dim3A_345 = vector.broadcast %broadcast_in_dim3A_344 : f32 to vector<16xf32>
      %swap3A_346 = arith.index_cast %add3A_339 : i32 to index
      %swap3A_347 = arith.constant 16 : index
      %swap3A_348 = tpu.vector_load %arg15[%swap3A_346, %swap3A_347] {strides = array<i32>} : memref<128x128xf32, #tpu.memory_space<vmem>>, vector<16xf32>,
      tpu.vector_store %arg15[%swap3A_346, %swap3A_347], %broadcast_in_dim3A_345 {strides = array<i32>} : memref<128x128xf32, #tpu.memory_space<vmem>>, vector<16xf32>,
      %broadcast_in_dim3A_349 = arith.constant 0.000000e+00 : f32
      %broadcast_in_dim3A_350 = vector.broadcast %broadcast_in_dim3A_349 : f32 to vector<16xf32>
      %swap3A_351 = arith.index_cast %add3A_339 : i32 to index
      %swap3A_352 = arith.constant 32 : index
      %swap3A_353 = tpu.vector_load %arg15[%swap3A_351, %swap3A_352] {strides = array<i32>} : memref<128x128xf32, #tpu.memory_space<vmem>>, vector<16xf32>,
      tpu.vector_store %arg15[%swap3A_351, %swap3A_352], %broadcast_in_dim3A_350 {strides = array<i32>} : memref<128x128xf32, #tpu.memory_space<vmem>>, vector<16xf32>,
      %broadcast_in_dim3A_354 = arith.constant 0.000000e+00 : f32
      %broadcast_in_dim3A_355 = vector.broadcast %broadcast_in_dim3A_354 : f32 to vector<16xf32>
      %swap3A_356 = arith.index_cast %add3A_339 : i32 to index
      %swap3A_357 = arith.constant 48 : index
      %swap3A_358 = tpu.vector_load %arg15[%swap3A_356, %swap3A_357] {strides = array<i32>} : memref<128x128xf32, #tpu.memory_space<vmem>>, vector<16xf32>,
      tpu.vector_store %arg15[%swap3A_356, %swap3A_357], %broadcast_in_dim3A_355 {strides = array<i32>} : memref<128x128xf32, #tpu.memory_space<vmem>>, vector<16xf32>,
      %broadcast_in_dim3A_359 = arith.constant 0.000000e+00 : f32
      %broadcast_in_dim3A_360 = vector.broadcast %broadcast_in_dim3A_359 : f32 to vector<16xf32>
      %swap3A_361 = arith.index_cast %add3A_339 : i32 to index
      %swap3A_362 = arith.constant 64 : index
      %swap3A_363 = tpu.vector_load %arg15[%swap3A_361, %swap3A_362] {strides = array<i32>} : memref<128x128xf32, #tpu.memory_space<vmem>>, vector<16xf32>,
      tpu.vector_store %arg15[%swap3A_361, %swap3A_362], %broadcast_in_dim3A_360 {strides = array<i32>} : memref<128x128xf32, #tpu.memory_space<vmem>>, vector<16xf32>,
      %broadcast_in_dim3A_364 = arith.constant 0.000000e+00 : f32
      %broadcast_in_dim3A_365 = vector.broadcast %broadcast_in_dim3A_364 : f32 to vector<16xf32>
      %swap3A_366 = arith.index_cast %add3A_339 : i32 to index
      %swap3A_367 = arith.constant 80 : index
      %swap3A_368 = tpu.vector_load %arg15[%swap3A_366, %swap3A_367] {strides = array<i32>} : memref<128x128xf32, #tpu.memory_space<vmem>>, vector<16xf32>,
      tpu.vector_store %arg15[%swap3A_366, %swap3A_367], %broadcast_in_dim3A_365 {strides = array<i32>} : memref<128x128xf32, #tpu.memory_space<vmem>>, vector<16xf32>,
      %broadcast_in_dim3A_369 = arith.constant 0.000000e+00 : f32
      %broadcast_in_dim3A_370 = vector.broadcast %broadcast_in_dim3A_369 : f32 to vector<16xf32>
      %swap3A_371 = arith.index_cast %add3A_339 : i32 to index
      %swap3A_372 = arith.constant 96 : index
      %swap3A_373 = tpu.vector_load %arg15[%swap3A_371, %swap3A_372] {strides = array<i32>} : memref<128x128xf32, #tpu.memory_space<vmem>>, vector<16xf32>,
      tpu.vector_store %arg15[%swap3A_371, %swap3A_372], %broadcast_in_dim3A_370 {strides = array<i32>} : memref<128x128xf32, #tpu.memory_space<vmem>>, vector<16xf32>,
      %broadcast_in_dim3A_374 = arith.constant 0.000000e+00 : f32
      %broadcast_in_dim3A_375 = vector.broadcast %broadcast_in_dim3A_374 : f32 to vector<16xf32>
      %swap3A_376 = arith.index_cast %add3A_339 : i32 to index
      %swap3A_377 = arith.constant 112 : index
      %swap3A_378 = tpu.vector_load %arg15[%swap3A_376, %swap3A_377] {strides = array<i32>} : memref<128x128xf32, #tpu.memory_space<vmem>>, vector<16xf32>,
      tpu.vector_store %arg15[%swap3A_376, %swap3A_377], %broadcast_in_dim3A_375 {strides = array<i32>} : memref<128x128xf32, #tpu.memory_space<vmem>>, vector<16xf32>,
    }
    %scan3A_3 = arith.constant 128 : i32
    %mul3A = arith.constant 624 : i32
    %mul3A_4 = arith.muli %mul3A, %arg1 : i32
    %add3A = arith.constant 0 : i32
    %add3A_5 = arith.addi %mul3A_4, %add3A : i32
    %dma_start3A = arith.constant 0 : i32
    %dma_start3A_6 = arith.constant 0 : i32
    %dma_start3A_7 = tpu.memref_slice %arg15[%dma_start3A, %dma_start3A_6] : memref<128x128xf32, #tpu.memory_space<vmem>> -> memref<128x128xf32, #tpu.memory_space<vmem>>
    %dma_start3A_8 = arith.constant 0 : i32
    %dma_start3A_9 = tpu.memref_slice %arg8[%add3A_5, %dma_start3A_8] : memref<10000x128xf32, #tpu.memory_space<vmem_shared>> -> memref<128x128xf32, #tpu.memory_space<vmem_shared>>
    %dma_start3A_10 = arith.constant 0 : i32
    %dma_start3A_11 = tpu.memref_slice %arg8[%add3A_5, %dma_start3A_10] : memref<10000x128xf32, #tpu.memory_space<vmem_shared>> -> memref<128x128xf32, #tpu.memory_space<vmem_shared>>
    %dma_start3A_12 = arith.constant 0 : i32
    %dma_start3A_13 = arith.constant 0 : i32
    %dma_start3A_14 = tpu.memref_slice %arg15[%dma_start3A_12, %dma_start3A_13] : memref<128x128xf32, #tpu.memory_space<vmem>> -> memref<128x128xf32, #tpu.memory_space<vmem>>
    tpu.enqueue_dma source(%dma_start3A_14 : memref<128x128xf32, #tpu.memory_space<vmem>>) target(%dma_start3A_11 : memref<128x128xf32, #tpu.memory_space<vmem_shared>>) target_semaphore(%arg25 : memref<!tpu.dma_semaphore, #tpu.memory_space<semaphore_mem>>)
    %add3A_15 = arith.constant 128 : i32
    %add3A_16 = arith.addi %mul3A_4, %add3A_15 : i32
    %dma_start3A_17 = arith.constant 0 : i32
    %dma_start3A_18 = arith.constant 0 : i32
    %dma_start3A_19 = tpu.memref_slice %arg15[%dma_start3A_17, %dma_start3A_18] : memref<128x128xf32, #tpu.memory_space<vmem>> -> memref<128x128xf32, #tpu.memory_space<vmem>>
    %dma_start3A_20 = arith.constant 0 : i32
    %dma_start3A_21 = tpu.memref_slice %arg8[%add3A_16, %dma_start3A_20] : memref<10000x128xf32, #tpu.memory_space<vmem_shared>> -> memref<128x128xf32, #tpu.memory_space<vmem_shared>>
    %dma_start3A_22 = arith.constant 0 : i32
    %dma_start3A_23 = tpu.memref_slice %arg8[%add3A_16, %dma_start3A_22] : memref<10000x128xf32, #tpu.memory_space<vmem_shared>> -> memref<128x128xf32, #tpu.memory_space<vmem_shared>>
    %dma_start3A_24 = arith.constant 0 : i32
    %dma_start3A_25 = arith.constant 0 : i32
    %dma_start3A_26 = tpu.memref_slice %arg15[%dma_start3A_24, %dma_start3A_25] : memref<128x128xf32, #tpu.memory_space<vmem>> -> memref<128x128xf32, #tpu.memory_space<vmem>>
    tpu.enqueue_dma source(%dma_start3A_26 : memref<128x128xf32, #tpu.memory_space<vmem>>) target(%dma_start3A_23 : memref<128x128xf32, #tpu.memory_space<vmem_shared>>) target_semaphore(%arg25 : memref<!tpu.dma_semaphore, #tpu.memory_space<semaphore_mem>>)
    %add3A_27 = arith.constant 256 : i32
    %add3A_28 = arith.addi %mul3A_4, %add3A_27 : i32
    %dma_start3A_29 = arith.constant 0 : i32
    %dma_start3A_30 = arith.constant 0 : i32
    %dma_start3A_31 = tpu.memref_slice %arg15[%dma_start3A_29, %dma_start3A_30] : memref<128x128xf32, #tpu.memory_space<vmem>> -> memref<128x128xf32, #tpu.memory_space<vmem>>
    %dma_start3A_32 = arith.constant 0 : i32
    %dma_start3A_33 = tpu.memref_slice %arg8[%add3A_28, %dma_start3A_32] : memref<10000x128xf32, #tpu.memory_space<vmem_shared>> -> memref<128x128xf32, #tpu.memory_space<vmem_shared>>
    %dma_start3A_34 = arith.constant 0 : i32
    %dma_start3A_35 = tpu.memref_slice %arg8[%add3A_28, %dma_start3A_34] : memref<10000x128xf32, #tpu.memory_space<vmem_shared>> -> memref<128x128xf32, #tpu.memory_space<vmem_shared>>
    %dma_start3A_36 = arith.constant 0 : i32
    %dma_start3A_37 = arith.constant 0 : i32
    %dma_start3A_38 = tpu.memref_slice %arg15[%dma_start3A_36, %dma_start3A_37] : memref<128x128xf32, #tpu.memory_space<vmem>> -> memref<128x128xf32, #tpu.memory_space<vmem>>
    tpu.enqueue_dma source(%dma_start3A_38 : memref<128x128xf32, #tpu.memory_space<vmem>>) target(%dma_start3A_35 : memref<128x128xf32, #tpu.memory_space<vmem_shared>>) target_semaphore(%arg25 : memref<!tpu.dma_semaphore, #tpu.memory_space<semaphore_mem>>)
    %add3A_39 = arith.constant 384 : i32
    %add3A_40 = arith.addi %mul3A_4, %add3A_39 : i32
    %dma_start3A_41 = arith.constant 0 : i32
    %dma_start3A_42 = arith.constant 0 : i32
    %dma_start3A_43 = tpu.memref_slice %arg15[%dma_start3A_41, %dma_start3A_42] : memref<128x128xf32, #tpu.memory_space<vmem>> -> memref<128x128xf32, #tpu.memory_space<vmem>>
    %dma_start3A_44 = arith.constant 0 : i32
    %dma_start3A_45 = tpu.memref_slice %arg8[%add3A_40, %dma_start3A_44] : memref<10000x128xf32, #tpu.memory_space<vmem_shared>> -> memref<128x128xf32, #tpu.memory_space<vmem_shared>>
    %dma_start3A_46 = arith.constant 0 : i32
    %dma_start3A_47 = tpu.memref_slice %arg8[%add3A_40, %dma_start3A_46] : memref<10000x128xf32, #tpu.memory_space<vmem_shared>> -> memref<128x128xf32, #tpu.memory_space<vmem_shared>>
    %dma_start3A_48 = arith.constant 0 : i32
    %dma_start3A_49 = arith.constant 0 : i32
    %dma_start3A_50 = tpu.memref_slice %arg15[%dma_start3A_48, %dma_start3A_49] : memref<128x128xf32, #tpu.memory_space<vmem>> -> memref<128x128xf32, #tpu.memory_space<vmem>>
    tpu.enqueue_dma source(%dma_start3A_50 : memref<128x128xf32, #tpu.memory_space<vmem>>) target(%dma_start3A_47 : memref<128x128xf32, #tpu.memory_space<vmem_shared>>) target_semaphore(%arg25 : memref<!tpu.dma_semaphore, #tpu.memory_space<semaphore_mem>>)
    %add3A_51 = arith.constant 512 : i32
    %add3A_52 = arith.addi %mul3A_4, %add3A_51 : i32
    %dma_start3A_53 = arith.constant 0 : i32
    %dma_start3A_54 = arith.constant 0 : i32
    %dma_start3A_55 = tpu.memref_slice %arg15[%dma_start3A_53, %dma_start3A_54] : memref<128x128xf32, #tpu.memory_space<vmem>> -> memref<112x128xf32, #tpu.memory_space<vmem>>
    %dma_start3A_56 = arith.constant 0 : i32
    %dma_start3A_57 = tpu.memref_slice %arg8[%add3A_52, %dma_start3A_56] : memref<10000x128xf32, #tpu.memory_space<vmem_shared>> -> memref<112x128xf32, #tpu.memory_space<vmem_shared>>
    %dma_start3A_58 = arith.constant 0 : i32
    %dma_start3A_59 = tpu.memref_slice %arg8[%add3A_52, %dma_start3A_58] : memref<10000x128xf32, #tpu.memory_space<vmem_shared>> -> memref<112x128xf32, #tpu.memory_space<vmem_shared>>
    %dma_start3A_60 = arith.constant 0 : i32
    %dma_start3A_61 = arith.constant 0 : i32
    %dma_start3A_62 = tpu.memref_slice %arg15[%dma_start3A_60, %dma_start3A_61] : memref<128x128xf32, #tpu.memory_space<vmem>> -> memref<112x128xf32, #tpu.memory_space<vmem>>
    tpu.enqueue_dma source(%dma_start3A_62 : memref<112x128xf32, #tpu.memory_space<vmem>>) target(%dma_start3A_59 : memref<112x128xf32, #tpu.memory_space<vmem_shared>>) target_semaphore(%arg25 : memref<!tpu.dma_semaphore, #tpu.memory_space<semaphore_mem>>)
    %eq3A = arith.constant 15 : i32
    %eq3A_63 = arith.cmpi eq, %arg1, %eq3A : i32
    %convert_element_type3A = arith.extui %eq3A_63 : i1 to i32
    %cond3A = arith.constant 0 : i32
    %cond3A_64 = arith.cmpi ne, %convert_element_type3A, %cond3A : i32
    scf.if %cond3A_64 {
      %dma_start3A_335 = arith.constant 0 : i32
      %dma_start3A_336 = arith.constant 0 : i32
      %dma_start3A_337 = tpu.memref_slice %arg15[%dma_start3A_335, %dma_start3A_336] : memref<128x128xf32, #tpu.memory_space<vmem>> -> memref<16x128xf32, #tpu.memory_space<vmem>>
      %dma_start3A_338 = arith.constant 9984 : i32
      %dma_start3A_339 = arith.constant 0 : i32
      %dma_start3A_340 = tpu.memref_slice %arg8[%dma_start3A_338, %dma_start3A_339] : memref<10000x128xf32, #tpu.memory_space<vmem_shared>> -> memref<16x128xf32, #tpu.memory_space<vmem_shared>>
      %dma_start3A_341 = arith.constant 9984 : i32
      %dma_start3A_342 = arith.constant 0 : i32
      %dma_start3A_343 = tpu.memref_slice %arg8[%dma_start3A_341, %dma_start3A_342] : memref<10000x128xf32, #tpu.memory_space<vmem_shared>> -> memref<16x128xf32, #tpu.memory_space<vmem_shared>>
      %dma_start3A_344 = arith.constant 0 : i32
      %dma_start3A_345 = arith.constant 0 : i32
      %dma_start3A_346 = tpu.memref_slice %arg15[%dma_start3A_344, %dma_start3A_345] : memref<128x128xf32, #tpu.memory_space<vmem>> -> memref<16x128xf32, #tpu.memory_space<vmem>>
      tpu.enqueue_dma source(%dma_start3A_346 : memref<16x128xf32, #tpu.memory_space<vmem>>) target(%dma_start3A_343 : memref<16x128xf32, #tpu.memory_space<vmem_shared>>) target_semaphore(%arg25 : memref<!tpu.dma_semaphore, #tpu.memory_space<semaphore_mem>>)
    } else {
    }
    %add3A_65 = arith.constant 0 : i32
    %add3A_66 = arith.addi %mul3A_4, %add3A_65 : i32
    %dma_wait3A = arith.constant 0 : i32
    %dma_wait3A_67 = arith.constant 0 : i32
    %dma_wait3A_68 = tpu.memref_slice %arg15[%dma_wait3A, %dma_wait3A_67] : memref<128x128xf32, #tpu.memory_space<vmem>> -> memref<128x128xf32, #tpu.memory_space<vmem>>
    %dma_wait3A_69 = arith.constant 0 : i32
    %dma_wait3A_70 = tpu.memref_slice %arg8[%add3A_66, %dma_wait3A_69] : memref<10000x128xf32, #tpu.memory_space<vmem_shared>> -> memref<128x128xf32, #tpu.memory_space<vmem_shared>>
    %dma_wait3A_71 = arith.constant 0 : i32
    %dma_wait3A_72 = tpu.memref_slice %arg8[%add3A_66, %dma_wait3A_71] : memref<10000x128xf32, #tpu.memory_space<vmem_shared>> -> memref<128x128xf32, #tpu.memory_space<vmem_shared>>
    %dma_wait3A_73 = arith.constant 0 : i32
    %dma_wait3A_74 = arith.constant 0 : i32
    %dma_wait3A_75 = tpu.memref_slice %arg15[%dma_wait3A_73, %dma_wait3A_74] : memref<128x128xf32, #tpu.memory_space<vmem>> -> memref<128x128xf32, #tpu.memory_space<vmem>>
    tpu.wait_dma2 semaphore(%arg25 : memref<!tpu.dma_semaphore, #tpu.memory_space<semaphore_mem>>) src(%dma_wait3A_75 : memref<128x128xf32, #tpu.memory_space<vmem>>) dst(%dma_wait3A_72 : memref<128x128xf32, #tpu.memory_space<vmem_shared>>)
    %add3A_76 = arith.constant 128 : i32
    %add3A_77 = arith.addi %mul3A_4, %add3A_76 : i32
    %dma_wait3A_78 = arith.constant 0 : i32
    %dma_wait3A_79 = arith.constant 0 : i32
    %dma_wait3A_80 = tpu.memref_slice %arg15[%dma_wait3A_78, %dma_wait3A_79] : memref<128x128xf32, #tpu.memory_space<vmem>> -> memref<128x128xf32, #tpu.memory_space<vmem>>
    %dma_wait3A_81 = arith.constant 0 : i32
    %dma_wait3A_82 = tpu.memref_slice %arg8[%add3A_77, %dma_wait3A_81] : memref<10000x128xf32, #tpu.memory_space<vmem_shared>> -> memref<128x128xf32, #tpu.memory_space<vmem_shared>>
    %dma_wait3A_83 = arith.constant 0 : i32
    %dma_wait3A_84 = tpu.memref_slice %arg8[%add3A_77, %dma_wait3A_83] : memref<10000x128xf32, #tpu.memory_space<vmem_shared>> -> memref<128x128xf32, #tpu.memory_space<vmem_shared>>
    %dma_wait3A_85 = arith.constant 0 : i32
    %dma_wait3A_86 = arith.constant 0 : i32
    %dma_wait3A_87 = tpu.memref_slice %arg15[%dma_wait3A_85, %dma_wait3A_86] : memref<128x128xf32, #tpu.memory_space<vmem>> -> memref<128x128xf32, #tpu.memory_space<vmem>>
    tpu.wait_dma2 semaphore(%arg25 : memref<!tpu.dma_semaphore, #tpu.memory_space<semaphore_mem>>) src(%dma_wait3A_87 : memref<128x128xf32, #tpu.memory_space<vmem>>) dst(%dma_wait3A_84 : memref<128x128xf32, #tpu.memory_space<vmem_shared>>)
    %add3A_88 = arith.constant 256 : i32
    %add3A_89 = arith.addi %mul3A_4, %add3A_88 : i32
    %dma_wait3A_90 = arith.constant 0 : i32
    %dma_wait3A_91 = arith.constant 0 : i32
    %dma_wait3A_92 = tpu.memref_slice %arg15[%dma_wait3A_90, %dma_wait3A_91] : memref<128x128xf32, #tpu.memory_space<vmem>> -> memref<128x128xf32, #tpu.memory_space<vmem>>
    %dma_wait3A_93 = arith.constant 0 : i32
    %dma_wait3A_94 = tpu.memref_slice %arg8[%add3A_89, %dma_wait3A_93] : memref<10000x128xf32, #tpu.memory_space<vmem_shared>> -> memref<128x128xf32, #tpu.memory_space<vmem_shared>>
    %dma_wait3A_95 = arith.constant 0 : i32
    %dma_wait3A_96 = tpu.memref_slice %arg8[%add3A_89, %dma_wait3A_95] : memref<10000x128xf32, #tpu.memory_space<vmem_shared>> -> memref<128x128xf32, #tpu.memory_space<vmem_shared>>
    %dma_wait3A_97 = arith.constant 0 : i32
    %dma_wait3A_98 = arith.constant 0 : i32
    %dma_wait3A_99 = tpu.memref_slice %arg15[%dma_wait3A_97, %dma_wait3A_98] : memref<128x128xf32, #tpu.memory_space<vmem>> -> memref<128x128xf32, #tpu.memory_space<vmem>>
    tpu.wait_dma2 semaphore(%arg25 : memref<!tpu.dma_semaphore, #tpu.memory_space<semaphore_mem>>) src(%dma_wait3A_99 : memref<128x128xf32, #tpu.memory_space<vmem>>) dst(%dma_wait3A_96 : memref<128x128xf32, #tpu.memory_space<vmem_shared>>)
    %add3A_100 = arith.constant 384 : i32
    %add3A_101 = arith.addi %mul3A_4, %add3A_100 : i32
    %dma_wait3A_102 = arith.constant 0 : i32
    %dma_wait3A_103 = arith.constant 0 : i32
    %dma_wait3A_104 = tpu.memref_slice %arg15[%dma_wait3A_102, %dma_wait3A_103] : memref<128x128xf32, #tpu.memory_space<vmem>> -> memref<128x128xf32, #tpu.memory_space<vmem>>
    %dma_wait3A_105 = arith.constant 0 : i32
    %dma_wait3A_106 = tpu.memref_slice %arg8[%add3A_101, %dma_wait3A_105] : memref<10000x128xf32, #tpu.memory_space<vmem_shared>> -> memref<128x128xf32, #tpu.memory_space<vmem_shared>>
    %dma_wait3A_107 = arith.constant 0 : i32
    %dma_wait3A_108 = tpu.memref_slice %arg8[%add3A_101, %dma_wait3A_107] : memref<10000x128xf32, #tpu.memory_space<vmem_shared>> -> memref<128x128xf32, #tpu.memory_space<vmem_shared>>
    %dma_wait3A_109 = arith.constant 0 : i32
    %dma_wait3A_110 = arith.constant 0 : i32
    %dma_wait3A_111 = tpu.memref_slice %arg15[%dma_wait3A_109, %dma_wait3A_110] : memref<128x128xf32, #tpu.memory_space<vmem>> -> memref<128x128xf32, #tpu.memory_space<vmem>>
    tpu.wait_dma2 semaphore(%arg25 : memref<!tpu.dma_semaphore, #tpu.memory_space<semaphore_mem>>) src(%dma_wait3A_111 : memref<128x128xf32, #tpu.memory_space<vmem>>) dst(%dma_wait3A_108 : memref<128x128xf32, #tpu.memory_space<vmem_shared>>)
    %add3A_112 = arith.constant 512 : i32
    %add3A_113 = arith.addi %mul3A_4, %add3A_112 : i32
    %dma_wait3A_114 = arith.constant 0 : i32
    %dma_wait3A_115 = arith.constant 0 : i32
    %dma_wait3A_116 = tpu.memref_slice %arg15[%dma_wait3A_114, %dma_wait3A_115] : memref<128x128xf32, #tpu.memory_space<vmem>> -> memref<112x128xf32, #tpu.memory_space<vmem>>
    %dma_wait3A_117 = arith.constant 0 : i32
    %dma_wait3A_118 = tpu.memref_slice %arg8[%add3A_113, %dma_wait3A_117] : memref<10000x128xf32, #tpu.memory_space<vmem_shared>> -> memref<112x128xf32, #tpu.memory_space<vmem_shared>>
    %dma_wait3A_119 = arith.constant 0 : i32
    %dma_wait3A_120 = tpu.memref_slice %arg8[%add3A_113, %dma_wait3A_119] : memref<10000x128xf32, #tpu.memory_space<vmem_shared>> -> memref<112x128xf32, #tpu.memory_space<vmem_shared>>
    %dma_wait3A_121 = arith.constant 0 : i32
    %dma_wait3A_122 = arith.constant 0 : i32
    %dma_wait3A_123 = tpu.memref_slice %arg15[%dma_wait3A_121, %dma_wait3A_122] : memref<128x128xf32, #tpu.memory_space<vmem>> -> memref<112x128xf32, #tpu.memory_space<vmem>>
    tpu.wait_dma2 semaphore(%arg25 : memref<!tpu.dma_semaphore, #tpu.memory_space<semaphore_mem>>) src(%dma_wait3A_123 : memref<112x128xf32, #tpu.memory_space<vmem>>) dst(%dma_wait3A_120 : memref<112x128xf32, #tpu.memory_space<vmem_shared>>)
    %eq3A_124 = arith.constant 15 : i32
    %eq3A_125 = arith.cmpi eq, %arg1, %eq3A_124 : i32
    %convert_element_type3A_126 = arith.extui %eq3A_125 : i1 to i32
    %cond3A_127 = arith.constant 0 : i32
    %cond3A_128 = arith.cmpi ne, %convert_element_type3A_126, %cond3A_127 : i32
    scf.if %cond3A_128 {
      %dma_wait3A_335 = arith.constant 0 : i32
      %dma_wait3A_336 = arith.constant 0 : i32
      %dma_wait3A_337 = tpu.memref_slice %arg15[%dma_wait3A_335, %dma_wait3A_336] : memref<128x128xf32, #tpu.memory_space<vmem>> -> memref<16x128xf32, #tpu.memory_space<vmem>>
      %dma_wait3A_338 = arith.constant 9984 : i32
      %dma_wait3A_339 = arith.constant 0 : i32
      %dma_wait3A_340 = tpu.memref_slice %arg8[%dma_wait3A_338, %dma_wait3A_339] : memref<10000x128xf32, #tpu.memory_space<vmem_shared>> -> memref<16x128xf32, #tpu.memory_space<vmem_shared>>
      %dma_wait3A_341 = arith.constant 9984 : i32
      %dma_wait3A_342 = arith.constant 0 : i32
      %dma_wait3A_343 = tpu.memref_slice %arg8[%dma_wait3A_341, %dma_wait3A_342] : memref<10000x128xf32, #tpu.memory_space<vmem_shared>> -> memref<16x128xf32, #tpu.memory_space<vmem_shared>>
      %dma_wait3A_344 = arith.constant 0 : i32
      %dma_wait3A_345 = arith.constant 0 : i32
      %dma_wait3A_346 = tpu.memref_slice %arg15[%dma_wait3A_344, %dma_wait3A_345] : memref<128x128xf32, #tpu.memory_space<vmem>> -> memref<16x128xf32, #tpu.memory_space<vmem>>
      tpu.wait_dma2 semaphore(%arg25 : memref<!tpu.dma_semaphore, #tpu.memory_space<semaphore_mem>>) src(%dma_wait3A_346 : memref<16x128xf32, #tpu.memory_space<vmem>>) dst(%dma_wait3A_343 : memref<16x128xf32, #tpu.memory_space<vmem_shared>>)
    } else {
    }
    %eq3A_129 = arith.constant 0 : i32
    %eq3A_130 = arith.cmpi eq, %arg1, %eq3A_129 : i32
    %convert_element_type3A_131 = arith.extui %eq3A_130 : i1 to i32
    %cond3A_132 = arith.constant 0 : i32
    %cond3A_133 = arith.cmpi ne, %convert_element_type3A_131, %cond3A_132 : i32
    scf.if %cond3A_133 {
      "tpu.region"() ({
        %run_scoped3A = tpu.sem_alloc : memref<!tpu.dma_semaphore, #tpu.memory_space<semaphore_mem>>
        tpu.enqueue_dma source(%arg6 : memref<10000xf32, #tpu.memory_space<hbm>>) target(%arg20 : memref<10000xf32, #tpu.memory_space<vmem_shared>>) target_semaphore(%run_scoped3A : memref<!tpu.dma_semaphore, #tpu.memory_space<semaphore_mem>>)
        tpu.wait_dma2 semaphore(%run_scoped3A : memref<!tpu.dma_semaphore, #tpu.memory_space<semaphore_mem>>) src(%arg6 : memref<10000xf32, #tpu.memory_space<hbm>>) dst(%arg20 : memref<10000xf32, #tpu.memory_space<vmem_shared>>)
        tpu.yield
      }) : () -> ()
    } else {
    }
    %barrier3A = arith.constant 0 : index
    tpu.barrier barrier_id(%barrier3A)
    "tpu.region"() ({
      %run_scoped3A = tpu.sem_alloc : memref<!tpu.dma_semaphore, #tpu.memory_space<semaphore_mem>>
      tpu.enqueue_dma source(%arg20 : memref<10000xf32, #tpu.memory_space<vmem_shared>>) target(%arg19 : memref<10000xf32, #tpu.memory_space<vmem>>) target_semaphore(%run_scoped3A : memref<!tpu.dma_semaphore, #tpu.memory_space<semaphore_mem>>)
      tpu.wait_dma2 semaphore(%run_scoped3A : memref<!tpu.dma_semaphore, #tpu.memory_space<semaphore_mem>>) src(%arg20 : memref<10000xf32, #tpu.memory_space<vmem_shared>>) dst(%arg19 : memref<10000xf32, #tpu.memory_space<vmem>>)
      tpu.yield
    }) : () -> ()
    %add3A_134 = arith.constant 0 : i32
    %add3A_135 = arith.addi %add3A_134, %arg1 : i32
    %mul3A_136 = arith.constant 128 : i32
    %mul3A_137 = arith.muli %add3A_135, %mul3A_136 : i32
    %dma_start3A_138 = tpu.memref_slice %arg3[%mul3A_137] : memref<160000xi32, #tpu.memory_space<hbm>> -> memref<128xi32, #tpu.memory_space<hbm>>
    %dma_start3A_139 = tpu.memref_slice %arg3[%mul3A_137] : memref<160000xi32, #tpu.memory_space<hbm>> -> memref<128xi32, #tpu.memory_space<hbm>>
    tpu.enqueue_dma source(%dma_start3A_139 : memref<128xi32, #tpu.memory_space<hbm>>) target(%arg9 : memref<128xi32, #tpu.memory_space<vmem>>) target_semaphore(%arg21 : memref<!tpu.dma_semaphore, #tpu.memory_space<semaphore_mem>>)
    %dma_start3A_140 = tpu.memref_slice %arg4[%mul3A_137] : memref<160000xi32, #tpu.memory_space<hbm>> -> memref<128xi32, #tpu.memory_space<hbm>>
    %dma_start3A_141 = tpu.memref_slice %arg4[%mul3A_137] : memref<160000xi32, #tpu.memory_space<hbm>> -> memref<128xi32, #tpu.memory_space<hbm>>
    tpu.enqueue_dma source(%dma_start3A_141 : memref<128xi32, #tpu.memory_space<hbm>>) target(%arg11 : memref<128xi32, #tpu.memory_space<vmem>>) target_semaphore(%arg21 : memref<!tpu.dma_semaphore, #tpu.memory_space<semaphore_mem>>)
    %dma_start3A_142 = tpu.memref_slice %arg5[%mul3A_137] : memref<160000xf32, #tpu.memory_space<hbm>> -> memref<128xf32, #tpu.memory_space<hbm>>
    %dma_start3A_143 = tpu.memref_slice %arg5[%mul3A_137] : memref<160000xf32, #tpu.memory_space<hbm>> -> memref<128xf32, #tpu.memory_space<hbm>>
    tpu.enqueue_dma source(%dma_start3A_143 : memref<128xf32, #tpu.memory_space<hbm>>) target(%arg13 : memref<128xf32, #tpu.memory_space<vmem>>) target_semaphore(%arg21 : memref<!tpu.dma_semaphore, #tpu.memory_space<semaphore_mem>>)
    %dma_wait3A_144 = arith.constant 0 : i32
    %dma_wait3A_145 = tpu.memref_slice %arg3[%dma_wait3A_144] : memref<160000xi32, #tpu.memory_space<hbm>> -> memref<128xi32, #tpu.memory_space<hbm>>
    %dma_wait3A_146 = arith.constant 0 : i32
    %dma_wait3A_147 = tpu.memref_slice %arg3[%dma_wait3A_146] : memref<160000xi32, #tpu.memory_space<hbm>> -> memref<128xi32, #tpu.memory_space<hbm>>
    tpu.wait_dma2 semaphore(%arg21 : memref<!tpu.dma_semaphore, #tpu.memory_space<semaphore_mem>>) src(%dma_wait3A_147 : memref<128xi32, #tpu.memory_space<hbm>>) dst(%arg9 : memref<128xi32, #tpu.memory_space<vmem>>)
    %dma_wait3A_148 = arith.constant 0 : i32
    %dma_wait3A_149 = tpu.memref_slice %arg4[%dma_wait3A_148] : memref<160000xi32, #tpu.memory_space<hbm>> -> memref<128xi32, #tpu.memory_space<hbm>>
    %dma_wait3A_150 = arith.constant 0 : i32
    %dma_wait3A_151 = tpu.memref_slice %arg4[%dma_wait3A_150] : memref<160000xi32, #tpu.memory_space<hbm>> -> memref<128xi32, #tpu.memory_space<hbm>>
    tpu.wait_dma2 semaphore(%arg21 : memref<!tpu.dma_semaphore, #tpu.memory_space<semaphore_mem>>) src(%dma_wait3A_151 : memref<128xi32, #tpu.memory_space<hbm>>) dst(%arg11 : memref<128xi32, #tpu.memory_space<vmem>>)
    %dma_wait3A_152 = arith.constant 0 : i32
    %dma_wait3A_153 = tpu.memref_slice %arg5[%dma_wait3A_152] : memref<160000xf32, #tpu.memory_space<hbm>> -> memref<128xf32, #tpu.memory_space<hbm>>
    %dma_wait3A_154 = arith.constant 0 : i32
    %dma_wait3A_155 = tpu.memref_slice %arg5[%dma_wait3A_154] : memref<160000xf32, #tpu.memory_space<hbm>> -> memref<128xf32, #tpu.memory_space<hbm>>
    tpu.wait_dma2 semaphore(%arg21 : memref<!tpu.dma_semaphore, #tpu.memory_space<semaphore_mem>>) src(%dma_wait3A_155 : memref<128xf32, #tpu.memory_space<hbm>>) dst(%arg13 : memref<128xf32, #tpu.memory_space<vmem>>)
    %get3A = arith.constant 0 : index
    %get3A_156 = tpu.vector_load %arg9[%get3A] {strides = array<i32>} : memref<128xi32, #tpu.memory_space<vmem>>, vector<16xi32>,
    %add3A_157 = arith.addi %get3A_156, %get3A_156 : vector<16xi32>
    %add3A_158 = vector.broadcast %arg0 : i32 to vector<16xi32>
    %add3A_159 = arith.addi %add3A_157, %add3A_158 : vector<16xi32>
    %swap3A = arith.constant 0 : index
    %swap3A_160 = tpu.vector_load %arg9[%swap3A] {strides = array<i32>} : memref<128xi32, #tpu.memory_space<vmem>>, vector<16xi32>,
    tpu.vector_store %arg9[%swap3A], %add3A_159 {strides = array<i32>} : memref<128xi32, #tpu.memory_space<vmem>>, vector<16xi32>,
    %get3A_161 = arith.constant 16 : index
    %get3A_162 = tpu.vector_load %arg9[%get3A_161] {strides = array<i32>} : memref<128xi32, #tpu.memory_space<vmem>>, vector<16xi32>,
    %add3A_163 = arith.addi %get3A_162, %get3A_162 : vector<16xi32>
    %add3A_164 = vector.broadcast %arg0 : i32 to vector<16xi32>
    %add3A_165 = arith.addi %add3A_163, %add3A_164 : vector<16xi32>
    %swap3A_166 = arith.constant 16 : index
    %swap3A_167 = tpu.vector_load %arg9[%swap3A_166] {strides = array<i32>} : memref<128xi32, #tpu.memory_space<vmem>>, vector<16xi32>,
    tpu.vector_store %arg9[%swap3A_166], %add3A_165 {strides = array<i32>} : memref<128xi32, #tpu.memory_space<vmem>>, vector<16xi32>,
    %get3A_168 = arith.constant 32 : index
    %get3A_169 = tpu.vector_load %arg9[%get3A_168] {strides = array<i32>} : memref<128xi32, #tpu.memory_space<vmem>>, vector<16xi32>,
    %add3A_170 = arith.addi %get3A_169, %get3A_169 : vector<16xi32>
    %add3A_171 = vector.broadcast %arg0 : i32 to vector<16xi32>
    %add3A_172 = arith.addi %add3A_170, %add3A_171 : vector<16xi32>
    %swap3A_173 = arith.constant 32 : index
    %swap3A_174 = tpu.vector_load %arg9[%swap3A_173] {strides = array<i32>} : memref<128xi32, #tpu.memory_space<vmem>>, vector<16xi32>,
    tpu.vector_store %arg9[%swap3A_173], %add3A_172 {strides = array<i32>} : memref<128xi32, #tpu.memory_space<vmem>>, vector<16xi32>,
    %get3A_175 = arith.constant 48 : index
    %get3A_176 = tpu.vector_load %arg9[%get3A_175] {strides = array<i32>} : memref<128xi32, #tpu.memory_space<vmem>>, vector<16xi32>,
    %add3A_177 = arith.addi %get3A_176, %get3A_176 : vector<16xi32>
    %add3A_178 = vector.broadcast %arg0 : i32 to vector<16xi32>
    %add3A_179 = arith.addi %add3A_177, %add3A_178 : vector<16xi32>
    %swap3A_180 = arith.constant 48 : index
    %swap3A_181 = tpu.vector_load %arg9[%swap3A_180] {strides = array<i32>} : memref<128xi32, #tpu.memory_space<vmem>>, vector<16xi32>,
    tpu.vector_store %arg9[%swap3A_180], %add3A_179 {strides = array<i32>} : memref<128xi32, #tpu.memory_space<vmem>>, vector<16xi32>,
    %get3A_182 = arith.constant 64 : index
    %get3A_183 = tpu.vector_load %arg9[%get3A_182] {strides = array<i32>} : memref<128xi32, #tpu.memory_space<vmem>>, vector<16xi32>,
    %add3A_184 = arith.addi %get3A_183, %get3A_183 : vector<16xi32>
    %add3A_185 = vector.broadcast %arg0 : i32 to vector<16xi32>
    %add3A_186 = arith.addi %add3A_184, %add3A_185 : vector<16xi32>
    %swap3A_187 = arith.constant 64 : index
    %swap3A_188 = tpu.vector_load %arg9[%swap3A_187] {strides = array<i32>} : memref<128xi32, #tpu.memory_space<vmem>>, vector<16xi32>,
    tpu.vector_store %arg9[%swap3A_187], %add3A_186 {strides = array<i32>} : memref<128xi32, #tpu.memory_space<vmem>>, vector<16xi32>,
    %get3A_189 = arith.constant 80 : index
    %get3A_190 = tpu.vector_load %arg9[%get3A_189] {strides = array<i32>} : memref<128xi32, #tpu.memory_space<vmem>>, vector<16xi32>,
    %add3A_191 = arith.addi %get3A_190, %get3A_190 : vector<16xi32>
    %add3A_192 = vector.broadcast %arg0 : i32 to vector<16xi32>
    %add3A_193 = arith.addi %add3A_191, %add3A_192 : vector<16xi32>
    %swap3A_194 = arith.constant 80 : index
    %swap3A_195 = tpu.vector_load %arg9[%swap3A_194] {strides = array<i32>} : memref<128xi32, #tpu.memory_space<vmem>>, vector<16xi32>,
    tpu.vector_store %arg9[%swap3A_194], %add3A_193 {strides = array<i32>} : memref<128xi32, #tpu.memory_space<vmem>>, vector<16xi32>,
    %get3A_196 = arith.constant 96 : index
    %get3A_197 = tpu.vector_load %arg9[%get3A_196] {strides = array<i32>} : memref<128xi32, #tpu.memory_space<vmem>>, vector<16xi32>,
    %add3A_198 = arith.addi %get3A_197, %get3A_197 : vector<16xi32>
    %add3A_199 = vector.broadcast %arg0 : i32 to vector<16xi32>
    %add3A_200 = arith.addi %add3A_198, %add3A_199 : vector<16xi32>
    %swap3A_201 = arith.constant 96 : index
    %swap3A_202 = tpu.vector_load %arg9[%swap3A_201] {strides = array<i32>} : memref<128xi32, #tpu.memory_space<vmem>>, vector<16xi32>,
    tpu.vector_store %arg9[%swap3A_201], %add3A_200 {strides = array<i32>} : memref<128xi32, #tpu.memory_space<vmem>>, vector<16xi32>,
    %get3A_203 = arith.constant 112 : index
    %get3A_204 = tpu.vector_load %arg9[%get3A_203] {strides = array<i32>} : memref<128xi32, #tpu.memory_space<vmem>>, vector<16xi32>,
    %add3A_205 = arith.addi %get3A_204, %get3A_204 : vector<16xi32>
    %add3A_206 = vector.broadcast %arg0 : i32 to vector<16xi32>
    %add3A_207 = arith.addi %add3A_205, %add3A_206 : vector<16xi32>
    %swap3A_208 = arith.constant 112 : index
    %swap3A_209 = tpu.vector_load %arg9[%swap3A_208] {strides = array<i32>} : memref<128xi32, #tpu.memory_space<vmem>>, vector<16xi32>,
    tpu.vector_store %arg9[%swap3A_208], %add3A_207 {strides = array<i32>} : memref<128xi32, #tpu.memory_space<vmem>>, vector<16xi32>,
    %dma_start3A_210 = arith.constant 0 : i32
    %dma_start3A_211 = arith.constant 0 : i32
    %dma_start3A_212 = tpu.memref_slice %arg15[%dma_start3A_210, %dma_start3A_211] : memref<128x128xf32, #tpu.memory_space<vmem>> -> memref<64x128xf32, #tpu.memory_space<vmem>>
    %dma_start3A_213 = arith.constant 0 : i32
    %dma_start3A_214 = tpu.memref_slice %arg9[%dma_start3A_213] : memref<128xi32, #tpu.memory_space<vmem>> -> memref<64xi32, #tpu.memory_space<vmem>>
    %dma_start3A_215 = arith.constant 0 : i32
    %dma_start3A_216 = arith.constant 0 : i32
    %dma_start3A_217 = tpu.memref_slice %arg2[%dma_start3A_215, %dma_start3A_216] : memref<20000x128xf32, #tpu.memory_space<hbm>> -> memref<20000x128xf32, #tpu.memory_space<hbm>>
    tpu.enqueue_indirect_dma source(%dma_start3A_217 : memref<20000x128xf32, #tpu.memory_space<hbm>>) target(%dma_start3A_212 : memref<64x128xf32, #tpu.memory_space<vmem>>) offsets(%dma_start3A_214 : memref<64xi32, #tpu.memory_space<vmem>>) semaphore(%arg23 : memref<!tpu.dma_semaphore, #tpu.memory_space<semaphore_mem>>)
    %dma_start3A_218 = arith.constant 64 : i32
    %dma_start3A_219 = arith.constant 0 : i32
    %dma_start3A_220 = tpu.memref_slice %arg15[%dma_start3A_218, %dma_start3A_219] : memref<128x128xf32, #tpu.memory_space<vmem>> -> memref<64x128xf32, #tpu.memory_space<vmem>>
    %dma_start3A_221 = arith.constant 64 : i32
    %dma_start3A_222 = tpu.memref_slice %arg9[%dma_start3A_221] : memref<128xi32, #tpu.memory_space<vmem>> -> memref<64xi32, #tpu.memory_space<vmem>>
    %dma_start3A_223 = arith.constant 0 : i32
    %dma_start3A_224 = arith.constant 0 : i32
    %dma_start3A_225 = tpu.memref_slice %arg2[%dma_start3A_223, %dma_start3A_224] : memref<20000x128xf32, #tpu.memory_space<hbm>> -> memref<20000x128xf32, #tpu.memory_space<hbm>>
    tpu.enqueue_indirect_dma source(%dma_start3A_225 : memref<20000x128xf32, #tpu.memory_space<hbm>>) target(%dma_start3A_220 : memref<64x128xf32, #tpu.memory_space<vmem>>) offsets(%dma_start3A_222 : memref<64xi32, #tpu.memory_space<vmem>>) semaphore(%arg23 : memref<!tpu.dma_semaphore, #tpu.memory_space<semaphore_mem>>)
    %get3A_226 = arith.constant 0 : index
    %get3A_227 = tpu.vector_load %arg9[%get3A_226] {strides = array<i32>} : memref<128xi32, #tpu.memory_space<vmem>>, vector<16xi32>,
    %shift_right_logical3A = arith.constant 1 : i32
    %shift_right_logical3A_228 = vector.broadcast %shift_right_logical3A : i32 to vector<16xi32>
    %shift_right_logical3A_229 = arith.shrui %get3A_227, %shift_right_logical3A_228 : vector<16xi32>
    %get3A_230 = arith.constant 0 : index
    %get3A_231 = tpu.vector_load %arg13[%get3A_230] {strides = array<i32>} : memref<128xf32, #tpu.memory_space<vmem>>, vector<16xf32>,
    %gather3A = tpu.vector_load_idx %arg19[%shift_right_logical3A_229] : memref<10000xf32, #tpu.memory_space<vmem>>[vector<16xi32>], vector<16xf32>,
    %mul3A_232 = arith.mulf %get3A_231, %gather3A : vector<16xf32>
    %swap3A_233 = arith.constant 0 : index
    %swap3A_234 = tpu.vector_load %arg13[%swap3A_233] {strides = array<i32>} : memref<128xf32, #tpu.memory_space<vmem>>, vector<16xf32>,
    tpu.vector_store %arg13[%swap3A_233], %mul3A_232 {strides = array<i32>} : memref<128xf32, #tpu.memory_space<vmem>>, vector<16xf32>,
    %get3A_235 = arith.constant 16 : index
    %get3A_236 = tpu.vector_load %arg9[%get3A_235] {strides = array<i32>} : memref<128xi32, #tpu.memory_space<vmem>>, vector<16xi32>,
    %shift_right_logical3A_237 = arith.constant 1 : i32
    %shift_right_logical3A_238 = vector.broadcast %shift_right_logical3A_237 : i32 to vector<16xi32>
    %shift_right_logical3A_239 = arith.shrui %get3A_236, %shift_right_logical3A_238 : vector<16xi32>
    %get3A_240 = arith.constant 16 : index
    %get3A_241 = tpu.vector_load %arg13[%get3A_240] {strides = array<i32>} : memref<128xf32, #tpu.memory_space<vmem>>, vector<16xf32>,
    %gather3A_242 = tpu.vector_load_idx %arg19[%shift_right_logical3A_239] : memref<10000xf32, #tpu.memory_space<vmem>>[vector<16xi32>], vector<16xf32>,
    %mul3A_243 = arith.mulf %get3A_241, %gather3A_242 : vector<16xf32>
    %swap3A_244 = arith.constant 16 : index
    %swap3A_245 = tpu.vector_load %arg13[%swap3A_244] {strides = array<i32>} : memref<128xf32, #tpu.memory_space<vmem>>, vector<16xf32>,
    tpu.vector_store %arg13[%swap3A_244], %mul3A_243 {strides = array<i32>} : memref<128xf32, #tpu.memory_space<vmem>>, vector<16xf32>,
    %get3A_246 = arith.constant 32 : index
    %get3A_247 = tpu.vector_load %arg9[%get3A_246] {strides = array<i32>} : memref<128xi32, #tpu.memory_space<vmem>>, vector<16xi32>,
    %shift_right_logical3A_248 = arith.constant 1 : i32
    %shift_right_logical3A_249 = vector.broadcast %shift_right_logical3A_248 : i32 to vector<16xi32>
    %shift_right_logical3A_250 = arith.shrui %get3A_247, %shift_right_logical3A_249 : vector<16xi32>
    %get3A_251 = arith.constant 32 : index
    %get3A_252 = tpu.vector_load %arg13[%get3A_251] {strides = array<i32>} : memref<128xf32, #tpu.memory_space<vmem>>, vector<16xf32>,
    %gather3A_253 = tpu.vector_load_idx %arg19[%shift_right_logical3A_250] : memref<10000xf32, #tpu.memory_space<vmem>>[vector<16xi32>], vector<16xf32>,
    %mul3A_254 = arith.mulf %get3A_252, %gather3A_253 : vector<16xf32>
    %swap3A_255 = arith.constant 32 : index
    %swap3A_256 = tpu.vector_load %arg13[%swap3A_255] {strides = array<i32>} : memref<128xf32, #tpu.memory_space<vmem>>, vector<16xf32>,
    tpu.vector_store %arg13[%swap3A_255], %mul3A_254 {strides = array<i32>} : memref<128xf32, #tpu.memory_space<vmem>>, vector<16xf32>,
    %get3A_257 = arith.constant 48 : index
    %get3A_258 = tpu.vector_load %arg9[%get3A_257] {strides = array<i32>} : memref<128xi32, #tpu.memory_space<vmem>>, vector<16xi32>,
    %shift_right_logical3A_259 = arith.constant 1 : i32
    %shift_right_logical3A_260 = vector.broadcast %shift_right_logical3A_259 : i32 to vector<16xi32>
    %shift_right_logical3A_261 = arith.shrui %get3A_258, %shift_right_logical3A_260 : vector<16xi32>
    %get3A_262 = arith.constant 48 : index
    %get3A_263 = tpu.vector_load %arg13[%get3A_262] {strides = array<i32>} : memref<128xf32, #tpu.memory_space<vmem>>, vector<16xf32>,
    %gather3A_264 = tpu.vector_load_idx %arg19[%shift_right_logical3A_261] : memref<10000xf32, #tpu.memory_space<vmem>>[vector<16xi32>], vector<16xf32>,
    %mul3A_265 = arith.mulf %get3A_263, %gather3A_264 : vector<16xf32>
    %swap3A_266 = arith.constant 48 : index
    %swap3A_267 = tpu.vector_load %arg13[%swap3A_266] {strides = array<i32>} : memref<128xf32, #tpu.memory_space<vmem>>, vector<16xf32>,
    tpu.vector_store %arg13[%swap3A_266], %mul3A_265 {strides = array<i32>} : memref<128xf32, #tpu.memory_space<vmem>>, vector<16xf32>,
    %get3A_268 = arith.constant 64 : index
    %get3A_269 = tpu.vector_load %arg9[%get3A_268] {strides = array<i32>} : memref<128xi32, #tpu.memory_space<vmem>>, vector<16xi32>,
    %shift_right_logical3A_270 = arith.constant 1 : i32
    %shift_right_logical3A_271 = vector.broadcast %shift_right_logical3A_270 : i32 to vector<16xi32>
    %shift_right_logical3A_272 = arith.shrui %get3A_269, %shift_right_logical3A_271 : vector<16xi32>
    %get3A_273 = arith.constant 64 : index
    %get3A_274 = tpu.vector_load %arg13[%get3A_273] {strides = array<i32>} : memref<128xf32, #tpu.memory_space<vmem>>, vector<16xf32>,
    %gather3A_275 = tpu.vector_load_idx %arg19[%shift_right_logical3A_272] : memref<10000xf32, #tpu.memory_space<vmem>>[vector<16xi32>], vector<16xf32>,
    %mul3A_276 = arith.mulf %get3A_274, %gather3A_275 : vector<16xf32>
    %swap3A_277 = arith.constant 64 : index
    %swap3A_278 = tpu.vector_load %arg13[%swap3A_277] {strides = array<i32>} : memref<128xf32, #tpu.memory_space<vmem>>, vector<16xf32>,
    tpu.vector_store %arg13[%swap3A_277], %mul3A_276 {strides = array<i32>} : memref<128xf32, #tpu.memory_space<vmem>>, vector<16xf32>,
    %get3A_279 = arith.constant 80 : index
    %get3A_280 = tpu.vector_load %arg9[%get3A_279] {strides = array<i32>} : memref<128xi32, #tpu.memory_space<vmem>>, vector<16xi32>,
    %shift_right_logical3A_281 = arith.constant 1 : i32
    %shift_right_logical3A_282 = vector.broadcast %shift_right_logical3A_281 : i32 to vector<16xi32>
    %shift_right_logical3A_283 = arith.shrui %get3A_280, %shift_right_logical3A_282 : vector<16xi32>
    %get3A_284 = arith.constant 80 : index
    %get3A_285 = tpu.vector_load %arg13[%get3A_284] {strides = array<i32>} : memref<128xf32, #tpu.memory_space<vmem>>, vector<16xf32>,
    %gather3A_286 = tpu.vector_load_idx %arg19[%shift_right_logical3A_283] : memref<10000xf32, #tpu.memory_space<vmem>>[vector<16xi32>], vector<16xf32>,
    %mul3A_287 = arith.mulf %get3A_285, %gather3A_286 : vector<16xf32>
    %swap3A_288 = arith.constant 80 : index
    %swap3A_289 = tpu.vector_load %arg13[%swap3A_288] {strides = array<i32>} : memref<128xf32, #tpu.memory_space<vmem>>, vector<16xf32>,
    tpu.vector_store %arg13[%swap3A_288], %mul3A_287 {strides = array<i32>} : memref<128xf32, #tpu.memory_space<vmem>>, vector<16xf32>,
    %get3A_290 = arith.constant 96 : index
    %get3A_291 = tpu.vector_load %arg9[%get3A_290] {strides = array<i32>} : memref<128xi32, #tpu.memory_space<vmem>>, vector<16xi32>,
    %shift_right_logical3A_292 = arith.constant 1 : i32
    %shift_right_logical3A_293 = vector.broadcast %shift_right_logical3A_292 : i32 to vector<16xi32>
    %shift_right_logical3A_294 = arith.shrui %get3A_291, %shift_right_logical3A_293 : vector<16xi32>
    %get3A_295 = arith.constant 96 : index
    %get3A_296 = tpu.vector_load %arg13[%get3A_295] {strides = array<i32>} : memref<128xf32, #tpu.memory_space<vmem>>, vector<16xf32>,
    %gather3A_297 = tpu.vector_load_idx %arg19[%shift_right_logical3A_294] : memref<10000xf32, #tpu.memory_space<vmem>>[vector<16xi32>], vector<16xf32>,
    %mul3A_298 = arith.mulf %get3A_296, %gather3A_297 : vector<16xf32>
    %swap3A_299 = arith.constant 96 : index
    %swap3A_300 = tpu.vector_load %arg13[%swap3A_299] {strides = array<i32>} : memref<128xf32, #tpu.memory_space<vmem>>, vector<16xf32>,
    tpu.vector_store %arg13[%swap3A_299], %mul3A_298 {strides = array<i32>} : memref<128xf32, #tpu.memory_space<vmem>>, vector<16xf32>,
    %get3A_301 = arith.constant 112 : index
    %get3A_302 = tpu.vector_load %arg9[%get3A_301] {strides = array<i32>} : memref<128xi32, #tpu.memory_space<vmem>>, vector<16xi32>,
    %shift_right_logical3A_303 = arith.constant 1 : i32
    %shift_right_logical3A_304 = vector.broadcast %shift_right_logical3A_303 : i32 to vector<16xi32>
    %shift_right_logical3A_305 = arith.shrui %get3A_302, %shift_right_logical3A_304 : vector<16xi32>
    %get3A_306 = arith.constant 112 : index
    %get3A_307 = tpu.vector_load %arg13[%get3A_306] {strides = array<i32>} : memref<128xf32, #tpu.memory_space<vmem>>, vector<16xf32>,
    %gather3A_308 = tpu.vector_load_idx %arg19[%shift_right_logical3A_305] : memref<10000xf32, #tpu.memory_space<vmem>>[vector<16xi32>], vector<16xf32>,
    %mul3A_309 = arith.mulf %get3A_307, %gather3A_308 : vector<16xf32>
    %swap3A_310 = arith.constant 112 : index
    %swap3A_311 = tpu.vector_load %arg13[%swap3A_310] {strides = array<i32>} : memref<128xf32, #tpu.memory_space<vmem>>, vector<16xf32>,
    tpu.vector_store %arg13[%swap3A_310], %mul3A_309 {strides = array<i32>} : memref<128xf32, #tpu.memory_space<vmem>>, vector<16xf32>,
    %add3A_312 = arith.constant 16 : i32
    %add3A_313 = arith.addi %add3A_312, %arg1 : i32
    %mul3A_314 = arith.constant 128 : i32
    %mul3A_315 = arith.muli %add3A_313, %mul3A_314 : i32
    %dma_start3A_316 = tpu.memref_slice %arg3[%mul3A_315] : memref<160000xi32, #tpu.memory_space<hbm>> -> memref<128xi32, #tpu.memory_space<hbm>>
    %dma_start3A_317 = tpu.memref_slice %arg3[%mul3A_315] : memref<160000xi32, #tpu.memory_space<hbm>> -> memref<128xi32, #tpu.memory_space<hbm>>
    tpu.enqueue_dma source(%dma_start3A_317 : memref<128xi32, #tpu.memory_space<hbm>>) target(%arg10 : memref<128xi32, #tpu.memory_space<vmem>>) target_semaphore(%arg22 : memref<!tpu.dma_semaphore, #tpu.memory_space<semaphore_mem>>)
    %dma_start3A_318 = tpu.memref_slice %arg4[%mul3A_315] : memref<160000xi32, #tpu.memory_space<hbm>> -> memref<128xi32, #tpu.memory_space<hbm>>
    %dma_start3A_319 = tpu.memref_slice %arg4[%mul3A_315] : memref<160000xi32, #tpu.memory_space<hbm>> -> memref<128xi32, #tpu.memory_space<hbm>>
    tpu.enqueue_dma source(%dma_start3A_319 : memref<128xi32, #tpu.memory_space<hbm>>) target(%arg12 : memref<128xi32, #tpu.memory_space<vmem>>) target_semaphore(%arg22 : memref<!tpu.dma_semaphore, #tpu.memory_space<semaphore_mem>>)
    %dma_start3A_320 = tpu.memref_slice %arg5[%mul3A_315] : memref<160000xf32, #tpu.memory_space<hbm>> -> memref<128xf32, #tpu.memory_space<hbm>>
    %dma_start3A_321 = tpu.memref_slice %arg5[%mul3A_315] : memref<160000xf32, #tpu.memory_space<hbm>> -> memref<128xf32, #tpu.memory_space<hbm>>
    tpu.enqueue_dma source(%dma_start3A_321 : memref<128xf32, #tpu.memory_space<hbm>>) target(%arg14 : memref<128xf32, #tpu.memory_space<vmem>>) target_semaphore(%arg22 : memref<!tpu.dma_semaphore, #tpu.memory_space<semaphore_mem>>)
    %scan3A_322 = arith.constant 0 : i32
    %scan3A_323 = arith.constant 40 : i32
    %scan3A_324 = arith.addi %scan3A_322, %scan3A_323 : i32
    %scan3A_325 = arith.constant 1 : i32
    scf.for %scan3A_335 = %scan3A_322 to %scan3A_324 step %scan3A_325  : i32 {
      %mul3A_336 = arith.constant 2 : i32
      %mul3A_337 = arith.muli %scan3A_335, %mul3A_336 : i32
      %add3A_338 = arith.constant 0 : i32
      %add3A_339 = arith.addi %add3A_338, %mul3A_337 : i32
      %add3A_340 = arith.constant 0 : i32
      %add3A_341 = arith.addi %add3A_339, %add3A_340 : i32
      %ge3A = arith.constant 1 : i32
      %ge3A_342 = arith.cmpi sge, %add3A_341, %ge3A : i32
      %sub3A = arith.constant 1 : i32
      %sub3A_343 = arith.subi %add3A_341, %sub3A : i32
      %mul3A_344 = arith.constant 16 : i32
      %mul3A_345 = arith.muli %sub3A_343, %mul3A_344 : i32
      %add3A_346 = arith.addi %mul3A_345, %arg1 : i32
      %lt3A = arith.constant 1250 : i32
      %lt3A_347 = arith.cmpi slt, %add3A_346, %lt3A : i32
      %and3A = arith.andi %ge3A_342, %lt3A_347 : i1
      %convert_element_type3A_348 = arith.extui %and3A : i1 to i32
      %cond3A_349 = arith.constant 0 : i32
      %cond3A_350 = arith.cmpi ne, %convert_element_type3A_348, %cond3A_349 : i32
      scf.if %cond3A_350 {
        %dma_wait3A_422 = arith.constant 0 : i32
        %dma_wait3A_423 = arith.constant 0 : i32
        %dma_wait3A_424 = tpu.memref_slice %arg16[%dma_wait3A_422, %dma_wait3A_423] : memref<128x128xf32, #tpu.memory_space<vmem>> -> memref<64x128xf32, #tpu.memory_space<vmem>>
        %dma_wait3A_425 = arith.constant 0 : i32
        %dma_wait3A_426 = arith.constant 0 : i32
        %dma_wait3A_427 = tpu.memref_slice %arg8[%dma_wait3A_425, %dma_wait3A_426] : memref<10000x128xf32, #tpu.memory_space<vmem_shared>> -> memref<10000x128xf32, #tpu.memory_space<vmem_shared>>
        tpu.wait_indirect_dma semaphore(%arg25 : memref<!tpu.dma_semaphore, #tpu.memory_space<semaphore_mem>>) src(%dma_wait3A_424 : memref<64x128xf32, #tpu.memory_space<vmem>>) dst(%dma_wait3A_427 : memref<10000x128xf32, #tpu.memory_space<vmem_shared>>)
        %dma_wait3A_428 = arith.constant 64 : i32
        %dma_wait3A_429 = arith.constant 0 : i32
        %dma_wait3A_430 = tpu.memref_slice %arg16[%dma_wait3A_428, %dma_wait3A_429] : memref<128x128xf32, #tpu.memory_space<vmem>> -> memref<64x128xf32, #tpu.memory_space<vmem>>
        %dma_wait3A_431 = arith.constant 0 : i32
        %dma_wait3A_432 = arith.constant 0 : i32
        %dma_wait3A_433 = tpu.memref_slice %arg8[%dma_wait3A_431, %dma_wait3A_432] : memref<10000x128xf32, #tpu.memory_space<vmem_shared>> -> memref<10000x128xf32, #tpu.memory_space<vmem_shared>>
        tpu.wait_indirect_dma semaphore(%arg25 : memref<!tpu.dma_semaphore, #tpu.memory_space<semaphore_mem>>) src(%dma_wait3A_430 : memref<64x128xf32, #tpu.memory_space<vmem>>) dst(%dma_wait3A_433 : memref<10000x128xf32, #tpu.memory_space<vmem_shared>>)
      } else {
      }
      %add3A_351 = arith.constant 1 : i32
      %add3A_352 = arith.addi %add3A_341, %add3A_351 : i32
      %mul3A_353 = arith.constant 16 : i32
      %mul3A_354 = arith.muli %add3A_352, %mul3A_353 : i32
      %add3A_355 = arith.addi %mul3A_354, %arg1 : i32
      %lt3A_356 = arith.constant 1250 : i32
      %lt3A_357 = arith.cmpi slt, %add3A_355, %lt3A_356 : i32
      %convert_element_type3A_358 = arith.extui %lt3A_357 : i1 to i32
      %cond3A_359 = arith.constant 0 : i32
      %cond3A_360 = arith.cmpi ne, %convert_element_type3A_358, %cond3A_359 : i32
      scf.if %cond3A_360 {
        %dma_wait3A_422 = arith.constant 0 : i32
        %dma_wait3A_423 = tpu.memref_slice %arg3[%dma_wait3A_422] : memref<160000xi32, #tpu.memory_space<hbm>> -> memref<128xi32, #tpu.memory_space<hbm>>
        %dma_wait3A_424 = arith.constant 0 : i32
        %dma_wait3A_425 = tpu.memref_slice %arg3[%dma_wait3A_424] : memref<160000xi32, #tpu.memory_space<hbm>> -> memref<128xi32, #tpu.memory_space<hbm>>
        tpu.wait_dma2 semaphore(%arg22 : memref<!tpu.dma_semaphore, #tpu.memory_space<semaphore_mem>>) src(%dma_wait3A_425 : memref<128xi32, #tpu.memory_space<hbm>>) dst(%arg10 : memref<128xi32, #tpu.memory_space<vmem>>)
        %dma_wait3A_426 = arith.constant 0 : i32
        %dma_wait3A_427 = tpu.memref_slice %arg4[%dma_wait3A_426] : memref<160000xi32, #tpu.memory_space<hbm>> -> memref<128xi32, #tpu.memory_space<hbm>>
        %dma_wait3A_428 = arith.constant 0 : i32
        %dma_wait3A_429 = tpu.memref_slice %arg4[%dma_wait3A_428] : memref<160000xi32, #tpu.memory_space<hbm>> -> memref<128xi32, #tpu.memory_space<hbm>>
        tpu.wait_dma2 semaphore(%arg22 : memref<!tpu.dma_semaphore, #tpu.memory_space<semaphore_mem>>) src(%dma_wait3A_429 : memref<128xi32, #tpu.memory_space<hbm>>) dst(%arg12 : memref<128xi32, #tpu.memory_space<vmem>>)
        %dma_wait3A_430 = arith.constant 0 : i32
        %dma_wait3A_431 = tpu.memref_slice %arg5[%dma_wait3A_430] : memref<160000xf32, #tpu.memory_space<hbm>> -> memref<128xf32, #tpu.memory_space<hbm>>
        %dma_wait3A_432 = arith.constant 0 : i32
        %dma_wait3A_433 = tpu.memref_slice %arg5[%dma_wait3A_432] : memref<160000xf32, #tpu.memory_space<hbm>> -> memref<128xf32, #tpu.memory_space<hbm>>
        tpu.wait_dma2 semaphore(%arg22 : memref<!tpu.dma_semaphore, #tpu.memory_space<semaphore_mem>>) src(%dma_wait3A_433 : memref<128xf32, #tpu.memory_space<hbm>>) dst(%arg14 : memref<128xf32, #tpu.memory_space<vmem>>)
        %get3A_434 = arith.constant 0 : index
        %get3A_435 = tpu.vector_load %arg10[%get3A_434] {strides = array<i32>} : memref<128xi32, #tpu.memory_space<vmem>>, vector<16xi32>,
        %add3A_436 = arith.addi %get3A_435, %get3A_435 : vector<16xi32>
        %add3A_437 = vector.broadcast %arg0 : i32 to vector<16xi32>
        %add3A_438 = arith.addi %add3A_436, %add3A_437 : vector<16xi32>
        %swap3A_439 = arith.constant 0 : index
        %swap3A_440 = tpu.vector_load %arg10[%swap3A_439] {strides = array<i32>} : memref<128xi32, #tpu.memory_space<vmem>>, vector<16xi32>,
        tpu.vector_store %arg10[%swap3A_439], %add3A_438 {strides = array<i32>} : memref<128xi32, #tpu.memory_space<vmem>>, vector<16xi32>,
        %get3A_441 = arith.constant 16 : index
        %get3A_442 = tpu.vector_load %arg10[%get3A_441] {strides = array<i32>} : memref<128xi32, #tpu.memory_space<vmem>>, vector<16xi32>,
        %add3A_443 = arith.addi %get3A_442, %get3A_442 : vector<16xi32>
        %add3A_444 = vector.broadcast %arg0 : i32 to vector<16xi32>
        %add3A_445 = arith.addi %add3A_443, %add3A_444 : vector<16xi32>
        %swap3A_446 = arith.constant 16 : index
        %swap3A_447 = tpu.vector_load %arg10[%swap3A_446] {strides = array<i32>} : memref<128xi32, #tpu.memory_space<vmem>>, vector<16xi32>,
        tpu.vector_store %arg10[%swap3A_446], %add3A_445 {strides = array<i32>} : memref<128xi32, #tpu.memory_space<vmem>>, vector<16xi32>,
        %get3A_448 = arith.constant 32 : index
        %get3A_449 = tpu.vector_load %arg10[%get3A_448] {strides = array<i32>} : memref<128xi32, #tpu.memory_space<vmem>>, vector<16xi32>,
        %add3A_450 = arith.addi %get3A_449, %get3A_449 : vector<16xi32>
        %add3A_451 = vector.broadcast %arg0 : i32 to vector<16xi32>
        %add3A_452 = arith.addi %add3A_450, %add3A_451 : vector<16xi32>
        %swap3A_453 = arith.constant 32 : index
        %swap3A_454 = tpu.vector_load %arg10[%swap3A_453] {strides = array<i32>} : memref<128xi32, #tpu.memory_space<vmem>>, vector<16xi32>,
        tpu.vector_store %arg10[%swap3A_453], %add3A_452 {strides = array<i32>} : memref<128xi32, #tpu.memory_space<vmem>>, vector<16xi32>,
        %get3A_455 = arith.constant 48 : index
        %get3A_456 = tpu.vector_load %arg10[%get3A_455] {strides = array<i32>} : memref<128xi32, #tpu.memory_space<vmem>>, vector<16xi32>,
        %add3A_457 = arith.addi %get3A_456, %get3A_456 : vector<16xi32>
        %add3A_458 = vector.broadcast %arg0 : i32 to vector<16xi32>
        %add3A_459 = arith.addi %add3A_457, %add3A_458 : vector<16xi32>
        %swap3A_460 = arith.constant 48 : index
        %swap3A_461 = tpu.vector_load %arg10[%swap3A_460] {strides = array<i32>} : memref<128xi32, #tpu.memory_space<vmem>>, vector<16xi32>,
        tpu.vector_store %arg10[%swap3A_460], %add3A_459 {strides = array<i32>} : memref<128xi32, #tpu.memory_space<vmem>>, vector<16xi32>,
        %get3A_462 = arith.constant 64 : index
        %get3A_463 = tpu.vector_load %arg10[%get3A_462] {strides = array<i32>} : memref<128xi32, #tpu.memory_space<vmem>>, vector<16xi32>,
        %add3A_464 = arith.addi %get3A_463, %get3A_463 : vector<16xi32>
        %add3A_465 = vector.broadcast %arg0 : i32 to vector<16xi32>
        %add3A_466 = arith.addi %add3A_464, %add3A_465 : vector<16xi32>
        %swap3A_467 = arith.constant 64 : index
        %swap3A_468 = tpu.vector_load %arg10[%swap3A_467] {strides = array<i32>} : memref<128xi32, #tpu.memory_space<vmem>>, vector<16xi32>,
        tpu.vector_store %arg10[%swap3A_467], %add3A_466 {strides = array<i32>} : memref<128xi32, #tpu.memory_space<vmem>>, vector<16xi32>,
        %get3A_469 = arith.constant 80 : index
        %get3A_470 = tpu.vector_load %arg10[%get3A_469] {strides = array<i32>} : memref<128xi32, #tpu.memory_space<vmem>>, vector<16xi32>,
        %add3A_471 = arith.addi %get3A_470, %get3A_470 : vector<16xi32>
        %add3A_472 = vector.broadcast %arg0 : i32 to vector<16xi32>
        %add3A_473 = arith.addi %add3A_471, %add3A_472 : vector<16xi32>
        %swap3A_474 = arith.constant 80 : index
        %swap3A_475 = tpu.vector_load %arg10[%swap3A_474] {strides = array<i32>} : memref<128xi32, #tpu.memory_space<vmem>>, vector<16xi32>,
        tpu.vector_store %arg10[%swap3A_474], %add3A_473 {strides = array<i32>} : memref<128xi32, #tpu.memory_space<vmem>>, vector<16xi32>,
        %get3A_476 = arith.constant 96 : index
        %get3A_477 = tpu.vector_load %arg10[%get3A_476] {strides = array<i32>} : memref<128xi32, #tpu.memory_space<vmem>>, vector<16xi32>,
        %add3A_478 = arith.addi %get3A_477, %get3A_477 : vector<16xi32>
        %add3A_479 = vector.broadcast %arg0 : i32 to vector<16xi32>
        %add3A_480 = arith.addi %add3A_478, %add3A_479 : vector<16xi32>
        %swap3A_481 = arith.constant 96 : index
        %swap3A_482 = tpu.vector_load %arg10[%swap3A_481] {strides = array<i32>} : memref<128xi32, #tpu.memory_space<vmem>>, vector<16xi32>,
        tpu.vector_store %arg10[%swap3A_481], %add3A_480 {strides = array<i32>} : memref<128xi32, #tpu.memory_space<vmem>>, vector<16xi32>,
        %get3A_483 = arith.constant 112 : index
        %get3A_484 = tpu.vector_load %arg10[%get3A_483] {strides = array<i32>} : memref<128xi32, #tpu.memory_space<vmem>>, vector<16xi32>,
        %add3A_485 = arith.addi %get3A_484, %get3A_484 : vector<16xi32>
        %add3A_486 = vector.broadcast %arg0 : i32 to vector<16xi32>
        %add3A_487 = arith.addi %add3A_485, %add3A_486 : vector<16xi32>
        %swap3A_488 = arith.constant 112 : index
        %swap3A_489 = tpu.vector_load %arg10[%swap3A_488] {strides = array<i32>} : memref<128xi32, #tpu.memory_space<vmem>>, vector<16xi32>,
        tpu.vector_store %arg10[%swap3A_488], %add3A_487 {strides = array<i32>} : memref<128xi32, #tpu.memory_space<vmem>>, vector<16xi32>,
        %dma_start3A_490 = arith.constant 0 : i32
        %dma_start3A_491 = arith.constant 0 : i32
        %dma_start3A_492 = tpu.memref_slice %arg16[%dma_start3A_490, %dma_start3A_491] : memref<128x128xf32, #tpu.memory_space<vmem>> -> memref<64x128xf32, #tpu.memory_space<vmem>>
        %dma_start3A_493 = arith.constant 0 : i32
        %dma_start3A_494 = tpu.memref_slice %arg10[%dma_start3A_493] : memref<128xi32, #tpu.memory_space<vmem>> -> memref<64xi32, #tpu.memory_space<vmem>>
        %dma_start3A_495 = arith.constant 0 : i32
        %dma_start3A_496 = arith.constant 0 : i32
        %dma_start3A_497 = tpu.memref_slice %arg2[%dma_start3A_495, %dma_start3A_496] : memref<20000x128xf32, #tpu.memory_space<hbm>> -> memref<20000x128xf32, #tpu.memory_space<hbm>>
        tpu.enqueue_indirect_dma source(%dma_start3A_497 : memref<20000x128xf32, #tpu.memory_space<hbm>>) target(%dma_start3A_492 : memref<64x128xf32, #tpu.memory_space<vmem>>) offsets(%dma_start3A_494 : memref<64xi32, #tpu.memory_space<vmem>>) semaphore(%arg24 : memref<!tpu.dma_semaphore, #tpu.memory_space<semaphore_mem>>)
        %dma_start3A_498 = arith.constant 64 : i32
        %dma_start3A_499 = arith.constant 0 : i32
        %dma_start3A_500 = tpu.memref_slice %arg16[%dma_start3A_498, %dma_start3A_499] : memref<128x128xf32, #tpu.memory_space<vmem>> -> memref<64x128xf32, #tpu.memory_space<vmem>>
        %dma_start3A_501 = arith.constant 64 : i32
        %dma_start3A_502 = tpu.memref_slice %arg10[%dma_start3A_501] : memref<128xi32, #tpu.memory_space<vmem>> -> memref<64xi32, #tpu.memory_space<vmem>>
        %dma_start3A_503 = arith.constant 0 : i32
        %dma_start3A_504 = arith.constant 0 : i32
        %dma_start3A_505 = tpu.memref_slice %arg2[%dma_start3A_503, %dma_start3A_504] : memref<20000x128xf32, #tpu.memory_space<hbm>> -> memref<20000x128xf32, #tpu.memory_space<hbm>>
        tpu.enqueue_indirect_dma source(%dma_start3A_505 : memref<20000x128xf32, #tpu.memory_space<hbm>>) target(%dma_start3A_500 : memref<64x128xf32, #tpu.memory_space<vmem>>) offsets(%dma_start3A_502 : memref<64xi32, #tpu.memory_space<vmem>>) semaphore(%arg24 : memref<!tpu.dma_semaphore, #tpu.memory_space<semaphore_mem>>)
        %get3A_506 = arith.constant 0 : index
        %get3A_507 = tpu.vector_load %arg10[%get3A_506] {strides = array<i32>} : memref<128xi32, #tpu.memory_space<vmem>>, vector<16xi32>,
        %shift_right_logical3A_508 = arith.constant 1 : i32
        %shift_right_logical3A_509 = vector.broadcast %shift_right_logical3A_508 : i32 to vector<16xi32>
        %shift_right_logical3A_510 = arith.shrui %get3A_507, %shift_right_logical3A_509 : vector<16xi32>
        %get3A_511 = arith.constant 0 : index
        %get3A_512 = tpu.vector_load %arg14[%get3A_511] {strides = array<i32>} : memref<128xf32, #tpu.memory_space<vmem>>, vector<16xf32>,
        %gather3A_513 = tpu.vector_load_idx %arg19[%shift_right_logical3A_510] : memref<10000xf32, #tpu.memory_space<vmem>>[vector<16xi32>], vector<16xf32>,
        %mul3A_514 = arith.mulf %get3A_512, %gather3A_513 : vector<16xf32>
        %swap3A_515 = arith.constant 0 : index
        %swap3A_516 = tpu.vector_load %arg14[%swap3A_515] {strides = array<i32>} : memref<128xf32, #tpu.memory_space<vmem>>, vector<16xf32>,
        tpu.vector_store %arg14[%swap3A_515], %mul3A_514 {strides = array<i32>} : memref<128xf32, #tpu.memory_space<vmem>>, vector<16xf32>,
        %get3A_517 = arith.constant 16 : index
        %get3A_518 = tpu.vector_load %arg10[%get3A_517] {strides = array<i32>} : memref<128xi32, #tpu.memory_space<vmem>>, vector<16xi32>,
        %shift_right_logical3A_519 = arith.constant 1 : i32
        %shift_right_logical3A_520 = vector.broadcast %shift_right_logical3A_519 : i32 to vector<16xi32>
        %shift_right_logical3A_521 = arith.shrui %get3A_518, %shift_right_logical3A_520 : vector<16xi32>
        %get3A_522 = arith.constant 16 : index
        %get3A_523 = tpu.vector_load %arg14[%get3A_522] {strides = array<i32>} : memref<128xf32, #tpu.memory_space<vmem>>, vector<16xf32>,
        %gather3A_524 = tpu.vector_load_idx %arg19[%shift_right_logical3A_521] : memref<10000xf32, #tpu.memory_space<vmem>>[vector<16xi32>], vector<16xf32>,
        %mul3A_525 = arith.mulf %get3A_523, %gather3A_524 : vector<16xf32>
        %swap3A_526 = arith.constant 16 : index
        %swap3A_527 = tpu.vector_load %arg14[%swap3A_526] {strides = array<i32>} : memref<128xf32, #tpu.memory_space<vmem>>, vector<16xf32>,
        tpu.vector_store %arg14[%swap3A_526], %mul3A_525 {strides = array<i32>} : memref<128xf32, #tpu.memory_space<vmem>>, vector<16xf32>,
        %get3A_528 = arith.constant 32 : index
        %get3A_529 = tpu.vector_load %arg10[%get3A_528] {strides = array<i32>} : memref<128xi32, #tpu.memory_space<vmem>>, vector<16xi32>,
        %shift_right_logical3A_530 = arith.constant 1 : i32
        %shift_right_logical3A_531 = vector.broadcast %shift_right_logical3A_530 : i32 to vector<16xi32>
        %shift_right_logical3A_532 = arith.shrui %get3A_529, %shift_right_logical3A_531 : vector<16xi32>
        %get3A_533 = arith.constant 32 : index
        %get3A_534 = tpu.vector_load %arg14[%get3A_533] {strides = array<i32>} : memref<128xf32, #tpu.memory_space<vmem>>, vector<16xf32>,
        %gather3A_535 = tpu.vector_load_idx %arg19[%shift_right_logical3A_532] : memref<10000xf32, #tpu.memory_space<vmem>>[vector<16xi32>], vector<16xf32>,
        %mul3A_536 = arith.mulf %get3A_534, %gather3A_535 : vector<16xf32>
        %swap3A_537 = arith.constant 32 : index
        %swap3A_538 = tpu.vector_load %arg14[%swap3A_537] {strides = array<i32>} : memref<128xf32, #tpu.memory_space<vmem>>, vector<16xf32>,
        tpu.vector_store %arg14[%swap3A_537], %mul3A_536 {strides = array<i32>} : memref<128xf32, #tpu.memory_space<vmem>>, vector<16xf32>,
        %get3A_539 = arith.constant 48 : index
        %get3A_540 = tpu.vector_load %arg10[%get3A_539] {strides = array<i32>} : memref<128xi32, #tpu.memory_space<vmem>>, vector<16xi32>,
        %shift_right_logical3A_541 = arith.constant 1 : i32
        %shift_right_logical3A_542 = vector.broadcast %shift_right_logical3A_541 : i32 to vector<16xi32>
        %shift_right_logical3A_543 = arith.shrui %get3A_540, %shift_right_logical3A_542 : vector<16xi32>
        %get3A_544 = arith.constant 48 : index
        %get3A_545 = tpu.vector_load %arg14[%get3A_544] {strides = array<i32>} : memref<128xf32, #tpu.memory_space<vmem>>, vector<16xf32>,
        %gather3A_546 = tpu.vector_load_idx %arg19[%shift_right_logical3A_543] : memref<10000xf32, #tpu.memory_space<vmem>>[vector<16xi32>], vector<16xf32>,
        %mul3A_547 = arith.mulf %get3A_545, %gather3A_546 : vector<16xf32>
        %swap3A_548 = arith.constant 48 : index
        %swap3A_549 = tpu.vector_load %arg14[%swap3A_548] {strides = array<i32>} : memref<128xf32, #tpu.memory_space<vmem>>, vector<16xf32>,
        tpu.vector_store %arg14[%swap3A_548], %mul3A_547 {strides = array<i32>} : memref<128xf32, #tpu.memory_space<vmem>>, vector<16xf32>,
        %get3A_550 = arith.constant 64 : index
        %get3A_551 = tpu.vector_load %arg10[%get3A_550] {strides = array<i32>} : memref<128xi32, #tpu.memory_space<vmem>>, vector<16xi32>,
        %shift_right_logical3A_552 = arith.constant 1 : i32
        %shift_right_logical3A_553 = vector.broadcast %shift_right_logical3A_552 : i32 to vector<16xi32>
        %shift_right_logical3A_554 = arith.shrui %get3A_551, %shift_right_logical3A_553 : vector<16xi32>
        %get3A_555 = arith.constant 64 : index
        %get3A_556 = tpu.vector_load %arg14[%get3A_555] {strides = array<i32>} : memref<128xf32, #tpu.memory_space<vmem>>, vector<16xf32>,
        %gather3A_557 = tpu.vector_load_idx %arg19[%shift_right_logical3A_554] : memref<10000xf32, #tpu.memory_space<vmem>>[vector<16xi32>], vector<16xf32>,
        %mul3A_558 = arith.mulf %get3A_556, %gather3A_557 : vector<16xf32>
        %swap3A_559 = arith.constant 64 : index
        %swap3A_560 = tpu.vector_load %arg14[%swap3A_559] {strides = array<i32>} : memref<128xf32, #tpu.memory_space<vmem>>, vector<16xf32>,
        tpu.vector_store %arg14[%swap3A_559], %mul3A_558 {strides = array<i32>} : memref<128xf32, #tpu.memory_space<vmem>>, vector<16xf32>,
        %get3A_561 = arith.constant 80 : index
        %get3A_562 = tpu.vector_load %arg10[%get3A_561] {strides = array<i32>} : memref<128xi32, #tpu.memory_space<vmem>>, vector<16xi32>,
        %shift_right_logical3A_563 = arith.constant 1 : i32
        %shift_right_logical3A_564 = vector.broadcast %shift_right_logical3A_563 : i32 to vector<16xi32>
        %shift_right_logical3A_565 = arith.shrui %get3A_562, %shift_right_logical3A_564 : vector<16xi32>
        %get3A_566 = arith.constant 80 : index
        %get3A_567 = tpu.vector_load %arg14[%get3A_566] {strides = array<i32>} : memref<128xf32, #tpu.memory_space<vmem>>, vector<16xf32>,
        %gather3A_568 = tpu.vector_load_idx %arg19[%shift_right_logical3A_565] : memref<10000xf32, #tpu.memory_space<vmem>>[vector<16xi32>], vector<16xf32>,
        %mul3A_569 = arith.mulf %get3A_567, %gather3A_568 : vector<16xf32>
        %swap3A_570 = arith.constant 80 : index
        %swap3A_571 = tpu.vector_load %arg14[%swap3A_570] {strides = array<i32>} : memref<128xf32, #tpu.memory_space<vmem>>, vector<16xf32>,
        tpu.vector_store %arg14[%swap3A_570], %mul3A_569 {strides = array<i32>} : memref<128xf32, #tpu.memory_space<vmem>>, vector<16xf32>,
        %get3A_572 = arith.constant 96 : index
        %get3A_573 = tpu.vector_load %arg10[%get3A_572] {strides = array<i32>} : memref<128xi32, #tpu.memory_space<vmem>>, vector<16xi32>,
        %shift_right_logical3A_574 = arith.constant 1 : i32
        %shift_right_logical3A_575 = vector.broadcast %shift_right_logical3A_574 : i32 to vector<16xi32>
        %shift_right_logical3A_576 = arith.shrui %get3A_573, %shift_right_logical3A_575 : vector<16xi32>
        %get3A_577 = arith.constant 96 : index
        %get3A_578 = tpu.vector_load %arg14[%get3A_577] {strides = array<i32>} : memref<128xf32, #tpu.memory_space<vmem>>, vector<16xf32>,
        %gather3A_579 = tpu.vector_load_idx %arg19[%shift_right_logical3A_576] : memref<10000xf32, #tpu.memory_space<vmem>>[vector<16xi32>], vector<16xf32>,
        %mul3A_580 = arith.mulf %get3A_578, %gather3A_579 : vector<16xf32>
        %swap3A_581 = arith.constant 96 : index
        %swap3A_582 = tpu.vector_load %arg14[%swap3A_581] {strides = array<i32>} : memref<128xf32, #tpu.memory_space<vmem>>, vector<16xf32>,
        tpu.vector_store %arg14[%swap3A_581], %mul3A_580 {strides = array<i32>} : memref<128xf32, #tpu.memory_space<vmem>>, vector<16xf32>,
        %get3A_583 = arith.constant 112 : index
        %get3A_584 = tpu.vector_load %arg10[%get3A_583] {strides = array<i32>} : memref<128xi32, #tpu.memory_space<vmem>>, vector<16xi32>,
        %shift_right_logical3A_585 = arith.constant 1 : i32
        %shift_right_logical3A_586 = vector.broadcast %shift_right_logical3A_585 : i32 to vector<16xi32>
        %shift_right_logical3A_587 = arith.shrui %get3A_584, %shift_right_logical3A_586 : vector<16xi32>
        %get3A_588 = arith.constant 112 : index
        %get3A_589 = tpu.vector_load %arg14[%get3A_588] {strides = array<i32>} : memref<128xf32, #tpu.memory_space<vmem>>, vector<16xf32>,
        %gather3A_590 = tpu.vector_load_idx %arg19[%shift_right_logical3A_587] : memref<10000xf32, #tpu.memory_space<vmem>>[vector<16xi32>], vector<16xf32>,
        %mul3A_591 = arith.mulf %get3A_589, %gather3A_590 : vector<16xf32>
        %swap3A_592 = arith.constant 112 : index
        %swap3A_593 = tpu.vector_load %arg14[%swap3A_592] {strides = array<i32>} : memref<128xf32, #tpu.memory_space<vmem>>, vector<16xf32>,
        tpu.vector_store %arg14[%swap3A_592], %mul3A_591 {strides = array<i32>} : memref<128xf32, #tpu.memory_space<vmem>>, vector<16xf32>,
      } else {
      }
      %mul3A_361 = arith.constant 16 : i32
      %mul3A_362 = arith.muli %add3A_341, %mul3A_361 : i32
      %add3A_363 = arith.addi %mul3A_362, %arg1 : i32
      %lt3A_364 = arith.constant 1250 : i32
      %lt3A_365 = arith.cmpi slt, %add3A_363, %lt3A_364 : i32
      %convert_element_type3A_366 = arith.extui %lt3A_365 : i1 to i32
      %cond3A_367 = arith.constant 0 : i32
      %cond3A_368 = arith.cmpi ne, %convert_element_type3A_366, %cond3A_367 : i32
      scf.if %cond3A_368 {
        %dma_wait3A_422 = arith.constant 0 : i32
        %dma_wait3A_423 = arith.constant 0 : i32
        %dma_wait3A_424 = tpu.memref_slice %arg15[%dma_wait3A_422, %dma_wait3A_423] : memref<128x128xf32, #tpu.memory_space<vmem>> -> memref<64x128xf32, #tpu.memory_space<vmem>>
        %dma_wait3A_425 = arith.constant 0 : i32
        %dma_wait3A_426 = tpu.memref_slice %arg9[%dma_wait3A_425] : memref<128xi32, #tpu.memory_space<vmem>> -> memref<64xi32, #tpu.memory_space<vmem>>
        %dma_wait3A_427 = arith.constant 0 : i32
        %dma_wait3A_428 = arith.constant 0 : i32
        %dma_wait3A_429 = tpu.memref_slice %arg2[%dma_wait3A_427, %dma_wait3A_428] : memref<20000x128xf32, #tpu.memory_space<hbm>> -> memref<20000x128xf32, #tpu.memory_space<hbm>>
        tpu.wait_indirect_dma semaphore(%arg23 : memref<!tpu.dma_semaphore, #tpu.memory_space<semaphore_mem>>) src(%dma_wait3A_429 : memref<20000x128xf32, #tpu.memory_space<hbm>>) dst(%dma_wait3A_424 : memref<64x128xf32, #tpu.memory_space<vmem>>)
        %dma_wait3A_430 = arith.constant 64 : i32
        %dma_wait3A_431 = arith.constant 0 : i32
        %dma_wait3A_432 = tpu.memref_slice %arg15[%dma_wait3A_430, %dma_wait3A_431] : memref<128x128xf32, #tpu.memory_space<vmem>> -> memref<64x128xf32, #tpu.memory_space<vmem>>
        %dma_wait3A_433 = arith.constant 64 : i32
        %dma_wait3A_434 = tpu.memref_slice %arg9[%dma_wait3A_433] : memref<128xi32, #tpu.memory_space<vmem>> -> memref<64xi32, #tpu.memory_space<vmem>>
        %dma_wait3A_435 = arith.constant 0 : i32
        %dma_wait3A_436 = arith.constant 0 : i32
        %dma_wait3A_437 = tpu.memref_slice %arg2[%dma_wait3A_435, %dma_wait3A_436] : memref<20000x128xf32, #tpu.memory_space<hbm>> -> memref<20000x128xf32, #tpu.memory_space<hbm>>
        tpu.wait_indirect_dma semaphore(%arg23 : memref<!tpu.dma_semaphore, #tpu.memory_space<semaphore_mem>>) src(%dma_wait3A_437 : memref<20000x128xf32, #tpu.memory_space<hbm>>) dst(%dma_wait3A_432 : memref<64x128xf32, #tpu.memory_space<vmem>>)
        %get3A_438 = arith.constant 0 : index
        %get3A_439 = tpu.vector_load %arg11[%get3A_438] {strides = array<i32>} : memref<128xi32, #tpu.memory_space<vmem>>, vector<16xi32>,
        %swap3A_440 = arith.constant 0 : index
        %swap3A_441 = tpu.vector_load %arg17[%swap3A_440] {strides = array<i32>} : memref<64xi32, #tpu.memory_space<vmem>>, vector<16xi32>,
        tpu.vector_store %arg17[%swap3A_440], %get3A_439 {strides = array<i32>} : memref<64xi32, #tpu.memory_space<vmem>>, vector<16xi32>,
        %get3A_442 = arith.constant 16 : index
        %get3A_443 = tpu.vector_load %arg11[%get3A_442] {strides = array<i32>} : memref<128xi32, #tpu.memory_space<vmem>>, vector<16xi32>,
        %swap3A_444 = arith.constant 16 : index
        %swap3A_445 = tpu.vector_load %arg17[%swap3A_444] {strides = array<i32>} : memref<64xi32, #tpu.memory_space<vmem>>, vector<16xi32>,
        tpu.vector_store %arg17[%swap3A_444], %get3A_443 {strides = array<i32>} : memref<64xi32, #tpu.memory_space<vmem>>, vector<16xi32>,
        %get3A_446 = arith.constant 32 : index
        %get3A_447 = tpu.vector_load %arg11[%get3A_446] {strides = array<i32>} : memref<128xi32, #tpu.memory_space<vmem>>, vector<16xi32>,
        %swap3A_448 = arith.constant 32 : index
        %swap3A_449 = tpu.vector_load %arg17[%swap3A_448] {strides = array<i32>} : memref<64xi32, #tpu.memory_space<vmem>>, vector<16xi32>,
        tpu.vector_store %arg17[%swap3A_448], %get3A_447 {strides = array<i32>} : memref<64xi32, #tpu.memory_space<vmem>>, vector<16xi32>,
        %get3A_450 = arith.constant 48 : index
        %get3A_451 = tpu.vector_load %arg11[%get3A_450] {strides = array<i32>} : memref<128xi32, #tpu.memory_space<vmem>>, vector<16xi32>,
        %swap3A_452 = arith.constant 48 : index
        %swap3A_453 = tpu.vector_load %arg17[%swap3A_452] {strides = array<i32>} : memref<64xi32, #tpu.memory_space<vmem>>, vector<16xi32>,
        tpu.vector_store %arg17[%swap3A_452], %get3A_451 {strides = array<i32>} : memref<64xi32, #tpu.memory_space<vmem>>, vector<16xi32>,
        %get3A_454 = arith.constant 64 : index
        %get3A_455 = tpu.vector_load %arg11[%get3A_454] {strides = array<i32>} : memref<128xi32, #tpu.memory_space<vmem>>, vector<16xi32>,
        %swap3A_456 = arith.constant 0 : index
        %swap3A_457 = tpu.vector_load %arg18[%swap3A_456] {strides = array<i32>} : memref<64xi32, #tpu.memory_space<vmem>>, vector<16xi32>,
        tpu.vector_store %arg18[%swap3A_456], %get3A_455 {strides = array<i32>} : memref<64xi32, #tpu.memory_space<vmem>>, vector<16xi32>,
        %get3A_458 = arith.constant 80 : index
        %get3A_459 = tpu.vector_load %arg11[%get3A_458] {strides = array<i32>} : memref<128xi32, #tpu.memory_space<vmem>>, vector<16xi32>,
        %swap3A_460 = arith.constant 16 : index
        %swap3A_461 = tpu.vector_load %arg18[%swap3A_460] {strides = array<i32>} : memref<64xi32, #tpu.memory_space<vmem>>, vector<16xi32>,
        tpu.vector_store %arg18[%swap3A_460], %get3A_459 {strides = array<i32>} : memref<64xi32, #tpu.memory_space<vmem>>, vector<16xi32>,
        %get3A_462 = arith.constant 96 : index
        %get3A_463 = tpu.vector_load %arg11[%get3A_462] {strides = array<i32>} : memref<128xi32, #tpu.memory_space<vmem>>, vector<16xi32>,
        %swap3A_464 = arith.constant 32 : index
        %swap3A_465 = tpu.vector_load %arg18[%swap3A_464] {strides = array<i32>} : memref<64xi32, #tpu.memory_space<vmem>>, vector<16xi32>,
        tpu.vector_store %arg18[%swap3A_464], %get3A_463 {strides = array<i32>} : memref<64xi32, #tpu.memory_space<vmem>>, vector<16xi32>,
        %get3A_466 = arith.constant 112 : index
        %get3A_467 = tpu.vector_load %arg11[%get3A_466] {strides = array<i32>} : memref<128xi32, #tpu.memory_space<vmem>>, vector<16xi32>,
        %swap3A_468 = arith.constant 48 : index
        %swap3A_469 = tpu.vector_load %arg18[%swap3A_468] {strides = array<i32>} : memref<64xi32, #tpu.memory_space<vmem>>, vector<16xi32>,
        tpu.vector_store %arg18[%swap3A_468], %get3A_467 {strides = array<i32>} : memref<64xi32, #tpu.memory_space<vmem>>, vector<16xi32>,
        %parallel_loop3A = arith.constant 0 : i32
        %parallel_loop3A_470 = arith.constant 128 : i32
        %parallel_loop3A_471 = arith.constant 1 : i32
        scf.for %parallel_loop3A_484 = %parallel_loop3A to %parallel_loop3A_470 step %parallel_loop3A_471  : i32 {
          %parallel_loop3A_485 = vector.broadcast %parallel_loop3A_484 : i32 to vector<16xi32>
          %parallel_loop3A_486 = tpu.vector_load_idx %arg13[%parallel_loop3A_485] : memref<128xf32, #tpu.memory_space<vmem>>[vector<16xi32>], vector<16xf32>,
          %parallel_loop3A_487 = arith.index_cast %parallel_loop3A_484 : i32 to index
          %parallel_loop3A_488 = arith.constant 0 : index
          %parallel_loop3A_489 = tpu.vector_load %arg15[%parallel_loop3A_487, %parallel_loop3A_488] {strides = array<i32>} : memref<128x128xf32, #tpu.memory_space<vmem>>, vector<16xf32>,
          %parallel_loop3A_490 = arith.mulf %parallel_loop3A_489, %parallel_loop3A_486 : vector<16xf32>
          %parallel_loop3A_491 = arith.index_cast %parallel_loop3A_484 : i32 to index
          %parallel_loop3A_492 = arith.constant 0 : index
          %parallel_loop3A_493 = tpu.vector_load %arg15[%parallel_loop3A_491, %parallel_loop3A_492] {strides = array<i32>} : memref<128x128xf32, #tpu.memory_space<vmem>>, vector<16xf32>,
          tpu.vector_store %arg15[%parallel_loop3A_491, %parallel_loop3A_492], %parallel_loop3A_490 {strides = array<i32>} : memref<128x128xf32, #tpu.memory_space<vmem>>, vector<16xf32>,
          %parallel_loop3A_494 = arith.index_cast %parallel_loop3A_484 : i32 to index
          %parallel_loop3A_495 = arith.constant 16 : index
          %parallel_loop3A_496 = tpu.vector_load %arg15[%parallel_loop3A_494, %parallel_loop3A_495] {strides = array<i32>} : memref<128x128xf32, #tpu.memory_space<vmem>>, vector<16xf32>,
          %parallel_loop3A_497 = arith.mulf %parallel_loop3A_496, %parallel_loop3A_486 : vector<16xf32>
          %parallel_loop3A_498 = arith.index_cast %parallel_loop3A_484 : i32 to index
          %parallel_loop3A_499 = arith.constant 16 : index
          %parallel_loop3A_500 = tpu.vector_load %arg15[%parallel_loop3A_498, %parallel_loop3A_499] {strides = array<i32>} : memref<128x128xf32, #tpu.memory_space<vmem>>, vector<16xf32>,
          tpu.vector_store %arg15[%parallel_loop3A_498, %parallel_loop3A_499], %parallel_loop3A_497 {strides = array<i32>} : memref<128x128xf32, #tpu.memory_space<vmem>>, vector<16xf32>,
          %parallel_loop3A_501 = arith.index_cast %parallel_loop3A_484 : i32 to index
          %parallel_loop3A_502 = arith.constant 32 : index
          %parallel_loop3A_503 = tpu.vector_load %arg15[%parallel_loop3A_501, %parallel_loop3A_502] {strides = array<i32>} : memref<128x128xf32, #tpu.memory_space<vmem>>, vector<16xf32>,
          %parallel_loop3A_504 = arith.mulf %parallel_loop3A_503, %parallel_loop3A_486 : vector<16xf32>
          %parallel_loop3A_505 = arith.index_cast %parallel_loop3A_484 : i32 to index
          %parallel_loop3A_506 = arith.constant 32 : index
          %parallel_loop3A_507 = tpu.vector_load %arg15[%parallel_loop3A_505, %parallel_loop3A_506] {strides = array<i32>} : memref<128x128xf32, #tpu.memory_space<vmem>>, vector<16xf32>,
          tpu.vector_store %arg15[%parallel_loop3A_505, %parallel_loop3A_506], %parallel_loop3A_504 {strides = array<i32>} : memref<128x128xf32, #tpu.memory_space<vmem>>, vector<16xf32>,
          %parallel_loop3A_508 = arith.index_cast %parallel_loop3A_484 : i32 to index
          %parallel_loop3A_509 = arith.constant 48 : index
          %parallel_loop3A_510 = tpu.vector_load %arg15[%parallel_loop3A_508, %parallel_loop3A_509] {strides = array<i32>} : memref<128x128xf32, #tpu.memory_space<vmem>>, vector<16xf32>,
          %parallel_loop3A_511 = arith.mulf %parallel_loop3A_510, %parallel_loop3A_486 : vector<16xf32>
          %parallel_loop3A_512 = arith.index_cast %parallel_loop3A_484 : i32 to index
          %parallel_loop3A_513 = arith.constant 48 : index
          %parallel_loop3A_514 = tpu.vector_load %arg15[%parallel_loop3A_512, %parallel_loop3A_513] {strides = array<i32>} : memref<128x128xf32, #tpu.memory_space<vmem>>, vector<16xf32>,
          tpu.vector_store %arg15[%parallel_loop3A_512, %parallel_loop3A_513], %parallel_loop3A_511 {strides = array<i32>} : memref<128x128xf32, #tpu.memory_space<vmem>>, vector<16xf32>,
          %parallel_loop3A_515 = arith.index_cast %parallel_loop3A_484 : i32 to index
          %parallel_loop3A_516 = arith.constant 64 : index
          %parallel_loop3A_517 = tpu.vector_load %arg15[%parallel_loop3A_515, %parallel_loop3A_516] {strides = array<i32>} : memref<128x128xf32, #tpu.memory_space<vmem>>, vector<16xf32>,
          %parallel_loop3A_518 = arith.mulf %parallel_loop3A_517, %parallel_loop3A_486 : vector<16xf32>
          %parallel_loop3A_519 = arith.index_cast %parallel_loop3A_484 : i32 to index
          %parallel_loop3A_520 = arith.constant 64 : index
          %parallel_loop3A_521 = tpu.vector_load %arg15[%parallel_loop3A_519, %parallel_loop3A_520] {strides = array<i32>} : memref<128x128xf32, #tpu.memory_space<vmem>>, vector<16xf32>,
          tpu.vector_store %arg15[%parallel_loop3A_519, %parallel_loop3A_520], %parallel_loop3A_518 {strides = array<i32>} : memref<128x128xf32, #tpu.memory_space<vmem>>, vector<16xf32>,
          %parallel_loop3A_522 = arith.index_cast %parallel_loop3A_484 : i32 to index
          %parallel_loop3A_523 = arith.constant 80 : index
          %parallel_loop3A_524 = tpu.vector_load %arg15[%parallel_loop3A_522, %parallel_loop3A_523] {strides = array<i32>} : memref<128x128xf32, #tpu.memory_space<vmem>>, vector<16xf32>,
          %parallel_loop3A_525 = arith.mulf %parallel_loop3A_524, %parallel_loop3A_486 : vector<16xf32>
          %parallel_loop3A_526 = arith.index_cast %parallel_loop3A_484 : i32 to index
          %parallel_loop3A_527 = arith.constant 80 : index
          %parallel_loop3A_528 = tpu.vector_load %arg15[%parallel_loop3A_526, %parallel_loop3A_527] {strides = array<i32>} : memref<128x128xf32, #tpu.memory_space<vmem>>, vector<16xf32>,
          tpu.vector_store %arg15[%parallel_loop3A_526, %parallel_loop3A_527], %parallel_loop3A_525 {strides = array<i32>} : memref<128x128xf32, #tpu.memory_space<vmem>>, vector<16xf32>,
          %parallel_loop3A_529 = arith.index_cast %parallel_loop3A_484 : i32 to index
          %parallel_loop3A_530 = arith.constant 96 : index
          %parallel_loop3A_531 = tpu.vector_load %arg15[%parallel_loop3A_529, %parallel_loop3A_530] {strides = array<i32>} : memref<128x128xf32, #tpu.memory_space<vmem>>, vector<16xf32>,
          %parallel_loop3A_532 = arith.mulf %parallel_loop3A_531, %parallel_loop3A_486 : vector<16xf32>
          %parallel_loop3A_533 = arith.index_cast %parallel_loop3A_484 : i32 to index
          %parallel_loop3A_534 = arith.constant 96 : index
          %parallel_loop3A_535 = tpu.vector_load %arg15[%parallel_loop3A_533, %parallel_loop3A_534] {strides = array<i32>} : memref<128x128xf32, #tpu.memory_space<vmem>>, vector<16xf32>,
          tpu.vector_store %arg15[%parallel_loop3A_533, %parallel_loop3A_534], %parallel_loop3A_532 {strides = array<i32>} : memref<128x128xf32, #tpu.memory_space<vmem>>, vector<16xf32>,
          %parallel_loop3A_536 = arith.index_cast %parallel_loop3A_484 : i32 to index
          %parallel_loop3A_537 = arith.constant 112 : index
          %parallel_loop3A_538 = tpu.vector_load %arg15[%parallel_loop3A_536, %parallel_loop3A_537] {strides = array<i32>} : memref<128x128xf32, #tpu.memory_space<vmem>>, vector<16xf32>,
          %parallel_loop3A_539 = arith.mulf %parallel_loop3A_538, %parallel_loop3A_486 : vector<16xf32>
          %parallel_loop3A_540 = arith.index_cast %parallel_loop3A_484 : i32 to index
          %parallel_loop3A_541 = arith.constant 112 : index
          %parallel_loop3A_542 = tpu.vector_load %arg15[%parallel_loop3A_540, %parallel_loop3A_541] {strides = array<i32>} : memref<128x128xf32, #tpu.memory_space<vmem>>, vector<16xf32>,
          tpu.vector_store %arg15[%parallel_loop3A_540, %parallel_loop3A_541], %parallel_loop3A_539 {strides = array<i32>} : memref<128x128xf32, #tpu.memory_space<vmem>>, vector<16xf32>,
        } {sc.loop_unroll_factor = 4 : i64, sc.parallel_access}
        %dma_start3A_472 = arith.constant 0 : i32
        %dma_start3A_473 = arith.constant 0 : i32
        %dma_start3A_474 = tpu.memref_slice %arg15[%dma_start3A_472, %dma_start3A_473] : memref<128x128xf32, #tpu.memory_space<vmem>> -> memref<64x128xf32, #tpu.memory_space<vmem>>
        %dma_start3A_475 = arith.constant 0 : i32
        %dma_start3A_476 = arith.constant 0 : i32
        %dma_start3A_477 = tpu.memref_slice %arg8[%dma_start3A_475, %dma_start3A_476] : memref<10000x128xf32, #tpu.memory_space<vmem_shared>> -> memref<10000x128xf32, #tpu.memory_space<vmem_shared>>
        tpu.enqueue_indirect_dma source(%dma_start3A_474 : memref<64x128xf32, #tpu.memory_space<vmem>>) target(%dma_start3A_477 : memref<10000x128xf32, #tpu.memory_space<vmem_shared>>) offsets(%arg17 : memref<64xi32, #tpu.memory_space<vmem>>) semaphore(%arg25 : memref<!tpu.dma_semaphore, #tpu.memory_space<semaphore_mem>>) {add = true}
        %dma_start3A_478 = arith.constant 64 : i32
        %dma_start3A_479 = arith.constant 0 : i32
        %dma_start3A_480 = tpu.memref_slice %arg15[%dma_start3A_478, %dma_start3A_479] : memref<128x128xf32, #tpu.memory_space<vmem>> -> memref<64x128xf32, #tpu.memory_space<vmem>>
        %dma_start3A_481 = arith.constant 0 : i32
        %dma_start3A_482 = arith.constant 0 : i32
        %dma_start3A_483 = tpu.memref_slice %arg8[%dma_start3A_481, %dma_start3A_482] : memref<10000x128xf32, #tpu.memory_space<vmem_shared>> -> memref<10000x128xf32, #tpu.memory_space<vmem_shared>>
        tpu.enqueue_indirect_dma source(%dma_start3A_480 : memref<64x128xf32, #tpu.memory_space<vmem>>) target(%dma_start3A_483 : memref<10000x128xf32, #tpu.memory_space<vmem_shared>>) offsets(%arg18 : memref<64xi32, #tpu.memory_space<vmem>>) semaphore(%arg25 : memref<!tpu.dma_semaphore, #tpu.memory_space<semaphore_mem>>) {add = true}
      } else {
      }
      %add3A_369 = arith.constant 2 : i32
      %add3A_370 = arith.addi %add3A_341, %add3A_369 : i32
      %mul3A_371 = arith.constant 16 : i32
      %mul3A_372 = arith.muli %add3A_370, %mul3A_371 : i32
      %add3A_373 = arith.addi %mul3A_372, %arg1 : i32
      %lt3A_374 = arith.constant 1250 : i32
      %lt3A_375 = arith.cmpi slt, %add3A_373, %lt3A_374 : i32
      %convert_element_type3A_376 = arith.extui %lt3A_375 : i1 to i32
      %cond3A_377 = arith.constant 0 : i32
      %cond3A_378 = arith.cmpi ne, %convert_element_type3A_376, %cond3A_377 : i32
      scf.if %cond3A_378 {
        %add3A_422 = arith.constant 2 : i32
        %add3A_423 = arith.addi %add3A_341, %add3A_422 : i32
        %mul3A_424 = arith.constant 16 : i32
        %mul3A_425 = arith.muli %add3A_423, %mul3A_424 : i32
        %add3A_426 = arith.addi %mul3A_425, %arg1 : i32
        %mul3A_427 = arith.constant 128 : i32
        %mul3A_428 = arith.muli %add3A_426, %mul3A_427 : i32
        %dma_start3A_429 = tpu.memref_slice %arg3[%mul3A_428] : memref<160000xi32, #tpu.memory_space<hbm>> -> memref<128xi32, #tpu.memory_space<hbm>>
        %dma_start3A_430 = tpu.memref_slice %arg3[%mul3A_428] : memref<160000xi32, #tpu.memory_space<hbm>> -> memref<128xi32, #tpu.memory_space<hbm>>
        tpu.enqueue_dma source(%dma_start3A_430 : memref<128xi32, #tpu.memory_space<hbm>>) target(%arg9 : memref<128xi32, #tpu.memory_space<vmem>>) target_semaphore(%arg21 : memref<!tpu.dma_semaphore, #tpu.memory_space<semaphore_mem>>)
        %dma_start3A_431 = tpu.memref_slice %arg4[%mul3A_428] : memref<160000xi32, #tpu.memory_space<hbm>> -> memref<128xi32, #tpu.memory_space<hbm>>
        %dma_start3A_432 = tpu.memref_slice %arg4[%mul3A_428] : memref<160000xi32, #tpu.memory_space<hbm>> -> memref<128xi32, #tpu.memory_space<hbm>>
        tpu.enqueue_dma source(%dma_start3A_432 : memref<128xi32, #tpu.memory_space<hbm>>) target(%arg11 : memref<128xi32, #tpu.memory_space<vmem>>) target_semaphore(%arg21 : memref<!tpu.dma_semaphore, #tpu.memory_space<semaphore_mem>>)
        %dma_start3A_433 = tpu.memref_slice %arg5[%mul3A_428] : memref<160000xf32, #tpu.memory_space<hbm>> -> memref<128xf32, #tpu.memory_space<hbm>>
        %dma_start3A_434 = tpu.memref_slice %arg5[%mul3A_428] : memref<160000xf32, #tpu.memory_space<hbm>> -> memref<128xf32, #tpu.memory_space<hbm>>
        tpu.enqueue_dma source(%dma_start3A_434 : memref<128xf32, #tpu.memory_space<hbm>>) target(%arg13 : memref<128xf32, #tpu.memory_space<vmem>>) target_semaphore(%arg21 : memref<!tpu.dma_semaphore, #tpu.memory_space<semaphore_mem>>)
      } else {
      }
      %add3A_379 = arith.constant 1 : i32
      %add3A_380 = arith.addi %add3A_339, %add3A_379 : i32
      %ge3A_381 = arith.constant 1 : i32
      %ge3A_382 = arith.cmpi sge, %add3A_380, %ge3A_381 : i32
      %sub3A_383 = arith.constant 1 : i32
      %sub3A_384 = arith.subi %add3A_380, %sub3A_383 : i32
      %mul3A_385 = arith.constant 16 : i32
      %mul3A_386 = arith.muli %sub3A_384, %mul3A_385 : i32
      %add3A_387 = arith.addi %mul3A_386, %arg1 : i32
      %lt3A_388 = arith.constant 1250 : i32
      %lt3A_389 = arith.cmpi slt, %add3A_387, %lt3A_388 : i32
      %and3A_390 = arith.andi %ge3A_382, %lt3A_389 : i1
      %convert_element_type3A_391 = arith.extui %and3A_390 : i1 to i32
      %cond3A_392 = arith.constant 0 : i32
      %cond3A_393 = arith.cmpi ne, %convert_element_type3A_391, %cond3A_392 : i32
      scf.if %cond3A_393 {
        %dma_wait3A_422 = arith.constant 0 : i32
        %dma_wait3A_423 = arith.constant 0 : i32
        %dma_wait3A_424 = tpu.memref_slice %arg15[%dma_wait3A_422, %dma_wait3A_423] : memref<128x128xf32, #tpu.memory_space<vmem>> -> memref<64x128xf32, #tpu.memory_space<vmem>>
        %dma_wait3A_425 = arith.constant 0 : i32
        %dma_wait3A_426 = arith.constant 0 : i32
        %dma_wait3A_427 = tpu.memref_slice %arg8[%dma_wait3A_425, %dma_wait3A_426] : memref<10000x128xf32, #tpu.memory_space<vmem_shared>> -> memref<10000x128xf32, #tpu.memory_space<vmem_shared>>
        tpu.wait_indirect_dma semaphore(%arg25 : memref<!tpu.dma_semaphore, #tpu.memory_space<semaphore_mem>>) src(%dma_wait3A_424 : memref<64x128xf32, #tpu.memory_space<vmem>>) dst(%dma_wait3A_427 : memref<10000x128xf32, #tpu.memory_space<vmem_shared>>)
        %dma_wait3A_428 = arith.constant 64 : i32
        %dma_wait3A_429 = arith.constant 0 : i32
        %dma_wait3A_430 = tpu.memref_slice %arg15[%dma_wait3A_428, %dma_wait3A_429] : memref<128x128xf32, #tpu.memory_space<vmem>> -> memref<64x128xf32, #tpu.memory_space<vmem>>
        %dma_wait3A_431 = arith.constant 0 : i32
        %dma_wait3A_432 = arith.constant 0 : i32
        %dma_wait3A_433 = tpu.memref_slice %arg8[%dma_wait3A_431, %dma_wait3A_432] : memref<10000x128xf32, #tpu.memory_space<vmem_shared>> -> memref<10000x128xf32, #tpu.memory_space<vmem_shared>>
        tpu.wait_indirect_dma semaphore(%arg25 : memref<!tpu.dma_semaphore, #tpu.memory_space<semaphore_mem>>) src(%dma_wait3A_430 : memref<64x128xf32, #tpu.memory_space<vmem>>) dst(%dma_wait3A_433 : memref<10000x128xf32, #tpu.memory_space<vmem_shared>>)
      } else {
      }
      %add3A_394 = arith.constant 1 : i32
      %add3A_395 = arith.addi %add3A_380, %add3A_394 : i32
      %mul3A_396 = arith.constant 16 : i32
      %mul3A_397 = arith.muli %add3A_395, %mul3A_396 : i32
      %add3A_398 = arith.addi %mul3A_397, %arg1 : i32
      %lt3A_399 = arith.constant 1250 : i32
      %lt3A_400 = arith.cmpi slt, %add3A_398, %lt3A_399 : i32
      %convert_element_type3A_401 = arith.extui %lt3A_400 : i1 to i32
      %cond3A_402 = arith.constant 0 : i32
      %cond3A_403 = arith.cmpi ne, %convert_element_type3A_401, %cond3A_402 : i32
      scf.if %cond3A_403 {
        %dma_wait3A_422 = arith.constant 0 : i32
        %dma_wait3A_423 = tpu.memref_slice %arg3[%dma_wait3A_422] : memref<160000xi32, #tpu.memory_space<hbm>> -> memref<128xi32, #tpu.memory_space<hbm>>
        %dma_wait3A_424 = arith.constant 0 : i32
        %dma_wait3A_425 = tpu.memref_slice %arg3[%dma_wait3A_424] : memref<160000xi32, #tpu.memory_space<hbm>> -> memref<128xi32, #tpu.memory_space<hbm>>
        tpu.wait_dma2 semaphore(%arg21 : memref<!tpu.dma_semaphore, #tpu.memory_space<semaphore_mem>>) src(%dma_wait3A_425 : memref<128xi32, #tpu.memory_space<hbm>>) dst(%arg9 : memref<128xi32, #tpu.memory_space<vmem>>)
        %dma_wait3A_426 = arith.constant 0 : i32
        %dma_wait3A_427 = tpu.memref_slice %arg4[%dma_wait3A_426] : memref<160000xi32, #tpu.memory_space<hbm>> -> memref<128xi32, #tpu.memory_space<hbm>>
        %dma_wait3A_428 = arith.constant 0 : i32
        %dma_wait3A_429 = tpu.memref_slice %arg4[%dma_wait3A_428] : memref<160000xi32, #tpu.memory_space<hbm>> -> memref<128xi32, #tpu.memory_space<hbm>>
        tpu.wait_dma2 semaphore(%arg21 : memref<!tpu.dma_semaphore, #tpu.memory_space<semaphore_mem>>) src(%dma_wait3A_429 : memref<128xi32, #tpu.memory_space<hbm>>) dst(%arg11 : memref<128xi32, #tpu.memory_space<vmem>>)
        %dma_wait3A_430 = arith.constant 0 : i32
        %dma_wait3A_431 = tpu.memref_slice %arg5[%dma_wait3A_430] : memref<160000xf32, #tpu.memory_space<hbm>> -> memref<128xf32, #tpu.memory_space<hbm>>
        %dma_wait3A_432 = arith.constant 0 : i32
        %dma_wait3A_433 = tpu.memref_slice %arg5[%dma_wait3A_432] : memref<160000xf32, #tpu.memory_space<hbm>> -> memref<128xf32, #tpu.memory_space<hbm>>
        tpu.wait_dma2 semaphore(%arg21 : memref<!tpu.dma_semaphore, #tpu.memory_space<semaphore_mem>>) src(%dma_wait3A_433 : memref<128xf32, #tpu.memory_space<hbm>>) dst(%arg13 : memref<128xf32, #tpu.memory_space<vmem>>)
        %get3A_434 = arith.constant 0 : index
        %get3A_435 = tpu.vector_load %arg9[%get3A_434] {strides = array<i32>} : memref<128xi32, #tpu.memory_space<vmem>>, vector<16xi32>,
        %add3A_436 = arith.addi %get3A_435, %get3A_435 : vector<16xi32>
        %add3A_437 = vector.broadcast %arg0 : i32 to vector<16xi32>
        %add3A_438 = arith.addi %add3A_436, %add3A_437 : vector<16xi32>
        %swap3A_439 = arith.constant 0 : index
        %swap3A_440 = tpu.vector_load %arg9[%swap3A_439] {strides = array<i32>} : memref<128xi32, #tpu.memory_space<vmem>>, vector<16xi32>,
        tpu.vector_store %arg9[%swap3A_439], %add3A_438 {strides = array<i32>} : memref<128xi32, #tpu.memory_space<vmem>>, vector<16xi32>,
        %get3A_441 = arith.constant 16 : index
        %get3A_442 = tpu.vector_load %arg9[%get3A_441] {strides = array<i32>} : memref<128xi32, #tpu.memory_space<vmem>>, vector<16xi32>,
        %add3A_443 = arith.addi %get3A_442, %get3A_442 : vector<16xi32>
        %add3A_444 = vector.broadcast %arg0 : i32 to vector<16xi32>
        %add3A_445 = arith.addi %add3A_443, %add3A_444 : vector<16xi32>
        %swap3A_446 = arith.constant 16 : index
        %swap3A_447 = tpu.vector_load %arg9[%swap3A_446] {strides = array<i32>} : memref<128xi32, #tpu.memory_space<vmem>>, vector<16xi32>,
        tpu.vector_store %arg9[%swap3A_446], %add3A_445 {strides = array<i32>} : memref<128xi32, #tpu.memory_space<vmem>>, vector<16xi32>,
        %get3A_448 = arith.constant 32 : index
        %get3A_449 = tpu.vector_load %arg9[%get3A_448] {strides = array<i32>} : memref<128xi32, #tpu.memory_space<vmem>>, vector<16xi32>,
        %add3A_450 = arith.addi %get3A_449, %get3A_449 : vector<16xi32>
        %add3A_451 = vector.broadcast %arg0 : i32 to vector<16xi32>
        %add3A_452 = arith.addi %add3A_450, %add3A_451 : vector<16xi32>
        %swap3A_453 = arith.constant 32 : index
        %swap3A_454 = tpu.vector_load %arg9[%swap3A_453] {strides = array<i32>} : memref<128xi32, #tpu.memory_space<vmem>>, vector<16xi32>,
        tpu.vector_store %arg9[%swap3A_453], %add3A_452 {strides = array<i32>} : memref<128xi32, #tpu.memory_space<vmem>>, vector<16xi32>,
        %get3A_455 = arith.constant 48 : index
        %get3A_456 = tpu.vector_load %arg9[%get3A_455] {strides = array<i32>} : memref<128xi32, #tpu.memory_space<vmem>>, vector<16xi32>,
        %add3A_457 = arith.addi %get3A_456, %get3A_456 : vector<16xi32>
        %add3A_458 = vector.broadcast %arg0 : i32 to vector<16xi32>
        %add3A_459 = arith.addi %add3A_457, %add3A_458 : vector<16xi32>
        %swap3A_460 = arith.constant 48 : index
        %swap3A_461 = tpu.vector_load %arg9[%swap3A_460] {strides = array<i32>} : memref<128xi32, #tpu.memory_space<vmem>>, vector<16xi32>,
        tpu.vector_store %arg9[%swap3A_460], %add3A_459 {strides = array<i32>} : memref<128xi32, #tpu.memory_space<vmem>>, vector<16xi32>,
        %get3A_462 = arith.constant 64 : index
        %get3A_463 = tpu.vector_load %arg9[%get3A_462] {strides = array<i32>} : memref<128xi32, #tpu.memory_space<vmem>>, vector<16xi32>,
        %add3A_464 = arith.addi %get3A_463, %get3A_463 : vector<16xi32>
        %add3A_465 = vector.broadcast %arg0 : i32 to vector<16xi32>
        %add3A_466 = arith.addi %add3A_464, %add3A_465 : vector<16xi32>
        %swap3A_467 = arith.constant 64 : index
        %swap3A_468 = tpu.vector_load %arg9[%swap3A_467] {strides = array<i32>} : memref<128xi32, #tpu.memory_space<vmem>>, vector<16xi32>,
        tpu.vector_store %arg9[%swap3A_467], %add3A_466 {strides = array<i32>} : memref<128xi32, #tpu.memory_space<vmem>>, vector<16xi32>,
        %get3A_469 = arith.constant 80 : index
        %get3A_470 = tpu.vector_load %arg9[%get3A_469] {strides = array<i32>} : memref<128xi32, #tpu.memory_space<vmem>>, vector<16xi32>,
        %add3A_471 = arith.addi %get3A_470, %get3A_470 : vector<16xi32>
        %add3A_472 = vector.broadcast %arg0 : i32 to vector<16xi32>
        %add3A_473 = arith.addi %add3A_471, %add3A_472 : vector<16xi32>
        %swap3A_474 = arith.constant 80 : index
        %swap3A_475 = tpu.vector_load %arg9[%swap3A_474] {strides = array<i32>} : memref<128xi32, #tpu.memory_space<vmem>>, vector<16xi32>,
        tpu.vector_store %arg9[%swap3A_474], %add3A_473 {strides = array<i32>} : memref<128xi32, #tpu.memory_space<vmem>>, vector<16xi32>,
        %get3A_476 = arith.constant 96 : index
        %get3A_477 = tpu.vector_load %arg9[%get3A_476] {strides = array<i32>} : memref<128xi32, #tpu.memory_space<vmem>>, vector<16xi32>,
        %add3A_478 = arith.addi %get3A_477, %get3A_477 : vector<16xi32>
        %add3A_479 = vector.broadcast %arg0 : i32 to vector<16xi32>
        %add3A_480 = arith.addi %add3A_478, %add3A_479 : vector<16xi32>
        %swap3A_481 = arith.constant 96 : index
        %swap3A_482 = tpu.vector_load %arg9[%swap3A_481] {strides = array<i32>} : memref<128xi32, #tpu.memory_space<vmem>>, vector<16xi32>,
        tpu.vector_store %arg9[%swap3A_481], %add3A_480 {strides = array<i32>} : memref<128xi32, #tpu.memory_space<vmem>>, vector<16xi32>,
        %get3A_483 = arith.constant 112 : index
        %get3A_484 = tpu.vector_load %arg9[%get3A_483] {strides = array<i32>} : memref<128xi32, #tpu.memory_space<vmem>>, vector<16xi32>,
        %add3A_485 = arith.addi %get3A_484, %get3A_484 : vector<16xi32>
        %add3A_486 = vector.broadcast %arg0 : i32 to vector<16xi32>
        %add3A_487 = arith.addi %add3A_485, %add3A_486 : vector<16xi32>
        %swap3A_488 = arith.constant 112 : index
        %swap3A_489 = tpu.vector_load %arg9[%swap3A_488] {strides = array<i32>} : memref<128xi32, #tpu.memory_space<vmem>>, vector<16xi32>,
        tpu.vector_store %arg9[%swap3A_488], %add3A_487 {strides = array<i32>} : memref<128xi32, #tpu.memory_space<vmem>>, vector<16xi32>,
        %dma_start3A_490 = arith.constant 0 : i32
        %dma_start3A_491 = arith.constant 0 : i32
        %dma_start3A_492 = tpu.memref_slice %arg15[%dma_start3A_490, %dma_start3A_491] : memref<128x128xf32, #tpu.memory_space<vmem>> -> memref<64x128xf32, #tpu.memory_space<vmem>>
        %dma_start3A_493 = arith.constant 0 : i32
        %dma_start3A_494 = tpu.memref_slice %arg9[%dma_start3A_493] : memref<128xi32, #tpu.memory_space<vmem>> -> memref<64xi32, #tpu.memory_space<vmem>>
        %dma_start3A_495 = arith.constant 0 : i32
        %dma_start3A_496 = arith.constant 0 : i32
        %dma_start3A_497 = tpu.memref_slice %arg2[%dma_start3A_495, %dma_start3A_496] : memref<20000x128xf32, #tpu.memory_space<hbm>> -> memref<20000x128xf32, #tpu.memory_space<hbm>>
        tpu.enqueue_indirect_dma source(%dma_start3A_497 : memref<20000x128xf32, #tpu.memory_space<hbm>>) target(%dma_start3A_492 : memref<64x128xf32, #tpu.memory_space<vmem>>) offsets(%dma_start3A_494 : memref<64xi32, #tpu.memory_space<vmem>>) semaphore(%arg23 : memref<!tpu.dma_semaphore, #tpu.memory_space<semaphore_mem>>)
        %dma_start3A_498 = arith.constant 64 : i32
        %dma_start3A_499 = arith.constant 0 : i32
        %dma_start3A_500 = tpu.memref_slice %arg15[%dma_start3A_498, %dma_start3A_499] : memref<128x128xf32, #tpu.memory_space<vmem>> -> memref<64x128xf32, #tpu.memory_space<vmem>>
        %dma_start3A_501 = arith.constant 64 : i32
        %dma_start3A_502 = tpu.memref_slice %arg9[%dma_start3A_501] : memref<128xi32, #tpu.memory_space<vmem>> -> memref<64xi32, #tpu.memory_space<vmem>>
        %dma_start3A_503 = arith.constant 0 : i32
        %dma_start3A_504 = arith.constant 0 : i32
        %dma_start3A_505 = tpu.memref_slice %arg2[%dma_start3A_503, %dma_start3A_504] : memref<20000x128xf32, #tpu.memory_space<hbm>> -> memref<20000x128xf32, #tpu.memory_space<hbm>>
        tpu.enqueue_indirect_dma source(%dma_start3A_505 : memref<20000x128xf32, #tpu.memory_space<hbm>>) target(%dma_start3A_500 : memref<64x128xf32, #tpu.memory_space<vmem>>) offsets(%dma_start3A_502 : memref<64xi32, #tpu.memory_space<vmem>>) semaphore(%arg23 : memref<!tpu.dma_semaphore, #tpu.memory_space<semaphore_mem>>)
        %get3A_506 = arith.constant 0 : index
        %get3A_507 = tpu.vector_load %arg9[%get3A_506] {strides = array<i32>} : memref<128xi32, #tpu.memory_space<vmem>>, vector<16xi32>,
        %shift_right_logical3A_508 = arith.constant 1 : i32
        %shift_right_logical3A_509 = vector.broadcast %shift_right_logical3A_508 : i32 to vector<16xi32>
        %shift_right_logical3A_510 = arith.shrui %get3A_507, %shift_right_logical3A_509 : vector<16xi32>
        %get3A_511 = arith.constant 0 : index
        %get3A_512 = tpu.vector_load %arg13[%get3A_511] {strides = array<i32>} : memref<128xf32, #tpu.memory_space<vmem>>, vector<16xf32>,
        %gather3A_513 = tpu.vector_load_idx %arg19[%shift_right_logical3A_510] : memref<10000xf32, #tpu.memory_space<vmem>>[vector<16xi32>], vector<16xf32>,
        %mul3A_514 = arith.mulf %get3A_512, %gather3A_513 : vector<16xf32>
        %swap3A_515 = arith.constant 0 : index
        %swap3A_516 = tpu.vector_load %arg13[%swap3A_515] {strides = array<i32>} : memref<128xf32, #tpu.memory_space<vmem>>, vector<16xf32>,
        tpu.vector_store %arg13[%swap3A_515], %mul3A_514 {strides = array<i32>} : memref<128xf32, #tpu.memory_space<vmem>>, vector<16xf32>,
        %get3A_517 = arith.constant 16 : index
        %get3A_518 = tpu.vector_load %arg9[%get3A_517] {strides = array<i32>} : memref<128xi32, #tpu.memory_space<vmem>>, vector<16xi32>,
        %shift_right_logical3A_519 = arith.constant 1 : i32
        %shift_right_logical3A_520 = vector.broadcast %shift_right_logical3A_519 : i32 to vector<16xi32>
        %shift_right_logical3A_521 = arith.shrui %get3A_518, %shift_right_logical3A_520 : vector<16xi32>
        %get3A_522 = arith.constant 16 : index
        %get3A_523 = tpu.vector_load %arg13[%get3A_522] {strides = array<i32>} : memref<128xf32, #tpu.memory_space<vmem>>, vector<16xf32>,
        %gather3A_524 = tpu.vector_load_idx %arg19[%shift_right_logical3A_521] : memref<10000xf32, #tpu.memory_space<vmem>>[vector<16xi32>], vector<16xf32>,
        %mul3A_525 = arith.mulf %get3A_523, %gather3A_524 : vector<16xf32>
        %swap3A_526 = arith.constant 16 : index
        %swap3A_527 = tpu.vector_load %arg13[%swap3A_526] {strides = array<i32>} : memref<128xf32, #tpu.memory_space<vmem>>, vector<16xf32>,
        tpu.vector_store %arg13[%swap3A_526], %mul3A_525 {strides = array<i32>} : memref<128xf32, #tpu.memory_space<vmem>>, vector<16xf32>,
        %get3A_528 = arith.constant 32 : index
        %get3A_529 = tpu.vector_load %arg9[%get3A_528] {strides = array<i32>} : memref<128xi32, #tpu.memory_space<vmem>>, vector<16xi32>,
        %shift_right_logical3A_530 = arith.constant 1 : i32
        %shift_right_logical3A_531 = vector.broadcast %shift_right_logical3A_530 : i32 to vector<16xi32>
        %shift_right_logical3A_532 = arith.shrui %get3A_529, %shift_right_logical3A_531 : vector<16xi32>
        %get3A_533 = arith.constant 32 : index
        %get3A_534 = tpu.vector_load %arg13[%get3A_533] {strides = array<i32>} : memref<128xf32, #tpu.memory_space<vmem>>, vector<16xf32>,
        %gather3A_535 = tpu.vector_load_idx %arg19[%shift_right_logical3A_532] : memref<10000xf32, #tpu.memory_space<vmem>>[vector<16xi32>], vector<16xf32>,
        %mul3A_536 = arith.mulf %get3A_534, %gather3A_535 : vector<16xf32>
        %swap3A_537 = arith.constant 32 : index
        %swap3A_538 = tpu.vector_load %arg13[%swap3A_537] {strides = array<i32>} : memref<128xf32, #tpu.memory_space<vmem>>, vector<16xf32>,
        tpu.vector_store %arg13[%swap3A_537], %mul3A_536 {strides = array<i32>} : memref<128xf32, #tpu.memory_space<vmem>>, vector<16xf32>,
        %get3A_539 = arith.constant 48 : index
        %get3A_540 = tpu.vector_load %arg9[%get3A_539] {strides = array<i32>} : memref<128xi32, #tpu.memory_space<vmem>>, vector<16xi32>,
        %shift_right_logical3A_541 = arith.constant 1 : i32
        %shift_right_logical3A_542 = vector.broadcast %shift_right_logical3A_541 : i32 to vector<16xi32>
        %shift_right_logical3A_543 = arith.shrui %get3A_540, %shift_right_logical3A_542 : vector<16xi32>
        %get3A_544 = arith.constant 48 : index
        %get3A_545 = tpu.vector_load %arg13[%get3A_544] {strides = array<i32>} : memref<128xf32, #tpu.memory_space<vmem>>, vector<16xf32>,
        %gather3A_546 = tpu.vector_load_idx %arg19[%shift_right_logical3A_543] : memref<10000xf32, #tpu.memory_space<vmem>>[vector<16xi32>], vector<16xf32>,
        %mul3A_547 = arith.mulf %get3A_545, %gather3A_546 : vector<16xf32>
        %swap3A_548 = arith.constant 48 : index
        %swap3A_549 = tpu.vector_load %arg13[%swap3A_548] {strides = array<i32>} : memref<128xf32, #tpu.memory_space<vmem>>, vector<16xf32>,
        tpu.vector_store %arg13[%swap3A_548], %mul3A_547 {strides = array<i32>} : memref<128xf32, #tpu.memory_space<vmem>>, vector<16xf32>,
        %get3A_550 = arith.constant 64 : index
        %get3A_551 = tpu.vector_load %arg9[%get3A_550] {strides = array<i32>} : memref<128xi32, #tpu.memory_space<vmem>>, vector<16xi32>,
        %shift_right_logical3A_552 = arith.constant 1 : i32
        %shift_right_logical3A_553 = vector.broadcast %shift_right_logical3A_552 : i32 to vector<16xi32>
        %shift_right_logical3A_554 = arith.shrui %get3A_551, %shift_right_logical3A_553 : vector<16xi32>
        %get3A_555 = arith.constant 64 : index
        %get3A_556 = tpu.vector_load %arg13[%get3A_555] {strides = array<i32>} : memref<128xf32, #tpu.memory_space<vmem>>, vector<16xf32>,
        %gather3A_557 = tpu.vector_load_idx %arg19[%shift_right_logical3A_554] : memref<10000xf32, #tpu.memory_space<vmem>>[vector<16xi32>], vector<16xf32>,
        %mul3A_558 = arith.mulf %get3A_556, %gather3A_557 : vector<16xf32>
        %swap3A_559 = arith.constant 64 : index
        %swap3A_560 = tpu.vector_load %arg13[%swap3A_559] {strides = array<i32>} : memref<128xf32, #tpu.memory_space<vmem>>, vector<16xf32>,
        tpu.vector_store %arg13[%swap3A_559], %mul3A_558 {strides = array<i32>} : memref<128xf32, #tpu.memory_space<vmem>>, vector<16xf32>,
        %get3A_561 = arith.constant 80 : index
        %get3A_562 = tpu.vector_load %arg9[%get3A_561] {strides = array<i32>} : memref<128xi32, #tpu.memory_space<vmem>>, vector<16xi32>,
        %shift_right_logical3A_563 = arith.constant 1 : i32
        %shift_right_logical3A_564 = vector.broadcast %shift_right_logical3A_563 : i32 to vector<16xi32>
        %shift_right_logical3A_565 = arith.shrui %get3A_562, %shift_right_logical3A_564 : vector<16xi32>
        %get3A_566 = arith.constant 80 : index
        %get3A_567 = tpu.vector_load %arg13[%get3A_566] {strides = array<i32>} : memref<128xf32, #tpu.memory_space<vmem>>, vector<16xf32>,
        %gather3A_568 = tpu.vector_load_idx %arg19[%shift_right_logical3A_565] : memref<10000xf32, #tpu.memory_space<vmem>>[vector<16xi32>], vector<16xf32>,
        %mul3A_569 = arith.mulf %get3A_567, %gather3A_568 : vector<16xf32>
        %swap3A_570 = arith.constant 80 : index
        %swap3A_571 = tpu.vector_load %arg13[%swap3A_570] {strides = array<i32>} : memref<128xf32, #tpu.memory_space<vmem>>, vector<16xf32>,
        tpu.vector_store %arg13[%swap3A_570], %mul3A_569 {strides = array<i32>} : memref<128xf32, #tpu.memory_space<vmem>>, vector<16xf32>,
        %get3A_572 = arith.constant 96 : index
        %get3A_573 = tpu.vector_load %arg9[%get3A_572] {strides = array<i32>} : memref<128xi32, #tpu.memory_space<vmem>>, vector<16xi32>,
        %shift_right_logical3A_574 = arith.constant 1 : i32
        %shift_right_logical3A_575 = vector.broadcast %shift_right_logical3A_574 : i32 to vector<16xi32>
        %shift_right_logical3A_576 = arith.shrui %get3A_573, %shift_right_logical3A_575 : vector<16xi32>
        %get3A_577 = arith.constant 96 : index
        %get3A_578 = tpu.vector_load %arg13[%get3A_577] {strides = array<i32>} : memref<128xf32, #tpu.memory_space<vmem>>, vector<16xf32>,
        %gather3A_579 = tpu.vector_load_idx %arg19[%shift_right_logical3A_576] : memref<10000xf32, #tpu.memory_space<vmem>>[vector<16xi32>], vector<16xf32>,
        %mul3A_580 = arith.mulf %get3A_578, %gather3A_579 : vector<16xf32>
        %swap3A_581 = arith.constant 96 : index
        %swap3A_582 = tpu.vector_load %arg13[%swap3A_581] {strides = array<i32>} : memref<128xf32, #tpu.memory_space<vmem>>, vector<16xf32>,
        tpu.vector_store %arg13[%swap3A_581], %mul3A_580 {strides = array<i32>} : memref<128xf32, #tpu.memory_space<vmem>>, vector<16xf32>,
        %get3A_583 = arith.constant 112 : index
        %get3A_584 = tpu.vector_load %arg9[%get3A_583] {strides = array<i32>} : memref<128xi32, #tpu.memory_space<vmem>>, vector<16xi32>,
        %shift_right_logical3A_585 = arith.constant 1 : i32
        %shift_right_logical3A_586 = vector.broadcast %shift_right_logical3A_585 : i32 to vector<16xi32>
        %shift_right_logical3A_587 = arith.shrui %get3A_584, %shift_right_logical3A_586 : vector<16xi32>
        %get3A_588 = arith.constant 112 : index
        %get3A_589 = tpu.vector_load %arg13[%get3A_588] {strides = array<i32>} : memref<128xf32, #tpu.memory_space<vmem>>, vector<16xf32>,
        %gather3A_590 = tpu.vector_load_idx %arg19[%shift_right_logical3A_587] : memref<10000xf32, #tpu.memory_space<vmem>>[vector<16xi32>], vector<16xf32>,
        %mul3A_591 = arith.mulf %get3A_589, %gather3A_590 : vector<16xf32>
        %swap3A_592 = arith.constant 112 : index
        %swap3A_593 = tpu.vector_load %arg13[%swap3A_592] {strides = array<i32>} : memref<128xf32, #tpu.memory_space<vmem>>, vector<16xf32>,
        tpu.vector_store %arg13[%swap3A_592], %mul3A_591 {strides = array<i32>} : memref<128xf32, #tpu.memory_space<vmem>>, vector<16xf32>,
      } else {
      }
      %mul3A_404 = arith.constant 16 : i32
      %mul3A_405 = arith.muli %add3A_380, %mul3A_404 : i32
      %add3A_406 = arith.addi %mul3A_405, %arg1 : i32
      %lt3A_407 = arith.constant 1250 : i32
      %lt3A_408 = arith.cmpi slt, %add3A_406, %lt3A_407 : i32
      %convert_element_type3A_409 = arith.extui %lt3A_408 : i1 to i32
      %cond3A_410 = arith.constant 0 : i32
      %cond3A_411 = arith.cmpi ne, %convert_element_type3A_409, %cond3A_410 : i32
      scf.if %cond3A_411 {
        %dma_wait3A_422 = arith.constant 0 : i32
        %dma_wait3A_423 = arith.constant 0 : i32
        %dma_wait3A_424 = tpu.memref_slice %arg16[%dma_wait3A_422, %dma_wait3A_423] : memref<128x128xf32, #tpu.memory_space<vmem>> -> memref<64x128xf32, #tpu.memory_space<vmem>>
        %dma_wait3A_425 = arith.constant 0 : i32
        %dma_wait3A_426 = tpu.memref_slice %arg10[%dma_wait3A_425] : memref<128xi32, #tpu.memory_space<vmem>> -> memref<64xi32, #tpu.memory_space<vmem>>
        %dma_wait3A_427 = arith.constant 0 : i32
        %dma_wait3A_428 = arith.constant 0 : i32
        %dma_wait3A_429 = tpu.memref_slice %arg2[%dma_wait3A_427, %dma_wait3A_428] : memref<20000x128xf32, #tpu.memory_space<hbm>> -> memref<20000x128xf32, #tpu.memory_space<hbm>>
        tpu.wait_indirect_dma semaphore(%arg24 : memref<!tpu.dma_semaphore, #tpu.memory_space<semaphore_mem>>) src(%dma_wait3A_429 : memref<20000x128xf32, #tpu.memory_space<hbm>>) dst(%dma_wait3A_424 : memref<64x128xf32, #tpu.memory_space<vmem>>)
        %dma_wait3A_430 = arith.constant 64 : i32
        %dma_wait3A_431 = arith.constant 0 : i32
        %dma_wait3A_432 = tpu.memref_slice %arg16[%dma_wait3A_430, %dma_wait3A_431] : memref<128x128xf32, #tpu.memory_space<vmem>> -> memref<64x128xf32, #tpu.memory_space<vmem>>
        %dma_wait3A_433 = arith.constant 64 : i32
        %dma_wait3A_434 = tpu.memref_slice %arg10[%dma_wait3A_433] : memref<128xi32, #tpu.memory_space<vmem>> -> memref<64xi32, #tpu.memory_space<vmem>>
        %dma_wait3A_435 = arith.constant 0 : i32
        %dma_wait3A_436 = arith.constant 0 : i32
        %dma_wait3A_437 = tpu.memref_slice %arg2[%dma_wait3A_435, %dma_wait3A_436] : memref<20000x128xf32, #tpu.memory_space<hbm>> -> memref<20000x128xf32, #tpu.memory_space<hbm>>
        tpu.wait_indirect_dma semaphore(%arg24 : memref<!tpu.dma_semaphore, #tpu.memory_space<semaphore_mem>>) src(%dma_wait3A_437 : memref<20000x128xf32, #tpu.memory_space<hbm>>) dst(%dma_wait3A_432 : memref<64x128xf32, #tpu.memory_space<vmem>>)
        %get3A_438 = arith.constant 0 : index
        %get3A_439 = tpu.vector_load %arg12[%get3A_438] {strides = array<i32>} : memref<128xi32, #tpu.memory_space<vmem>>, vector<16xi32>,
        %swap3A_440 = arith.constant 0 : index
        %swap3A_441 = tpu.vector_load %arg17[%swap3A_440] {strides = array<i32>} : memref<64xi32, #tpu.memory_space<vmem>>, vector<16xi32>,
        tpu.vector_store %arg17[%swap3A_440], %get3A_439 {strides = array<i32>} : memref<64xi32, #tpu.memory_space<vmem>>, vector<16xi32>,
        %get3A_442 = arith.constant 16 : index
        %get3A_443 = tpu.vector_load %arg12[%get3A_442] {strides = array<i32>} : memref<128xi32, #tpu.memory_space<vmem>>, vector<16xi32>,
        %swap3A_444 = arith.constant 16 : index
        %swap3A_445 = tpu.vector_load %arg17[%swap3A_444] {strides = array<i32>} : memref<64xi32, #tpu.memory_space<vmem>>, vector<16xi32>,
        tpu.vector_store %arg17[%swap3A_444], %get3A_443 {strides = array<i32>} : memref<64xi32, #tpu.memory_space<vmem>>, vector<16xi32>,
        %get3A_446 = arith.constant 32 : index
        %get3A_447 = tpu.vector_load %arg12[%get3A_446] {strides = array<i32>} : memref<128xi32, #tpu.memory_space<vmem>>, vector<16xi32>,
        %swap3A_448 = arith.constant 32 : index
        %swap3A_449 = tpu.vector_load %arg17[%swap3A_448] {strides = array<i32>} : memref<64xi32, #tpu.memory_space<vmem>>, vector<16xi32>,
        tpu.vector_store %arg17[%swap3A_448], %get3A_447 {strides = array<i32>} : memref<64xi32, #tpu.memory_space<vmem>>, vector<16xi32>,
        %get3A_450 = arith.constant 48 : index
        %get3A_451 = tpu.vector_load %arg12[%get3A_450] {strides = array<i32>} : memref<128xi32, #tpu.memory_space<vmem>>, vector<16xi32>,
        %swap3A_452 = arith.constant 48 : index
        %swap3A_453 = tpu.vector_load %arg17[%swap3A_452] {strides = array<i32>} : memref<64xi32, #tpu.memory_space<vmem>>, vector<16xi32>,
        tpu.vector_store %arg17[%swap3A_452], %get3A_451 {strides = array<i32>} : memref<64xi32, #tpu.memory_space<vmem>>, vector<16xi32>,
        %get3A_454 = arith.constant 64 : index
        %get3A_455 = tpu.vector_load %arg12[%get3A_454] {strides = array<i32>} : memref<128xi32, #tpu.memory_space<vmem>>, vector<16xi32>,
        %swap3A_456 = arith.constant 0 : index
        %swap3A_457 = tpu.vector_load %arg18[%swap3A_456] {strides = array<i32>} : memref<64xi32, #tpu.memory_space<vmem>>, vector<16xi32>,
        tpu.vector_store %arg18[%swap3A_456], %get3A_455 {strides = array<i32>} : memref<64xi32, #tpu.memory_space<vmem>>, vector<16xi32>,
        %get3A_458 = arith.constant 80 : index
        %get3A_459 = tpu.vector_load %arg12[%get3A_458] {strides = array<i32>} : memref<128xi32, #tpu.memory_space<vmem>>, vector<16xi32>,
        %swap3A_460 = arith.constant 16 : index
        %swap3A_461 = tpu.vector_load %arg18[%swap3A_460] {strides = array<i32>} : memref<64xi32, #tpu.memory_space<vmem>>, vector<16xi32>,
        tpu.vector_store %arg18[%swap3A_460], %get3A_459 {strides = array<i32>} : memref<64xi32, #tpu.memory_space<vmem>>, vector<16xi32>,
        %get3A_462 = arith.constant 96 : index
        %get3A_463 = tpu.vector_load %arg12[%get3A_462] {strides = array<i32>} : memref<128xi32, #tpu.memory_space<vmem>>, vector<16xi32>,
        %swap3A_464 = arith.constant 32 : index
        %swap3A_465 = tpu.vector_load %arg18[%swap3A_464] {strides = array<i32>} : memref<64xi32, #tpu.memory_space<vmem>>, vector<16xi32>,
        tpu.vector_store %arg18[%swap3A_464], %get3A_463 {strides = array<i32>} : memref<64xi32, #tpu.memory_space<vmem>>, vector<16xi32>,
        %get3A_466 = arith.constant 112 : index
        %get3A_467 = tpu.vector_load %arg12[%get3A_466] {strides = array<i32>} : memref<128xi32, #tpu.memory_space<vmem>>, vector<16xi32>,
        %swap3A_468 = arith.constant 48 : index
        %swap3A_469 = tpu.vector_load %arg18[%swap3A_468] {strides = array<i32>} : memref<64xi32, #tpu.memory_space<vmem>>, vector<16xi32>,
        tpu.vector_store %arg18[%swap3A_468], %get3A_467 {strides = array<i32>} : memref<64xi32, #tpu.memory_space<vmem>>, vector<16xi32>,
        %parallel_loop3A = arith.constant 0 : i32
        %parallel_loop3A_470 = arith.constant 128 : i32
        %parallel_loop3A_471 = arith.constant 1 : i32
        scf.for %parallel_loop3A_484 = %parallel_loop3A to %parallel_loop3A_470 step %parallel_loop3A_471  : i32 {
          %parallel_loop3A_485 = vector.broadcast %parallel_loop3A_484 : i32 to vector<16xi32>
          %parallel_loop3A_486 = tpu.vector_load_idx %arg14[%parallel_loop3A_485] : memref<128xf32, #tpu.memory_space<vmem>>[vector<16xi32>], vector<16xf32>,
          %parallel_loop3A_487 = arith.index_cast %parallel_loop3A_484 : i32 to index
          %parallel_loop3A_488 = arith.constant 0 : index
          %parallel_loop3A_489 = tpu.vector_load %arg16[%parallel_loop3A_487, %parallel_loop3A_488] {strides = array<i32>} : memref<128x128xf32, #tpu.memory_space<vmem>>, vector<16xf32>,
          %parallel_loop3A_490 = arith.mulf %parallel_loop3A_489, %parallel_loop3A_486 : vector<16xf32>
          %parallel_loop3A_491 = arith.index_cast %parallel_loop3A_484 : i32 to index
          %parallel_loop3A_492 = arith.constant 0 : index
          %parallel_loop3A_493 = tpu.vector_load %arg16[%parallel_loop3A_491, %parallel_loop3A_492] {strides = array<i32>} : memref<128x128xf32, #tpu.memory_space<vmem>>, vector<16xf32>,
          tpu.vector_store %arg16[%parallel_loop3A_491, %parallel_loop3A_492], %parallel_loop3A_490 {strides = array<i32>} : memref<128x128xf32, #tpu.memory_space<vmem>>, vector<16xf32>,
          %parallel_loop3A_494 = arith.index_cast %parallel_loop3A_484 : i32 to index
          %parallel_loop3A_495 = arith.constant 16 : index
          %parallel_loop3A_496 = tpu.vector_load %arg16[%parallel_loop3A_494, %parallel_loop3A_495] {strides = array<i32>} : memref<128x128xf32, #tpu.memory_space<vmem>>, vector<16xf32>,
          %parallel_loop3A_497 = arith.mulf %parallel_loop3A_496, %parallel_loop3A_486 : vector<16xf32>
          %parallel_loop3A_498 = arith.index_cast %parallel_loop3A_484 : i32 to index
          %parallel_loop3A_499 = arith.constant 16 : index
          %parallel_loop3A_500 = tpu.vector_load %arg16[%parallel_loop3A_498, %parallel_loop3A_499] {strides = array<i32>} : memref<128x128xf32, #tpu.memory_space<vmem>>, vector<16xf32>,
          tpu.vector_store %arg16[%parallel_loop3A_498, %parallel_loop3A_499], %parallel_loop3A_497 {strides = array<i32>} : memref<128x128xf32, #tpu.memory_space<vmem>>, vector<16xf32>,
          %parallel_loop3A_501 = arith.index_cast %parallel_loop3A_484 : i32 to index
          %parallel_loop3A_502 = arith.constant 32 : index
          %parallel_loop3A_503 = tpu.vector_load %arg16[%parallel_loop3A_501, %parallel_loop3A_502] {strides = array<i32>} : memref<128x128xf32, #tpu.memory_space<vmem>>, vector<16xf32>,
          %parallel_loop3A_504 = arith.mulf %parallel_loop3A_503, %parallel_loop3A_486 : vector<16xf32>
          %parallel_loop3A_505 = arith.index_cast %parallel_loop3A_484 : i32 to index
          %parallel_loop3A_506 = arith.constant 32 : index
          %parallel_loop3A_507 = tpu.vector_load %arg16[%parallel_loop3A_505, %parallel_loop3A_506] {strides = array<i32>} : memref<128x128xf32, #tpu.memory_space<vmem>>, vector<16xf32>,
          tpu.vector_store %arg16[%parallel_loop3A_505, %parallel_loop3A_506], %parallel_loop3A_504 {strides = array<i32>} : memref<128x128xf32, #tpu.memory_space<vmem>>, vector<16xf32>,
          %parallel_loop3A_508 = arith.index_cast %parallel_loop3A_484 : i32 to index
          %parallel_loop3A_509 = arith.constant 48 : index
          %parallel_loop3A_510 = tpu.vector_load %arg16[%parallel_loop3A_508, %parallel_loop3A_509] {strides = array<i32>} : memref<128x128xf32, #tpu.memory_space<vmem>>, vector<16xf32>,
          %parallel_loop3A_511 = arith.mulf %parallel_loop3A_510, %parallel_loop3A_486 : vector<16xf32>
          %parallel_loop3A_512 = arith.index_cast %parallel_loop3A_484 : i32 to index
          %parallel_loop3A_513 = arith.constant 48 : index
          %parallel_loop3A_514 = tpu.vector_load %arg16[%parallel_loop3A_512, %parallel_loop3A_513] {strides = array<i32>} : memref<128x128xf32, #tpu.memory_space<vmem>>, vector<16xf32>,
          tpu.vector_store %arg16[%parallel_loop3A_512, %parallel_loop3A_513], %parallel_loop3A_511 {strides = array<i32>} : memref<128x128xf32, #tpu.memory_space<vmem>>, vector<16xf32>,
          %parallel_loop3A_515 = arith.index_cast %parallel_loop3A_484 : i32 to index
          %parallel_loop3A_516 = arith.constant 64 : index
          %parallel_loop3A_517 = tpu.vector_load %arg16[%parallel_loop3A_515, %parallel_loop3A_516] {strides = array<i32>} : memref<128x128xf32, #tpu.memory_space<vmem>>, vector<16xf32>,
          %parallel_loop3A_518 = arith.mulf %parallel_loop3A_517, %parallel_loop3A_486 : vector<16xf32>
          %parallel_loop3A_519 = arith.index_cast %parallel_loop3A_484 : i32 to index
          %parallel_loop3A_520 = arith.constant 64 : index
          %parallel_loop3A_521 = tpu.vector_load %arg16[%parallel_loop3A_519, %parallel_loop3A_520] {strides = array<i32>} : memref<128x128xf32, #tpu.memory_space<vmem>>, vector<16xf32>,
          tpu.vector_store %arg16[%parallel_loop3A_519, %parallel_loop3A_520], %parallel_loop3A_518 {strides = array<i32>} : memref<128x128xf32, #tpu.memory_space<vmem>>, vector<16xf32>,
          %parallel_loop3A_522 = arith.index_cast %parallel_loop3A_484 : i32 to index
          %parallel_loop3A_523 = arith.constant 80 : index
          %parallel_loop3A_524 = tpu.vector_load %arg16[%parallel_loop3A_522, %parallel_loop3A_523] {strides = array<i32>} : memref<128x128xf32, #tpu.memory_space<vmem>>, vector<16xf32>,
          %parallel_loop3A_525 = arith.mulf %parallel_loop3A_524, %parallel_loop3A_486 : vector<16xf32>
          %parallel_loop3A_526 = arith.index_cast %parallel_loop3A_484 : i32 to index
          %parallel_loop3A_527 = arith.constant 80 : index
          %parallel_loop3A_528 = tpu.vector_load %arg16[%parallel_loop3A_526, %parallel_loop3A_527] {strides = array<i32>} : memref<128x128xf32, #tpu.memory_space<vmem>>, vector<16xf32>,
          tpu.vector_store %arg16[%parallel_loop3A_526, %parallel_loop3A_527], %parallel_loop3A_525 {strides = array<i32>} : memref<128x128xf32, #tpu.memory_space<vmem>>, vector<16xf32>,
          %parallel_loop3A_529 = arith.index_cast %parallel_loop3A_484 : i32 to index
          %parallel_loop3A_530 = arith.constant 96 : index
          %parallel_loop3A_531 = tpu.vector_load %arg16[%parallel_loop3A_529, %parallel_loop3A_530] {strides = array<i32>} : memref<128x128xf32, #tpu.memory_space<vmem>>, vector<16xf32>,
          %parallel_loop3A_532 = arith.mulf %parallel_loop3A_531, %parallel_loop3A_486 : vector<16xf32>
          %parallel_loop3A_533 = arith.index_cast %parallel_loop3A_484 : i32 to index
          %parallel_loop3A_534 = arith.constant 96 : index
          %parallel_loop3A_535 = tpu.vector_load %arg16[%parallel_loop3A_533, %parallel_loop3A_534] {strides = array<i32>} : memref<128x128xf32, #tpu.memory_space<vmem>>, vector<16xf32>,
          tpu.vector_store %arg16[%parallel_loop3A_533, %parallel_loop3A_534], %parallel_loop3A_532 {strides = array<i32>} : memref<128x128xf32, #tpu.memory_space<vmem>>, vector<16xf32>,
          %parallel_loop3A_536 = arith.index_cast %parallel_loop3A_484 : i32 to index
          %parallel_loop3A_537 = arith.constant 112 : index
          %parallel_loop3A_538 = tpu.vector_load %arg16[%parallel_loop3A_536, %parallel_loop3A_537] {strides = array<i32>} : memref<128x128xf32, #tpu.memory_space<vmem>>, vector<16xf32>,
          %parallel_loop3A_539 = arith.mulf %parallel_loop3A_538, %parallel_loop3A_486 : vector<16xf32>
          %parallel_loop3A_540 = arith.index_cast %parallel_loop3A_484 : i32 to index
          %parallel_loop3A_541 = arith.constant 112 : index
          %parallel_loop3A_542 = tpu.vector_load %arg16[%parallel_loop3A_540, %parallel_loop3A_541] {strides = array<i32>} : memref<128x128xf32, #tpu.memory_space<vmem>>, vector<16xf32>,
          tpu.vector_store %arg16[%parallel_loop3A_540, %parallel_loop3A_541], %parallel_loop3A_539 {strides = array<i32>} : memref<128x128xf32, #tpu.memory_space<vmem>>, vector<16xf32>,
        } {sc.loop_unroll_factor = 4 : i64, sc.parallel_access}
        %dma_start3A_472 = arith.constant 0 : i32
        %dma_start3A_473 = arith.constant 0 : i32
        %dma_start3A_474 = tpu.memref_slice %arg16[%dma_start3A_472, %dma_start3A_473] : memref<128x128xf32, #tpu.memory_space<vmem>> -> memref<64x128xf32, #tpu.memory_space<vmem>>
        %dma_start3A_475 = arith.constant 0 : i32
        %dma_start3A_476 = arith.constant 0 : i32
        %dma_start3A_477 = tpu.memref_slice %arg8[%dma_start3A_475, %dma_start3A_476] : memref<10000x128xf32, #tpu.memory_space<vmem_shared>> -> memref<10000x128xf32, #tpu.memory_space<vmem_shared>>
        tpu.enqueue_indirect_dma source(%dma_start3A_474 : memref<64x128xf32, #tpu.memory_space<vmem>>) target(%dma_start3A_477 : memref<10000x128xf32, #tpu.memory_space<vmem_shared>>) offsets(%arg17 : memref<64xi32, #tpu.memory_space<vmem>>) semaphore(%arg25 : memref<!tpu.dma_semaphore, #tpu.memory_space<semaphore_mem>>) {add = true}
        %dma_start3A_478 = arith.constant 64 : i32
        %dma_start3A_479 = arith.constant 0 : i32
        %dma_start3A_480 = tpu.memref_slice %arg16[%dma_start3A_478, %dma_start3A_479] : memref<128x128xf32, #tpu.memory_space<vmem>> -> memref<64x128xf32, #tpu.memory_space<vmem>>
        %dma_start3A_481 = arith.constant 0 : i32
        %dma_start3A_482 = arith.constant 0 : i32
        %dma_start3A_483 = tpu.memref_slice %arg8[%dma_start3A_481, %dma_start3A_482] : memref<10000x128xf32, #tpu.memory_space<vmem_shared>> -> memref<10000x128xf32, #tpu.memory_space<vmem_shared>>
        tpu.enqueue_indirect_dma source(%dma_start3A_480 : memref<64x128xf32, #tpu.memory_space<vmem>>) target(%dma_start3A_483 : memref<10000x128xf32, #tpu.memory_space<vmem_shared>>) offsets(%arg18 : memref<64xi32, #tpu.memory_space<vmem>>) semaphore(%arg25 : memref<!tpu.dma_semaphore, #tpu.memory_space<semaphore_mem>>) {add = true}
      } else {
      }
      %add3A_412 = arith.constant 2 : i32
      %add3A_413 = arith.addi %add3A_380, %add3A_412 : i32
      %mul3A_414 = arith.constant 16 : i32
      %mul3A_415 = arith.muli %add3A_413, %mul3A_414 : i32
      %add3A_416 = arith.addi %mul3A_415, %arg1 : i32
      %lt3A_417 = arith.constant 1250 : i32
      %lt3A_418 = arith.cmpi slt, %add3A_416, %lt3A_417 : i32
      %convert_element_type3A_419 = arith.extui %lt3A_418 : i1 to i32
      %cond3A_420 = arith.constant 0 : i32
      %cond3A_421 = arith.cmpi ne, %convert_element_type3A_419, %cond3A_420 : i32
      scf.if %cond3A_421 {
        %add3A_422 = arith.constant 2 : i32
        %add3A_423 = arith.addi %add3A_380, %add3A_422 : i32
        %mul3A_424 = arith.constant 16 : i32
        %mul3A_425 = arith.muli %add3A_423, %mul3A_424 : i32
        %add3A_426 = arith.addi %mul3A_425, %arg1 : i32
        %mul3A_427 = arith.constant 128 : i32
        %mul3A_428 = arith.muli %add3A_426, %mul3A_427 : i32
        %dma_start3A_429 = tpu.memref_slice %arg3[%mul3A_428] : memref<160000xi32, #tpu.memory_space<hbm>> -> memref<128xi32, #tpu.memory_space<hbm>>
        %dma_start3A_430 = tpu.memref_slice %arg3[%mul3A_428] : memref<160000xi32, #tpu.memory_space<hbm>> -> memref<128xi32, #tpu.memory_space<hbm>>
        tpu.enqueue_dma source(%dma_start3A_430 : memref<128xi32, #tpu.memory_space<hbm>>) target(%arg10 : memref<128xi32, #tpu.memory_space<vmem>>) target_semaphore(%arg22 : memref<!tpu.dma_semaphore, #tpu.memory_space<semaphore_mem>>)
        %dma_start3A_431 = tpu.memref_slice %arg4[%mul3A_428] : memref<160000xi32, #tpu.memory_space<hbm>> -> memref<128xi32, #tpu.memory_space<hbm>>
        %dma_start3A_432 = tpu.memref_slice %arg4[%mul3A_428] : memref<160000xi32, #tpu.memory_space<hbm>> -> memref<128xi32, #tpu.memory_space<hbm>>
        tpu.enqueue_dma source(%dma_start3A_432 : memref<128xi32, #tpu.memory_space<hbm>>) target(%arg12 : memref<128xi32, #tpu.memory_space<vmem>>) target_semaphore(%arg22 : memref<!tpu.dma_semaphore, #tpu.memory_space<semaphore_mem>>)
        %dma_start3A_433 = tpu.memref_slice %arg5[%mul3A_428] : memref<160000xf32, #tpu.memory_space<hbm>> -> memref<128xf32, #tpu.memory_space<hbm>>
        %dma_start3A_434 = tpu.memref_slice %arg5[%mul3A_428] : memref<160000xf32, #tpu.memory_space<hbm>> -> memref<128xf32, #tpu.memory_space<hbm>>
        tpu.enqueue_dma source(%dma_start3A_434 : memref<128xf32, #tpu.memory_space<hbm>>) target(%arg14 : memref<128xf32, #tpu.memory_space<vmem>>) target_semaphore(%arg22 : memref<!tpu.dma_semaphore, #tpu.memory_space<semaphore_mem>>)
      } else {
      }
    }
    %scan3A_326 = arith.constant 40 : i32
    %barrier3A_327 = arith.constant 0 : index
    tpu.barrier barrier_id(%barrier3A_327)
    %mul3A_328 = arith.constant 624 : i32
    %mul3A_329 = arith.muli %mul3A_328, %arg1 : i32
    "tpu.region"() ({
      %run_scoped3A = tpu.sem_alloc : memref<!tpu.dma_semaphore, #tpu.memory_space<semaphore_mem>>
      %dma_start3A_335 = arith.constant 0 : i32
      %dma_start3A_336 = arith.constant 0 : i32
      %dma_start3A_337 = tpu.memref_slice %arg7[%arg0, %dma_start3A_335, %dma_start3A_336] : memref<2x10000x128xf32, #tpu.memory_space<hbm>> -> memref<1x10000x128xf32, #tpu.memory_space<hbm>>
      %dma_start3A_338 = tpu.memref_squeeze %dma_start3A_337 : memref<1x10000x128xf32, #tpu.memory_space<hbm>> -> memref<10000x128xf32, #tpu.memory_space<hbm>>
      %dma_start3A_339 = arith.constant 0 : i32
      %dma_start3A_340 = tpu.memref_slice %dma_start3A_338[%mul3A_329, %dma_start3A_339] : memref<10000x128xf32, #tpu.memory_space<hbm>> -> memref<624x128xf32, #tpu.memory_space<hbm>>
      %dma_start3A_341 = arith.constant 0 : i32
      %dma_start3A_342 = tpu.memref_slice %arg8[%mul3A_329, %dma_start3A_341] : memref<10000x128xf32, #tpu.memory_space<vmem_shared>> -> memref<624x128xf32, #tpu.memory_space<vmem_shared>>
      tpu.enqueue_dma source(%dma_start3A_342 : memref<624x128xf32, #tpu.memory_space<vmem_shared>>) target(%dma_start3A_340 : memref<624x128xf32, #tpu.memory_space<hbm>>) target_semaphore(%run_scoped3A : memref<!tpu.dma_semaphore, #tpu.memory_space<semaphore_mem>>)
      %dma_wait3A_343 = arith.constant 0 : i32
      %dma_wait3A_344 = arith.constant 0 : i32
      %dma_wait3A_345 = tpu.memref_slice %arg7[%arg0, %dma_wait3A_343, %dma_wait3A_344] : memref<2x10000x128xf32, #tpu.memory_space<hbm>> -> memref<1x10000x128xf32, #tpu.memory_space<hbm>>
      %dma_wait3A_346 = tpu.memref_squeeze %dma_wait3A_345 : memref<1x10000x128xf32, #tpu.memory_space<hbm>> -> memref<10000x128xf32, #tpu.memory_space<hbm>>
      %dma_wait3A_347 = arith.constant 0 : i32
      %dma_wait3A_348 = tpu.memref_slice %dma_wait3A_346[%mul3A_329, %dma_wait3A_347] : memref<10000x128xf32, #tpu.memory_space<hbm>> -> memref<624x128xf32, #tpu.memory_space<hbm>>
      %dma_wait3A_349 = arith.constant 0 : i32
      %dma_wait3A_350 = tpu.memref_slice %arg8[%mul3A_329, %dma_wait3A_349] : memref<10000x128xf32, #tpu.memory_space<vmem_shared>> -> memref<624x128xf32, #tpu.memory_space<vmem_shared>>
      tpu.wait_dma2 semaphore(%run_scoped3A : memref<!tpu.dma_semaphore, #tpu.memory_space<semaphore_mem>>) src(%dma_wait3A_350 : memref<624x128xf32, #tpu.memory_space<vmem_shared>>) dst(%dma_wait3A_348 : memref<624x128xf32, #tpu.memory_space<hbm>>)
      tpu.yield
    }) : () -> ()
    %eq3A_330 = arith.constant 15 : i32
    %eq3A_331 = arith.cmpi eq, %arg1, %eq3A_330 : i32
    %convert_element_type3A_332 = arith.extui %eq3A_331 : i1 to i32
    %cond3A_333 = arith.constant 0 : i32
    %cond3A_334 = arith.cmpi ne, %convert_element_type3A_332, %cond3A_333 : i32
    scf.if %cond3A_334 {
      "tpu.region"() ({
        %run_scoped3A = tpu.sem_alloc : memref<!tpu.dma_semaphore, #tpu.memory_space<semaphore_mem>>
        %dma_start3A_335 = arith.constant 0 : i32
        %dma_start3A_336 = arith.constant 0 : i32
        %dma_start3A_337 = tpu.memref_slice %arg7[%arg0, %dma_start3A_335, %dma_start3A_336] : memref<2x10000x128xf32, #tpu.memory_space<hbm>> -> memref<1x10000x128xf32, #tpu.memory_space<hbm>>
        %dma_start3A_338 = tpu.memref_squeeze %dma_start3A_337 : memref<1x10000x128xf32, #tpu.memory_space<hbm>> -> memref<10000x128xf32, #tpu.memory_space<hbm>>
        %dma_start3A_339 = arith.constant 9984 : i32
        %dma_start3A_340 = arith.constant 0 : i32
        %dma_start3A_341 = tpu.memref_slice %dma_start3A_338[%dma_start3A_339, %dma_start3A_340] : memref<10000x128xf32, #tpu.memory_space<hbm>> -> memref<16x128xf32, #tpu.memory_space<hbm>>
        %dma_start3A_342 = arith.constant 9984 : i32
        %dma_start3A_343 = arith.constant 0 : i32
        %dma_start3A_344 = tpu.memref_slice %arg8[%dma_start3A_342, %dma_start3A_343] : memref<10000x128xf32, #tpu.memory_space<vmem_shared>> -> memref<16x128xf32, #tpu.memory_space<vmem_shared>>
        tpu.enqueue_dma source(%dma_start3A_344 : memref<16x128xf32, #tpu.memory_space<vmem_shared>>) target(%dma_start3A_341 : memref<16x128xf32, #tpu.memory_space<hbm>>) target_semaphore(%run_scoped3A : memref<!tpu.dma_semaphore, #tpu.memory_space<semaphore_mem>>)
        %dma_wait3A_345 = arith.constant 0 : i32
        %dma_wait3A_346 = arith.constant 0 : i32
        %dma_wait3A_347 = tpu.memref_slice %arg7[%arg0, %dma_wait3A_345, %dma_wait3A_346] : memref<2x10000x128xf32, #tpu.memory_space<hbm>> -> memref<1x10000x128xf32, #tpu.memory_space<hbm>>
        %dma_wait3A_348 = tpu.memref_squeeze %dma_wait3A_347 : memref<1x10000x128xf32, #tpu.memory_space<hbm>> -> memref<10000x128xf32, #tpu.memory_space<hbm>>
        %dma_wait3A_349 = arith.constant 9984 : i32
        %dma_wait3A_350 = arith.constant 0 : i32
        %dma_wait3A_351 = tpu.memref_slice %dma_wait3A_348[%dma_wait3A_349, %dma_wait3A_350] : memref<10000x128xf32, #tpu.memory_space<hbm>> -> memref<16x128xf32, #tpu.memory_space<hbm>>
        %dma_wait3A_352 = arith.constant 9984 : i32
        %dma_wait3A_353 = arith.constant 0 : i32
        %dma_wait3A_354 = tpu.memref_slice %arg8[%dma_wait3A_352, %dma_wait3A_353] : memref<10000x128xf32, #tpu.memory_space<vmem_shared>> -> memref<16x128xf32, #tpu.memory_space<vmem_shared>>
        tpu.wait_dma2 semaphore(%run_scoped3A : memref<!tpu.dma_semaphore, #tpu.memory_space<semaphore_mem>>) src(%dma_wait3A_354 : memref<16x128xf32, #tpu.memory_space<vmem_shared>>) dst(%dma_wait3A_351 : memref<16x128xf32, #tpu.memory_space<hbm>>)
        tpu.yield
      }) : () -> ()
    } else {
    }
    return
  }
}

module attributes {stable_mosaic.version = 14 : i64} {
  func.func @_norm_body(%arg0: memref<2x80x128xf32, #tpu.memory_space<vmem>>, %arg1: memref<2x10000x1xf32, #tpu.memory_space<vmem>>) attributes {dimension_semantics = [], scalar_prefetch = 0 : i64, scratch_operands = 0 : i64, tpu.core_type = #tpu.core_type<tc>} {
    %get3A = arith.constant 0 : index
    %get3A_0 = arith.constant 0 : index
    %get3A_1 = arith.constant 0 : index
    %get3A_2 = vector.load %arg0[%get3A, %get3A_0, %get3A_1] : memref<2x80x128xf32, #tpu.memory_space<vmem>>, vector<2x80x128xf32>
    %reshape3A = vector.shape_cast %get3A_2 : vector<2x80x128xf32> to vector<2x10240xf32>
    %slice3A = vector.extract_strided_slice %reshape3A {offsets = [0, 0], sizes = [2, 10000], strides = [1, 1]} : vector<2x10240xf32> to vector<2x10000xf32>
    %max3A = arith.constant 1.000000e+00 : f32
    %max3A_3 = vector.broadcast %max3A : f32 to vector<2x10000xf32>
    %max3A_4 = arith.maximumf %slice3A, %max3A_3 : vector<2x10000xf32>
    %rsqrt3A = math.rsqrt %max3A_4 : vector<2x10000xf32>
    %broadcast_in_dim3A = vector.shape_cast %rsqrt3A : vector<2x10000xf32> to vector<2x10000x1xf32>
    %swap3A = arith.constant 0 : index
    %swap3A_5 = arith.constant 0 : index
    %swap3A_6 = arith.constant 0 : index
    %swap3A_7 = vector.load %arg1[%swap3A, %swap3A_5, %swap3A_6] : memref<2x10000x1xf32, #tpu.memory_space<vmem>>, vector<2x10000x1xf32>
    tpu.vector_store %arg1[%swap3A, %swap3A_5, %swap3A_6], %broadcast_in_dim3A {strides = array<i32>} : memref<2x10000x1xf32, #tpu.memory_space<vmem>>, vector<2x10000x1xf32>,
    return
  }
}

module attributes {stable_mosaic.version = 14 : i64} {
  func.func @_mm_body(%arg0: i32, %arg1: memref<2x1000x128xf32, #tpu.memory_space<vmem>>, %arg2: memref<1x1000x1xf32, #tpu.memory_space<vmem>>, %arg3: memref<256x512xf32, #tpu.memory_space<vmem>>, %arg4: memref<512xf32, #tpu.memory_space<vmem>>, %arg5: memref<512x256xf32, #tpu.memory_space<vmem>>, %arg6: memref<1000x256xf32, #tpu.memory_space<vmem>>) attributes {dimension_semantics = [#tpu.dimension_semantics<arbitrary>], iteration_bounds = array<i64: 10>, scalar_prefetch = 0 : i64, scratch_operands = 0 : i64, tpu.core_type = #tpu.core_type<tc>, window_params = [{transform_indices = @transform_0, window_bounds = array<i64: 2, 1000, 128>}, {transform_indices = @transform_1, window_bounds = array<i64: 1, 1000, 1>}, {pipeline_mode = #tpu.pipeline_mode<synchronous>, transform_indices = @transform_2, window_bounds = array<i64: 256, 512>}, {pipeline_mode = #tpu.pipeline_mode<synchronous>, transform_indices = @transform_3, window_bounds = array<i64: 512>}, {pipeline_mode = #tpu.pipeline_mode<synchronous>, transform_indices = @transform_4, window_bounds = array<i64: 512, 256>}, {transform_indices = @transform_5, window_bounds = array<i64: 1000, 256>}]} {
    %get3A = arith.constant 0 : index
    %get3A_0 = arith.constant 0 : index
    %get3A_1 = arith.constant 0 : index
    %get3A_2 = vector.load %arg1[%get3A, %get3A_0, %get3A_1] : memref<2x1000x128xf32, #tpu.memory_space<vmem>>, vector<1x1000x128xf32>
    %get3A_3 = vector.shape_cast %get3A_2 : vector<1x1000x128xf32> to vector<1000x128xf32>
    %get3A_4 = arith.constant 1 : index
    %get3A_5 = arith.constant 0 : index
    %get3A_6 = arith.constant 0 : index
    %get3A_7 = vector.load %arg1[%get3A_4, %get3A_5, %get3A_6] : memref<2x1000x128xf32, #tpu.memory_space<vmem>>, vector<1x1000x128xf32>
    %get3A_8 = vector.shape_cast %get3A_7 : vector<1x1000x128xf32> to vector<1000x128xf32>
    %concatenate3A = tpu.concatenate %get3A_3, %get3A_8 in 1 : vector<1000x128xf32>, vector<1000x128xf32> -> vector<1000x256xf32>
    %get3A_9 = arith.constant 0 : index
    %get3A_10 = arith.constant 0 : index
    %get3A_11 = arith.constant 0 : index
    %get3A_12 = vector.load %arg2[%get3A_9, %get3A_10, %get3A_11] : memref<1x1000x1xf32, #tpu.memory_space<vmem>>, vector<1x1000x1xf32>
    %get3A_13 = vector.shape_cast %get3A_12 : vector<1x1000x1xf32> to vector<1000x1xf32>
    %mul3A = vector.broadcast %get3A_13 : vector<1000x1xf32> to vector<1000x256xf32>
    %mul3A_14 = arith.mulf %concatenate3A, %mul3A : vector<1000x256xf32>
    %get3A_15 = arith.constant 0 : index
    %get3A_16 = arith.constant 0 : index
    %get3A_17 = vector.load %arg3[%get3A_15, %get3A_16] : memref<256x512xf32, #tpu.memory_space<vmem>>, vector<256x512xf32>
    %dot_general3A = arith.constant dense<0.000000e+00> : vector<1000x512xf32>
    %dot_general3A_18 = tpu.matmul %mul3A_14, %get3A_17, %dot_general3A {dimension_numbers = #tpu.dot_dimension_numbers<[1], [0], [0], [1], [0, 0, 1, 1], [], []>, transpose_lhs_hint = false} : vector<1000x256xf32>, vector<256x512xf32>, vector<1000x512xf32> -> vector<1000x512xf32>
    %get3A_19 = arith.constant 0 : index
    %get3A_20 = vector.load %arg4[%get3A_19] : memref<512xf32, #tpu.memory_space<vmem>>, vector<512xf32>
    %broadcast_in_dim3A = vector.shape_cast %get3A_20 : vector<512xf32> to vector<1x512xf32>
    %add3A = vector.broadcast %broadcast_in_dim3A : vector<1x512xf32> to vector<1000x512xf32>
    %add3A_21 = arith.addf %dot_general3A_18, %add3A : vector<1000x512xf32>
    %max3A = arith.constant 0.000000e+00 : f32
    %max3A_22 = vector.broadcast %max3A : f32 to vector<1000x512xf32>
    %max3A_23 = arith.maximumf %add3A_21, %max3A_22 : vector<1000x512xf32>
    %get3A_24 = arith.constant 0 : index
    %get3A_25 = arith.constant 0 : index
    %get3A_26 = vector.load %arg5[%get3A_24, %get3A_25] : memref<512x256xf32, #tpu.memory_space<vmem>>, vector<512x256xf32>
    %dot_general3A_27 = arith.constant dense<0.000000e+00> : vector<1000x256xf32>
    %dot_general3A_28 = tpu.matmul %max3A_23, %get3A_26, %dot_general3A_27 {dimension_numbers = #tpu.dot_dimension_numbers<[1], [0], [0], [1], [0, 0, 1, 1], [], []>, transpose_lhs_hint = false} : vector<1000x512xf32>, vector<512x256xf32>, vector<1000x256xf32> -> vector<1000x256xf32>
    %swap3A = arith.constant 0 : index
    %swap3A_29 = arith.constant 0 : index
    %swap3A_30 = vector.load %arg6[%swap3A, %swap3A_29] : memref<1000x256xf32, #tpu.memory_space<vmem>>, vector<1000x256xf32>
    tpu.vector_store %arg6[%swap3A, %swap3A_29], %dot_general3A_28 {strides = array<i32>} : memref<1000x256xf32, #tpu.memory_space<vmem>>, vector<1000x256xf32>,
    return
  }
  func.func @transform_0(%arg0: i32) -> (i32, i32, i32) {
    %c0_i32 = arith.constant 0 : i32
    %c0_i32_0 = arith.constant 0 : i32
    %c0_i32_1 = arith.constant 0 : i32
    return %c0_i32, %arg0, %c0_i32_0 : i32, i32, i32
  }
  func.func @transform_1(%arg0: i32) -> (i32, i32, i32) {
    %c1_i32 = arith.constant 1 : i32
    %c0_i32 = arith.constant 0 : i32
    %c0_i32_0 = arith.constant 0 : i32
    return %c1_i32, %arg0, %c0_i32 : i32, i32, i32
  }
  func.func @transform_2(%arg0: i32) -> (i32, i32) {
    %c0_i32 = arith.constant 0 : i32
    %c0_i32_0 = arith.constant 0 : i32
    %c0_i32_1 = arith.constant 0 : i32
    return %c0_i32, %c0_i32_0 : i32, i32
  }
  func.func @transform_3(%arg0: i32) -> i32 {
    %c0_i32 = arith.constant 0 : i32
    %c0_i32_0 = arith.constant 0 : i32
    return %c0_i32 : i32
  }
  func.func @transform_4(%arg0: i32) -> (i32, i32) {
    %c0_i32 = arith.constant 0 : i32
    %c0_i32_0 = arith.constant 0 : i32
    %c0_i32_1 = arith.constant 0 : i32
    return %c0_i32, %c0_i32_0 : i32, i32
  }
  func.func @transform_5(%arg0: i32) -> (i32, i32) {
    %c0_i32 = arith.constant 0 : i32
    %c0_i32_0 = arith.constant 0 : i32
    return %arg0, %c0_i32 : i32, i32
  }
}

module attributes {stable_mosaic.version = 14 : i64} {
  func.func @_out_body(%arg0: i32, %arg1: memref<2x1000x128xf32, #tpu.memory_space<vmem>>, %arg2: memref<1x1000x1xf32, #tpu.memory_space<vmem>>, %arg3: memref<256xf32, #tpu.memory_space<vmem>>, %arg4: memref<1000x256xf32, #tpu.memory_space<vmem>>) attributes {dimension_semantics = [#tpu.dimension_semantics<arbitrary>], iteration_bounds = array<i64: 10>, scalar_prefetch = 0 : i64, scratch_operands = 0 : i64, tpu.core_type = #tpu.core_type<tc>, window_params = [{transform_indices = @transform_0, window_bounds = array<i64: 2, 1000, 128>}, {transform_indices = @transform_1, window_bounds = array<i64: 1, 1000, 1>}, {pipeline_mode = #tpu.pipeline_mode<synchronous>, transform_indices = @transform_2, window_bounds = array<i64: 256>}, {transform_indices = @transform_3, window_bounds = array<i64: 1000, 256>}]} {
    %get3A = arith.constant 0 : index
    %get3A_0 = arith.constant 0 : index
    %get3A_1 = arith.constant 0 : index
    %get3A_2 = vector.load %arg1[%get3A, %get3A_0, %get3A_1] : memref<2x1000x128xf32, #tpu.memory_space<vmem>>, vector<1x1000x128xf32>
    %get3A_3 = vector.shape_cast %get3A_2 : vector<1x1000x128xf32> to vector<1000x128xf32>
    %get3A_4 = arith.constant 1 : index
    %get3A_5 = arith.constant 0 : index
    %get3A_6 = arith.constant 0 : index
    %get3A_7 = vector.load %arg1[%get3A_4, %get3A_5, %get3A_6] : memref<2x1000x128xf32, #tpu.memory_space<vmem>>, vector<1x1000x128xf32>
    %get3A_8 = vector.shape_cast %get3A_7 : vector<1x1000x128xf32> to vector<1000x128xf32>
    %concatenate3A = tpu.concatenate %get3A_3, %get3A_8 in 1 : vector<1000x128xf32>, vector<1000x128xf32> -> vector<1000x256xf32>
    %get3A_9 = arith.constant 0 : index
    %get3A_10 = arith.constant 0 : index
    %get3A_11 = arith.constant 0 : index
    %get3A_12 = vector.load %arg2[%get3A_9, %get3A_10, %get3A_11] : memref<1x1000x1xf32, #tpu.memory_space<vmem>>, vector<1x1000x1xf32>
    %get3A_13 = vector.shape_cast %get3A_12 : vector<1x1000x1xf32> to vector<1000x1xf32>
    %mul3A = vector.broadcast %get3A_13 : vector<1000x1xf32> to vector<1000x256xf32>
    %mul3A_14 = arith.mulf %concatenate3A, %mul3A : vector<1000x256xf32>
    %get3A_15 = arith.constant 0 : index
    %get3A_16 = vector.load %arg3[%get3A_15] : memref<256xf32, #tpu.memory_space<vmem>>, vector<256xf32>
    %broadcast_in_dim3A = vector.shape_cast %get3A_16 : vector<256xf32> to vector<1x256xf32>
    %add3A = vector.broadcast %broadcast_in_dim3A : vector<1x256xf32> to vector<1000x256xf32>
    %add3A_17 = arith.addf %mul3A_14, %add3A : vector<1000x256xf32>
    %swap3A = arith.constant 0 : index
    %swap3A_18 = arith.constant 0 : index
    %swap3A_19 = vector.load %arg4[%swap3A, %swap3A_18] : memref<1000x256xf32, #tpu.memory_space<vmem>>, vector<1000x256xf32>
    tpu.vector_store %arg4[%swap3A, %swap3A_18], %add3A_17 {strides = array<i32>} : memref<1000x256xf32, #tpu.memory_space<vmem>>, vector<1000x256xf32>,
    return
  }
  func.func @transform_0(%arg0: i32) -> (i32, i32, i32) {
    %c0_i32 = arith.constant 0 : i32
    %c0_i32_0 = arith.constant 0 : i32
    %c0_i32_1 = arith.constant 0 : i32
    return %c0_i32, %arg0, %c0_i32_0 : i32, i32, i32
  }
  func.func @transform_1(%arg0: i32) -> (i32, i32, i32) {
    %c1_i32 = arith.constant 1 : i32
    %c0_i32 = arith.constant 0 : i32
    %c0_i32_0 = arith.constant 0 : i32
    return %c1_i32, %arg0, %c0_i32 : i32, i32, i32
  }
  func.func @transform_2(%arg0: i32) -> i32 {
    %c0_i32 = arith.constant 0 : i32
    %c0_i32_0 = arith.constant 0 : i32
    return %c0_i32 : i32
  }
  func.func @transform_3(%arg0: i32) -> (i32, i32) {
    %c0_i32 = arith.constant 0 : i32
    %c0_i32_0 = arith.constant 0 : i32
    return %arg0, %c0_i32 : i32, i32
  }
}

</mosaic_0001>

<sc_bundles>
// kernel: kernel.11.cloned.1.call-start
scs
__scs_entry_jumppad:
0x0: {  	(pc) =	sbr.rel $0x88, $3  }
0x1: {  	(tag) =	ssettag $0x0;
	lr =	simm.s32 $0x1  }
0x2: {  	[smem:$0x3F9A] =	sst lr;
	_ =	strace $0xD0000000  }
0x3: {  	_ = 	snop  }
0x4: {  	_ = 	snop  }
0x5: {  	_ = 	snop  }
0x6: {  	_ = 	snop  }
0x7: {  	_ = 	snop  }
__scs_overlays_trampoline_lowered:
0x8: {  	[smem:$0x3FA9] =	sst s0  }
0x9: {  	[smem:$0x3FAA] =	sst s1  }
0xa: {  	[smem:$0x3FAB] =	sst s2  }
0xb: {  	[smem:$0x3FAC] =	sst s3  }
0xc: {  	[smem:$0x3FAD] =	sst s4  }
0xd: {  	[smem:$0x3FAE] =	sst s5  }
0xe: {  	[smem:$0x3FAF] =	sst s6  }
0xf: {  	[smem:$0x3FB0] =	sst s7  }
0x10: {  	[smem:$0x3FB1] =	sst s8  }
0x11: {  	[smem:$0x3FB2] =	sst s9;
	s0 =	simm.s32 @!p0 $0x0  }
0x12: {  	s1 =	sld [smem:$0x3F98];
	s0 =	simm.s32 @p0 $0x1  }
0x13: {  	[smem:$0x3FB3] =	sst s0;
	s0 =	simm.s32 @!p1 $0x0  }
0x14: {  	s2 =	sld [smem:$0x3F97];
	s0 =	simm.s32 @p1 $0x1  }
0x15: {  	[smem:$0x3FB4] =	sst s0;
	s0 =	simm.s32 @!p2 $0x0  }
0x16: {  	s3 =	sld [smem:$0x3FDB];
	s0 =	simm.s32 @p2 $0x1  }
0x17: {  	s4 =	simm.s32 $0x1BF5;
	[smem:$0x3FB6] =	sst s0  }
0x18: {  	s0 =	sld [smem:$0x3F99];
	_ =	swait.ge [sflag:s4], $0x0  }
0x19: {  	s7 =	sld [smem:$0x3F9A]  }
0x1a: {  	s8 =	sadd.s32 $0xFFFFE003, lr  }
0x1b: {  	s9 =	sadd.s32 $0xFFFFFEF7, lr;
	s5 =	simm.s32 $0xFFFFFFFF;
	p2 =	slt.u32 s8, $0xFFFFF086  }
0x1c: {  	p1 =	slt.u32 s9, $0xF7A;
	s5 =	simm.s32 @!p2 $0x0  }
0x1d: {  	s5 =	simm.s32 @p1 $0x1;
	p0 =	seq.s32 s7, s2  }
0x1e: {  	s7 =	smul.u32 @!p0 $0xF7A, s2;
	p2 =	seq.s32 @!p0 s5, $0x0  }
0x1f: {  	s9 =	smul.u32 $0xF7A, s1;
	s8 =	simm.s32 @!p0 $0x1BF5;
	p2 =	por !p2, p0  }
0x20: {  	[sflag:s8] =	ssyncset.s32 @!p0 $0xFFFFF086;
	s6 =	sadd.s32 @!p0 s3, s7;
	s7 =	simm.s32 @!p0 $0x108  }
0x21: {  	s3 =	sadd.s32 s3, s9;
	s6 =	sadd.s32 @!p0 $0x88, s6;
	s7 =	simm.s32 @p2 $0x1082  }
0x22: {  	[simem:s7], [sflag:s8] =	dma.local @!p0 [hbm:s6], $0xF7A  }
0x23: {  	s9 =	sor.u32 $0xD0000000, s2;
	s6 =	simm.s32 $0x108;
	_ =	swait.ge @!p0 [sflag:s8], $0x0  }
0x24: {  	s3 =	sadd.s32 $0x88, s3;
	s6 =	simm.s32 @!p1 $0x1082;
	[sflag:s4] =	ssyncset.s32 $0xFFFFF086  }
0x25: {  	[simem:s6], [sflag:s4] =	dma.local [hbm:s3], $0xF7A  }
0x26: {  	[smem:$0x3F9A] =	sst s1;
	(tag) =	ssettag s2;
	_ =	strace s9  }
0x27: {  	s1 =	sld [smem:$0x3FAA]  }
0x28: {  	s2 =	sld [smem:$0x3FAB]  }
0x29: {  	s4 =	sld [smem:$0x3FAD]  }
0x2a: {  	p0 =	seq.s32 s5, $0x0;
	s5 =	sld [smem:$0x3FAE]  }
0x2b: {  	s6 =	sld [smem:$0x3FAF]  }
0x2c: {  	s7 =	sld [smem:$0x3FB0]  }
0x2d: {  	s3 =	simm.s32 $0x108;
	s8 =	sld [smem:$0x3FB1]  }
0x2e: {  	s3 =	simm.s32 @!p0 $0x1082;
	s9 =	sld [smem:$0x3FB2]  }
0x2f: {  	lr =	sadd.s32 s0, s3;
	s0 =	sld [smem:$0x3FA9]  }
0x30: {  	s3 =	sld [smem:$0x3FAC]  }
0x31: {  	[smem:$0x3FB5] =	sst s10  }
0x32: {  	s10 =	sld [smem:$0x3FB3];
	_ =	sdelay $0x3  }
0x33: {  	p0 =	seq.s32 s10, $0x1;
	s10 =	sld [smem:$0x3FB5];
	_ =	sdelay $0x3  }
0x34: {  	[smem:$0x3FB5] =	sst s10  }
0x35: {  	s10 =	sld [smem:$0x3FB4];
	_ =	sdelay $0x3  }
0x36: {  	p1 =	seq.s32 s10, $0x1;
	s10 =	sld [smem:$0x3FB5];
	_ =	sdelay $0x3  }
0x37: {  	[smem:$0x3FB5] =	sst s10  }
0x38: {  	s10 =	sld [smem:$0x3FB6]  }
0x39: {  	_ = 	snop;
	(pc) =	sbr.ind lr, $3  }
0x3a: {  	_ = 	snop  }
0x3b: {  	_ = 	snop  }
0x3c: {  	p2 =	seq.s32 s10, $0x1;
	s10 =	sld [smem:$0x3FB5]  }
0x3d: {  	_ =	shalt  }
0x3e: {  	_ =	shalt  }
0x3f: {  	_ =	shalt  }
0x40: {  	_ =	shalt  }
0x41: {  	_ =	shalt  }
0x42: {  	_ =	shalt  }
0x43: {  	_ =	shalt  }
0x44: {  	_ =	shalt  }
0x45: {  	_ =	shalt  }
0x46: {  	_ =	shalt  }
0x47: {  	_ =	shalt  }
0x48: {  	_ =	shalt  }
0x49: {  	_ =	shalt  }
0x4a: {  	_ =	shalt  }
0x4b: {  	_ =	shalt  }
0x4c: {  	_ =	shalt  }
0x4d: {  	_ =	shalt  }
0x4e: {  	_ =	shalt  }
0x4f: {  	_ =	shalt  }
0x50: {  	_ =	shalt  }
0x51: {  	_ =	shalt  }
0x52: {  	_ =	shalt  }
0x53: {  	_ =	shalt  }
0x54: {  	_ =	shalt  }
0x55: {  	_ =	shalt  }
0x56: {  	_ =	shalt  }
0x57: {  	_ =	shalt  }
0x58: {  	_ =	shalt  }
0x59: {  	_ =	shalt  }
0x5a: {  	_ =	shalt  }
0x5b: {  	_ =	shalt  }
0x5c: {  	_ =	shalt  }
0x5d: {  	_ =	shalt  }
0x5e: {  	_ =	shalt  }
0x5f: {  	_ =	shalt  }
0x60: {  	_ =	shalt  }
0x61: {  	_ =	shalt  }
0x62: {  	_ =	shalt  }
0x63: {  	_ =	shalt  }
0x64: {  	_ =	shalt  }
0x65: {  	_ =	shalt  }
0x66: {  	_ =	shalt  }
0x67: {  	_ =	shalt  }
0x68: {  	_ =	shalt  }
0x69: {  	_ =	shalt  }
0x6a: {  	_ =	shalt  }
0x6b: {  	_ =	shalt  }
0x6c: {  	_ =	shalt  }
0x6d: {  	_ =	shalt  }
0x6e: {  	_ =	shalt  }
0x6f: {  	_ =	shalt  }
0x70: {  	_ =	shalt  }
0x71: {  	_ =	shalt  }
0x72: {  	_ =	shalt  }
0x73: {  	_ =	shalt  }
0x74: {  	_ =	shalt  }
0x75: {  	_ =	shalt  }
0x76: {  	_ =	shalt  }
0x77: {  	_ =	shalt  }
0x78: {  	_ =	shalt  }
0x79: {  	_ =	shalt  }
0x7a: {  	_ =	shalt  }
0x7b: {  	_ =	shalt  }
0x7c: {  	_ =	shalt  }
0x7d: {  	_ =	shalt  }
0x7e: {  	_ =	shalt  }
0x7f: {  	_ =	shalt  }
0x80: {  	_ =	shalt  }
0x81: {  	_ =	shalt  }
0x82: {  	_ =	shalt  }
0x83: {  	_ =	shalt  }
0x84: {  	_ =	shalt  }
0x85: {  	_ =	shalt  }
0x86: {  	_ =	shalt  }
0x87: {  	_ =	shalt  }
.Lfunc_end0:
.L_simem_size_0:
called_computation.1_lowered:
.L_overlay_start_0:
0x88: {  	s2 =	sld [smem:$0x3FD9]  }
0x89: {  	s3 =	sld [smem:$0x3FFE];
	_ =	sdelay $0x1  }
0x8a: {  	s1 =	srdreg.scid  }
0x8b: {  	s0 =	sand.u32 $0x1, s1  }
0x8c: {  	s17 =	sshll.u32 s0, $0xA;
	s2 =	sadd.s32 s3, s2  }
0x8d: {  	s2 =	sadd.s32 s2, s17  }
0x8e: {  	[smem:$0x3FC1] =	sst s2  }
0x8f: {  	_ = 	snop  }
0x90: {  	s2 =	sld [smem:$0x3FC7]  }
0x91: {  	s18 =	sld [smem:$0x3FD0];
	(tm) =	ssettm $0x1  }
0x92: {  	s4 =	sld [smem:$0x3FFB];
	_ =	sdelay $0x3  }
0x93: {  	_ =	strace s4  }
0x94: {  	s4 =	sld [smem:$0x3FFC];
	_ =	sdelay $0x3  }
0x95: {  	_ =	strace s4  }
0x96: {  	s4 =	sld [smem:$0x3FFD];
	_ =	sdelay $0x3  }
0x97: {  	_ =	strace s4  }
0x98: {  	_ =	strace $0x8FFFFFFF  }
0x99: {  	s19 =	sld [smem:$0x3FDB];
	_ =	sdelay $0x1  }
0x9a: {  	s5 =	simm.s32 $_scs_section_size  }
0x9b: {  	s6 =	simm.s32 $_size__tile_overlayer_lowered;
	s7 =	simm.s32 $_tile_overlayer_lowered  }
0x9c: {  	s22 =	simm.s32 $0x1BFF;
	s21 =	sshll.u32 s7, $0x1;
	s4 =	sadd.s32 s5, s19  }
0x9d: {  	s8 =	simm.s32 $0x0;
	s20 =	sshll.u32 s6, $0x1;
	s6 =	sadd.s32 s21, s4  }
0x9e: {  	[timem:s8], [sflag:s22] =	dma.local [hbm:s6], s20  }
0x9f: {  	_ =	swait.ge [sflag:s22], s20  }
0xa0: {  	s5 =	ssub.s32 $0x0, s20;
	[sflag:s22] =	ssyncset.done $0x0  }
0xa1: {  	[sflag:s22] =	ssyncadd.s32 s5;
	_ =	sdelay $0x1  }
0xa2: {  	s23 =	simm.s32 $0x1B8B  }
0xa3: {  	_ =	swait.ge [sflag:s23], $0x1  }
0xa4: {  	[sflag:s23] =	ssyncset.done $0x0  }
0xa5: {  	s25 =	simm.s32 $0x1B8E;
	s24 =	sld [smem:$0x3FFE];
	[sflag:s23] =	ssyncadd.s32 $0xFFFFFFFF  }
0xa6: {  	s26 =	simm.s32 $execute0_lowered;
	[smem:$0x3FD2] =	sst s25  }
0xa7: {  	s6 =	sshll.u32 s26, $0x1;
	_ =	strace $0x80000049;
	[dreg:$0x1] =	wrdreg $0xFFFFFFFF  }
0xa8: {  	s28 =	simm.s32 $_size_execute0_lowered;
	s4 =	sadd.s32 s4, s6;
	[dreg:$0x0] =	wrdreg $0x0  }
0xa9: {  	s6 =	sshll.u32 s28, $0x1;
	[dreg:$0x2] =	wrdreg s4  }
0xaa: {  	[dreg:$0x3] =	wrdreg s6  }
0xab: {  	[dreg:$0x4] =	wrdreg $0xC0  }
0xac: {  	_ =	task [dreg:s8], $0x5FFFF  }
0xad: {  	[dreg:$0x1] =	wrdreg $0xFFFFFFFF  }
0xae: {  	[dreg:$0x0] =	wrdreg $0x60  }
0xaf: {  	[dreg:$0x2] =	wrdreg s18  }
0xb0: {  	[dreg:$0x3] =	wrdreg s24  }
0xb1: {  	[dreg:$0x4] =	wrdreg s2  }
0xb2: {  	[dreg:$0x5] =	wrdreg $0x0  }
0xb3: {  	[dreg:$0x6] =	wrdreg $0x1E4000  }
0xb4: {  	[dreg:$0x7] =	wrdreg $0x9  }
0xb5: {  	_ =	task.clear_ibuf [dreg:s8], $0x8FFFF;
	_ =	strace $0x90000049  }
0xb6: {  	s29 =	simm.s32 $0x9;
	_ =	strace $0x8000004B  }
0xb7: {  	_ =	swait.ge [sflag:s29], $0x1  }
0xb8: {  	[sflag:s29] =	ssyncadd.s32 $0xFFFFFFFF  }
0xb9: {  	_ =	strace $0x9000004B  }
0xba: {  	_ =	sfence  }
0xbb: {  	s30 =	sld [smem:$0x0];
	_ =	sdelay $0x2  }
0xbc: {  	s31 =	sshll.u32 s1, $0xD;
	s1 =	sshrl.u32 s1, $0x2  }
0xbd: {  	s3 =	sand.u32 $0x4000, s31;
	s1 =	sadd.s32 s1, s30  }
0xbe: {  	s0 =	sor.u32 s3, s0;
	s1 =	sshll.u32 s1, $0x11  }
0xbf: {  	s0 =	sor.u32 s1, s0  }
0xc0: {  	s0 =	sadd.s32 $0x8F2B, s0  }
0xc1: {  	[sflag:s0] =	ssyncadd.remote.s32 $0x1  }
0xc2: {  	_ =	sfence.sel $0xFFFF  }
0xc3: {  	[dreg:$0x0] =	wrdreg $0xFFFFFFFF;
	(pc) =	sbr.abs _section_cstart, $3  }
0xc4: {  	[dreg:$0x1] =	wrdreg $0xFFFFFFFF  }
0xc5: {  	_ =	task.clear_ibuf [dreg:s8], $0x2FFFF;
	_ =	strace $0x9FFFFFFF  }
0xc6: {  	(tm) =	ssettm $0x7FFFFFFF  }
0xc7: {  	_ =	shalt  }
tec
execute0_lowered:
.L_overlay_start_1:
0x0: {  	(tag) =	ssettag $0x1  }
0x1: {  	s1 =	rddreg [dreg:$0x0]  }
0x2: {  	s0 =	rddreg [dreg:$0x1]  }
0x3: {  	s2 =	rddreg [dreg:$0x2]  }
0x4: {  	s3 =	rddreg [dreg:$0x3];
	s12 =	simm.s32 $0x0  }
0x5: {  	s4 =	srdreg.scid;
	s6 =	stileid.u32;
	s28 =	simm.s32 $0x13B80  }
0x6: {  	s30 =	simm.s32 $0x1BC80;
	s13 =	simm.s32 $0x15B80;
	s14 =	simm.s32 $0x13900  }
0x7: {  	[smem:$0x7FF] =	sst s12;
	s7 =	sadd.s32 $0x6A00, s0;
	s5 =	sand.u32 $0x1, s4  }
0x8: {  	s15 =	smul.u32 $0x4E000, s6;
	s8 =	sadd.s32 $0x1A00, s0;
	s11 =	sadd.s32 $0x59C00, s0  }
0x9: {  	s21 =	sshll.u32 s6, $0x4;
	s31 =	smul.u32 $0x2700, s6;
	p0 =	seq.s32 s6, $0x0  }
0xa: {  	p1 =	sne.s32 s6, $0xF;
	_ =	strace $0x8000004A;
	s9 =	smul.u32 $0x27100, s5  }
0xb: {  	s10 =	ssub.s32 $0x2, s5;
	[dreg:$0x7] =	wrdreg s11;
	s22 =	sadd.s32 s7, s21  }
0xc: {  	s23 =	sadd.s32 s8, s21;
	s24 =	sor.u32 $0x100, s21;
	p2 =	sne.s32 @!p0 s6, $0xF  }
0xd: {  	s11 =	simm.s32 $0x40;
	s16 =	sshrl.u32 s10, $0x1;
	[dreg:$0xe] =	wrdreg s22  }
0xe: {  	s4 =	sshrl.u32 s15, $0x2;
	[dreg:$0xf] =	wrdreg s23;
	s25 =	sadd.s32 s7, s24  }
0xf: {  	s26 =	sadd.s32 s8, s24;
	s29 =	sadd.s32 s2, s24;
	p2 =	por p2, p0  }
0x10: {  	s23 =	simm.s32 $0x1BB80;
	s24 =	simm.s32 $0x1BC00;
	[dreg:$0x11] =	wrdreg s25  }
0x11: {  	s22 =	simm.s32 $0x4;
	s0 =	sadd.s32 s9, s0;
	[dreg:$0x12] =	wrdreg s26  }
0x12: {  	s17 =	ssub.s32 s10, s16;
	s15 =	sadd.s32 s4, s3;
	[dreg:$0x13] =	wrdreg s29  }
0x13: {  	s25 =	sor.u32 $0x20, s6;
	s4 =	sadd.s32 $0x4000, s15;
	[dreg:$0x8] =	wrdreg s15  }
0x14: {  	s26 =	sor.u32 $0x30, s6;
	s18 =	sadd.s32 $0x8000, s15;
	[dreg:$0x9] =	wrdreg s4  }
0x15: {  	s16 =	simm.s32 $0x13B00;
	s19 =	sadd.s32 $0xC000, s15;
	[dreg:$0xa] =	wrdreg s18  }
0x16: {  	s20 =	sadd.s32 $0x10000, s15;
	s0 =	sadd.s32 $0x5A200, s0;
	[dreg:$0xb] =	wrdreg s19  }
0x17: {  	s9 =	smax.u32 s17, $0x1;
	s17 =	simm.s32 $0x2;
	[dreg:$0xc] =	wrdreg s20  }
.Ltmp0:
0x18: {  	s19 =	sadd.s32 $0x138000, s3;
	[dreg:$0x15] =	wrdreg s9;
	(pc) =	sbr.rel .LBB2_1-.Ltmp0, $4  }
0x19: {  	s4 =	sadd.s32 s2, s21;
	[dreg:$0x14] =	wrdreg s0;
	s0 =	sadd.s32 s31, s0  }
0x1a: {  	s9 =	simm.s32 $0x1;
	s18 =	simm.s32 $0x17B80;
	[dreg:$0x10] =	wrdreg s4  }
0x1b: {  	s20 =	simm.s32 $0x19B80;
	s21 =	simm.s32 $0x3;
	[dreg:$0x16] =	wrdreg s0  }
0x1c: {  	v1 =	vimm.f32 $0.0e+00;
	v0 =	vmov s5;
	s0 =	simm.s32 $0x13880;
	s4 =	simm.s32 $0x13A80;
	[dreg:$0xd] =	wrdreg s19  }
.LBB2_17:
0x1d: {  	[bflag:$0x0] =	sbarrier.arrive $0xFFFF  }
0x1e: {  	s5 =	sshll.u32 s6, $0x6;
	s19 =	simm.s32 $0x6;
	s15 =	rddreg [dreg:$0x8]  }
0x1f: {  	s5 =	sor.u32 $0x1C06, s5;
	s12 =	rddreg [dreg:$0x16];
	s10 =	sshrl.u32 s15, $0x3  }
0x20: {  	[hbm:s12], [sflag:s5] =	dma.local [spmem:s10], $0x2700  }
0x21: {  	_ =	swait.ge [sflag:s19], $0x2700  }
0x22: {  	[sflag:s19] =	ssyncset.done $0x0;
	s10 =	rddreg [dreg:$0x14]  }
0x23: {  	[sflag:s19] =	ssyncadd.s32 $0xFFFFD900;
	s19 =	rddreg [dreg:$0xd]  }
0x24: {  	s10 =	sadd.s32 @!p1 $0x27000, s10;
	s12 =	sshrl.u32 @!p1 s19, $0x3  }
0x25: {  	[hbm:s10], [sflag:s5] =	dma.local @!p1 [spmem:s12], $0x100  }
0x26: {  	s5 =	simm.s32 @!p1 $0x6  }
0x27: {  	_ =	swait.ge @!p1 [sflag:s5], $0x100  }
0x28: {  	s29 =	rddreg [dreg:$0x6]  }
0x29: {  	s31 =	rddreg [dreg:$0x15];
	s12 =	sadd.s32 $0x1, s29  }
0x2a: {  	p3 =	sne.s32 s12, s31  }
.Ltmp1:
0x2b: {  	_ = 	snop;
	(pc) =	sbr.rel @!p3 .LBB2_18-.Ltmp1, $3  }
0x2c: {  	_ =	sdelay $0x1  }
0x2d: {  	[sflag:s5] =	ssyncset.done @!p1 $0x0  }
0x2e: {  	[sflag:s5] =	ssyncadd.s32 @!p1 $0xFFFFFF00  }
.LBB2_1:
0x2f: {  	[dreg:$0x6] =	wrdreg s12;
	s5 =	simm.s32 $0x0;
	s10 =	simm.s32 $0x200  }
.LBB2_2:
0x30: {  	p3 =	sne.s32 s10, $0xFE00;
	[tilespmem:s5+$0x13BF0] =	vst v1  }
0x31: {  	[tilespmem:s5+$0x13B80] =	vst v1  }
0x32: {  	[tilespmem:s5+$0x13B90] =	vst v1  }
.Ltmp2:
0x33: {  	[tilespmem:s5+$0x13BA0] =	vst v1;
	(pc) =	sbr.rel @p3 .LBB2_2-.Ltmp2, $4  }
0x34: {  	[tilespmem:s5+$0x13BB0] =	vst v1  }
0x35: {  	[tilespmem:s5+$0x13BC0] =	vst v1  }
0x36: {  	[tilespmem:s5+$0x13BD0] =	vst v1  }
0x37: {  	[tilespmem:s5+$0x13BE0] =	vst v1;
	s5 =	sshra.s32 s10, $0x2;
	s10 =	sadd.s32 $0x200, s10  }
0x38: {  	[tilespmem:s5+$0x13BF0] =	vst v1  }
0x39: {  	[tilespmem:s5+$0x13B80] =	vst v1  }
0x3a: {  	[tilespmem:s5+$0x13B90] =	vst v1  }
0x3b: {  	[tilespmem:s5+$0x13BA0] =	vst v1  }
0x3c: {  	[tilespmem:s5+$0x13BB0] =	vst v1  }
0x3d: {  	[tilespmem:s5+$0x13BC0] =	vst v1  }
0x3e: {  	[tilespmem:s5+$0x13BD0] =	vst v1  }
0x3f: {  	[tilespmem:s5+$0x13BE0] =	vst v1  }
0x40: {  	[spmem:s15] =	stream.linear.scatter [tilespmem:s28], [sflag:$0x5], $0x4000, $0x38;
	[tilespmem:$0x1E678] =	vst v63  }
0x41: {  	s10 =	rddreg [dreg:$0x9]  }
0x42: {  	[spmem:s10] =	stream.linear.scatter [tilespmem:s28], [sflag:$0x5], $0x4000, $0x38;
	[tilespmem:$0x1E678] =	vst v63  }
0x43: {  	s12 =	rddreg [dreg:$0xa]  }
0x44: {  	[spmem:s12] =	stream.linear.scatter [tilespmem:s28], [sflag:$0x5], $0x4000, $0x38;
	[tilespmem:$0x1E678] =	vst v63  }
0x45: {  	s15 =	rddreg [dreg:$0xb]  }
0x46: {  	[spmem:s15] =	stream.linear.scatter [tilespmem:s28], [sflag:$0x5], $0x4000, $0x38;
	[tilespmem:$0x1E678] =	vst v63  }
0x47: {  	s29 =	rddreg [dreg:$0xc]  }
0x48: {  	[spmem:s29] =	stream.linear.scatter [tilespmem:s28], [sflag:$0x5], $0x3800, $0x38;
	[tilespmem:$0x1E678] =	vst v63  }
0x49: {  	s5 =	simm.s32 @!p1 $0x13B80;
	s31 =	simm.s32 $0x5  }
0x4a: {  	[spmem:s19] =	stream.linear.scatter @!p1 [tilespmem:s5], [sflag:$0x5], $0x800, $0x38;
	[tilespmem:$0x1E678] =	vst v63  }
0x4b: {  	_ =	swait.ge [sflag:s31], $0x4000  }
0x4c: {  	[sflag:s31] =	ssyncset.done $0x0  }
0x4d: {  	[sflag:s31] =	ssyncadd.s32 $0xFFFFC000  }
0x4e: {  	_ =	swait.ge [sflag:s31], $0x4000  }
0x4f: {  	[sflag:s31] =	ssyncset.done $0x0  }
0x50: {  	[sflag:s31] =	ssyncadd.s32 $0xFFFFC000  }
0x51: {  	_ =	swait.ge [sflag:s31], $0x4000  }
0x52: {  	[sflag:s31] =	ssyncset.done $0x0  }
0x53: {  	[sflag:s31] =	ssyncadd.s32 $0xFFFFC000  }
0x54: {  	_ =	swait.ge [sflag:s31], $0x4000  }
0x55: {  	[sflag:s31] =	ssyncset.done $0x0  }
0x56: {  	[sflag:s31] =	ssyncadd.s32 $0xFFFFC000  }
0x57: {  	_ =	swait.ge [sflag:s31], $0x3800  }
0x58: {  	[sflag:s31] =	ssyncset.done $0x0  }
0x59: {  	[sflag:s31] =	ssyncadd.s32 $0xFFFFC800  }
0x5a: {  	s12 =	rddreg [dreg:$0x4]  }
0x5b: {  	s10 =	simm.s32 @p0 $0x1C06;
	s15 =	rddreg [dreg:$0x7];
	s5 =	sshrl.u32 @p0 s12, $0x3  }
0x5c: {  	[spmem:s5], [sflag:s10] =	dma.local @p0 [hbm:s15], $0x4F0  }
0x5d: {  	s5 =	simm.s32 @p0 $0x6  }
0x5e: {  	_ =	swait.ge @p0 [sflag:s5], $0x4F0  }
0x5f: {  	[sflag:s5] =	ssyncset.done @p0 $0x0  }
0x60: {  	[sflag:s5] =	ssyncadd.s32 @p0 $0xFFFFFB10;
	s5 =	simm.s32 @!p2 $0x5  }
0x61: {  	_ =	swait.ge @!p2 [sflag:s5], $0x800  }
0x62: {  	[sflag:s5] =	ssyncset.done @!p2 $0x0  }
0x63: {  	[sflag:s5] =	ssyncadd.s32 @!p2 $0xFFFFF800  }
0x64: {  	s10 =	simm.s32 $0x6;
	[bflag:$0x0] =	sbarrier.arrive $0xFFFF  }
0x65: {  	[tilespmem:s30], [sflag:$0x6] =	stream.linear.gather [spmem:s12], $0x2780, $0x38;
	[tilespmem:$0x1E678] =	vst v63  }
0x66: {  	_ =	swait.ge [sflag:s10], $0x2780  }
0x67: {  	[sflag:s10] =	ssyncset.done $0x0  }
0x68: {  	s15 =	simm.s32 $0x0;
	s12 =	rddreg [dreg:$0xe];
	[sflag:s10] =	ssyncadd.s32 $0xFFFFD880  }
0x69: {  	[tilespmem:s0], [sflag:$0x1] =	stream.linear.gather [hbm4b:s12+s15], $0x80, $0x38;
	[tilespmem:$0x1E678] =	vst v63  }
0x6a: {  	s29 =	simm.s32 $0x13980;
	s19 =	rddreg [dreg:$0xf]  }
0x6b: {  	[tilespmem:s29], [sflag:$0x1] =	stream.linear.gather [hbm4b:s19+s15], $0x80, $0x38;
	[tilespmem:$0x1E678] =	vst v63  }
0x6c: {  	s31 =	rddreg [dreg:$0x10]  }
0x6d: {  	[tilespmem:s4], [sflag:$0x1] =	stream.linear.gather [hbm4b:s31+s15], $0x80, $0x38;
	[tilespmem:$0x1E678] =	vst v63  }
0x6e: {  	_ =	swait.ge [sflag:s9], $0x80  }
0x6f: {  	[sflag:s9] =	ssyncset.done $0x0  }
0x70: {  	[sflag:s9] =	ssyncadd.s32 $0xFFFFFF80  }
0x71: {  	_ =	swait.ge [sflag:s9], $0x80  }
0x72: {  	[sflag:s9] =	ssyncset.done $0x0  }
0x73: {  	[sflag:s9] =	ssyncadd.s32 $0xFFFFFF80  }
0x74: {  	_ =	swait.ge [sflag:s9], $0x80  }
0x75: {  	[sflag:s9] =	ssyncset.done $0x0  }
0x76: {  	[sflag:s9] =	ssyncadd.s32 $0xFFFFFF80  }
0x77: {  	v2 =	vld [tilespmem:$0x13880]  }
0x78: {  	v3 =	vld [tilespmem:$0x13890]  }
0x79: {  	v4 =	vld [tilespmem:$0x138A0]  }
0x7a: {  	v5 =	vld [tilespmem:$0x138B0]  }
0x7b: {  	v6 =	vld [tilespmem:$0x138C0]  }
0x7c: {  	v7 =	vld [tilespmem:$0x138D0];
	v2 =	vshll.u32 v2, $0x1  }
0x7d: {  	v8 =	vld [tilespmem:$0x138E0];
	v3 =	vshll.u32 v3, $0x1;
	v2 =	vor.u32 v0, v2  }
0x7e: {  	v59 =	vld [tilespmem:$0x138F0];
	[tilespmem:$0x13880] =	vst v2;
	v2 =	vor.u32 v0, v3;
	v3 =	vshll.u32 v4, $0x1  }
0x7f: {  	[tilespmem:$0x13890] =	vst v2;
	v2 =	vor.u32 v0, v3;
	v3 =	vshll.u32 v5, $0x1  }
0x80: {  	[tilespmem:$0x138A0] =	vst v2;
	v2 =	vor.u32 v0, v3;
	v3 =	vshll.u32 v6, $0x1  }
0x81: {  	[tilespmem:$0x138B0] =	vst v2;
	v2 =	vor.u32 v0, v3;
	v3 =	vshll.u32 v7, $0x1  }
0x82: {  	[tilespmem:$0x138C0] =	vst v2;
	v2 =	vor.u32 v0, v3;
	v3 =	vshll.u32 v8, $0x1  }
0x83: {  	[tilespmem:$0x138D0] =	vst v2;
	v2 =	vor.u32 v0, v3;
	v3 =	vshll.u32 v59, $0x1  }
0x84: {  	[tilespmem:$0x138E0] =	vst v2;
	v2 =	vor.u32 v0, v3  }
0x85: {  	[tilespmem:$0x138F0] =	vst v2  }
0x86: {  	[tilespmem:s28], [sflag:$0x3] =	stream.indirect.gather [hbm4b:s1+s11], $0x80, s0, s11, $0xb8;
	[tilespmem:$0x1E678] =	vst v63  }
0x87: {  	s10 =	simm.s32 $0x138C0  }
0x88: {  	[tilespmem:s13], [sflag:$0x3] =	stream.indirect.gather [hbm4b:s1+s11], $0x80, s10, s11, $0xb8;
	[tilespmem:$0x1E678] =	vst v63  }
0x89: {  	v2 =	vld [tilespmem:$0x13880];
	_ =	sdelay $0x4  }
0x8a: {  	v2 =	vshrl.u32 v2, $0x1;
	_ =	sdelay $0x2  }
0x8b: {  	v3 =	vld [tilespmem:$0x13890]  }
0x8c: {  	v60 =	vld [tilespmem:$0x13A80]  }
0x8d: {  	v2 =	vld.idx.msk [tilespmem:v2+s30+$0x0], $0xffff;
	_ =	sdelay $0x2  }
0x8e: {  	v3 =	vshrl.u32 v3, $0x1;
	_ =	sdelay $0x1  }
0x8f: {  	v2 =	vmul.f32 v2, v60  }
0x90: {  	v61 =	vld [tilespmem:$0x138A0]  }
0x91: {  	[tilespmem:$0x13A80] =	vst v2;
	v2 =	vld [tilespmem:$0x13A90]  }
0x92: {  	v3 =	vld.idx.msk [tilespmem:v3+s30+$0x0], $0xffff;
	_ =	sdelay $0x2  }
0x93: {  	v4 =	vshrl.u32 v61, $0x1;
	_ =	sdelay $0x1  }
0x94: {  	v2 =	vmul.f32 v3, v2  }
0x95: {  	v3 =	vld [tilespmem:$0x138B0]  }
0x96: {  	[tilespmem:$0x13A90] =	vst v2;
	v2 =	vld [tilespmem:$0x13AA0]  }
0x97: {  	v4 =	vld.idx.msk [tilespmem:v4+s30+$0x0], $0xffff;
	_ =	sdelay $0x2  }
0x98: {  	v3 =	vshrl.u32 v3, $0x1;
	_ =	sdelay $0x1  }
0x99: {  	v2 =	vmul.f32 v4, v2  }
0x9a: {  	v62 =	vld [tilespmem:$0x138C0]  }
0x9b: {  	[tilespmem:$0x13AA0] =	vst v2;
	v2 =	vld [tilespmem:$0x13AB0]  }
0x9c: {  	v3 =	vld.idx.msk [tilespmem:v3+s30+$0x0], $0xffff;
	_ =	sdelay $0x2  }
0x9d: {  	v4 =	vshrl.u32 v62, $0x1;
	_ =	sdelay $0x1  }
0x9e: {  	v2 =	vmul.f32 v3, v2  }
0x9f: {  	v3 =	vld [tilespmem:$0x138D0]  }
0xa0: {  	[tilespmem:$0x13AB0] =	vst v2;
	v2 =	vld [tilespmem:$0x13AC0]  }
0xa1: {  	v4 =	vld.idx.msk [tilespmem:v4+s30+$0x0], $0xffff;
	_ =	sdelay $0x2  }
0xa2: {  	v3 =	vshrl.u32 v3, $0x1;
	_ =	sdelay $0x1  }
0xa3: {  	v2 =	vmul.f32 v4, v2  }
0xa4: {  	v63 =	vld [tilespmem:$0x138E0]  }
0xa5: {  	[tilespmem:$0x13AC0] =	vst v2;
	v2 =	vld [tilespmem:$0x13AD0]  }
0xa6: {  	v3 =	vld.idx.msk [tilespmem:v3+s30+$0x0], $0xffff;
	_ =	sdelay $0x2  }
0xa7: {  	v4 =	vshrl.u32 v63, $0x1;
	_ =	sdelay $0x1  }
0xa8: {  	v2 =	vmul.f32 v3, v2  }
0xa9: {  	v3 =	vld [tilespmem:$0x138F0]  }
0xaa: {  	[tilespmem:$0x13AD0] =	vst v2;
	v2 =	vld [tilespmem:$0x13AE0]  }
0xab: {  	v4 =	vld.idx.msk [tilespmem:v4+s30+$0x0], $0xffff;
	_ =	sdelay $0x2  }
0xac: {  	v3 =	vshrl.u32 v3, $0x1;
	_ =	sdelay $0x1  }
0xad: {  	v2 =	vmul.f32 v4, v2;
	_ =	sdelay $0x1  }
0xae: {  	[tilespmem:$0x13AE0] =	vst v2;
	v2 =	vld [tilespmem:$0x13AF0]  }
0xaf: {  	v3 =	vld.idx.msk [tilespmem:v3+s30+$0x0], $0xffff;
	_ =	sdelay $0x4  }
0xb0: {  	v2 =	vmul.f32 v3, v2;
	_ =	sdelay $0x1  }
0xb1: {  	s12 =	rddreg [dreg:$0x11];
	[tilespmem:$0x13AF0] =	vst v2  }
0xb2: {  	[tilespmem:s14], [sflag:$0x2] =	stream.linear.gather [hbm4b:s12+s15], $0x80, $0x38;
	[tilespmem:$0x1E678] =	vst v63  }
.Ltmp3:
0xb3: {  	_ = 	snop;
	(pc) =	sbr.rel .LBB2_4-.Ltmp3, $4  }
0xb4: {  	s29 =	simm.s32 $0x13A00;
	s19 =	rddreg [dreg:$0x12]  }
0xb5: {  	[tilespmem:s29], [sflag:$0x2] =	stream.linear.gather [hbm4b:s19+s15], $0x80, $0x38;
	[tilespmem:$0x1E678] =	vst v63  }
0xb6: {  	s31 =	rddreg [dreg:$0x13]  }
0xb7: {  	[tilespmem:s16], [sflag:$0x2] =	stream.linear.gather [hbm4b:s31+s15], $0x80, $0x38;
	[tilespmem:$0x1E678] =	vst v63  }
.LBB2_15:
0xb8: {  	v14 =	vld [tilespmem:s31+$0xB0]  }
0xb9: {  	v16 =	vld [tilespmem:s31+$0xC0]  }
0xba: {  	v17 =	vld [tilespmem:s31+$0xD0]  }
0xbb: {  	v18 =	vld [tilespmem:s31+$0xE0]  }
0xbc: {  	v9 =	vmul.f32 v9, v2;
	v24 =	vld [tilespmem:s31+$0xF0];
	[tilespmem:s31+$0x30] =	vst v11  }
0xbd: {  	v5 =	vmul.f32 v5, v3;
	v6 =	vld.idx.msk [tilespmem:v6+s16+$0x0], $0xffff;
	[tilespmem:s31+$0x40] =	vst v12  }
0xbe: {  	v3 =	vmul.f32 v4, v3;
	v25 =	vld.idx.msk [tilespmem:v7+s16+$0x0], $0xffff;
	s29 =	sadd.s32 $0x200, s31;
	[tilespmem:s31+$0x80] =	vst v9  }
0xbf: {  	v26 =	vmul.f32 v8, v2;
	v30 =	vld [tilespmem:s29+$0x70];
	[tilespmem:s31+$0x50] =	vst v5  }
0xc0: {  	v31 =	vld [tilespmem:s29+$0xFFFFFF00];
	[tilespmem:s31+$0x60] =	vst v3;
	v3 =	vmul.f32 v10, v2  }
0xc1: {  	v15 =	vmov s19;
	v33 =	vld [tilespmem:s29+$0xFFFFFF10];
	[tilespmem:s31+$0x90] =	vst v26;
	v29 =	vmul.f32 v14, v2  }
0xc2: {  	v15 =	vand.u32 $0xFFFFFFFE, v15;
	v34 =	vld [tilespmem:s29+$0xFFFFFF20];
	[tilespmem:s31+$0xA0] =	vst v3;
	v3 =	vmul.f32 v16, v2  }
0xc3: {  	v13 =	vand.u32 $0xFFFFFFFD, v13;
	v35 =	vld [tilespmem:s29+$0xFFFFFF30];
	v15 =	vbroadcast v15, $0x0;
	v32 =	vmul.f32 v17, v2;
	[tilespmem:s31+$0xB0] =	vst v29  }
0xc4: {  	v13 =	vbroadcast v13, $0x0;
	v37 =	vld [tilespmem:s29+$0xFFFFFF50];
	[tilespmem:s5+$0xC0] =	vst v3;
	v3 =	vmul.f32 v18, v2  }
0xc5: {  	v39 =	vld [tilespmem:s29+$0xFFFFFF60];
	[tilespmem:s5+$0xD0] =	vst v32;
	v2 =	vmul.f32 v24, v2  }
0xc6: {  	v38 =	vmul.f32 v33, v25;
	[tilespmem:s5+$0xE0] =	vst v3;
	v3 =	vld [tilespmem:s29+$0xFFFFFF40]  }
0xc7: {  	v40 =	vld [tilespmem:s29+$0xFFFFFF70];
	[tilespmem:s5+$0xF0] =	vst v2;
	v2 =	vmul.f32 v31, v25  }
0xc8: {  	v41 =	vld [tilespmem:s29+$0xFFFFFF80];
	v5 =	vmul.f32 v35, v25;
	[tilespmem:s29+$0xFFFFFF10] =	vst v38  }
0xc9: {  	v28 =	vld.idx.msk [tilespmem:v15+s16+$0x0], $0xffff;
	[tilespmem:s29+$0xFFFFFF00] =	vst v2;
	v2 =	vmul.f32 v34, v25  }
0xca: {  	v42 =	vmul.f32 v37, v25;
	v27 =	vld.idx.msk [tilespmem:v13+s16+$0x0], $0xffff;
	[tilespmem:s29+$0xFFFFFF30] =	vst v5  }
0xcb: {  	[tilespmem:s29+$0xFFFFFF20] =	vst v2;
	v2 =	vmul.f32 v3, v25;
	v3 =	vld [tilespmem:s29+$0xFFFFFF90]  }
0xcc: {  	v43 =	vld [tilespmem:s29+$0xFFFFFFA0];
	v4 =	vmul.f32 v40, v25;
	[tilespmem:s29+$0xFFFFFF50] =	vst v42  }
0xcd: {  	v44 =	vld [tilespmem:s29+$0xFFFFFFB0];
	[tilespmem:s29+$0xFFFFFF40] =	vst v2;
	v2 =	vmul.f32 v39, v25  }
0xce: {  	v45 =	vld [tilespmem:s29+$0xFFFFFFC0];
	[tilespmem:s29+$0xFFFFFF70] =	vst v4;
	v36 =	vmul.f32 v30, v28  }
0xcf: {  	v46 =	vld [tilespmem:s29+$0xFFFFFFD0];
	[tilespmem:s29+$0xFFFFFF60] =	vst v2;
	v2 =	vmul.f32 v41, v27  }
0xd0: {  	v47 =	vld [tilespmem:s29+$0xFFFFFFE0];
	[tilespmem:s29+$0x70] =	vst v36;
	v3 =	vmul.f32 v3, v27  }
0xd1: {  	v48 =	vld [tilespmem:s29+$0xFFFFFFF0];
	[tilespmem:s29+$0xFFFFFF80] =	vst v2;
	v2 =	vmul.f32 v43, v27  }
0xd2: {  	v49 =	vld [tilespmem:s29+$0x0];
	[tilespmem:s29+$0xFFFFFF90] =	vst v3;
	v3 =	vmul.f32 v44, v27  }
0xd3: {  	v50 =	vld [tilespmem:s29+$0x10];
	[tilespmem:s29+$0xFFFFFFA0] =	vst v2;
	v2 =	vmul.f32 v45, v27  }
0xd4: {  	v51 =	vld [tilespmem:s29+$0x20];
	[tilespmem:s29+$0xFFFFFFB0] =	vst v3;
	v3 =	vmul.f32 v46, v27  }
0xd5: {  	v52 =	vld [tilespmem:s29+$0x30];
	[tilespmem:s29+$0xFFFFFFC0] =	vst v2;
	v2 =	vmul.f32 v47, v27  }
0xd6: {  	v53 =	vld [tilespmem:s29+$0x40];
	[tilespmem:s29+$0xFFFFFFD0] =	vst v3;
	v3 =	vmul.f32 v48, v27  }
0xd7: {  	v54 =	vld [tilespmem:s29+$0x50];
	[tilespmem:s29+$0xFFFFFFE0] =	vst v2;
	v2 =	vmul.f32 v49, v28  }
0xd8: {  	v55 =	vld [tilespmem:s29+$0x60];
	[tilespmem:s29+$0xFFFFFFF0] =	vst v3;
	v3 =	vmul.f32 v50, v28  }
0xd9: {  	v56 =	vld [tilespmem:s29+$0x80];
	[tilespmem:s29+$0x0] =	vst v2;
	v2 =	vmul.f32 v51, v28  }
0xda: {  	v57 =	vld [tilespmem:s29+$0x90];
	[tilespmem:s29+$0x10] =	vst v3;
	v3 =	vmul.f32 v52, v28  }
0xdb: {  	v58 =	vld [tilespmem:s29+$0xA0];
	[tilespmem:s29+$0x20] =	vst v2;
	v2 =	vmul.f32 v53, v28  }
0xdc: {  	v59 =	vld [tilespmem:s29+$0xB0];
	[tilespmem:s29+$0x30] =	vst v3;
	v3 =	vmul.f32 v54, v28  }
0xdd: {  	v60 =	vld [tilespmem:s29+$0xC0];
	[tilespmem:s29+$0x40] =	vst v2;
	v2 =	vmul.f32 v55, v28  }
0xde: {  	v61 =	vld [tilespmem:s29+$0xD0];
	[tilespmem:s29+$0x50] =	vst v3;
	v3 =	vmul.f32 v56, v6  }
0xdf: {  	v62 =	vld [tilespmem:s29+$0xE0];
	[tilespmem:s29+$0x60] =	vst v2;
	v2 =	vmul.f32 v57, v6  }
0xe0: {  	v63 =	vld [tilespmem:s29+$0xF0];
	[tilespmem:s29+$0x80] =	vst v3;
	v3 =	vmul.f32 v58, v6  }
0xe1: {  	[tilespmem:s29+$0x90] =	vst v2;
	v2 =	vmul.f32 v59, v6  }
0xe2: {  	[tilespmem:s29+$0xA0] =	vst v3;
	v3 =	vmul.f32 v60, v6  }
0xe3: {  	[tilespmem:s29+$0xB0] =	vst v2;
	v2 =	vmul.f32 v61, v6  }
0xe4: {  	[tilespmem:s29+$0xC0] =	vst v3;
	v3 =	vmul.f32 v62, v6  }
0xe5: {  	[tilespmem:s29+$0xD0] =	vst v2;
	v2 =	vmul.f32 v63, v6  }
0xe6: {  	[tilespmem:s29+$0xE0] =	vst v3  }
0xe7: {  	[tilespmem:s29+$0xF0] =	vst v2  }
0xe8: {  	[spmem:s3] =	stream.indirect.scatter.add.f32 [tilespmem:s18], [sflag:$0x5], $0x80, s23, s11, $0xb8;
	[tilespmem:$0x1E678] =	vst v63  }
0xe9: {  	_ = 	snop  }
0xea: {  	[spmem:s3] =	stream.indirect.scatter.add.f32 [tilespmem:s20], [sflag:$0x5], $0x80, s24, s11, $0xb8;
	[tilespmem:$0x1E678] =	vst v63  }
.LBB2_16:
0xeb: {  	s5 =	sadd.s32 s26, s10  }
0xec: {  	p3 =	sgt.u32 s5, $0x4E1  }
0xed: {  	s5 =	sshll.u32 @!p3 s5, $0x4  }
0xee: {  	s12 =	simm.s32 @!p3 $0x0;
	s19 =	simm.s32 @!p3 $0x13900;
	s10 =	sadd.s32 @!p3 s7, s5  }
0xef: {  	[tilespmem:s19], [sflag:$0x2] =	stream.linear.gather @!p3 [hbm4b:s10+s12], $0x80, $0x38;
	[tilespmem:$0x1E678] =	vst v63  }
0xf0: {  	s10 =	sadd.s32 @!p3 s8, s5;
	s19 =	simm.s32 @!p3 $0x13A00  }
0xf1: {  	[tilespmem:s19], [sflag:$0x2] =	stream.linear.gather @!p3 [hbm4b:s10+s12], $0x80, $0x38;
	[tilespmem:$0x1E678] =	vst v63  }
0xf2: {  	s15 =	sadd.s32 $0x1, s15;
	s5 =	sadd.s32 @!p3 s2, s5;
	s10 =	simm.s32 @!p3 $0x13B00  }
0xf3: {  	[tilespmem:s10], [sflag:$0x2] =	stream.linear.gather @!p3 [hbm4b:s5+s12], $0x80, $0x38;
	[tilespmem:$0x1E678] =	vst v63  }
0xf4: {  	p3 =	sne.s32 s15, $0x28  }
.Ltmp4:
0xf5: {  	_ = 	snop;
	(pc) =	sbr.rel @!p3 .LBB2_17-.Ltmp4, $1  }
0xf6: {  	_ =	sdelay $0x3  }
.LBB2_4:
0xf7: {  	p4 =	seq.s32 s15, $0x0;
	s10 =	sshll.u32 s15, $0x5  }
0xf8: {  	s19 =	simm.s32 @!p4 $0x5;
	s5 =	sor.u32 s6, s10  }
0xf9: {  	_ =	swait.ge @!p4 [sflag:s19], $0x2000;
	p3 =	sgt.u32 s5, $0x4D1  }
.Ltmp5:
0xfa: {  	[sflag:s19] =	ssyncset.done @!p4 $0x0;
	(pc) =	sbr.rel @p3 .LBB2_6-.Ltmp5, $4  }
0xfb: {  	[sflag:s19] =	ssyncadd.s32 @!p4 $0xFFFFE000  }
0xfc: {  	_ =	swait.ge @!p4 [sflag:s19], $0x2000  }
0xfd: {  	[sflag:s19] =	ssyncset.done @!p4 $0x0  }
0xfe: {  	[sflag:s19] =	ssyncadd.s32 @!p4 $0xFFFFE000  }
0xff: {  	_ =	swait.ge [sflag:s17], $0x80  }
0x100: {  	[sflag:s17] =	ssyncset.done $0x0  }
0x101: {  	[sflag:s17] =	ssyncadd.s32 $0xFFFFFF80  }
0x102: {  	_ =	swait.ge [sflag:s17], $0x80  }
0x103: {  	[sflag:s17] =	ssyncset.done $0x0  }
0x104: {  	[sflag:s17] =	ssyncadd.s32 $0xFFFFFF80  }
0x105: {  	_ =	swait.ge [sflag:s17], $0x80  }
0x106: {  	[sflag:s17] =	ssyncset.done $0x0  }
0x107: {  	[sflag:s17] =	ssyncadd.s32 $0xFFFFFF80  }
0x108: {  	v2 =	vld [tilespmem:$0x13900]  }
0x109: {  	v3 =	vld [tilespmem:$0x13910]  }
0x10a: {  	v4 =	vld [tilespmem:$0x13920]  }
0x10b: {  	v5 =	vld [tilespmem:$0x13930]  }
0x10c: {  	v6 =	vld [tilespmem:$0x13940]  }
0x10d: {  	v7 =	vld [tilespmem:$0x13950];
	v2 =	vshll.u32 v2, $0x1  }
0x10e: {  	v8 =	vld [tilespmem:$0x13960];
	v3 =	vshll.u32 v3, $0x1;
	v2 =	vor.u32 v0, v2  }
0x10f: {  	v59 =	vld [tilespmem:$0x13970];
	[tilespmem:$0x13900] =	vst v2;
	v2 =	vor.u32 v0, v3;
	v3 =	vshll.u32 v4, $0x1  }
0x110: {  	[tilespmem:$0x13910] =	vst v2;
	v2 =	vor.u32 v0, v3;
	v3 =	vshll.u32 v5, $0x1  }
0x111: {  	[tilespmem:$0x13920] =	vst v2;
	v2 =	vor.u32 v0, v3;
	v3 =	vshll.u32 v6, $0x1  }
0x112: {  	[tilespmem:$0x13930] =	vst v2;
	v2 =	vor.u32 v0, v3;
	v3 =	vshll.u32 v7, $0x1  }
0x113: {  	[tilespmem:$0x13940] =	vst v2;
	v2 =	vor.u32 v0, v3;
	v3 =	vshll.u32 v8, $0x1  }
0x114: {  	[tilespmem:$0x13950] =	vst v2;
	v2 =	vor.u32 v0, v3;
	v3 =	vshll.u32 v59, $0x1  }
0x115: {  	[tilespmem:$0x13960] =	vst v2;
	v2 =	vor.u32 v0, v3  }
0x116: {  	[tilespmem:$0x13970] =	vst v2  }
0x117: {  	[tilespmem:s18], [sflag:$0x4] =	stream.indirect.gather [hbm4b:s1+s11], $0x80, s14, s11, $0xb8;
	[tilespmem:$0x1E678] =	vst v63  }
0x118: {  	s5 =	simm.s32 $0x13940  }
0x119: {  	[tilespmem:s20], [sflag:$0x4] =	stream.indirect.gather [hbm4b:s1+s11], $0x80, s5, s11, $0xb8;
	[tilespmem:$0x1E678] =	vst v63  }
0x11a: {  	v2 =	vld [tilespmem:$0x13900];
	_ =	sdelay $0x4  }
0x11b: {  	v2 =	vshrl.u32 v2, $0x1;
	_ =	sdelay $0x2  }
0x11c: {  	v3 =	vld [tilespmem:$0x13910]  }
0x11d: {  	v60 =	vld [tilespmem:$0x13B00]  }
0x11e: {  	v2 =	vld.idx.msk [tilespmem:v2+s30+$0x0], $0xffff;
	_ =	sdelay $0x2  }
0x11f: {  	v3 =	vshrl.u32 v3, $0x1;
	_ =	sdelay $0x1  }
0x120: {  	v2 =	vmul.f32 v2, v60  }
0x121: {  	v61 =	vld [tilespmem:$0x13920]  }
0x122: {  	[tilespmem:$0x13B00] =	vst v2;
	v2 =	vld [tilespmem:$0x13B10]  }
0x123: {  	v3 =	vld.idx.msk [tilespmem:v3+s30+$0x0], $0xffff;
	_ =	sdelay $0x2  }
0x124: {  	v4 =	vshrl.u32 v61, $0x1;
	_ =	sdelay $0x1  }
0x125: {  	v2 =	vmul.f32 v3, v2  }
0x126: {  	v3 =	vld [tilespmem:$0x13930]  }
0x127: {  	[tilespmem:$0x13B10] =	vst v2;
	v2 =	vld [tilespmem:$0x13B20]  }
0x128: {  	v4 =	vld.idx.msk [tilespmem:v4+s30+$0x0], $0xffff;
	_ =	sdelay $0x2  }
0x129: {  	v3 =	vshrl.u32 v3, $0x1;
	_ =	sdelay $0x1  }
0x12a: {  	v2 =	vmul.f32 v4, v2  }
0x12b: {  	v62 =	vld [tilespmem:$0x13940]  }
0x12c: {  	[tilespmem:$0x13B20] =	vst v2;
	v2 =	vld [tilespmem:$0x13B30]  }
0x12d: {  	v3 =	vld.idx.msk [tilespmem:v3+s30+$0x0], $0xffff;
	_ =	sdelay $0x2  }
0x12e: {  	v4 =	vshrl.u32 v62, $0x1;
	_ =	sdelay $0x1  }
0x12f: {  	v2 =	vmul.f32 v3, v2  }
0x130: {  	v3 =	vld [tilespmem:$0x13950]  }
0x131: {  	[tilespmem:$0x13B30] =	vst v2;
	v2 =	vld [tilespmem:$0x13B40]  }
0x132: {  	v4 =	vld.idx.msk [tilespmem:v4+s30+$0x0], $0xffff;
	_ =	sdelay $0x2  }
0x133: {  	v3 =	vshrl.u32 v3, $0x1;
	_ =	sdelay $0x1  }
0x134: {  	v2 =	vmul.f32 v4, v2  }
0x135: {  	v63 =	vld [tilespmem:$0x13960]  }
0x136: {  	[tilespmem:$0x13B40] =	vst v2;
	v2 =	vld [tilespmem:$0x13B50]  }
0x137: {  	v3 =	vld.idx.msk [tilespmem:v3+s30+$0x0], $0xffff;
	_ =	sdelay $0x2  }
0x138: {  	v4 =	vshrl.u32 v63, $0x1;
	_ =	sdelay $0x1  }
0x139: {  	v2 =	vmul.f32 v3, v2  }
0x13a: {  	v3 =	vld [tilespmem:$0x13970]  }
0x13b: {  	[tilespmem:$0x13B50] =	vst v2;
	v2 =	vld [tilespmem:$0x13B60]  }
0x13c: {  	v4 =	vld.idx.msk [tilespmem:v4+s30+$0x0], $0xffff;
	_ =	sdelay $0x2  }
0x13d: {  	v3 =	vshrl.u32 v3, $0x1;
	_ =	sdelay $0x1  }
0x13e: {  	v2 =	vmul.f32 v4, v2;
	_ =	sdelay $0x1  }
0x13f: {  	[tilespmem:$0x13B60] =	vst v2;
	v2 =	vld [tilespmem:$0x13B70]  }
0x140: {  	v3 =	vld.idx.msk [tilespmem:v3+s30+$0x0], $0xffff;
	_ =	sdelay $0x2  }
.Ltmp6:
0x141: {  	_ = 	snop;
	(pc) =	sbr.rel .LBB2_7-.Ltmp6, $3  }
0x142: {  	_ = 	snop  }
0x143: {  	v2 =	vmul.f32 v3, v2;
	_ =	sdelay $0x1  }
0x144: {  	[tilespmem:$0x13B70] =	vst v2  }
.LBB2_6:
0x145: {  	p5 =	sgt.u32 s5, $0x4E1  }
.Ltmp7:
0x146: {  	_ = 	snop;
	(pc) =	sbr.rel @p5 .LBB2_10-.Ltmp7, $2  }
0x147: {  	_ =	sdelay $0x2  }
0x148: {  	p4 =	por $0x0, $0x0  }
.LBB2_7:
0x149: {  	_ =	swait.ge [sflag:s21], $0x2000  }
0x14a: {  	[sflag:s21] =	ssyncset.done $0x0  }
0x14b: {  	[sflag:s21] =	ssyncadd.s32 $0xFFFFE000  }
0x14c: {  	_ =	swait.ge [sflag:s21], $0x2000  }
0x14d: {  	[sflag:s21] =	ssyncset.done $0x0  }
0x14e: {  	[sflag:s21] =	ssyncadd.s32 $0xFFFFE000  }
0x14f: {  	v2 =	vld [tilespmem:$0x13980]  }
0x150: {  	v3 =	vld [tilespmem:$0x13990]  }
0x151: {  	v4 =	vld [tilespmem:$0x139A0]  }
0x152: {  	v5 =	vld [tilespmem:$0x139B0]  }
0x153: {  	s5 =	simm.s32 $0x0;
	v6 =	vld [tilespmem:$0x139C0]  }
0x154: {  	s12 =	simm.s32 $0x2;
	v7 =	vmov s5;
	[tilespmem:$0x1BB80] =	vst v2;
	v2 =	vld [tilespmem:$0x139D0]  }
0x155: {  	v8 =	vmov s12;
	v7 =	vand.u32 $0xFFFFFFFC, v7;
	[tilespmem:$0x1BB90] =	vst v3;
	v3 =	vld [tilespmem:$0x139E0]  }
0x156: {  	v8 =	vand.u32 $0xFFFFFFFE, v8;
	v7 =	vbroadcast v7, $0x0;
	[tilespmem:$0x1BBA0] =	vst v4;
	v4 =	vld [tilespmem:$0x139F0]  }
0x157: {  	[tilespmem:$0x1BBB0] =	vst v5;
	v5 =	vbroadcast v8, $0x0  }
0x158: {  	[tilespmem:$0x1BC00] =	vst v6  }
0x159: {  	[tilespmem:$0x1BC10] =	vst v2  }
0x15a: {  	[tilespmem:$0x1BC20] =	vst v3  }
0x15b: {  	[tilespmem:$0x1BC30] =	vst v4  }
0x15c: {  	v2 =	vld.idx.msk [tilespmem:v7+s4+$0x0], $0xffff  }
0x15d: {  	s31 =	simm.s32 $0x13C80;
	v3 =	vld.idx.msk [tilespmem:v5+s4+$0x0], $0xffff  }
0x15e: {  	s19 =	simm.s32 $0x1;
	v5 =	vld [tilespmem:s31+$0x70]  }
0x15f: {  	v4 =	vmov s19;
	v6 =	vld [tilespmem:s31+$0xFFFFFF00]  }
0x160: {  	v4 =	vand.u32 $0xFFFFFFFD, v4;
	v7 =	vld [tilespmem:s31+$0xFFFFFF10]  }
0x161: {  	v8 =	vld [tilespmem:s31+$0xFFFFFF20];
	v4 =	vbroadcast v4, $0x0  }
0x162: {  	v9 =	vld [tilespmem:s31+$0xFFFFFF30]  }
0x163: {  	v10 =	vld [tilespmem:s31+$0xFFFFFF40]  }
0x164: {  	v11 =	vld [tilespmem:s31+$0xFFFFFF50]  }
0x165: {  	v12 =	vld [tilespmem:s31+$0xFFFFFF60];
	v6 =	vmul.f32 v6, v2  }
0x166: {  	v14 =	vld [tilespmem:s31+$0x40];
	v5 =	vmul.f32 v5, v3  }
0x167: {  	v4 =	vld.idx.msk [tilespmem:v4+s4+$0x0], $0xffff;
	[tilespmem:s31+$0xFFFFFF00] =	vst v6;
	v6 =	vmul.f32 v7, v2  }
0x168: {  	v7 =	vld [tilespmem:s31+$0xFFFFFF70];
	[tilespmem:s31+$0x70] =	vst v5;
	v5 =	vmul.f32 v8, v2  }
0x169: {  	v8 =	vld [tilespmem:s31+$0xFFFFFF80];
	[tilespmem:s31+$0xFFFFFF10] =	vst v6;
	v6 =	vmul.f32 v9, v2  }
0x16a: {  	v9 =	vld [tilespmem:s31+$0xFFFFFF90];
	[tilespmem:s31+$0xFFFFFF20] =	vst v5;
	v5 =	vmul.f32 v10, v2  }
0x16b: {  	v10 =	vld [tilespmem:s31+$0xFFFFFFA0];
	[tilespmem:s31+$0xFFFFFF30] =	vst v6;
	v6 =	vmul.f32 v11, v2  }
0x16c: {  	v11 =	vld [tilespmem:s31+$0xFFFFFFB0];
	[tilespmem:s31+$0xFFFFFF40] =	vst v5;
	v5 =	vmul.f32 v12, v2  }
0x16d: {  	v12 =	vld [tilespmem:s31+$0xFFFFFFC0];
	v7 =	vmul.f32 v7, v2;
	[tilespmem:s31+$0xFFFFFF50] =	vst v6  }
0x16e: {  	v6 =	vmul.f32 v8, v4;
	v8 =	vld [tilespmem:s31+$0xFFFFFFD0];
	[tilespmem:s31+$0xFFFFFF60] =	vst v5  }
0x16f: {  	s12 =	simm.s32 $0x3;
	v5 =	vld [tilespmem:s31+$0xFFFFFFE0];
	v9 =	vmul.f32 v9, v4;
	[tilespmem:s31+$0xFFFFFF70] =	vst v7  }
0x170: {  	v13 =	vmov s12;
	v7 =	vld [tilespmem:s31+$0xFFFFFFF0];
	[tilespmem:s31+$0xFFFFFF80] =	vst v6;
	v6 =	vmul.f32 v10, v4  }
0x171: {  	v10 =	vld [tilespmem:s31+$0x0];
	[tilespmem:s31+$0xFFFFFF90] =	vst v9;
	v9 =	vmul.f32 v11, v4  }
0x172: {  	v11 =	vld [tilespmem:s31+$0x10];
	[tilespmem:s31+$0xFFFFFFA0] =	vst v6;
	v6 =	vmul.f32 v12, v4  }
0x173: {  	[tilespmem:s31+$0xFFFFFFB0] =	vst v9;
	v8 =	vmul.f32 v8, v4;
	v9 =	vld [tilespmem:s31+$0x20]  }
0x174: {  	v12 =	vld [tilespmem:s31+$0x30];
	v5 =	vmul.f32 v5, v4;
	[tilespmem:s31+$0xFFFFFFC0] =	vst v6  }
0x175: {  	v2 =	vld.idx.msk [tilespmem:v13+s4+$0x0], $0xffff;
	v4 =	vmul.f32 v7, v4;
	[tilespmem:s31+$0xFFFFFFD0] =	vst v8  }
0x176: {  	[tilespmem:s31+$0xFFFFFFE0] =	vst v5;
	v6 =	vmul.f32 v10, v3;
	v5 =	vld [tilespmem:s31+$0x50]  }
0x177: {  	s19 =	simm.s32 $0x4;
	[tilespmem:s31+$0xFFFFFFF0] =	vst v4;
	v7 =	vmul.f32 v11, v3;
	v4 =	vld [tilespmem:s31+$0x60]  }
0x178: {  	s12 =	simm.s32 $0x7;
	v8 =	vmov s19;
	[tilespmem:s31+$0x0] =	vst v6;
	v10 =	vmul.f32 v9, v3;
	v9 =	vld [tilespmem:s31+$0x80]  }
0x179: {  	s19 =	simm.s32 $0x5;
	v13 =	vand.u32 $0xFFFFFFFC, v8;
	v8 =	vld [tilespmem:s31+$0x90];
	v6 =	vmov s12;
	v11 =	vmul.f32 v12, v3;
	[tilespmem:s31+$0x10] =	vst v7  }
0x17a: {  	s29 =	simm.s32 $0x8;
	s5 =	simm.s32 $0x13C80;
	v12 =	vmul.f32 v14, v3;
	v7 =	vbroadcast v13, $0x0;
	v13 =	vmov s19;
	s19 =	simm.s32 $0x6;
	[tilespmem:s31+$0x20] =	vst v10;
	v10 =	vld [tilespmem:s31+$0xA0]  }
.LBB2_8:
0x17b: {  	p4 =	slt.u32 s29, $0x7C;
	v13 =	vand.u32 $0xFFFFFFFD, v13;
	v14 =	vmov s19;
	[tilespmem:s31+$0x30] =	vst v11;
	v5 =	vmul.f32 v5, v3;
	v11 =	vld [tilespmem:s31+$0xB0]  }
0x17c: {  	v13 =	vbroadcast v13, $0x0;
	v14 =	vand.u32 $0xFFFFFFFE, v14;
	[tilespmem:s31+$0x40] =	vst v12;
	v3 =	vmul.f32 v4, v3;
	v4 =	vld [tilespmem:s31+$0xC0]  }
0x17d: {  	v12 =	vbroadcast v14, $0x0;
	[tilespmem:s31+$0x50] =	vst v5;
	v5 =	vmul.f32 v9, v2;
	v9 =	vld [tilespmem:s31+$0xD0]  }
0x17e: {  	[tilespmem:s31+$0x60] =	vst v3;
	v3 =	vmul.f32 v8, v2;
	v8 =	vld [tilespmem:s31+$0xE0]  }
0x17f: {  	[tilespmem:s31+$0x80] =	vst v5;
	v5 =	vmul.f32 v10, v2;
	v10 =	vld [tilespmem:s31+$0xF0]  }
0x180: {  	v6 =	vld.idx.msk [tilespmem:v6+s4+$0x0], $0xffff;
	[tilespmem:s31+$0x90] =	vst v3;
	v3 =	vmul.f32 v11, v2  }
0x181: {  	v7 =	vld.idx.msk [tilespmem:v7+s4+$0x0], $0xffff;
	[tilespmem:s31+$0xA0] =	vst v5;
	v4 =	vmul.f32 v4, v2  }
0x182: {  	v5 =	vld.idx.msk [tilespmem:v13+s4+$0x0], $0xffff;
	[tilespmem:s31+$0xB0] =	vst v3;
	v9 =	vmul.f32 v9, v2  }
0x183: {  	s31 =	sadd.s32 $0x200, s31;
	v3 =	vld.idx.msk [tilespmem:v12+s4+$0x0], $0xffff;
	[tilespmem:s5+$0xC0] =	vst v4;
	v4 =	vmul.f32 v8, v2  }
0x184: {  	v8 =	vld [tilespmem:s31+$0x70];
	[tilespmem:s5+$0xD0] =	vst v9;
	v10 =	vmul.f32 v10, v2  }
0x185: {  	v9 =	vld [tilespmem:s31+$0xFFFFFF00];
	[tilespmem:s5+$0xE0] =	vst v4  }
0x186: {  	v2 =	vmov v6;
	v4 =	vld [tilespmem:s31+$0xFFFFFF10];
	[tilespmem:s5+$0xF0] =	vst v10;
	s5 =	smov.u32 s31  }
0x187: {  	v6 =	vld [tilespmem:s31+$0xFFFFFF20]  }
0x188: {  	v10 =	vld [tilespmem:s31+$0xFFFFFF30]  }
0x189: {  	v11 =	vld [tilespmem:s31+$0xFFFFFF40];
	v8 =	vmul.f32 v8, v3  }
0x18a: {  	v9 =	vmul.f32 v9, v7;
	v12 =	vld [tilespmem:s31+$0xFFFFFF50]  }
0x18b: {  	v4 =	vmul.f32 v4, v7;
	v13 =	vld [tilespmem:s31+$0xFFFFFF60];
	[tilespmem:s31+$0x70] =	vst v8  }
0x18c: {  	[tilespmem:s31+$0xFFFFFF00] =	vst v9;
	v6 =	vmul.f32 v6, v7;
	v8 =	vld [tilespmem:s31+$0xFFFFFF70]  }
0x18d: {  	[tilespmem:s31+$0xFFFFFF10] =	vst v4;
	v4 =	vmul.f32 v10, v7;
	v9 =	vld [tilespmem:s31+$0xFFFFFF80]  }
0x18e: {  	[tilespmem:s31+$0xFFFFFF20] =	vst v6;
	v6 =	vmul.f32 v11, v7;
	v10 =	vld [tilespmem:s31+$0xFFFFFF90]  }
0x18f: {  	[tilespmem:s31+$0xFFFFFF30] =	vst v4;
	v4 =	vmul.f32 v12, v7;
	v11 =	vld [tilespmem:s31+$0xFFFFFFA0]  }
0x190: {  	[tilespmem:s31+$0xFFFFFF40] =	vst v6;
	v6 =	vmul.f32 v13, v7;
	v12 =	vld [tilespmem:s31+$0xFFFFFFB0]  }
0x191: {  	[tilespmem:s31+$0xFFFFFF50] =	vst v4;
	v4 =	vmul.f32 v8, v7;
	v7 =	vld [tilespmem:s31+$0xFFFFFFC0]  }
0x192: {  	[tilespmem:s31+$0xFFFFFF60] =	vst v6;
	v6 =	vmul.f32 v9, v5;
	v8 =	vld [tilespmem:s31+$0xFFFFFFD0]  }
0x193: {  	[tilespmem:s31+$0xFFFFFF70] =	vst v4;
	v4 =	vmul.f32 v10, v5;
	v9 =	vld [tilespmem:s31+$0xFFFFFFE0]  }
0x194: {  	[tilespmem:s31+$0xFFFFFF80] =	vst v6;
	v6 =	vmul.f32 v11, v5;
	v10 =	vld [tilespmem:s31+$0xFFFFFFF0]  }
0x195: {  	[tilespmem:s31+$0xFFFFFF90] =	vst v4;
	v4 =	vmul.f32 v12, v5;
	v11 =	vld [tilespmem:s31+$0x0]  }
0x196: {  	[tilespmem:s31+$0xFFFFFFA0] =	vst v6;
	v6 =	vmul.f32 v7, v5;
	v7 =	vld [tilespmem:s31+$0x10]  }
0x197: {  	[tilespmem:s31+$0xFFFFFFB0] =	vst v4;
	v4 =	vmul.f32 v8, v5;
	v8 =	vld [tilespmem:s31+$0x20]  }
0x198: {  	[tilespmem:s31+$0xFFFFFFC0] =	vst v6;
	v6 =	vmul.f32 v9, v5;
	v12 =	vld [tilespmem:s31+$0x30]  }
0x199: {  	[tilespmem:s31+$0xFFFFFFD0] =	vst v4;
	v4 =	vmul.f32 v10, v5;
	v10 =	vld [tilespmem:s31+$0x40]  }
.Ltmp8:
0x19a: {  	[tilespmem:s31+$0xFFFFFFE0] =	vst v6;
	v6 =	vmul.f32 v11, v3;
	v5 =	vld [tilespmem:s31+$0x50];
	(pc) =	sbr.rel @p4 .LBB2_8-.Ltmp8, $4  }
0x19b: {  	[tilespmem:s31+$0xFFFFFFF0] =	vst v4;
	v7 =	vmul.f32 v7, v3;
	v4 =	vld [tilespmem:s31+$0x60]  }
0x19c: {  	s19 =	sadd.s32 $0x3, s29;
	v11 =	vmov s29;
	[tilespmem:s31+$0x0] =	vst v6;
	v14 =	vmul.f32 v8, v3;
	v9 =	vld [tilespmem:s31+$0x80]  }
0x19d: {  	s12 =	sadd.s32 $0x1, s29;
	v13 =	vand.u32 $0xFFFFFFFC, v11;
	v6 =	vmov s19;
	[tilespmem:s31+$0x10] =	vst v7;
	v11 =	vmul.f32 v12, v3;
	v8 =	vld [tilespmem:s31+$0x90]  }
0x19e: {  	s19 =	sadd.s32 $0x2, s29;
	s29 =	sadd.s32 $0x4, s29;
	v7 =	vbroadcast v13, $0x0;
	v13 =	vmov s12;
	[tilespmem:s31+$0x20] =	vst v14;
	v12 =	vmul.f32 v10, v3;
	v10 =	vld [tilespmem:s31+$0xA0]  }
0x19f: {  	v14 =	vld [tilespmem:s31+$0xB0]  }
0x1a0: {  	v16 =	vld [tilespmem:s31+$0xC0]  }
0x1a1: {  	v17 =	vld [tilespmem:s31+$0xD0]  }
0x1a2: {  	v18 =	vld [tilespmem:s31+$0xE0]  }
0x1a3: {  	v24 =	vld [tilespmem:s31+$0xF0];
	[tilespmem:s31+$0x30] =	vst v11;
	v5 =	vmul.f32 v5, v3  }
0x1a4: {  	v6 =	vld.idx.msk [tilespmem:v6+s4+$0x0], $0xffff;
	[tilespmem:s31+$0x40] =	vst v12;
	v3 =	vmul.f32 v4, v3  }
0x1a5: {  	s29 =	sadd.s32 $0x200, s31;
	v25 =	vld.idx.msk [tilespmem:v7+s4+$0x0], $0xffff;
	v9 =	vmul.f32 v9, v2;
	[tilespmem:s31+$0x50] =	vst v5  }
0x1a6: {  	v30 =	vld [tilespmem:s29+$0x70];
	v26 =	vmul.f32 v8, v2;
	[tilespmem:s31+$0x60] =	vst v3  }
0x1a7: {  	v31 =	vld [tilespmem:s29+$0xFFFFFF00];
	[tilespmem:s31+$0x80] =	vst v9;
	v3 =	vmul.f32 v10, v2  }
0x1a8: {  	v15 =	vmov s19;
	v33 =	vld [tilespmem:s29+$0xFFFFFF10];
	[tilespmem:s31+$0x90] =	vst v26;
	v29 =	vmul.f32 v14, v2  }
0x1a9: {  	v15 =	vand.u32 $0xFFFFFFFE, v15;
	v34 =	vld [tilespmem:s29+$0xFFFFFF20];
	[tilespmem:s31+$0xA0] =	vst v3;
	v3 =	vmul.f32 v16, v2  }
0x1aa: {  	v13 =	vand.u32 $0xFFFFFFFD, v13;
	v35 =	vld [tilespmem:s29+$0xFFFFFF30];
	v15 =	vbroadcast v15, $0x0;
	v32 =	vmul.f32 v17, v2;
	[tilespmem:s31+$0xB0] =	vst v29  }
0x1ab: {  	v13 =	vbroadcast v13, $0x0;
	v37 =	vld [tilespmem:s29+$0xFFFFFF50];
	[tilespmem:s5+$0xC0] =	vst v3;
	v3 =	vmul.f32 v18, v2  }
0x1ac: {  	v39 =	vld [tilespmem:s29+$0xFFFFFF60];
	[tilespmem:s5+$0xD0] =	vst v32;
	v2 =	vmul.f32 v24, v2  }
0x1ad: {  	v38 =	vmul.f32 v33, v25;
	[tilespmem:s5+$0xE0] =	vst v3;
	v3 =	vld [tilespmem:s29+$0xFFFFFF40]  }
0x1ae: {  	v40 =	vld [tilespmem:s29+$0xFFFFFF70];
	[tilespmem:s5+$0xF0] =	vst v2;
	v2 =	vmul.f32 v31, v25  }
0x1af: {  	v41 =	vld [tilespmem:s29+$0xFFFFFF80];
	v5 =	vmul.f32 v35, v25;
	[tilespmem:s29+$0xFFFFFF10] =	vst v38  }
0x1b0: {  	v28 =	vld.idx.msk [tilespmem:v15+s4+$0x0], $0xffff;
	[tilespmem:s29+$0xFFFFFF00] =	vst v2;
	v2 =	vmul.f32 v34, v25  }
0x1b1: {  	v42 =	vmul.f32 v37, v25;
	v27 =	vld.idx.msk [tilespmem:v13+s4+$0x0], $0xffff;
	[tilespmem:s29+$0xFFFFFF30] =	vst v5  }
0x1b2: {  	[tilespmem:s29+$0xFFFFFF20] =	vst v2;
	v2 =	vmul.f32 v3, v25;
	v3 =	vld [tilespmem:s29+$0xFFFFFF90]  }
0x1b3: {  	v43 =	vld [tilespmem:s29+$0xFFFFFFA0];
	v4 =	vmul.f32 v40, v25;
	[tilespmem:s29+$0xFFFFFF50] =	vst v42  }
0x1b4: {  	v44 =	vld [tilespmem:s29+$0xFFFFFFB0];
	[tilespmem:s29+$0xFFFFFF40] =	vst v2;
	v2 =	vmul.f32 v39, v25  }
0x1b5: {  	v45 =	vld [tilespmem:s29+$0xFFFFFFC0];
	[tilespmem:s29+$0xFFFFFF70] =	vst v4;
	v36 =	vmul.f32 v30, v28  }
0x1b6: {  	v46 =	vld [tilespmem:s29+$0xFFFFFFD0];
	[tilespmem:s29+$0xFFFFFF60] =	vst v2;
	v2 =	vmul.f32 v41, v27  }
0x1b7: {  	v47 =	vld [tilespmem:s29+$0xFFFFFFE0];
	[tilespmem:s29+$0x70] =	vst v36;
	v3 =	vmul.f32 v3, v27  }
0x1b8: {  	v48 =	vld [tilespmem:s29+$0xFFFFFFF0];
	[tilespmem:s29+$0xFFFFFF80] =	vst v2;
	v2 =	vmul.f32 v43, v27  }
0x1b9: {  	v49 =	vld [tilespmem:s29+$0x0];
	[tilespmem:s29+$0xFFFFFF90] =	vst v3;
	v3 =	vmul.f32 v44, v27  }
0x1ba: {  	v50 =	vld [tilespmem:s29+$0x10];
	[tilespmem:s29+$0xFFFFFFA0] =	vst v2;
	v2 =	vmul.f32 v45, v27  }
0x1bb: {  	v51 =	vld [tilespmem:s29+$0x20];
	[tilespmem:s29+$0xFFFFFFB0] =	vst v3;
	v3 =	vmul.f32 v46, v27  }
0x1bc: {  	v52 =	vld [tilespmem:s29+$0x30];
	[tilespmem:s29+$0xFFFFFFC0] =	vst v2;
	v2 =	vmul.f32 v47, v27  }
0x1bd: {  	v53 =	vld [tilespmem:s29+$0x40];
	[tilespmem:s29+$0xFFFFFFD0] =	vst v3;
	v3 =	vmul.f32 v48, v27  }
0x1be: {  	v54 =	vld [tilespmem:s29+$0x50];
	[tilespmem:s29+$0xFFFFFFE0] =	vst v2;
	v2 =	vmul.f32 v49, v28  }
0x1bf: {  	v55 =	vld [tilespmem:s29+$0x60];
	[tilespmem:s29+$0xFFFFFFF0] =	vst v3;
	v3 =	vmul.f32 v50, v28  }
0x1c0: {  	v56 =	vld [tilespmem:s29+$0x80];
	[tilespmem:s29+$0x0] =	vst v2;
	v2 =	vmul.f32 v51, v28  }
0x1c1: {  	v57 =	vld [tilespmem:s29+$0x90];
	[tilespmem:s29+$0x10] =	vst v3;
	v3 =	vmul.f32 v52, v28  }
0x1c2: {  	v58 =	vld [tilespmem:s29+$0xA0];
	[tilespmem:s29+$0x20] =	vst v2;
	v2 =	vmul.f32 v53, v28  }
0x1c3: {  	v59 =	vld [tilespmem:s29+$0xB0];
	[tilespmem:s29+$0x30] =	vst v3;
	v3 =	vmul.f32 v54, v28  }
0x1c4: {  	v60 =	vld [tilespmem:s29+$0xC0];
	[tilespmem:s29+$0x40] =	vst v2;
	v2 =	vmul.f32 v55, v28  }
0x1c5: {  	v61 =	vld [tilespmem:s29+$0xD0];
	[tilespmem:s29+$0x50] =	vst v3;
	v3 =	vmul.f32 v56, v6  }
0x1c6: {  	v62 =	vld [tilespmem:s29+$0xE0];
	[tilespmem:s29+$0x60] =	vst v2;
	v2 =	vmul.f32 v57, v6  }
0x1c7: {  	v63 =	vld [tilespmem:s29+$0xF0];
	[tilespmem:s29+$0x80] =	vst v3;
	v3 =	vmul.f32 v58, v6  }
0x1c8: {  	[tilespmem:s29+$0x90] =	vst v2;
	v2 =	vmul.f32 v59, v6  }
0x1c9: {  	[tilespmem:s29+$0xA0] =	vst v3;
	v3 =	vmul.f32 v60, v6  }
0x1ca: {  	[tilespmem:s29+$0xB0] =	vst v2;
	v2 =	vmul.f32 v61, v6  }
0x1cb: {  	[tilespmem:s29+$0xC0] =	vst v3;
	v3 =	vmul.f32 v62, v6  }
0x1cc: {  	[tilespmem:s29+$0xD0] =	vst v2;
	v2 =	vmul.f32 v63, v6  }
0x1cd: {  	[tilespmem:s29+$0xE0] =	vst v3  }
0x1ce: {  	[tilespmem:s29+$0xF0] =	vst v2  }
0x1cf: {  	[spmem:s3] =	stream.indirect.scatter.add.f32 [tilespmem:s28], [sflag:$0x5], $0x80, s23, s11, $0xb8;
	[tilespmem:$0x1E678] =	vst v63  }
0x1d0: {  	p4 =	por $0x1, $0x1  }
0x1d1: {  	[spmem:s3] =	stream.indirect.scatter.add.f32 [tilespmem:s13], [sflag:$0x5], $0x80, s24, s11, $0xb8;
	[tilespmem:$0x1E678] =	vst v63  }
.LBB2_10:
0x1d2: {  	s5 =	sadd.s32 s25, s10  }
0x1d3: {  	p5 =	sgt.u32 s5, $0x4E1  }
0x1d4: {  	s5 =	sshll.u32 @!p5 s5, $0x4  }
0x1d5: {  	s19 =	simm.s32 @!p5 $0x0;
	s29 =	simm.s32 @!p5 $0x13880;
	s12 =	sadd.s32 @!p5 s7, s5  }
0x1d6: {  	[tilespmem:s29], [sflag:$0x1] =	stream.linear.gather @!p5 [hbm4b:s12+s19], $0x80, $0x38;
	[tilespmem:$0x1E678] =	vst v63  }
0x1d7: {  	s12 =	sadd.s32 @!p5 s8, s5;
	s29 =	simm.s32 @!p5 $0x13980  }
0x1d8: {  	[tilespmem:s29], [sflag:$0x1] =	stream.linear.gather @!p5 [hbm4b:s12+s19], $0x80, $0x38;
	[tilespmem:$0x1E678] =	vst v63  }
0x1d9: {  	s5 =	sadd.s32 @!p5 s2, s5;
	s12 =	simm.s32 @!p5 $0x13A80  }
0x1da: {  	[tilespmem:s12], [sflag:$0x1] =	stream.linear.gather @!p5 [hbm4b:s5+s19], $0x80, $0x38;
	[tilespmem:$0x1E678] =	vst v63  }
0x1db: {  	s5 =	simm.s32 @p4 $0x5  }
0x1dc: {  	_ =	swait.ge @p4 [sflag:s5], $0x2000  }
.Ltmp9:
0x1dd: {  	[sflag:s5] =	ssyncset.done @p4 $0x0;
	(pc) =	sbr.rel @p5 .LBB2_12-.Ltmp9, $4  }
0x1de: {  	[sflag:s5] =	ssyncadd.s32 @p4 $0xFFFFE000  }
0x1df: {  	_ =	swait.ge @p4 [sflag:s5], $0x2000  }
0x1e0: {  	[sflag:s5] =	ssyncset.done @p4 $0x0  }
0x1e1: {  	[sflag:s5] =	ssyncadd.s32 @p4 $0xFFFFE000  }
0x1e2: {  	_ =	swait.ge [sflag:s9], $0x80  }
0x1e3: {  	[sflag:s9] =	ssyncset.done $0x0  }
0x1e4: {  	[sflag:s9] =	ssyncadd.s32 $0xFFFFFF80  }
0x1e5: {  	_ =	swait.ge [sflag:s9], $0x80  }
0x1e6: {  	[sflag:s9] =	ssyncset.done $0x0  }
0x1e7: {  	[sflag:s9] =	ssyncadd.s32 $0xFFFFFF80  }
0x1e8: {  	_ =	swait.ge [sflag:s9], $0x80  }
0x1e9: {  	[sflag:s9] =	ssyncset.done $0x0  }
0x1ea: {  	[sflag:s9] =	ssyncadd.s32 $0xFFFFFF80  }
0x1eb: {  	v2 =	vld [tilespmem:$0x13880]  }
0x1ec: {  	v3 =	vld [tilespmem:$0x13890]  }
0x1ed: {  	v4 =	vld [tilespmem:$0x138A0]  }
0x1ee: {  	v5 =	vld [tilespmem:$0x138B0]  }
0x1ef: {  	v6 =	vld [tilespmem:$0x138C0]  }
0x1f0: {  	v7 =	vld [tilespmem:$0x138D0];
	v2 =	vshll.u32 v2, $0x1  }
0x1f1: {  	v8 =	vld [tilespmem:$0x138E0];
	v3 =	vshll.u32 v3, $0x1;
	v2 =	vor.u32 v0, v2  }
0x1f2: {  	v59 =	vld [tilespmem:$0x138F0];
	[tilespmem:$0x13880] =	vst v2;
	v2 =	vor.u32 v0, v3;
	v3 =	vshll.u32 v4, $0x1  }
0x1f3: {  	[tilespmem:$0x13890] =	vst v2;
	v2 =	vor.u32 v0, v3;
	v3 =	vshll.u32 v5, $0x1  }
0x1f4: {  	[tilespmem:$0x138A0] =	vst v2;
	v2 =	vor.u32 v0, v3;
	v3 =	vshll.u32 v6, $0x1  }
0x1f5: {  	[tilespmem:$0x138B0] =	vst v2;
	v2 =	vor.u32 v0, v3;
	v3 =	vshll.u32 v7, $0x1  }
0x1f6: {  	[tilespmem:$0x138C0] =	vst v2;
	v2 =	vor.u32 v0, v3;
	v3 =	vshll.u32 v8, $0x1  }
0x1f7: {  	[tilespmem:$0x138D0] =	vst v2;
	v2 =	vor.u32 v0, v3;
	v3 =	vshll.u32 v59, $0x1  }
0x1f8: {  	[tilespmem:$0x138E0] =	vst v2;
	v2 =	vor.u32 v0, v3  }
0x1f9: {  	[tilespmem:$0x138F0] =	vst v2  }
0x1fa: {  	[tilespmem:s28], [sflag:$0x3] =	stream.indirect.gather [hbm4b:s1+s11], $0x80, s0, s11, $0xb8;
	[tilespmem:$0x1E678] =	vst v63  }
0x1fb: {  	s5 =	simm.s32 $0x138C0  }
0x1fc: {  	[tilespmem:s13], [sflag:$0x3] =	stream.indirect.gather [hbm4b:s1+s11], $0x80, s5, s11, $0xb8;
	[tilespmem:$0x1E678] =	vst v63  }
0x1fd: {  	v2 =	vld [tilespmem:$0x13880];
	_ =	sdelay $0x4  }
0x1fe: {  	v2 =	vshrl.u32 v2, $0x1;
	_ =	sdelay $0x2  }
0x1ff: {  	v3 =	vld [tilespmem:$0x13890]  }
0x200: {  	v60 =	vld [tilespmem:$0x13A80]  }
0x201: {  	v2 =	vld.idx.msk [tilespmem:v2+s30+$0x0], $0xffff;
	_ =	sdelay $0x2  }
0x202: {  	v3 =	vshrl.u32 v3, $0x1;
	_ =	sdelay $0x1  }
0x203: {  	v2 =	vmul.f32 v2, v60  }
0x204: {  	v61 =	vld [tilespmem:$0x138A0]  }
0x205: {  	[tilespmem:$0x13A80] =	vst v2;
	v2 =	vld [tilespmem:$0x13A90]  }
0x206: {  	v3 =	vld.idx.msk [tilespmem:v3+s30+$0x0], $0xffff;
	_ =	sdelay $0x2  }
0x207: {  	v4 =	vshrl.u32 v61, $0x1;
	_ =	sdelay $0x1  }
0x208: {  	v2 =	vmul.f32 v3, v2  }
0x209: {  	v3 =	vld [tilespmem:$0x138B0]  }
0x20a: {  	[tilespmem:$0x13A90] =	vst v2;
	v2 =	vld [tilespmem:$0x13AA0]  }
0x20b: {  	v4 =	vld.idx.msk [tilespmem:v4+s30+$0x0], $0xffff;
	_ =	sdelay $0x2  }
0x20c: {  	v3 =	vshrl.u32 v3, $0x1;
	_ =	sdelay $0x1  }
0x20d: {  	v2 =	vmul.f32 v4, v2  }
0x20e: {  	v62 =	vld [tilespmem:$0x138C0]  }
0x20f: {  	[tilespmem:$0x13AA0] =	vst v2;
	v2 =	vld [tilespmem:$0x13AB0]  }
0x210: {  	v3 =	vld.idx.msk [tilespmem:v3+s30+$0x0], $0xffff;
	_ =	sdelay $0x2  }
0x211: {  	v4 =	vshrl.u32 v62, $0x1;
	_ =	sdelay $0x1  }
0x212: {  	v2 =	vmul.f32 v3, v2  }
0x213: {  	v3 =	vld [tilespmem:$0x138D0]  }
0x214: {  	[tilespmem:$0x13AB0] =	vst v2;
	v2 =	vld [tilespmem:$0x13AC0]  }
0x215: {  	v4 =	vld.idx.msk [tilespmem:v4+s30+$0x0], $0xffff;
	_ =	sdelay $0x2  }
0x216: {  	v3 =	vshrl.u32 v3, $0x1;
	_ =	sdelay $0x1  }
0x217: {  	v2 =	vmul.f32 v4, v2  }
0x218: {  	v63 =	vld [tilespmem:$0x138E0]  }
0x219: {  	[tilespmem:$0x13AC0] =	vst v2;
	v2 =	vld [tilespmem:$0x13AD0]  }
0x21a: {  	v3 =	vld.idx.msk [tilespmem:v3+s30+$0x0], $0xffff;
	_ =	sdelay $0x2  }
0x21b: {  	v4 =	vshrl.u32 v63, $0x1;
	_ =	sdelay $0x1  }
0x21c: {  	v2 =	vmul.f32 v3, v2  }
0x21d: {  	v3 =	vld [tilespmem:$0x138F0]  }
0x21e: {  	[tilespmem:$0x13AD0] =	vst v2;
	v2 =	vld [tilespmem:$0x13AE0]  }
0x21f: {  	v4 =	vld.idx.msk [tilespmem:v4+s30+$0x0], $0xffff;
	_ =	sdelay $0x2  }
0x220: {  	v3 =	vshrl.u32 v3, $0x1;
	_ =	sdelay $0x1  }
0x221: {  	v2 =	vmul.f32 v4, v2;
	_ =	sdelay $0x1  }
0x222: {  	[tilespmem:$0x13AE0] =	vst v2;
	v2 =	vld [tilespmem:$0x13AF0]  }
0x223: {  	v3 =	vld.idx.msk [tilespmem:v3+s30+$0x0], $0xffff;
	_ =	sdelay $0x4  }
0x224: {  	v2 =	vmul.f32 v3, v2;
	_ =	sdelay $0x1  }
0x225: {  	[tilespmem:$0x13AF0] =	vst v2  }
.LBB2_12:
.Ltmp10:
0x226: {  	(pc) =	sbr.rel @p3 .LBB2_16-.Ltmp10, $1  }
0x227: {  	_ =	sdelay $0x3  }
0x228: {  	_ =	swait.ge [sflag:s22], $0x2000  }
0x229: {  	[sflag:s22] =	ssyncset.done $0x0  }
0x22a: {  	[sflag:s22] =	ssyncadd.s32 $0xFFFFE000  }
0x22b: {  	_ =	swait.ge [sflag:s22], $0x2000  }
0x22c: {  	[sflag:s22] =	ssyncset.done $0x0  }
0x22d: {  	[sflag:s22] =	ssyncadd.s32 $0xFFFFE000  }
0x22e: {  	v2 =	vld [tilespmem:$0x13A00]  }
0x22f: {  	v3 =	vld [tilespmem:$0x13A10]  }
0x230: {  	v4 =	vld [tilespmem:$0x13A20]  }
0x231: {  	v5 =	vld [tilespmem:$0x13A30]  }
0x232: {  	s5 =	simm.s32 $0x0;
	v6 =	vld [tilespmem:$0x13A40]  }
0x233: {  	s19 =	simm.s32 $0x2;
	v7 =	vmov s5;
	[tilespmem:$0x1BB80] =	vst v2;
	v2 =	vld [tilespmem:$0x13A50]  }
0x234: {  	v8 =	vmov s19;
	v7 =	vand.u32 $0xFFFFFFFC, v7;
	[tilespmem:$0x1BB90] =	vst v3;
	v3 =	vld [tilespmem:$0x13A60]  }
0x235: {  	v8 =	vand.u32 $0xFFFFFFFE, v8;
	v7 =	vbroadcast v7, $0x0;
	[tilespmem:$0x1BBA0] =	vst v4;
	v4 =	vld [tilespmem:$0x13A70]  }
0x236: {  	[tilespmem:$0x1BBB0] =	vst v5;
	v5 =	vbroadcast v8, $0x0  }
0x237: {  	[tilespmem:$0x1BC00] =	vst v6  }
0x238: {  	[tilespmem:$0x1BC10] =	vst v2  }
0x239: {  	[tilespmem:$0x1BC20] =	vst v3  }
0x23a: {  	[tilespmem:$0x1BC30] =	vst v4  }
0x23b: {  	v2 =	vld.idx.msk [tilespmem:v7+s16+$0x0], $0xffff  }
0x23c: {  	s31 =	simm.s32 $0x17C80;
	v3 =	vld.idx.msk [tilespmem:v5+s16+$0x0], $0xffff  }
0x23d: {  	s12 =	simm.s32 $0x1;
	v5 =	vld [tilespmem:s31+$0x70]  }
0x23e: {  	v4 =	vmov s12;
	v6 =	vld [tilespmem:s31+$0xFFFFFF00]  }
0x23f: {  	v4 =	vand.u32 $0xFFFFFFFD, v4;
	v7 =	vld [tilespmem:s31+$0xFFFFFF10]  }
0x240: {  	v8 =	vld [tilespmem:s31+$0xFFFFFF20];
	v4 =	vbroadcast v4, $0x0  }
0x241: {  	v9 =	vld [tilespmem:s31+$0xFFFFFF30]  }
0x242: {  	v10 =	vld [tilespmem:s31+$0xFFFFFF40]  }
0x243: {  	v11 =	vld [tilespmem:s31+$0xFFFFFF50]  }
0x244: {  	v12 =	vld [tilespmem:s31+$0xFFFFFF60];
	v6 =	vmul.f32 v6, v2  }
0x245: {  	v14 =	vld [tilespmem:s31+$0x40];
	v5 =	vmul.f32 v5, v3  }
0x246: {  	v4 =	vld.idx.msk [tilespmem:v4+s16+$0x0], $0xffff;
	[tilespmem:s31+$0xFFFFFF00] =	vst v6;
	v6 =	vmul.f32 v7, v2  }
0x247: {  	v7 =	vld [tilespmem:s31+$0xFFFFFF70];
	[tilespmem:s31+$0x70] =	vst v5;
	v5 =	vmul.f32 v8, v2  }
0x248: {  	v8 =	vld [tilespmem:s31+$0xFFFFFF80];
	[tilespmem:s31+$0xFFFFFF10] =	vst v6;
	v6 =	vmul.f32 v9, v2  }
0x249: {  	v9 =	vld [tilespmem:s31+$0xFFFFFF90];
	[tilespmem:s31+$0xFFFFFF20] =	vst v5;
	v5 =	vmul.f32 v10, v2  }
0x24a: {  	v10 =	vld [tilespmem:s31+$0xFFFFFFA0];
	[tilespmem:s31+$0xFFFFFF30] =	vst v6;
	v6 =	vmul.f32 v11, v2  }
0x24b: {  	v11 =	vld [tilespmem:s31+$0xFFFFFFB0];
	[tilespmem:s31+$0xFFFFFF40] =	vst v5;
	v5 =	vmul.f32 v12, v2  }
0x24c: {  	v12 =	vld [tilespmem:s31+$0xFFFFFFC0];
	v7 =	vmul.f32 v7, v2;
	[tilespmem:s31+$0xFFFFFF50] =	vst v6  }
0x24d: {  	v6 =	vmul.f32 v8, v4;
	v8 =	vld [tilespmem:s31+$0xFFFFFFD0];
	[tilespmem:s31+$0xFFFFFF60] =	vst v5  }
0x24e: {  	s19 =	simm.s32 $0x3;
	v5 =	vld [tilespmem:s31+$0xFFFFFFE0];
	v9 =	vmul.f32 v9, v4;
	[tilespmem:s31+$0xFFFFFF70] =	vst v7  }
0x24f: {  	v13 =	vmov s19;
	v7 =	vld [tilespmem:s31+$0xFFFFFFF0];
	[tilespmem:s31+$0xFFFFFF80] =	vst v6;
	v6 =	vmul.f32 v10, v4  }
0x250: {  	v10 =	vld [tilespmem:s31+$0x0];
	[tilespmem:s31+$0xFFFFFF90] =	vst v9;
	v9 =	vmul.f32 v11, v4  }
0x251: {  	v11 =	vld [tilespmem:s31+$0x10];
	[tilespmem:s31+$0xFFFFFFA0] =	vst v6;
	v6 =	vmul.f32 v12, v4  }
0x252: {  	[tilespmem:s31+$0xFFFFFFB0] =	vst v9;
	v8 =	vmul.f32 v8, v4;
	v9 =	vld [tilespmem:s31+$0x20]  }
0x253: {  	v12 =	vld [tilespmem:s31+$0x30];
	v5 =	vmul.f32 v5, v4;
	[tilespmem:s31+$0xFFFFFFC0] =	vst v6  }
0x254: {  	v2 =	vld.idx.msk [tilespmem:v13+s16+$0x0], $0xffff;
	v4 =	vmul.f32 v7, v4;
	[tilespmem:s31+$0xFFFFFFD0] =	vst v8  }
0x255: {  	[tilespmem:s31+$0xFFFFFFE0] =	vst v5;
	v6 =	vmul.f32 v10, v3;
	v5 =	vld [tilespmem:s31+$0x50]  }
0x256: {  	s12 =	simm.s32 $0x4;
	[tilespmem:s31+$0xFFFFFFF0] =	vst v4;
	v7 =	vmul.f32 v11, v3;
	v4 =	vld [tilespmem:s31+$0x60]  }
0x257: {  	s19 =	simm.s32 $0x7;
	v8 =	vmov s12;
	[tilespmem:s31+$0x0] =	vst v6;
	v10 =	vmul.f32 v9, v3;
	v9 =	vld [tilespmem:s31+$0x80]  }
0x258: {  	s12 =	simm.s32 $0x5;
	v13 =	vand.u32 $0xFFFFFFFC, v8;
	v8 =	vld [tilespmem:s31+$0x90];
	v6 =	vmov s19;
	v11 =	vmul.f32 v12, v3;
	[tilespmem:s31+$0x10] =	vst v7  }
0x259: {  	s29 =	simm.s32 $0x8;
	s5 =	simm.s32 $0x17C80;
	s19 =	simm.s32 $0x6;
	v12 =	vmul.f32 v14, v3;
	v7 =	vbroadcast v13, $0x0;
	v13 =	vmov s12;
	[tilespmem:s31+$0x20] =	vst v10;
	v10 =	vld [tilespmem:s31+$0xA0]  }
.LBB2_14:
0x25a: {  	p3 =	slt.u32 s29, $0x7C;
	v13 =	vand.u32 $0xFFFFFFFD, v13;
	v14 =	vmov s19;
	[tilespmem:s31+$0x30] =	vst v11;
	v5 =	vmul.f32 v5, v3;
	v11 =	vld [tilespmem:s31+$0xB0]  }
0x25b: {  	v3 =	vmul.f32 v4, v3;
	v13 =	vbroadcast v13, $0x0;
	v14 =	vand.u32 $0xFFFFFFFE, v14;
	[tilespmem:s31+$0x40] =	vst v12;
	v4 =	vld [tilespmem:s31+$0xC0]  }
0x25c: {  	v12 =	vbroadcast v14, $0x0;
	[tilespmem:s31+$0x50] =	vst v5;
	v5 =	vmul.f32 v9, v2;
	v9 =	vld [tilespmem:s31+$0xD0]  }
0x25d: {  	[tilespmem:s31+$0x60] =	vst v3;
	v3 =	vmul.f32 v8, v2;
	v8 =	vld [tilespmem:s31+$0xE0]  }
0x25e: {  	[tilespmem:s31+$0x80] =	vst v5;
	v5 =	vmul.f32 v10, v2;
	v10 =	vld [tilespmem:s31+$0xF0]  }
0x25f: {  	v6 =	vld.idx.msk [tilespmem:v6+s16+$0x0], $0xffff;
	[tilespmem:s31+$0x90] =	vst v3;
	v3 =	vmul.f32 v11, v2  }
0x260: {  	v7 =	vld.idx.msk [tilespmem:v7+s16+$0x0], $0xffff;
	[tilespmem:s31+$0xA0] =	vst v5;
	v4 =	vmul.f32 v4, v2  }
0x261: {  	v5 =	vld.idx.msk [tilespmem:v13+s16+$0x0], $0xffff;
	[tilespmem:s31+$0xB0] =	vst v3;
	v9 =	vmul.f32 v9, v2  }
0x262: {  	s31 =	sadd.s32 $0x200, s31;
	v3 =	vld.idx.msk [tilespmem:v12+s16+$0x0], $0xffff;
	[tilespmem:s5+$0xC0] =	vst v4;
	v4 =	vmul.f32 v8, v2  }
0x263: {  	v8 =	vld [tilespmem:s31+$0x70];
	[tilespmem:s5+$0xD0] =	vst v9;
	v10 =	vmul.f32 v10, v2  }
0x264: {  	v9 =	vld [tilespmem:s31+$0xFFFFFF00];
	[tilespmem:s5+$0xE0] =	vst v4  }
0x265: {  	v2 =	vmov v6;
	v4 =	vld [tilespmem:s31+$0xFFFFFF10];
	[tilespmem:s5+$0xF0] =	vst v10;
	s5 =	smov.u32 s31  }
0x266: {  	v6 =	vld [tilespmem:s31+$0xFFFFFF20]  }
0x267: {  	v10 =	vld [tilespmem:s31+$0xFFFFFF30]  }
0x268: {  	v11 =	vld [tilespmem:s31+$0xFFFFFF40];
	v8 =	vmul.f32 v8, v3  }
0x269: {  	v9 =	vmul.f32 v9, v7;
	v12 =	vld [tilespmem:s31+$0xFFFFFF50]  }
0x26a: {  	v4 =	vmul.f32 v4, v7;
	v13 =	vld [tilespmem:s31+$0xFFFFFF60];
	[tilespmem:s31+$0x70] =	vst v8  }
0x26b: {  	[tilespmem:s31+$0xFFFFFF00] =	vst v9;
	v6 =	vmul.f32 v6, v7;
	v8 =	vld [tilespmem:s31+$0xFFFFFF70]  }
0x26c: {  	[tilespmem:s31+$0xFFFFFF10] =	vst v4;
	v4 =	vmul.f32 v10, v7;
	v9 =	vld [tilespmem:s31+$0xFFFFFF80]  }
0x26d: {  	[tilespmem:s31+$0xFFFFFF20] =	vst v6;
	v6 =	vmul.f32 v11, v7;
	v10 =	vld [tilespmem:s31+$0xFFFFFF90]  }
0x26e: {  	[tilespmem:s31+$0xFFFFFF30] =	vst v4;
	v4 =	vmul.f32 v12, v7;
	v11 =	vld [tilespmem:s31+$0xFFFFFFA0]  }
0x26f: {  	[tilespmem:s31+$0xFFFFFF40] =	vst v6;
	v6 =	vmul.f32 v13, v7;
	v12 =	vld [tilespmem:s31+$0xFFFFFFB0]  }
0x270: {  	[tilespmem:s31+$0xFFFFFF50] =	vst v4;
	v4 =	vmul.f32 v8, v7;
	v7 =	vld [tilespmem:s31+$0xFFFFFFC0]  }
0x271: {  	[tilespmem:s31+$0xFFFFFF60] =	vst v6;
	v6 =	vmul.f32 v9, v5;
	v8 =	vld [tilespmem:s31+$0xFFFFFFD0]  }
0x272: {  	[tilespmem:s31+$0xFFFFFF70] =	vst v4;
	v4 =	vmul.f32 v10, v5;
	v9 =	vld [tilespmem:s31+$0xFFFFFFE0]  }
0x273: {  	[tilespmem:s31+$0xFFFFFF80] =	vst v6;
	v6 =	vmul.f32 v11, v5;
	v10 =	vld [tilespmem:s31+$0xFFFFFFF0]  }
0x274: {  	[tilespmem:s31+$0xFFFFFF90] =	vst v4;
	v4 =	vmul.f32 v12, v5;
	v11 =	vld [tilespmem:s31+$0x0]  }
0x275: {  	[tilespmem:s31+$0xFFFFFFA0] =	vst v6;
	v6 =	vmul.f32 v7, v5;
	v7 =	vld [tilespmem:s31+$0x10]  }
0x276: {  	[tilespmem:s31+$0xFFFFFFB0] =	vst v4;
	v4 =	vmul.f32 v8, v5;
	v8 =	vld [tilespmem:s31+$0x20]  }
0x277: {  	[tilespmem:s31+$0xFFFFFFC0] =	vst v6;
	v6 =	vmul.f32 v9, v5;
	v12 =	vld [tilespmem:s31+$0x30]  }
0x278: {  	[tilespmem:s31+$0xFFFFFFD0] =	vst v4;
	v4 =	vmul.f32 v10, v5;
	v10 =	vld [tilespmem:s31+$0x40]  }
.Ltmp11:
0x279: {  	[tilespmem:s31+$0xFFFFFFE0] =	vst v6;
	v6 =	vmul.f32 v11, v3;
	v5 =	vld [tilespmem:s31+$0x50];
	(pc) =	sbr.rel @p3 .LBB2_14-.Ltmp11, $4  }
0x27a: {  	[tilespmem:s31+$0xFFFFFFF0] =	vst v4;
	v7 =	vmul.f32 v7, v3;
	v4 =	vld [tilespmem:s31+$0x60]  }
0x27b: {  	s12 =	sadd.s32 $0x3, s29;
	v11 =	vmov s29;
	[tilespmem:s31+$0x0] =	vst v6;
	v14 =	vmul.f32 v8, v3;
	v9 =	vld [tilespmem:s31+$0x80]  }
0x27c: {  	s19 =	sadd.s32 $0x1, s29;
	v13 =	vand.u32 $0xFFFFFFFC, v11;
	v6 =	vmov s12;
	[tilespmem:s31+$0x10] =	vst v7;
	v11 =	vmul.f32 v12, v3;
	v8 =	vld [tilespmem:s31+$0x90]  }
0x27d: {  	v7 =	vbroadcast v13, $0x0;
	v13 =	vmov s19;
	s19 =	sadd.s32 $0x2, s29;
	s29 =	sadd.s32 $0x4, s29;
	[tilespmem:s31+$0x20] =	vst v14;
	v12 =	vmul.f32 v10, v3;
	v10 =	vld [tilespmem:s31+$0xA0]  }
.Ltmp12:
0x27e: {  	_ = 	snop;
	(pc) =	sbr.rel .LBB2_15-.Ltmp12, $1  }
0x27f: {  	_ =	sdelay $0x3  }
.LBB2_18:
0x280: {  	_ =	sfence.sel $0x180000  }
0x281: {  	[bflag:$0x0] =	sbarrier.arrive $0xFFFF  }
0x282: {  	_ =	strace $0x9000004A  }
0x283: {  	[bflag:$0x2] =	sbarrier.arrive $0xFFFF  }
0x284: {  	p0 =	sne.s32 s6, $0x0;
	s0 =	rddreg [dreg:$0x5]  }
0x285: {  	s0 =	sadd.s32 @!p0 $0x100000, s0  }
0x286: {  	[sflag:s0] =	ssyncadd.tile.s32 @!p0 $0x1;
	_ =	shalt  }
.Lfunc_end2:
_tile_overlayer_lowered:
.L_overlay_start_2:
0x287: {  	(tag) =	ssettag $0x2  }
0x288: {  	s0 =	rddreg [dreg:$0x0];
	s2 =	stileid.u32  }
0x289: {  	s1 =	rddreg [dreg:$0x1];
	p0 =	sne.s32 s2, $0x0  }
0x28a: {  	s3 =	rddreg [dreg:$0x2];
	[bflag:$0x3] =	sbarrier.arrive $0xFFFF;
	s2 =	simm.s32 @!p0 $0x1C06  }
0x28b: {  	[timem:s3], [sflag:s2] =	dma.local @!p0 [hbm:s0], s1  }
0x28c: {  	s0 =	simm.s32 @!p0 $0x6  }
0x28d: {  	_ =	swait.ge @!p0 [sflag:s0], s1  }
0x28e: {  	s1 =	ssub.s32 @!p0 $0x0, s1;
	[sflag:s0] =	ssyncset.done @!p0 $0x0  }
0x28f: {  	[sflag:s0] =	ssyncadd.s32 @!p0 s1  }
0x290: {  	[bflag:$0x3] =	sbarrier.arrive $0xFFFF  }
0x291: {  	_ =	shalt  }

// kernel: kernel.14.cloned.1.call-start
scs
__scs_entry_jumppad:
0x0: {  	(pc) =	sbr.rel $0x88, $3  }
0x1: {  	(tag) =	ssettag $0x0;
	lr =	simm.s32 $0x1  }
0x2: {  	[smem:$0x3F9A] =	sst lr;
	_ =	strace $0xD0000000  }
0x3: {  	_ = 	snop  }
0x4: {  	_ = 	snop  }
0x5: {  	_ = 	snop  }
0x6: {  	_ = 	snop  }
0x7: {  	_ = 	snop  }
__scs_overlays_trampoline_lowered:
0x8: {  	[smem:$0x3FA9] =	sst s0  }
0x9: {  	[smem:$0x3FAA] =	sst s1  }
0xa: {  	[smem:$0x3FAB] =	sst s2  }
0xb: {  	[smem:$0x3FAC] =	sst s3  }
0xc: {  	[smem:$0x3FAD] =	sst s4  }
0xd: {  	[smem:$0x3FAE] =	sst s5  }
0xe: {  	[smem:$0x3FAF] =	sst s6  }
0xf: {  	[smem:$0x3FB0] =	sst s7  }
0x10: {  	[smem:$0x3FB1] =	sst s8  }
0x11: {  	[smem:$0x3FB2] =	sst s9;
	s0 =	simm.s32 @!p0 $0x0  }
0x12: {  	s1 =	sld [smem:$0x3F98];
	s0 =	simm.s32 @p0 $0x1  }
0x13: {  	[smem:$0x3FB3] =	sst s0;
	s0 =	simm.s32 @!p1 $0x0  }
0x14: {  	s2 =	sld [smem:$0x3F97];
	s0 =	simm.s32 @p1 $0x1  }
0x15: {  	[smem:$0x3FB4] =	sst s0;
	s0 =	simm.s32 @!p2 $0x0  }
0x16: {  	s3 =	sld [smem:$0x3FDB];
	s0 =	simm.s32 @p2 $0x1  }
0x17: {  	s4 =	simm.s32 $0x1BF5;
	[smem:$0x3FB6] =	sst s0  }
0x18: {  	s0 =	sld [smem:$0x3F99];
	_ =	swait.ge [sflag:s4], $0x0  }
0x19: {  	s7 =	sld [smem:$0x3F9A]  }
0x1a: {  	s8 =	sadd.s32 $0xFFFFE003, lr  }
0x1b: {  	s9 =	sadd.s32 $0xFFFFFEF7, lr;
	s5 =	simm.s32 $0xFFFFFFFF;
	p2 =	slt.u32 s8, $0xFFFFF086  }
0x1c: {  	p1 =	slt.u32 s9, $0xF7A;
	s5 =	simm.s32 @!p2 $0x0  }
0x1d: {  	s5 =	simm.s32 @p1 $0x1;
	p0 =	seq.s32 s7, s2  }
0x1e: {  	s7 =	smul.u32 @!p0 $0xF7A, s2;
	p2 =	seq.s32 @!p0 s5, $0x0  }
0x1f: {  	s9 =	smul.u32 $0xF7A, s1;
	s8 =	simm.s32 @!p0 $0x1BF5;
	p2 =	por !p2, p0  }
0x20: {  	[sflag:s8] =	ssyncset.s32 @!p0 $0xFFFFF086;
	s6 =	sadd.s32 @!p0 s3, s7;
	s7 =	simm.s32 @!p0 $0x108  }
0x21: {  	s3 =	sadd.s32 s3, s9;
	s6 =	sadd.s32 @!p0 $0x88, s6;
	s7 =	simm.s32 @p2 $0x1082  }
0x22: {  	[simem:s7], [sflag:s8] =	dma.local @!p0 [hbm:s6], $0xF7A  }
0x23: {  	s9 =	sor.u32 $0xD0000000, s2;
	s6 =	simm.s32 $0x108;
	_ =	swait.ge @!p0 [sflag:s8], $0x0  }
0x24: {  	s3 =	sadd.s32 $0x88, s3;
	s6 =	simm.s32 @!p1 $0x1082;
	[sflag:s4] =	ssyncset.s32 $0xFFFFF086  }
0x25: {  	[simem:s6], [sflag:s4] =	dma.local [hbm:s3], $0xF7A  }
0x26: {  	[smem:$0x3F9A] =	sst s1;
	(tag) =	ssettag s2;
	_ =	strace s9  }
0x27: {  	s1 =	sld [smem:$0x3FAA]  }
0x28: {  	s2 =	sld [smem:$0x3FAB]  }
0x29: {  	s4 =	sld [smem:$0x3FAD]  }
0x2a: {  	p0 =	seq.s32 s5, $0x0;
	s5 =	sld [smem:$0x3FAE]  }
0x2b: {  	s6 =	sld [smem:$0x3FAF]  }
0x2c: {  	s7 =	sld [smem:$0x3FB0]  }
0x2d: {  	s3 =	simm.s32 $0x108;
	s8 =	sld [smem:$0x3FB1]  }
0x2e: {  	s3 =	simm.s32 @!p0 $0x1082;
	s9 =	sld [smem:$0x3FB2]  }
0x2f: {  	lr =	sadd.s32 s0, s3;
	s0 =	sld [smem:$0x3FA9]  }
0x30: {  	s3 =	sld [smem:$0x3FAC]  }
0x31: {  	[smem:$0x3FB5] =	sst s10  }
0x32: {  	s10 =	sld [smem:$0x3FB3];
	_ =	sdelay $0x3  }
0x33: {  	p0 =	seq.s32 s10, $0x1;
	s10 =	sld [smem:$0x3FB5];
	_ =	sdelay $0x3  }
0x34: {  	[smem:$0x3FB5] =	sst s10  }
0x35: {  	s10 =	sld [smem:$0x3FB4];
	_ =	sdelay $0x3  }
0x36: {  	p1 =	seq.s32 s10, $0x1;
	s10 =	sld [smem:$0x3FB5];
	_ =	sdelay $0x3  }
0x37: {  	[smem:$0x3FB5] =	sst s10  }
0x38: {  	s10 =	sld [smem:$0x3FB6]  }
0x39: {  	_ = 	snop;
	(pc) =	sbr.ind lr, $3  }
0x3a: {  	_ = 	snop  }
0x3b: {  	_ = 	snop  }
0x3c: {  	p2 =	seq.s32 s10, $0x1;
	s10 =	sld [smem:$0x3FB5]  }
0x3d: {  	_ =	shalt  }
0x3e: {  	_ =	shalt  }
0x3f: {  	_ =	shalt  }
0x40: {  	_ =	shalt  }
0x41: {  	_ =	shalt  }
0x42: {  	_ =	shalt  }
0x43: {  	_ =	shalt  }
0x44: {  	_ =	shalt  }
0x45: {  	_ =	shalt  }
0x46: {  	_ =	shalt  }
0x47: {  	_ =	shalt  }
0x48: {  	_ =	shalt  }
0x49: {  	_ =	shalt  }
0x4a: {  	_ =	shalt  }
0x4b: {  	_ =	shalt  }
0x4c: {  	_ =	shalt  }
0x4d: {  	_ =	shalt  }
0x4e: {  	_ =	shalt  }
0x4f: {  	_ =	shalt  }
0x50: {  	_ =	shalt  }
0x51: {  	_ =	shalt  }
0x52: {  	_ =	shalt  }
0x53: {  	_ =	shalt  }
0x54: {  	_ =	shalt  }
0x55: {  	_ =	shalt  }
0x56: {  	_ =	shalt  }
0x57: {  	_ =	shalt  }
0x58: {  	_ =	shalt  }
0x59: {  	_ =	shalt  }
0x5a: {  	_ =	shalt  }
0x5b: {  	_ =	shalt  }
0x5c: {  	_ =	shalt  }
0x5d: {  	_ =	shalt  }
0x5e: {  	_ =	shalt  }
0x5f: {  	_ =	shalt  }
0x60: {  	_ =	shalt  }
0x61: {  	_ =	shalt  }
0x62: {  	_ =	shalt  }
0x63: {  	_ =	shalt  }
0x64: {  	_ =	shalt  }
0x65: {  	_ =	shalt  }
0x66: {  	_ =	shalt  }
0x67: {  	_ =	shalt  }
0x68: {  	_ =	shalt  }
0x69: {  	_ =	shalt  }
0x6a: {  	_ =	shalt  }
0x6b: {  	_ =	shalt  }
0x6c: {  	_ =	shalt  }
0x6d: {  	_ =	shalt  }
0x6e: {  	_ =	shalt  }
0x6f: {  	_ =	shalt  }
0x70: {  	_ =	shalt  }
0x71: {  	_ =	shalt  }
0x72: {  	_ =	shalt  }
0x73: {  	_ =	shalt  }
0x74: {  	_ =	shalt  }
0x75: {  	_ =	shalt  }
0x76: {  	_ =	shalt  }
0x77: {  	_ =	shalt  }
0x78: {  	_ =	shalt  }
0x79: {  	_ =	shalt  }
0x7a: {  	_ =	shalt  }
0x7b: {  	_ =	shalt  }
0x7c: {  	_ =	shalt  }
0x7d: {  	_ =	shalt  }
0x7e: {  	_ =	shalt  }
0x7f: {  	_ =	shalt  }
0x80: {  	_ =	shalt  }
0x81: {  	_ =	shalt  }
0x82: {  	_ =	shalt  }
0x83: {  	_ =	shalt  }
0x84: {  	_ =	shalt  }
0x85: {  	_ =	shalt  }
0x86: {  	_ =	shalt  }
0x87: {  	_ =	shalt  }
.Lfunc_end0:
.L_simem_size_0:
called_computation.2_lowered:
.L_overlay_start_0:
0x88: {  	s2 =	sld [smem:$0x3FD9]  }
0x89: {  	s3 =	sld [smem:$0x3FFE];
	_ =	sdelay $0x1  }
0x8a: {  	s1 =	srdreg.scid  }
0x8b: {  	s0 =	sand.u32 $0x1, s1  }
0x8c: {  	s17 =	sshll.u32 s0, $0xA;
	s2 =	sadd.s32 s3, s2  }
0x8d: {  	s2 =	sadd.s32 s2, s17  }
0x8e: {  	[smem:$0x3FC1] =	sst s2  }
0x8f: {  	_ = 	snop  }
0x90: {  	s2 =	sld [smem:$0x3FC7]  }
0x91: {  	s18 =	sld [smem:$0x3FD0];
	(tm) =	ssettm $0x1  }
0x92: {  	s4 =	sld [smem:$0x3FFB];
	_ =	sdelay $0x3  }
0x93: {  	_ =	strace s4  }
0x94: {  	s4 =	sld [smem:$0x3FFC];
	_ =	sdelay $0x3  }
0x95: {  	_ =	strace s4  }
0x96: {  	s4 =	sld [smem:$0x3FFD];
	_ =	sdelay $0x3  }
0x97: {  	_ =	strace s4  }
0x98: {  	_ =	strace $0x8FFFFFFF  }
0x99: {  	s19 =	sld [smem:$0x3FDB];
	_ =	sdelay $0x1  }
0x9a: {  	s5 =	simm.s32 $_scs_section_size  }
0x9b: {  	s6 =	simm.s32 $_size__tile_overlayer_lowered;
	s7 =	simm.s32 $_tile_overlayer_lowered  }
0x9c: {  	s22 =	simm.s32 $0x1BFF;
	s21 =	sshll.u32 s7, $0x1;
	s4 =	sadd.s32 s5, s19  }
0x9d: {  	s8 =	simm.s32 $0x0;
	s20 =	sshll.u32 s6, $0x1;
	s6 =	sadd.s32 s21, s4  }
0x9e: {  	[timem:s8], [sflag:s22] =	dma.local [hbm:s6], s20  }
0x9f: {  	_ =	swait.ge [sflag:s22], s20  }
0xa0: {  	s5 =	ssub.s32 $0x0, s20;
	[sflag:s22] =	ssyncset.done $0x0  }
0xa1: {  	[sflag:s22] =	ssyncadd.s32 s5;
	_ =	sdelay $0x1  }
0xa2: {  	s23 =	simm.s32 $0x1B8B  }
0xa3: {  	_ =	swait.ge [sflag:s23], $0x1  }
0xa4: {  	[sflag:s23] =	ssyncset.done $0x0  }
0xa5: {  	s25 =	simm.s32 $0x1B8E;
	s24 =	sld [smem:$0x3FFE];
	[sflag:s23] =	ssyncadd.s32 $0xFFFFFFFF  }
0xa6: {  	s26 =	simm.s32 $execute0_lowered;
	[smem:$0x3FD2] =	sst s25  }
0xa7: {  	s6 =	sshll.u32 s26, $0x1;
	_ =	strace $0x8000004C;
	[dreg:$0x1] =	wrdreg $0xFFFFFFFF  }
0xa8: {  	s28 =	simm.s32 $_size_execute0_lowered;
	s4 =	sadd.s32 s4, s6;
	[dreg:$0x0] =	wrdreg $0x0  }
0xa9: {  	s6 =	sshll.u32 s28, $0x1;
	[dreg:$0x2] =	wrdreg s4  }
0xaa: {  	[dreg:$0x3] =	wrdreg s6  }
0xab: {  	[dreg:$0x4] =	wrdreg $0xC0  }
0xac: {  	_ =	task [dreg:s8], $0x5FFFF  }
0xad: {  	[dreg:$0x1] =	wrdreg $0xFFFFFFFF  }
0xae: {  	[dreg:$0x0] =	wrdreg $0x60  }
0xaf: {  	[dreg:$0x2] =	wrdreg s18  }
0xb0: {  	[dreg:$0x3] =	wrdreg s24  }
0xb1: {  	[dreg:$0x4] =	wrdreg s2  }
0xb2: {  	[dreg:$0x5] =	wrdreg $0x0  }
0xb3: {  	[dreg:$0x6] =	wrdreg $0x1E4000  }
0xb4: {  	[dreg:$0x7] =	wrdreg $0x9  }
0xb5: {  	_ =	task.clear_ibuf [dreg:s8], $0x8FFFF;
	_ =	strace $0x9000004C  }
0xb6: {  	s29 =	simm.s32 $0x9;
	_ =	strace $0x8000004E  }
0xb7: {  	_ =	swait.ge [sflag:s29], $0x1  }
0xb8: {  	[sflag:s29] =	ssyncadd.s32 $0xFFFFFFFF  }
0xb9: {  	_ =	strace $0x9000004E  }
0xba: {  	_ =	sfence  }
0xbb: {  	s30 =	sld [smem:$0x0];
	_ =	sdelay $0x2  }
0xbc: {  	s31 =	sshll.u32 s1, $0xD;
	s1 =	sshrl.u32 s1, $0x2  }
0xbd: {  	s3 =	sand.u32 $0x4000, s31;
	s1 =	sadd.s32 s1, s30  }
0xbe: {  	s0 =	sor.u32 s3, s0;
	s1 =	sshll.u32 s1, $0x11  }
0xbf: {  	s0 =	sor.u32 s1, s0  }
0xc0: {  	s0 =	sadd.s32 $0x8F2B, s0  }
0xc1: {  	[sflag:s0] =	ssyncadd.remote.s32 $0x1  }
0xc2: {  	_ =	sfence.sel $0xFFFF  }
0xc3: {  	[dreg:$0x0] =	wrdreg $0xFFFFFFFF;
	(pc) =	sbr.abs _section_cstart, $3  }
0xc4: {  	[dreg:$0x1] =	wrdreg $0xFFFFFFFF  }
0xc5: {  	_ =	task.clear_ibuf [dreg:s8], $0x2FFFF;
	_ =	strace $0x9FFFFFFF  }
0xc6: {  	(tm) =	ssettm $0x7FFFFFFF  }
0xc7: {  	_ =	shalt  }
tec
execute0_lowered:
.L_overlay_start_1:
0x0: {  	(tag) =	ssettag $0x1  }
0x1: {  	s1 =	rddreg [dreg:$0x0]  }
0x2: {  	s0 =	rddreg [dreg:$0x1]  }
0x3: {  	s2 =	rddreg [dreg:$0x2]  }
0x4: {  	s3 =	rddreg [dreg:$0x3];
	s12 =	simm.s32 $0x0  }
0x5: {  	s4 =	srdreg.scid;
	s6 =	stileid.u32;
	s28 =	simm.s32 $0x13B80  }
0x6: {  	s30 =	simm.s32 $0x1BC80;
	s13 =	simm.s32 $0x15B80;
	s14 =	simm.s32 $0x13900  }
0x7: {  	[smem:$0x7FF] =	sst s12;
	s7 =	sadd.s32 $0x6A00, s0;
	s5 =	sand.u32 $0x1, s4  }
0x8: {  	s15 =	smul.u32 $0x4E000, s6;
	s8 =	sadd.s32 $0x1A00, s0;
	s11 =	sadd.s32 $0x59C00, s0  }
0x9: {  	s21 =	sshll.u32 s6, $0x4;
	s31 =	smul.u32 $0x2700, s6;
	p0 =	seq.s32 s6, $0x0  }
0xa: {  	p1 =	sne.s32 s6, $0xF;
	_ =	strace $0x8000004D;
	s9 =	smul.u32 $0x27100, s5  }
0xb: {  	s10 =	ssub.s32 $0x2, s5;
	[dreg:$0x7] =	wrdreg s11;
	s22 =	sadd.s32 s7, s21  }
0xc: {  	s23 =	sadd.s32 s8, s21;
	s24 =	sor.u32 $0x100, s21;
	p2 =	sne.s32 @!p0 s6, $0xF  }
0xd: {  	s11 =	simm.s32 $0x40;
	s16 =	sshrl.u32 s10, $0x1;
	[dreg:$0xe] =	wrdreg s22  }
0xe: {  	s4 =	sshrl.u32 s15, $0x2;
	[dreg:$0xf] =	wrdreg s23;
	s25 =	sadd.s32 s7, s24  }
0xf: {  	s26 =	sadd.s32 s8, s24;
	s29 =	sadd.s32 s2, s24;
	p2 =	por p2, p0  }
0x10: {  	s23 =	simm.s32 $0x1BB80;
	s24 =	simm.s32 $0x1BC00;
	[dreg:$0x11] =	wrdreg s25  }
0x11: {  	s22 =	simm.s32 $0x4;
	s0 =	sadd.s32 s9, s0;
	[dreg:$0x12] =	wrdreg s26  }
0x12: {  	s17 =	ssub.s32 s10, s16;
	s15 =	sadd.s32 s4, s3;
	[dreg:$0x13] =	wrdreg s29  }
0x13: {  	s25 =	sor.u32 $0x20, s6;
	s4 =	sadd.s32 $0x4000, s15;
	[dreg:$0x8] =	wrdreg s15  }
0x14: {  	s26 =	sor.u32 $0x30, s6;
	s18 =	sadd.s32 $0x8000, s15;
	[dreg:$0x9] =	wrdreg s4  }
0x15: {  	s16 =	simm.s32 $0x13B00;
	s19 =	sadd.s32 $0xC000, s15;
	[dreg:$0xa] =	wrdreg s18  }
0x16: {  	s20 =	sadd.s32 $0x10000, s15;
	s0 =	sadd.s32 $0x5A200, s0;
	[dreg:$0xb] =	wrdreg s19  }
0x17: {  	s9 =	smax.u32 s17, $0x1;
	s17 =	simm.s32 $0x2;
	[dreg:$0xc] =	wrdreg s20  }
.Ltmp0:
0x18: {  	s19 =	sadd.s32 $0x138000, s3;
	[dreg:$0x15] =	wrdreg s9;
	(pc) =	sbr.rel .LBB2_1-.Ltmp0, $4  }
0x19: {  	s4 =	sadd.s32 s2, s21;
	[dreg:$0x14] =	wrdreg s0;
	s0 =	sadd.s32 s31, s0  }
0x1a: {  	s9 =	simm.s32 $0x1;
	s18 =	simm.s32 $0x17B80;
	[dreg:$0x10] =	wrdreg s4  }
0x1b: {  	s20 =	simm.s32 $0x19B80;
	s21 =	simm.s32 $0x3;
	[dreg:$0x16] =	wrdreg s0  }
0x1c: {  	v1 =	vimm.f32 $0.0e+00;
	v0 =	vmov s5;
	s0 =	simm.s32 $0x13880;
	s4 =	simm.s32 $0x13A80;
	[dreg:$0xd] =	wrdreg s19  }
.LBB2_17:
0x1d: {  	[bflag:$0x0] =	sbarrier.arrive $0xFFFF  }
0x1e: {  	s5 =	sshll.u32 s6, $0x6;
	s19 =	simm.s32 $0x6;
	s15 =	rddreg [dreg:$0x8]  }
0x1f: {  	s5 =	sor.u32 $0x1C06, s5;
	s12 =	rddreg [dreg:$0x16];
	s10 =	sshrl.u32 s15, $0x3  }
0x20: {  	[hbm:s12], [sflag:s5] =	dma.local [spmem:s10], $0x2700  }
0x21: {  	_ =	swait.ge [sflag:s19], $0x2700  }
0x22: {  	[sflag:s19] =	ssyncset.done $0x0;
	s10 =	rddreg [dreg:$0x14]  }
0x23: {  	[sflag:s19] =	ssyncadd.s32 $0xFFFFD900;
	s19 =	rddreg [dreg:$0xd]  }
0x24: {  	s10 =	sadd.s32 @!p1 $0x27000, s10;
	s12 =	sshrl.u32 @!p1 s19, $0x3  }
0x25: {  	[hbm:s10], [sflag:s5] =	dma.local @!p1 [spmem:s12], $0x100  }
0x26: {  	s5 =	simm.s32 @!p1 $0x6  }
0x27: {  	_ =	swait.ge @!p1 [sflag:s5], $0x100  }
0x28: {  	s29 =	rddreg [dreg:$0x6]  }
0x29: {  	s31 =	rddreg [dreg:$0x15];
	s12 =	sadd.s32 $0x1, s29  }
0x2a: {  	p3 =	sne.s32 s12, s31  }
.Ltmp1:
0x2b: {  	_ = 	snop;
	(pc) =	sbr.rel @!p3 .LBB2_18-.Ltmp1, $3  }
0x2c: {  	_ =	sdelay $0x1  }
0x2d: {  	[sflag:s5] =	ssyncset.done @!p1 $0x0  }
0x2e: {  	[sflag:s5] =	ssyncadd.s32 @!p1 $0xFFFFFF00  }
.LBB2_1:
0x2f: {  	[dreg:$0x6] =	wrdreg s12;
	s5 =	simm.s32 $0x0;
	s10 =	simm.s32 $0x200  }
.LBB2_2:
0x30: {  	p3 =	sne.s32 s10, $0xFE00;
	[tilespmem:s5+$0x13BF0] =	vst v1  }
0x31: {  	[tilespmem:s5+$0x13B80] =	vst v1  }
0x32: {  	[tilespmem:s5+$0x13B90] =	vst v1  }
.Ltmp2:
0x33: {  	[tilespmem:s5+$0x13BA0] =	vst v1;
	(pc) =	sbr.rel @p3 .LBB2_2-.Ltmp2, $4  }
0x34: {  	[tilespmem:s5+$0x13BB0] =	vst v1  }
0x35: {  	[tilespmem:s5+$0x13BC0] =	vst v1  }
0x36: {  	[tilespmem:s5+$0x13BD0] =	vst v1  }
0x37: {  	[tilespmem:s5+$0x13BE0] =	vst v1;
	s5 =	sshra.s32 s10, $0x2;
	s10 =	sadd.s32 $0x200, s10  }
0x38: {  	[tilespmem:s5+$0x13BF0] =	vst v1  }
0x39: {  	[tilespmem:s5+$0x13B80] =	vst v1  }
0x3a: {  	[tilespmem:s5+$0x13B90] =	vst v1  }
0x3b: {  	[tilespmem:s5+$0x13BA0] =	vst v1  }
0x3c: {  	[tilespmem:s5+$0x13BB0] =	vst v1  }
0x3d: {  	[tilespmem:s5+$0x13BC0] =	vst v1  }
0x3e: {  	[tilespmem:s5+$0x13BD0] =	vst v1  }
0x3f: {  	[tilespmem:s5+$0x13BE0] =	vst v1  }
0x40: {  	[spmem:s15] =	stream.linear.scatter [tilespmem:s28], [sflag:$0x5], $0x4000, $0x38;
	[tilespmem:$0x1E678] =	vst v63  }
0x41: {  	s10 =	rddreg [dreg:$0x9]  }
0x42: {  	[spmem:s10] =	stream.linear.scatter [tilespmem:s28], [sflag:$0x5], $0x4000, $0x38;
	[tilespmem:$0x1E678] =	vst v63  }
0x43: {  	s12 =	rddreg [dreg:$0xa]  }
0x44: {  	[spmem:s12] =	stream.linear.scatter [tilespmem:s28], [sflag:$0x5], $0x4000, $0x38;
	[tilespmem:$0x1E678] =	vst v63  }
0x45: {  	s15 =	rddreg [dreg:$0xb]  }
0x46: {  	[spmem:s15] =	stream.linear.scatter [tilespmem:s28], [sflag:$0x5], $0x4000, $0x38;
	[tilespmem:$0x1E678] =	vst v63  }
0x47: {  	s29 =	rddreg [dreg:$0xc]  }
0x48: {  	[spmem:s29] =	stream.linear.scatter [tilespmem:s28], [sflag:$0x5], $0x3800, $0x38;
	[tilespmem:$0x1E678] =	vst v63  }
0x49: {  	s5 =	simm.s32 @!p1 $0x13B80;
	s31 =	simm.s32 $0x5  }
0x4a: {  	[spmem:s19] =	stream.linear.scatter @!p1 [tilespmem:s5], [sflag:$0x5], $0x800, $0x38;
	[tilespmem:$0x1E678] =	vst v63  }
0x4b: {  	_ =	swait.ge [sflag:s31], $0x4000  }
0x4c: {  	[sflag:s31] =	ssyncset.done $0x0  }
0x4d: {  	[sflag:s31] =	ssyncadd.s32 $0xFFFFC000  }
0x4e: {  	_ =	swait.ge [sflag:s31], $0x4000  }
0x4f: {  	[sflag:s31] =	ssyncset.done $0x0  }
0x50: {  	[sflag:s31] =	ssyncadd.s32 $0xFFFFC000  }
0x51: {  	_ =	swait.ge [sflag:s31], $0x4000  }
0x52: {  	[sflag:s31] =	ssyncset.done $0x0  }
0x53: {  	[sflag:s31] =	ssyncadd.s32 $0xFFFFC000  }
0x54: {  	_ =	swait.ge [sflag:s31], $0x4000  }
0x55: {  	[sflag:s31] =	ssyncset.done $0x0  }
0x56: {  	[sflag:s31] =	ssyncadd.s32 $0xFFFFC000  }
0x57: {  	_ =	swait.ge [sflag:s31], $0x3800  }
0x58: {  	[sflag:s31] =	ssyncset.done $0x0  }
0x59: {  	[sflag:s31] =	ssyncadd.s32 $0xFFFFC800  }
0x5a: {  	s12 =	rddreg [dreg:$0x4]  }
0x5b: {  	s10 =	simm.s32 @p0 $0x1C06;
	s15 =	rddreg [dreg:$0x7];
	s5 =	sshrl.u32 @p0 s12, $0x3  }
0x5c: {  	[spmem:s5], [sflag:s10] =	dma.local @p0 [hbm:s15], $0x4F0  }
0x5d: {  	s5 =	simm.s32 @p0 $0x6  }
0x5e: {  	_ =	swait.ge @p0 [sflag:s5], $0x4F0  }
0x5f: {  	[sflag:s5] =	ssyncset.done @p0 $0x0  }
0x60: {  	[sflag:s5] =	ssyncadd.s32 @p0 $0xFFFFFB10;
	s5 =	simm.s32 @!p2 $0x5  }
0x61: {  	_ =	swait.ge @!p2 [sflag:s5], $0x800  }
0x62: {  	[sflag:s5] =	ssyncset.done @!p2 $0x0  }
0x63: {  	[sflag:s5] =	ssyncadd.s32 @!p2 $0xFFFFF800  }
0x64: {  	s10 =	simm.s32 $0x6;
	[bflag:$0x0] =	sbarrier.arrive $0xFFFF  }
0x65: {  	[tilespmem:s30], [sflag:$0x6] =	stream.linear.gather [spmem:s12], $0x2780, $0x38;
	[tilespmem:$0x1E678] =	vst v63  }
0x66: {  	_ =	swait.ge [sflag:s10], $0x2780  }
0x67: {  	[sflag:s10] =	ssyncset.done $0x0  }
0x68: {  	s15 =	simm.s32 $0x0;
	s12 =	rddreg [dreg:$0xe];
	[sflag:s10] =	ssyncadd.s32 $0xFFFFD880  }
0x69: {  	[tilespmem:s0], [sflag:$0x1] =	stream.linear.gather [hbm4b:s12+s15], $0x80, $0x38;
	[tilespmem:$0x1E678] =	vst v63  }
0x6a: {  	s29 =	simm.s32 $0x13980;
	s19 =	rddreg [dreg:$0xf]  }
0x6b: {  	[tilespmem:s29], [sflag:$0x1] =	stream.linear.gather [hbm4b:s19+s15], $0x80, $0x38;
	[tilespmem:$0x1E678] =	vst v63  }
0x6c: {  	s31 =	rddreg [dreg:$0x10]  }
0x6d: {  	[tilespmem:s4], [sflag:$0x1] =	stream.linear.gather [hbm4b:s31+s15], $0x80, $0x38;
	[tilespmem:$0x1E678] =	vst v63  }
0x6e: {  	_ =	swait.ge [sflag:s9], $0x80  }
0x6f: {  	[sflag:s9] =	ssyncset.done $0x0  }
0x70: {  	[sflag:s9] =	ssyncadd.s32 $0xFFFFFF80  }
0x71: {  	_ =	swait.ge [sflag:s9], $0x80  }
0x72: {  	[sflag:s9] =	ssyncset.done $0x0  }
0x73: {  	[sflag:s9] =	ssyncadd.s32 $0xFFFFFF80  }
0x74: {  	_ =	swait.ge [sflag:s9], $0x80  }
0x75: {  	[sflag:s9] =	ssyncset.done $0x0  }
0x76: {  	[sflag:s9] =	ssyncadd.s32 $0xFFFFFF80  }
0x77: {  	v2 =	vld [tilespmem:$0x13880]  }
0x78: {  	v3 =	vld [tilespmem:$0x13890]  }
0x79: {  	v4 =	vld [tilespmem:$0x138A0]  }
0x7a: {  	v5 =	vld [tilespmem:$0x138B0]  }
0x7b: {  	v6 =	vld [tilespmem:$0x138C0]  }
0x7c: {  	v7 =	vld [tilespmem:$0x138D0];
	v2 =	vshll.u32 v2, $0x1  }
0x7d: {  	v8 =	vld [tilespmem:$0x138E0];
	v3 =	vshll.u32 v3, $0x1;
	v2 =	vor.u32 v0, v2  }
0x7e: {  	v59 =	vld [tilespmem:$0x138F0];
	[tilespmem:$0x13880] =	vst v2;
	v2 =	vor.u32 v0, v3;
	v3 =	vshll.u32 v4, $0x1  }
0x7f: {  	[tilespmem:$0x13890] =	vst v2;
	v2 =	vor.u32 v0, v3;
	v3 =	vshll.u32 v5, $0x1  }
0x80: {  	[tilespmem:$0x138A0] =	vst v2;
	v2 =	vor.u32 v0, v3;
	v3 =	vshll.u32 v6, $0x1  }
0x81: {  	[tilespmem:$0x138B0] =	vst v2;
	v2 =	vor.u32 v0, v3;
	v3 =	vshll.u32 v7, $0x1  }
0x82: {  	[tilespmem:$0x138C0] =	vst v2;
	v2 =	vor.u32 v0, v3;
	v3 =	vshll.u32 v8, $0x1  }
0x83: {  	[tilespmem:$0x138D0] =	vst v2;
	v2 =	vor.u32 v0, v3;
	v3 =	vshll.u32 v59, $0x1  }
0x84: {  	[tilespmem:$0x138E0] =	vst v2;
	v2 =	vor.u32 v0, v3  }
0x85: {  	[tilespmem:$0x138F0] =	vst v2  }
0x86: {  	[tilespmem:s28], [sflag:$0x3] =	stream.indirect.gather [hbm4b:s1+s11], $0x80, s0, s11, $0xb8;
	[tilespmem:$0x1E678] =	vst v63  }
0x87: {  	s10 =	simm.s32 $0x138C0  }
0x88: {  	[tilespmem:s13], [sflag:$0x3] =	stream.indirect.gather [hbm4b:s1+s11], $0x80, s10, s11, $0xb8;
	[tilespmem:$0x1E678] =	vst v63  }
0x89: {  	v2 =	vld [tilespmem:$0x13880];
	_ =	sdelay $0x4  }
0x8a: {  	v2 =	vshrl.u32 v2, $0x1;
	_ =	sdelay $0x2  }
0x8b: {  	v3 =	vld [tilespmem:$0x13890]  }
0x8c: {  	v60 =	vld [tilespmem:$0x13A80]  }
0x8d: {  	v2 =	vld.idx.msk [tilespmem:v2+s30+$0x0], $0xffff;
	_ =	sdelay $0x2  }
0x8e: {  	v3 =	vshrl.u32 v3, $0x1;
	_ =	sdelay $0x1  }
0x8f: {  	v2 =	vmul.f32 v2, v60  }
0x90: {  	v61 =	vld [tilespmem:$0x138A0]  }
0x91: {  	[tilespmem:$0x13A80] =	vst v2;
	v2 =	vld [tilespmem:$0x13A90]  }
0x92: {  	v3 =	vld.idx.msk [tilespmem:v3+s30+$0x0], $0xffff;
	_ =	sdelay $0x2  }
0x93: {  	v4 =	vshrl.u32 v61, $0x1;
	_ =	sdelay $0x1  }
0x94: {  	v2 =	vmul.f32 v3, v2  }
0x95: {  	v3 =	vld [tilespmem:$0x138B0]  }
0x96: {  	[tilespmem:$0x13A90] =	vst v2;
	v2 =	vld [tilespmem:$0x13AA0]  }
0x97: {  	v4 =	vld.idx.msk [tilespmem:v4+s30+$0x0], $0xffff;
	_ =	sdelay $0x2  }
0x98: {  	v3 =	vshrl.u32 v3, $0x1;
	_ =	sdelay $0x1  }
0x99: {  	v2 =	vmul.f32 v4, v2  }
0x9a: {  	v62 =	vld [tilespmem:$0x138C0]  }
0x9b: {  	[tilespmem:$0x13AA0] =	vst v2;
	v2 =	vld [tilespmem:$0x13AB0]  }
0x9c: {  	v3 =	vld.idx.msk [tilespmem:v3+s30+$0x0], $0xffff;
	_ =	sdelay $0x2  }
0x9d: {  	v4 =	vshrl.u32 v62, $0x1;
	_ =	sdelay $0x1  }
0x9e: {  	v2 =	vmul.f32 v3, v2  }
0x9f: {  	v3 =	vld [tilespmem:$0x138D0]  }
0xa0: {  	[tilespmem:$0x13AB0] =	vst v2;
	v2 =	vld [tilespmem:$0x13AC0]  }
0xa1: {  	v4 =	vld.idx.msk [tilespmem:v4+s30+$0x0], $0xffff;
	_ =	sdelay $0x2  }
0xa2: {  	v3 =	vshrl.u32 v3, $0x1;
	_ =	sdelay $0x1  }
0xa3: {  	v2 =	vmul.f32 v4, v2  }
0xa4: {  	v63 =	vld [tilespmem:$0x138E0]  }
0xa5: {  	[tilespmem:$0x13AC0] =	vst v2;
	v2 =	vld [tilespmem:$0x13AD0]  }
0xa6: {  	v3 =	vld.idx.msk [tilespmem:v3+s30+$0x0], $0xffff;
	_ =	sdelay $0x2  }
0xa7: {  	v4 =	vshrl.u32 v63, $0x1;
	_ =	sdelay $0x1  }
0xa8: {  	v2 =	vmul.f32 v3, v2  }
0xa9: {  	v3 =	vld [tilespmem:$0x138F0]  }
0xaa: {  	[tilespmem:$0x13AD0] =	vst v2;
	v2 =	vld [tilespmem:$0x13AE0]  }
0xab: {  	v4 =	vld.idx.msk [tilespmem:v4+s30+$0x0], $0xffff;
	_ =	sdelay $0x2  }
0xac: {  	v3 =	vshrl.u32 v3, $0x1;
	_ =	sdelay $0x1  }
0xad: {  	v2 =	vmul.f32 v4, v2;
	_ =	sdelay $0x1  }
0xae: {  	[tilespmem:$0x13AE0] =	vst v2;
	v2 =	vld [tilespmem:$0x13AF0]  }
0xaf: {  	v3 =	vld.idx.msk [tilespmem:v3+s30+$0x0], $0xffff;
	_ =	sdelay $0x4  }
0xb0: {  	v2 =	vmul.f32 v3, v2;
	_ =	sdelay $0x1  }
0xb1: {  	s12 =	rddreg [dreg:$0x11];
	[tilespmem:$0x13AF0] =	vst v2  }
0xb2: {  	[tilespmem:s14], [sflag:$0x2] =	stream.linear.gather [hbm4b:s12+s15], $0x80, $0x38;
	[tilespmem:$0x1E678] =	vst v63  }
.Ltmp3:
0xb3: {  	_ = 	snop;
	(pc) =	sbr.rel .LBB2_4-.Ltmp3, $4  }
0xb4: {  	s29 =	simm.s32 $0x13A00;
	s19 =	rddreg [dreg:$0x12]  }
0xb5: {  	[tilespmem:s29], [sflag:$0x2] =	stream.linear.gather [hbm4b:s19+s15], $0x80, $0x38;
	[tilespmem:$0x1E678] =	vst v63  }
0xb6: {  	s31 =	rddreg [dreg:$0x13]  }
0xb7: {  	[tilespmem:s16], [sflag:$0x2] =	stream.linear.gather [hbm4b:s31+s15], $0x80, $0x38;
	[tilespmem:$0x1E678] =	vst v63  }
.LBB2_15:
0xb8: {  	v14 =	vld [tilespmem:s31+$0xB0]  }
0xb9: {  	v16 =	vld [tilespmem:s31+$0xC0]  }
0xba: {  	v17 =	vld [tilespmem:s31+$0xD0]  }
0xbb: {  	v18 =	vld [tilespmem:s31+$0xE0]  }
0xbc: {  	v9 =	vmul.f32 v9, v2;
	v24 =	vld [tilespmem:s31+$0xF0];
	[tilespmem:s31+$0x30] =	vst v11  }
0xbd: {  	v5 =	vmul.f32 v5, v3;
	v6 =	vld.idx.msk [tilespmem:v6+s16+$0x0], $0xffff;
	[tilespmem:s31+$0x40] =	vst v12  }
0xbe: {  	v3 =	vmul.f32 v4, v3;
	v25 =	vld.idx.msk [tilespmem:v7+s16+$0x0], $0xffff;
	s29 =	sadd.s32 $0x200, s31;
	[tilespmem:s31+$0x80] =	vst v9  }
0xbf: {  	v26 =	vmul.f32 v8, v2;
	v30 =	vld [tilespmem:s29+$0x70];
	[tilespmem:s31+$0x50] =	vst v5  }
0xc0: {  	v31 =	vld [tilespmem:s29+$0xFFFFFF00];
	[tilespmem:s31+$0x60] =	vst v3;
	v3 =	vmul.f32 v10, v2  }
0xc1: {  	v15 =	vmov s19;
	v33 =	vld [tilespmem:s29+$0xFFFFFF10];
	[tilespmem:s31+$0x90] =	vst v26;
	v29 =	vmul.f32 v14, v2  }
0xc2: {  	v15 =	vand.u32 $0xFFFFFFFE, v15;
	v34 =	vld [tilespmem:s29+$0xFFFFFF20];
	[tilespmem:s31+$0xA0] =	vst v3;
	v3 =	vmul.f32 v16, v2  }
0xc3: {  	v13 =	vand.u32 $0xFFFFFFFD, v13;
	v35 =	vld [tilespmem:s29+$0xFFFFFF30];
	v15 =	vbroadcast v15, $0x0;
	v32 =	vmul.f32 v17, v2;
	[tilespmem:s31+$0xB0] =	vst v29  }
0xc4: {  	v13 =	vbroadcast v13, $0x0;
	v37 =	vld [tilespmem:s29+$0xFFFFFF50];
	[tilespmem:s5+$0xC0] =	vst v3;
	v3 =	vmul.f32 v18, v2  }
0xc5: {  	v39 =	vld [tilespmem:s29+$0xFFFFFF60];
	[tilespmem:s5+$0xD0] =	vst v32;
	v2 =	vmul.f32 v24, v2  }
0xc6: {  	v38 =	vmul.f32 v33, v25;
	[tilespmem:s5+$0xE0] =	vst v3;
	v3 =	vld [tilespmem:s29+$0xFFFFFF40]  }
0xc7: {  	v40 =	vld [tilespmem:s29+$0xFFFFFF70];
	[tilespmem:s5+$0xF0] =	vst v2;
	v2 =	vmul.f32 v31, v25  }
0xc8: {  	v41 =	vld [tilespmem:s29+$0xFFFFFF80];
	v5 =	vmul.f32 v35, v25;
	[tilespmem:s29+$0xFFFFFF10] =	vst v38  }
0xc9: {  	v28 =	vld.idx.msk [tilespmem:v15+s16+$0x0], $0xffff;
	[tilespmem:s29+$0xFFFFFF00] =	vst v2;
	v2 =	vmul.f32 v34, v25  }
0xca: {  	v42 =	vmul.f32 v37, v25;
	v27 =	vld.idx.msk [tilespmem:v13+s16+$0x0], $0xffff;
	[tilespmem:s29+$0xFFFFFF30] =	vst v5  }
0xcb: {  	[tilespmem:s29+$0xFFFFFF20] =	vst v2;
	v2 =	vmul.f32 v3, v25;
	v3 =	vld [tilespmem:s29+$0xFFFFFF90]  }
0xcc: {  	v43 =	vld [tilespmem:s29+$0xFFFFFFA0];
	v4 =	vmul.f32 v40, v25;
	[tilespmem:s29+$0xFFFFFF50] =	vst v42  }
0xcd: {  	v44 =	vld [tilespmem:s29+$0xFFFFFFB0];
	[tilespmem:s29+$0xFFFFFF40] =	vst v2;
	v2 =	vmul.f32 v39, v25  }
0xce: {  	v45 =	vld [tilespmem:s29+$0xFFFFFFC0];
	[tilespmem:s29+$0xFFFFFF70] =	vst v4;
	v36 =	vmul.f32 v30, v28  }
0xcf: {  	v46 =	vld [tilespmem:s29+$0xFFFFFFD0];
	[tilespmem:s29+$0xFFFFFF60] =	vst v2;
	v2 =	vmul.f32 v41, v27  }
0xd0: {  	v47 =	vld [tilespmem:s29+$0xFFFFFFE0];
	[tilespmem:s29+$0x70] =	vst v36;
	v3 =	vmul.f32 v3, v27  }
0xd1: {  	v48 =	vld [tilespmem:s29+$0xFFFFFFF0];
	[tilespmem:s29+$0xFFFFFF80] =	vst v2;
	v2 =	vmul.f32 v43, v27  }
0xd2: {  	v49 =	vld [tilespmem:s29+$0x0];
	[tilespmem:s29+$0xFFFFFF90] =	vst v3;
	v3 =	vmul.f32 v44, v27  }
0xd3: {  	v50 =	vld [tilespmem:s29+$0x10];
	[tilespmem:s29+$0xFFFFFFA0] =	vst v2;
	v2 =	vmul.f32 v45, v27  }
0xd4: {  	v51 =	vld [tilespmem:s29+$0x20];
	[tilespmem:s29+$0xFFFFFFB0] =	vst v3;
	v3 =	vmul.f32 v46, v27  }
0xd5: {  	v52 =	vld [tilespmem:s29+$0x30];
	[tilespmem:s29+$0xFFFFFFC0] =	vst v2;
	v2 =	vmul.f32 v47, v27  }
0xd6: {  	v53 =	vld [tilespmem:s29+$0x40];
	[tilespmem:s29+$0xFFFFFFD0] =	vst v3;
	v3 =	vmul.f32 v48, v27  }
0xd7: {  	v54 =	vld [tilespmem:s29+$0x50];
	[tilespmem:s29+$0xFFFFFFE0] =	vst v2;
	v2 =	vmul.f32 v49, v28  }
0xd8: {  	v55 =	vld [tilespmem:s29+$0x60];
	[tilespmem:s29+$0xFFFFFFF0] =	vst v3;
	v3 =	vmul.f32 v50, v28  }
0xd9: {  	v56 =	vld [tilespmem:s29+$0x80];
	[tilespmem:s29+$0x0] =	vst v2;
	v2 =	vmul.f32 v51, v28  }
0xda: {  	v57 =	vld [tilespmem:s29+$0x90];
	[tilespmem:s29+$0x10] =	vst v3;
	v3 =	vmul.f32 v52, v28  }
0xdb: {  	v58 =	vld [tilespmem:s29+$0xA0];
	[tilespmem:s29+$0x20] =	vst v2;
	v2 =	vmul.f32 v53, v28  }
0xdc: {  	v59 =	vld [tilespmem:s29+$0xB0];
	[tilespmem:s29+$0x30] =	vst v3;
	v3 =	vmul.f32 v54, v28  }
0xdd: {  	v60 =	vld [tilespmem:s29+$0xC0];
	[tilespmem:s29+$0x40] =	vst v2;
	v2 =	vmul.f32 v55, v28  }
0xde: {  	v61 =	vld [tilespmem:s29+$0xD0];
	[tilespmem:s29+$0x50] =	vst v3;
	v3 =	vmul.f32 v56, v6  }
0xdf: {  	v62 =	vld [tilespmem:s29+$0xE0];
	[tilespmem:s29+$0x60] =	vst v2;
	v2 =	vmul.f32 v57, v6  }
0xe0: {  	v63 =	vld [tilespmem:s29+$0xF0];
	[tilespmem:s29+$0x80] =	vst v3;
	v3 =	vmul.f32 v58, v6  }
0xe1: {  	[tilespmem:s29+$0x90] =	vst v2;
	v2 =	vmul.f32 v59, v6  }
0xe2: {  	[tilespmem:s29+$0xA0] =	vst v3;
	v3 =	vmul.f32 v60, v6  }
0xe3: {  	[tilespmem:s29+$0xB0] =	vst v2;
	v2 =	vmul.f32 v61, v6  }
0xe4: {  	[tilespmem:s29+$0xC0] =	vst v3;
	v3 =	vmul.f32 v62, v6  }
0xe5: {  	[tilespmem:s29+$0xD0] =	vst v2;
	v2 =	vmul.f32 v63, v6  }
0xe6: {  	[tilespmem:s29+$0xE0] =	vst v3  }
0xe7: {  	[tilespmem:s29+$0xF0] =	vst v2  }
0xe8: {  	[spmem:s3] =	stream.indirect.scatter.add.f32 [tilespmem:s18], [sflag:$0x5], $0x80, s23, s11, $0xb8;
	[tilespmem:$0x1E678] =	vst v63  }
0xe9: {  	_ = 	snop  }
0xea: {  	[spmem:s3] =	stream.indirect.scatter.add.f32 [tilespmem:s20], [sflag:$0x5], $0x80, s24, s11, $0xb8;
	[tilespmem:$0x1E678] =	vst v63  }
.LBB2_16:
0xeb: {  	s5 =	sadd.s32 s26, s10  }
0xec: {  	p3 =	sgt.u32 s5, $0x4E1  }
0xed: {  	s5 =	sshll.u32 @!p3 s5, $0x4  }
0xee: {  	s12 =	simm.s32 @!p3 $0x0;
	s19 =	simm.s32 @!p3 $0x13900;
	s10 =	sadd.s32 @!p3 s7, s5  }
0xef: {  	[tilespmem:s19], [sflag:$0x2] =	stream.linear.gather @!p3 [hbm4b:s10+s12], $0x80, $0x38;
	[tilespmem:$0x1E678] =	vst v63  }
0xf0: {  	s10 =	sadd.s32 @!p3 s8, s5;
	s19 =	simm.s32 @!p3 $0x13A00  }
0xf1: {  	[tilespmem:s19], [sflag:$0x2] =	stream.linear.gather @!p3 [hbm4b:s10+s12], $0x80, $0x38;
	[tilespmem:$0x1E678] =	vst v63  }
0xf2: {  	s15 =	sadd.s32 $0x1, s15;
	s5 =	sadd.s32 @!p3 s2, s5;
	s10 =	simm.s32 @!p3 $0x13B00  }
0xf3: {  	[tilespmem:s10], [sflag:$0x2] =	stream.linear.gather @!p3 [hbm4b:s5+s12], $0x80, $0x38;
	[tilespmem:$0x1E678] =	vst v63  }
0xf4: {  	p3 =	sne.s32 s15, $0x28  }
.Ltmp4:
0xf5: {  	_ = 	snop;
	(pc) =	sbr.rel @!p3 .LBB2_17-.Ltmp4, $1  }
0xf6: {  	_ =	sdelay $0x3  }
.LBB2_4:
0xf7: {  	p4 =	seq.s32 s15, $0x0;
	s10 =	sshll.u32 s15, $0x5  }
0xf8: {  	s19 =	simm.s32 @!p4 $0x5;
	s5 =	sor.u32 s6, s10  }
0xf9: {  	_ =	swait.ge @!p4 [sflag:s19], $0x2000;
	p3 =	sgt.u32 s5, $0x4D1  }
.Ltmp5:
0xfa: {  	[sflag:s19] =	ssyncset.done @!p4 $0x0;
	(pc) =	sbr.rel @p3 .LBB2_6-.Ltmp5, $4  }
0xfb: {  	[sflag:s19] =	ssyncadd.s32 @!p4 $0xFFFFE000  }
0xfc: {  	_ =	swait.ge @!p4 [sflag:s19], $0x2000  }
0xfd: {  	[sflag:s19] =	ssyncset.done @!p4 $0x0  }
0xfe: {  	[sflag:s19] =	ssyncadd.s32 @!p4 $0xFFFFE000  }
0xff: {  	_ =	swait.ge [sflag:s17], $0x80  }
0x100: {  	[sflag:s17] =	ssyncset.done $0x0  }
0x101: {  	[sflag:s17] =	ssyncadd.s32 $0xFFFFFF80  }
0x102: {  	_ =	swait.ge [sflag:s17], $0x80  }
0x103: {  	[sflag:s17] =	ssyncset.done $0x0  }
0x104: {  	[sflag:s17] =	ssyncadd.s32 $0xFFFFFF80  }
0x105: {  	_ =	swait.ge [sflag:s17], $0x80  }
0x106: {  	[sflag:s17] =	ssyncset.done $0x0  }
0x107: {  	[sflag:s17] =	ssyncadd.s32 $0xFFFFFF80  }
0x108: {  	v2 =	vld [tilespmem:$0x13900]  }
0x109: {  	v3 =	vld [tilespmem:$0x13910]  }
0x10a: {  	v4 =	vld [tilespmem:$0x13920]  }
0x10b: {  	v5 =	vld [tilespmem:$0x13930]  }
0x10c: {  	v6 =	vld [tilespmem:$0x13940]  }
0x10d: {  	v7 =	vld [tilespmem:$0x13950];
	v2 =	vshll.u32 v2, $0x1  }
0x10e: {  	v8 =	vld [tilespmem:$0x13960];
	v3 =	vshll.u32 v3, $0x1;
	v2 =	vor.u32 v0, v2  }
0x10f: {  	v59 =	vld [tilespmem:$0x13970];
	[tilespmem:$0x13900] =	vst v2;
	v2 =	vor.u32 v0, v3;
	v3 =	vshll.u32 v4, $0x1  }
0x110: {  	[tilespmem:$0x13910] =	vst v2;
	v2 =	vor.u32 v0, v3;
	v3 =	vshll.u32 v5, $0x1  }
0x111: {  	[tilespmem:$0x13920] =	vst v2;
	v2 =	vor.u32 v0, v3;
	v3 =	vshll.u32 v6, $0x1  }
0x112: {  	[tilespmem:$0x13930] =	vst v2;
	v2 =	vor.u32 v0, v3;
	v3 =	vshll.u32 v7, $0x1  }
0x113: {  	[tilespmem:$0x13940] =	vst v2;
	v2 =	vor.u32 v0, v3;
	v3 =	vshll.u32 v8, $0x1  }
0x114: {  	[tilespmem:$0x13950] =	vst v2;
	v2 =	vor.u32 v0, v3;
	v3 =	vshll.u32 v59, $0x1  }
0x115: {  	[tilespmem:$0x13960] =	vst v2;
	v2 =	vor.u32 v0, v3  }
0x116: {  	[tilespmem:$0x13970] =	vst v2  }
0x117: {  	[tilespmem:s18], [sflag:$0x4] =	stream.indirect.gather [hbm4b:s1+s11], $0x80, s14, s11, $0xb8;
	[tilespmem:$0x1E678] =	vst v63  }
0x118: {  	s5 =	simm.s32 $0x13940  }
0x119: {  	[tilespmem:s20], [sflag:$0x4] =	stream.indirect.gather [hbm4b:s1+s11], $0x80, s5, s11, $0xb8;
	[tilespmem:$0x1E678] =	vst v63  }
0x11a: {  	v2 =	vld [tilespmem:$0x13900];
	_ =	sdelay $0x4  }
0x11b: {  	v2 =	vshrl.u32 v2, $0x1;
	_ =	sdelay $0x2  }
0x11c: {  	v3 =	vld [tilespmem:$0x13910]  }
0x11d: {  	v60 =	vld [tilespmem:$0x13B00]  }
0x11e: {  	v2 =	vld.idx.msk [tilespmem:v2+s30+$0x0], $0xffff;
	_ =	sdelay $0x2  }
0x11f: {  	v3 =	vshrl.u32 v3, $0x1;
	_ =	sdelay $0x1  }
0x120: {  	v2 =	vmul.f32 v2, v60  }
0x121: {  	v61 =	vld [tilespmem:$0x13920]  }
0x122: {  	[tilespmem:$0x13B00] =	vst v2;
	v2 =	vld [tilespmem:$0x13B10]  }
0x123: {  	v3 =	vld.idx.msk [tilespmem:v3+s30+$0x0], $0xffff;
	_ =	sdelay $0x2  }
0x124: {  	v4 =	vshrl.u32 v61, $0x1;
	_ =	sdelay $0x1  }
0x125: {  	v2 =	vmul.f32 v3, v2  }
0x126: {  	v3 =	vld [tilespmem:$0x13930]  }
0x127: {  	[tilespmem:$0x13B10] =	vst v2;
	v2 =	vld [tilespmem:$0x13B20]  }
0x128: {  	v4 =	vld.idx.msk [tilespmem:v4+s30+$0x0], $0xffff;
	_ =	sdelay $0x2  }
0x129: {  	v3 =	vshrl.u32 v3, $0x1;
	_ =	sdelay $0x1  }
0x12a: {  	v2 =	vmul.f32 v4, v2  }
0x12b: {  	v62 =	vld [tilespmem:$0x13940]  }
0x12c: {  	[tilespmem:$0x13B20] =	vst v2;
	v2 =	vld [tilespmem:$0x13B30]  }
0x12d: {  	v3 =	vld.idx.msk [tilespmem:v3+s30+$0x0], $0xffff;
	_ =	sdelay $0x2  }
0x12e: {  	v4 =	vshrl.u32 v62, $0x1;
	_ =	sdelay $0x1  }
0x12f: {  	v2 =	vmul.f32 v3, v2  }
0x130: {  	v3 =	vld [tilespmem:$0x13950]  }
0x131: {  	[tilespmem:$0x13B30] =	vst v2;
	v2 =	vld [tilespmem:$0x13B40]  }
0x132: {  	v4 =	vld.idx.msk [tilespmem:v4+s30+$0x0], $0xffff;
	_ =	sdelay $0x2  }
0x133: {  	v3 =	vshrl.u32 v3, $0x1;
	_ =	sdelay $0x1  }
0x134: {  	v2 =	vmul.f32 v4, v2  }
0x135: {  	v63 =	vld [tilespmem:$0x13960]  }
0x136: {  	[tilespmem:$0x13B40] =	vst v2;
	v2 =	vld [tilespmem:$0x13B50]  }
0x137: {  	v3 =	vld.idx.msk [tilespmem:v3+s30+$0x0], $0xffff;
	_ =	sdelay $0x2  }
0x138: {  	v4 =	vshrl.u32 v63, $0x1;
	_ =	sdelay $0x1  }
0x139: {  	v2 =	vmul.f32 v3, v2  }
0x13a: {  	v3 =	vld [tilespmem:$0x13970]  }
0x13b: {  	[tilespmem:$0x13B50] =	vst v2;
	v2 =	vld [tilespmem:$0x13B60]  }
0x13c: {  	v4 =	vld.idx.msk [tilespmem:v4+s30+$0x0], $0xffff;
	_ =	sdelay $0x2  }
0x13d: {  	v3 =	vshrl.u32 v3, $0x1;
	_ =	sdelay $0x1  }
0x13e: {  	v2 =	vmul.f32 v4, v2;
	_ =	sdelay $0x1  }
0x13f: {  	[tilespmem:$0x13B60] =	vst v2;
	v2 =	vld [tilespmem:$0x13B70]  }
0x140: {  	v3 =	vld.idx.msk [tilespmem:v3+s30+$0x0], $0xffff;
	_ =	sdelay $0x2  }
.Ltmp6:
0x141: {  	_ = 	snop;
	(pc) =	sbr.rel .LBB2_7-.Ltmp6, $3  }
0x142: {  	_ = 	snop  }
0x143: {  	v2 =	vmul.f32 v3, v2;
	_ =	sdelay $0x1  }
0x144: {  	[tilespmem:$0x13B70] =	vst v2  }
.LBB2_6:
0x145: {  	p5 =	sgt.u32 s5, $0x4E1  }
.Ltmp7:
0x146: {  	_ = 	snop;
	(pc) =	sbr.rel @p5 .LBB2_10-.Ltmp7, $2  }
0x147: {  	_ =	sdelay $0x2  }
0x148: {  	p4 =	por $0x0, $0x0  }
.LBB2_7:
0x149: {  	_ =	swait.ge [sflag:s21], $0x2000  }
0x14a: {  	[sflag:s21] =	ssyncset.done $0x0  }
0x14b: {  	[sflag:s21] =	ssyncadd.s32 $0xFFFFE000  }
0x14c: {  	_ =	swait.ge [sflag:s21], $0x2000  }
0x14d: {  	[sflag:s21] =	ssyncset.done $0x0  }
0x14e: {  	[sflag:s21] =	ssyncadd.s32 $0xFFFFE000  }
0x14f: {  	v2 =	vld [tilespmem:$0x13980]  }
0x150: {  	v3 =	vld [tilespmem:$0x13990]  }
0x151: {  	v4 =	vld [tilespmem:$0x139A0]  }
0x152: {  	v5 =	vld [tilespmem:$0x139B0]  }
0x153: {  	s5 =	simm.s32 $0x0;
	v6 =	vld [tilespmem:$0x139C0]  }
0x154: {  	s12 =	simm.s32 $0x2;
	v7 =	vmov s5;
	[tilespmem:$0x1BB80] =	vst v2;
	v2 =	vld [tilespmem:$0x139D0]  }
0x155: {  	v8 =	vmov s12;
	v7 =	vand.u32 $0xFFFFFFFC, v7;
	[tilespmem:$0x1BB90] =	vst v3;
	v3 =	vld [tilespmem:$0x139E0]  }
0x156: {  	v8 =	vand.u32 $0xFFFFFFFE, v8;
	v7 =	vbroadcast v7, $0x0;
	[tilespmem:$0x1BBA0] =	vst v4;
	v4 =	vld [tilespmem:$0x139F0]  }
0x157: {  	[tilespmem:$0x1BBB0] =	vst v5;
	v5 =	vbroadcast v8, $0x0  }
0x158: {  	[tilespmem:$0x1BC00] =	vst v6  }
0x159: {  	[tilespmem:$0x1BC10] =	vst v2  }
0x15a: {  	[tilespmem:$0x1BC20] =	vst v3  }
0x15b: {  	[tilespmem:$0x1BC30] =	vst v4  }
0x15c: {  	v2 =	vld.idx.msk [tilespmem:v7+s4+$0x0], $0xffff  }
0x15d: {  	s31 =	simm.s32 $0x13C80;
	v3 =	vld.idx.msk [tilespmem:v5+s4+$0x0], $0xffff  }
0x15e: {  	s19 =	simm.s32 $0x1;
	v5 =	vld [tilespmem:s31+$0x70]  }
0x15f: {  	v4 =	vmov s19;
	v6 =	vld [tilespmem:s31+$0xFFFFFF00]  }
0x160: {  	v4 =	vand.u32 $0xFFFFFFFD, v4;
	v7 =	vld [tilespmem:s31+$0xFFFFFF10]  }
0x161: {  	v8 =	vld [tilespmem:s31+$0xFFFFFF20];
	v4 =	vbroadcast v4, $0x0  }
0x162: {  	v9 =	vld [tilespmem:s31+$0xFFFFFF30]  }
0x163: {  	v10 =	vld [tilespmem:s31+$0xFFFFFF40]  }
0x164: {  	v11 =	vld [tilespmem:s31+$0xFFFFFF50]  }
0x165: {  	v12 =	vld [tilespmem:s31+$0xFFFFFF60];
	v6 =	vmul.f32 v6, v2  }
0x166: {  	v14 =	vld [tilespmem:s31+$0x40];
	v5 =	vmul.f32 v5, v3  }
0x167: {  	v4 =	vld.idx.msk [tilespmem:v4+s4+$0x0], $0xffff;
	[tilespmem:s31+$0xFFFFFF00] =	vst v6;
	v6 =	vmul.f32 v7, v2  }
0x168: {  	v7 =	vld [tilespmem:s31+$0xFFFFFF70];
	[tilespmem:s31+$0x70] =	vst v5;
	v5 =	vmul.f32 v8, v2  }
0x169: {  	v8 =	vld [tilespmem:s31+$0xFFFFFF80];
	[tilespmem:s31+$0xFFFFFF10] =	vst v6;
	v6 =	vmul.f32 v9, v2  }
0x16a: {  	v9 =	vld [tilespmem:s31+$0xFFFFFF90];
	[tilespmem:s31+$0xFFFFFF20] =	vst v5;
	v5 =	vmul.f32 v10, v2  }
0x16b: {  	v10 =	vld [tilespmem:s31+$0xFFFFFFA0];
	[tilespmem:s31+$0xFFFFFF30] =	vst v6;
	v6 =	vmul.f32 v11, v2  }
0x16c: {  	v11 =	vld [tilespmem:s31+$0xFFFFFFB0];
	[tilespmem:s31+$0xFFFFFF40] =	vst v5;
	v5 =	vmul.f32 v12, v2  }
0x16d: {  	v12 =	vld [tilespmem:s31+$0xFFFFFFC0];
	v7 =	vmul.f32 v7, v2;
	[tilespmem:s31+$0xFFFFFF50] =	vst v6  }
0x16e: {  	v6 =	vmul.f32 v8, v4;
	v8 =	vld [tilespmem:s31+$0xFFFFFFD0];
	[tilespmem:s31+$0xFFFFFF60] =	vst v5  }
0x16f: {  	s12 =	simm.s32 $0x3;
	v5 =	vld [tilespmem:s31+$0xFFFFFFE0];
	v9 =	vmul.f32 v9, v4;
	[tilespmem:s31+$0xFFFFFF70] =	vst v7  }
0x170: {  	v13 =	vmov s12;
	v7 =	vld [tilespmem:s31+$0xFFFFFFF0];
	[tilespmem:s31+$0xFFFFFF80] =	vst v6;
	v6 =	vmul.f32 v10, v4  }
0x171: {  	v10 =	vld [tilespmem:s31+$0x0];
	[tilespmem:s31+$0xFFFFFF90] =	vst v9;
	v9 =	vmul.f32 v11, v4  }
0x172: {  	v11 =	vld [tilespmem:s31+$0x10];
	[tilespmem:s31+$0xFFFFFFA0] =	vst v6;
	v6 =	vmul.f32 v12, v4  }
0x173: {  	[tilespmem:s31+$0xFFFFFFB0] =	vst v9;
	v8 =	vmul.f32 v8, v4;
	v9 =	vld [tilespmem:s31+$0x20]  }
0x174: {  	v12 =	vld [tilespmem:s31+$0x30];
	v5 =	vmul.f32 v5, v4;
	[tilespmem:s31+$0xFFFFFFC0] =	vst v6  }
0x175: {  	v2 =	vld.idx.msk [tilespmem:v13+s4+$0x0], $0xffff;
	v4 =	vmul.f32 v7, v4;
	[tilespmem:s31+$0xFFFFFFD0] =	vst v8  }
0x176: {  	[tilespmem:s31+$0xFFFFFFE0] =	vst v5;
	v6 =	vmul.f32 v10, v3;
	v5 =	vld [tilespmem:s31+$0x50]  }
0x177: {  	s19 =	simm.s32 $0x4;
	[tilespmem:s31+$0xFFFFFFF0] =	vst v4;
	v7 =	vmul.f32 v11, v3;
	v4 =	vld [tilespmem:s31+$0x60]  }
0x178: {  	s12 =	simm.s32 $0x7;
	v8 =	vmov s19;
	[tilespmem:s31+$0x0] =	vst v6;
	v10 =	vmul.f32 v9, v3;
	v9 =	vld [tilespmem:s31+$0x80]  }
0x179: {  	s19 =	simm.s32 $0x5;
	v13 =	vand.u32 $0xFFFFFFFC, v8;
	v8 =	vld [tilespmem:s31+$0x90];
	v6 =	vmov s12;
	v11 =	vmul.f32 v12, v3;
	[tilespmem:s31+$0x10] =	vst v7  }
0x17a: {  	s29 =	simm.s32 $0x8;
	s5 =	simm.s32 $0x13C80;
	v12 =	vmul.f32 v14, v3;
	v7 =	vbroadcast v13, $0x0;
	v13 =	vmov s19;
	s19 =	simm.s32 $0x6;
	[tilespmem:s31+$0x20] =	vst v10;
	v10 =	vld [tilespmem:s31+$0xA0]  }
.LBB2_8:
0x17b: {  	p4 =	slt.u32 s29, $0x7C;
	v13 =	vand.u32 $0xFFFFFFFD, v13;
	v14 =	vmov s19;
	[tilespmem:s31+$0x30] =	vst v11;
	v5 =	vmul.f32 v5, v3;
	v11 =	vld [tilespmem:s31+$0xB0]  }
0x17c: {  	v13 =	vbroadcast v13, $0x0;
	v14 =	vand.u32 $0xFFFFFFFE, v14;
	[tilespmem:s31+$0x40] =	vst v12;
	v3 =	vmul.f32 v4, v3;
	v4 =	vld [tilespmem:s31+$0xC0]  }
0x17d: {  	v12 =	vbroadcast v14, $0x0;
	[tilespmem:s31+$0x50] =	vst v5;
	v5 =	vmul.f32 v9, v2;
	v9 =	vld [tilespmem:s31+$0xD0]  }
0x17e: {  	[tilespmem:s31+$0x60] =	vst v3;
	v3 =	vmul.f32 v8, v2;
	v8 =	vld [tilespmem:s31+$0xE0]  }
0x17f: {  	[tilespmem:s31+$0x80] =	vst v5;
	v5 =	vmul.f32 v10, v2;
	v10 =	vld [tilespmem:s31+$0xF0]  }
0x180: {  	v6 =	vld.idx.msk [tilespmem:v6+s4+$0x0], $0xffff;
	[tilespmem:s31+$0x90] =	vst v3;
	v3 =	vmul.f32 v11, v2  }
0x181: {  	v7 =	vld.idx.msk [tilespmem:v7+s4+$0x0], $0xffff;
	[tilespmem:s31+$0xA0] =	vst v5;
	v4 =	vmul.f32 v4, v2  }
0x182: {  	v5 =	vld.idx.msk [tilespmem:v13+s4+$0x0], $0xffff;
	[tilespmem:s31+$0xB0] =	vst v3;
	v9 =	vmul.f32 v9, v2  }
0x183: {  	s31 =	sadd.s32 $0x200, s31;
	v3 =	vld.idx.msk [tilespmem:v12+s4+$0x0], $0xffff;
	[tilespmem:s5+$0xC0] =	vst v4;
	v4 =	vmul.f32 v8, v2  }
0x184: {  	v8 =	vld [tilespmem:s31+$0x70];
	[tilespmem:s5+$0xD0] =	vst v9;
	v10 =	vmul.f32 v10, v2  }
0x185: {  	v9 =	vld [tilespmem:s31+$0xFFFFFF00];
	[tilespmem:s5+$0xE0] =	vst v4  }
0x186: {  	v2 =	vmov v6;
	v4 =	vld [tilespmem:s31+$0xFFFFFF10];
	[tilespmem:s5+$0xF0] =	vst v10;
	s5 =	smov.u32 s31  }
0x187: {  	v6 =	vld [tilespmem:s31+$0xFFFFFF20]  }
0x188: {  	v10 =	vld [tilespmem:s31+$0xFFFFFF30]  }
0x189: {  	v11 =	vld [tilespmem:s31+$0xFFFFFF40];
	v8 =	vmul.f32 v8, v3  }
0x18a: {  	v9 =	vmul.f32 v9, v7;
	v12 =	vld [tilespmem:s31+$0xFFFFFF50]  }
0x18b: {  	v4 =	vmul.f32 v4, v7;
	v13 =	vld [tilespmem:s31+$0xFFFFFF60];
	[tilespmem:s31+$0x70] =	vst v8  }
0x18c: {  	[tilespmem:s31+$0xFFFFFF00] =	vst v9;
	v6 =	vmul.f32 v6, v7;
	v8 =	vld [tilespmem:s31+$0xFFFFFF70]  }
0x18d: {  	[tilespmem:s31+$0xFFFFFF10] =	vst v4;
	v4 =	vmul.f32 v10, v7;
	v9 =	vld [tilespmem:s31+$0xFFFFFF80]  }
0x18e: {  	[tilespmem:s31+$0xFFFFFF20] =	vst v6;
	v6 =	vmul.f32 v11, v7;
	v10 =	vld [tilespmem:s31+$0xFFFFFF90]  }
0x18f: {  	[tilespmem:s31+$0xFFFFFF30] =	vst v4;
	v4 =	vmul.f32 v12, v7;
	v11 =	vld [tilespmem:s31+$0xFFFFFFA0]  }
0x190: {  	[tilespmem:s31+$0xFFFFFF40] =	vst v6;
	v6 =	vmul.f32 v13, v7;
	v12 =	vld [tilespmem:s31+$0xFFFFFFB0]  }
0x191: {  	[tilespmem:s31+$0xFFFFFF50] =	vst v4;
	v4 =	vmul.f32 v8, v7;
	v7 =	vld [tilespmem:s31+$0xFFFFFFC0]  }
0x192: {  	[tilespmem:s31+$0xFFFFFF60] =	vst v6;
	v6 =	vmul.f32 v9, v5;
	v8 =	vld [tilespmem:s31+$0xFFFFFFD0]  }
0x193: {  	[tilespmem:s31+$0xFFFFFF70] =	vst v4;
	v4 =	vmul.f32 v10, v5;
	v9 =	vld [tilespmem:s31+$0xFFFFFFE0]  }
0x194: {  	[tilespmem:s31+$0xFFFFFF80] =	vst v6;
	v6 =	vmul.f32 v11, v5;
	v10 =	vld [tilespmem:s31+$0xFFFFFFF0]  }
0x195: {  	[tilespmem:s31+$0xFFFFFF90] =	vst v4;
	v4 =	vmul.f32 v12, v5;
	v11 =	vld [tilespmem:s31+$0x0]  }
0x196: {  	[tilespmem:s31+$0xFFFFFFA0] =	vst v6;
	v6 =	vmul.f32 v7, v5;
	v7 =	vld [tilespmem:s31+$0x10]  }
0x197: {  	[tilespmem:s31+$0xFFFFFFB0] =	vst v4;
	v4 =	vmul.f32 v8, v5;
	v8 =	vld [tilespmem:s31+$0x20]  }
0x198: {  	[tilespmem:s31+$0xFFFFFFC0] =	vst v6;
	v6 =	vmul.f32 v9, v5;
	v12 =	vld [tilespmem:s31+$0x30]  }
0x199: {  	[tilespmem:s31+$0xFFFFFFD0] =	vst v4;
	v4 =	vmul.f32 v10, v5;
	v10 =	vld [tilespmem:s31+$0x40]  }
.Ltmp8:
0x19a: {  	[tilespmem:s31+$0xFFFFFFE0] =	vst v6;
	v6 =	vmul.f32 v11, v3;
	v5 =	vld [tilespmem:s31+$0x50];
	(pc) =	sbr.rel @p4 .LBB2_8-.Ltmp8, $4  }
0x19b: {  	[tilespmem:s31+$0xFFFFFFF0] =	vst v4;
	v7 =	vmul.f32 v7, v3;
	v4 =	vld [tilespmem:s31+$0x60]  }
0x19c: {  	s19 =	sadd.s32 $0x3, s29;
	v11 =	vmov s29;
	[tilespmem:s31+$0x0] =	vst v6;
	v14 =	vmul.f32 v8, v3;
	v9 =	vld [tilespmem:s31+$0x80]  }
0x19d: {  	s12 =	sadd.s32 $0x1, s29;
	v13 =	vand.u32 $0xFFFFFFFC, v11;
	v6 =	vmov s19;
	[tilespmem:s31+$0x10] =	vst v7;
	v11 =	vmul.f32 v12, v3;
	v8 =	vld [tilespmem:s31+$0x90]  }
0x19e: {  	s19 =	sadd.s32 $0x2, s29;
	s29 =	sadd.s32 $0x4, s29;
	v7 =	vbroadcast v13, $0x0;
	v13 =	vmov s12;
	[tilespmem:s31+$0x20] =	vst v14;
	v12 =	vmul.f32 v10, v3;
	v10 =	vld [tilespmem:s31+$0xA0]  }
0x19f: {  	v14 =	vld [tilespmem:s31+$0xB0]  }
0x1a0: {  	v16 =	vld [tilespmem:s31+$0xC0]  }
0x1a1: {  	v17 =	vld [tilespmem:s31+$0xD0]  }
0x1a2: {  	v18 =	vld [tilespmem:s31+$0xE0]  }
0x1a3: {  	v24 =	vld [tilespmem:s31+$0xF0];
	[tilespmem:s31+$0x30] =	vst v11;
	v5 =	vmul.f32 v5, v3  }
0x1a4: {  	v6 =	vld.idx.msk [tilespmem:v6+s4+$0x0], $0xffff;
	[tilespmem:s31+$0x40] =	vst v12;
	v3 =	vmul.f32 v4, v3  }
0x1a5: {  	s29 =	sadd.s32 $0x200, s31;
	v25 =	vld.idx.msk [tilespmem:v7+s4+$0x0], $0xffff;
	v9 =	vmul.f32 v9, v2;
	[tilespmem:s31+$0x50] =	vst v5  }
0x1a6: {  	v30 =	vld [tilespmem:s29+$0x70];
	v26 =	vmul.f32 v8, v2;
	[tilespmem:s31+$0x60] =	vst v3  }
0x1a7: {  	v31 =	vld [tilespmem:s29+$0xFFFFFF00];
	[tilespmem:s31+$0x80] =	vst v9;
	v3 =	vmul.f32 v10, v2  }
0x1a8: {  	v15 =	vmov s19;
	v33 =	vld [tilespmem:s29+$0xFFFFFF10];
	[tilespmem:s31+$0x90] =	vst v26;
	v29 =	vmul.f32 v14, v2  }
0x1a9: {  	v15 =	vand.u32 $0xFFFFFFFE, v15;
	v34 =	vld [tilespmem:s29+$0xFFFFFF20];
	[tilespmem:s31+$0xA0] =	vst v3;
	v3 =	vmul.f32 v16, v2  }
0x1aa: {  	v13 =	vand.u32 $0xFFFFFFFD, v13;
	v35 =	vld [tilespmem:s29+$0xFFFFFF30];
	v15 =	vbroadcast v15, $0x0;
	v32 =	vmul.f32 v17, v2;
	[tilespmem:s31+$0xB0] =	vst v29  }
0x1ab: {  	v13 =	vbroadcast v13, $0x0;
	v37 =	vld [tilespmem:s29+$0xFFFFFF50];
	[tilespmem:s5+$0xC0] =	vst v3;
	v3 =	vmul.f32 v18, v2  }
0x1ac: {  	v39 =	vld [tilespmem:s29+$0xFFFFFF60];
	[tilespmem:s5+$0xD0] =	vst v32;
	v2 =	vmul.f32 v24, v2  }
0x1ad: {  	v38 =	vmul.f32 v33, v25;
	[tilespmem:s5+$0xE0] =	vst v3;
	v3 =	vld [tilespmem:s29+$0xFFFFFF40]  }
0x1ae: {  	v40 =	vld [tilespmem:s29+$0xFFFFFF70];
	[tilespmem:s5+$0xF0] =	vst v2;
	v2 =	vmul.f32 v31, v25  }
0x1af: {  	v41 =	vld [tilespmem:s29+$0xFFFFFF80];
	v5 =	vmul.f32 v35, v25;
	[tilespmem:s29+$0xFFFFFF10] =	vst v38  }
0x1b0: {  	v28 =	vld.idx.msk [tilespmem:v15+s4+$0x0], $0xffff;
	[tilespmem:s29+$0xFFFFFF00] =	vst v2;
	v2 =	vmul.f32 v34, v25  }
0x1b1: {  	v42 =	vmul.f32 v37, v25;
	v27 =	vld.idx.msk [tilespmem:v13+s4+$0x0], $0xffff;
	[tilespmem:s29+$0xFFFFFF30] =	vst v5  }
0x1b2: {  	[tilespmem:s29+$0xFFFFFF20] =	vst v2;
	v2 =	vmul.f32 v3, v25;
	v3 =	vld [tilespmem:s29+$0xFFFFFF90]  }
0x1b3: {  	v43 =	vld [tilespmem:s29+$0xFFFFFFA0];
	v4 =	vmul.f32 v40, v25;
	[tilespmem:s29+$0xFFFFFF50] =	vst v42  }
0x1b4: {  	v44 =	vld [tilespmem:s29+$0xFFFFFFB0];
	[tilespmem:s29+$0xFFFFFF40] =	vst v2;
	v2 =	vmul.f32 v39, v25  }
0x1b5: {  	v45 =	vld [tilespmem:s29+$0xFFFFFFC0];
	[tilespmem:s29+$0xFFFFFF70] =	vst v4;
	v36 =	vmul.f32 v30, v28  }
0x1b6: {  	v46 =	vld [tilespmem:s29+$0xFFFFFFD0];
	[tilespmem:s29+$0xFFFFFF60] =	vst v2;
	v2 =	vmul.f32 v41, v27  }
0x1b7: {  	v47 =	vld [tilespmem:s29+$0xFFFFFFE0];
	[tilespmem:s29+$0x70] =	vst v36;
	v3 =	vmul.f32 v3, v27  }
0x1b8: {  	v48 =	vld [tilespmem:s29+$0xFFFFFFF0];
	[tilespmem:s29+$0xFFFFFF80] =	vst v2;
	v2 =	vmul.f32 v43, v27  }
0x1b9: {  	v49 =	vld [tilespmem:s29+$0x0];
	[tilespmem:s29+$0xFFFFFF90] =	vst v3;
	v3 =	vmul.f32 v44, v27  }
0x1ba: {  	v50 =	vld [tilespmem:s29+$0x10];
	[tilespmem:s29+$0xFFFFFFA0] =	vst v2;
	v2 =	vmul.f32 v45, v27  }
0x1bb: {  	v51 =	vld [tilespmem:s29+$0x20];
	[tilespmem:s29+$0xFFFFFFB0] =	vst v3;
	v3 =	vmul.f32 v46, v27  }
0x1bc: {  	v52 =	vld [tilespmem:s29+$0x30];
	[tilespmem:s29+$0xFFFFFFC0] =	vst v2;
	v2 =	vmul.f32 v47, v27  }
0x1bd: {  	v53 =	vld [tilespmem:s29+$0x40];
	[tilespmem:s29+$0xFFFFFFD0] =	vst v3;
	v3 =	vmul.f32 v48, v27  }
0x1be: {  	v54 =	vld [tilespmem:s29+$0x50];
	[tilespmem:s29+$0xFFFFFFE0] =	vst v2;
	v2 =	vmul.f32 v49, v28  }
0x1bf: {  	v55 =	vld [tilespmem:s29+$0x60];
	[tilespmem:s29+$0xFFFFFFF0] =	vst v3;
	v3 =	vmul.f32 v50, v28  }
0x1c0: {  	v56 =	vld [tilespmem:s29+$0x80];
	[tilespmem:s29+$0x0] =	vst v2;
	v2 =	vmul.f32 v51, v28  }
0x1c1: {  	v57 =	vld [tilespmem:s29+$0x90];
	[tilespmem:s29+$0x10] =	vst v3;
	v3 =	vmul.f32 v52, v28  }
0x1c2: {  	v58 =	vld [tilespmem:s29+$0xA0];
	[tilespmem:s29+$0x20] =	vst v2;
	v2 =	vmul.f32 v53, v28  }
0x1c3: {  	v59 =	vld [tilespmem:s29+$0xB0];
	[tilespmem:s29+$0x30] =	vst v3;
	v3 =	vmul.f32 v54, v28  }
0x1c4: {  	v60 =	vld [tilespmem:s29+$0xC0];
	[tilespmem:s29+$0x40] =	vst v2;
	v2 =	vmul.f32 v55, v28  }
0x1c5: {  	v61 =	vld [tilespmem:s29+$0xD0];
	[tilespmem:s29+$0x50] =	vst v3;
	v3 =	vmul.f32 v56, v6  }
0x1c6: {  	v62 =	vld [tilespmem:s29+$0xE0];
	[tilespmem:s29+$0x60] =	vst v2;
	v2 =	vmul.f32 v57, v6  }
0x1c7: {  	v63 =	vld [tilespmem:s29+$0xF0];
	[tilespmem:s29+$0x80] =	vst v3;
	v3 =	vmul.f32 v58, v6  }
0x1c8: {  	[tilespmem:s29+$0x90] =	vst v2;
	v2 =	vmul.f32 v59, v6  }
0x1c9: {  	[tilespmem:s29+$0xA0] =	vst v3;
	v3 =	vmul.f32 v60, v6  }
0x1ca: {  	[tilespmem:s29+$0xB0] =	vst v2;
	v2 =	vmul.f32 v61, v6  }
0x1cb: {  	[tilespmem:s29+$0xC0] =	vst v3;
	v3 =	vmul.f32 v62, v6  }
0x1cc: {  	[tilespmem:s29+$0xD0] =	vst v2;
	v2 =	vmul.f32 v63, v6  }
0x1cd: {  	[tilespmem:s29+$0xE0] =	vst v3  }
0x1ce: {  	[tilespmem:s29+$0xF0] =	vst v2  }
0x1cf: {  	[spmem:s3] =	stream.indirect.scatter.add.f32 [tilespmem:s28], [sflag:$0x5], $0x80, s23, s11, $0xb8;
	[tilespmem:$0x1E678] =	vst v63  }
0x1d0: {  	p4 =	por $0x1, $0x1  }
0x1d1: {  	[spmem:s3] =	stream.indirect.scatter.add.f32 [tilespmem:s13], [sflag:$0x5], $0x80, s24, s11, $0xb8;
	[tilespmem:$0x1E678] =	vst v63  }
.LBB2_10:
0x1d2: {  	s5 =	sadd.s32 s25, s10  }
0x1d3: {  	p5 =	sgt.u32 s5, $0x4E1  }
0x1d4: {  	s5 =	sshll.u32 @!p5 s5, $0x4  }
0x1d5: {  	s19 =	simm.s32 @!p5 $0x0;
	s29 =	simm.s32 @!p5 $0x13880;
	s12 =	sadd.s32 @!p5 s7, s5  }
0x1d6: {  	[tilespmem:s29], [sflag:$0x1] =	stream.linear.gather @!p5 [hbm4b:s12+s19], $0x80, $0x38;
	[tilespmem:$0x1E678] =	vst v63  }
0x1d7: {  	s12 =	sadd.s32 @!p5 s8, s5;
	s29 =	simm.s32 @!p5 $0x13980  }
0x1d8: {  	[tilespmem:s29], [sflag:$0x1] =	stream.linear.gather @!p5 [hbm4b:s12+s19], $0x80, $0x38;
	[tilespmem:$0x1E678] =	vst v63  }
0x1d9: {  	s5 =	sadd.s32 @!p5 s2, s5;
	s12 =	simm.s32 @!p5 $0x13A80  }
0x1da: {  	[tilespmem:s12], [sflag:$0x1] =	stream.linear.gather @!p5 [hbm4b:s5+s19], $0x80, $0x38;
	[tilespmem:$0x1E678] =	vst v63  }
0x1db: {  	s5 =	simm.s32 @p4 $0x5  }
0x1dc: {  	_ =	swait.ge @p4 [sflag:s5], $0x2000  }
.Ltmp9:
0x1dd: {  	[sflag:s5] =	ssyncset.done @p4 $0x0;
	(pc) =	sbr.rel @p5 .LBB2_12-.Ltmp9, $4  }
0x1de: {  	[sflag:s5] =	ssyncadd.s32 @p4 $0xFFFFE000  }
0x1df: {  	_ =	swait.ge @p4 [sflag:s5], $0x2000  }
0x1e0: {  	[sflag:s5] =	ssyncset.done @p4 $0x0  }
0x1e1: {  	[sflag:s5] =	ssyncadd.s32 @p4 $0xFFFFE000  }
0x1e2: {  	_ =	swait.ge [sflag:s9], $0x80  }
0x1e3: {  	[sflag:s9] =	ssyncset.done $0x0  }
0x1e4: {  	[sflag:s9] =	ssyncadd.s32 $0xFFFFFF80  }
0x1e5: {  	_ =	swait.ge [sflag:s9], $0x80  }
0x1e6: {  	[sflag:s9] =	ssyncset.done $0x0  }
0x1e7: {  	[sflag:s9] =	ssyncadd.s32 $0xFFFFFF80  }
0x1e8: {  	_ =	swait.ge [sflag:s9], $0x80  }
0x1e9: {  	[sflag:s9] =	ssyncset.done $0x0  }
0x1ea: {  	[sflag:s9] =	ssyncadd.s32 $0xFFFFFF80  }
0x1eb: {  	v2 =	vld [tilespmem:$0x13880]  }
0x1ec: {  	v3 =	vld [tilespmem:$0x13890]  }
0x1ed: {  	v4 =	vld [tilespmem:$0x138A0]  }
0x1ee: {  	v5 =	vld [tilespmem:$0x138B0]  }
0x1ef: {  	v6 =	vld [tilespmem:$0x138C0]  }
0x1f0: {  	v7 =	vld [tilespmem:$0x138D0];
	v2 =	vshll.u32 v2, $0x1  }
0x1f1: {  	v8 =	vld [tilespmem:$0x138E0];
	v3 =	vshll.u32 v3, $0x1;
	v2 =	vor.u32 v0, v2  }
0x1f2: {  	v59 =	vld [tilespmem:$0x138F0];
	[tilespmem:$0x13880] =	vst v2;
	v2 =	vor.u32 v0, v3;
	v3 =	vshll.u32 v4, $0x1  }
0x1f3: {  	[tilespmem:$0x13890] =	vst v2;
	v2 =	vor.u32 v0, v3;
	v3 =	vshll.u32 v5, $0x1  }
0x1f4: {  	[tilespmem:$0x138A0] =	vst v2;
	v2 =	vor.u32 v0, v3;
	v3 =	vshll.u32 v6, $0x1  }
0x1f5: {  	[tilespmem:$0x138B0] =	vst v2;
	v2 =	vor.u32 v0, v3;
	v3 =	vshll.u32 v7, $0x1  }
0x1f6: {  	[tilespmem:$0x138C0] =	vst v2;
	v2 =	vor.u32 v0, v3;
	v3 =	vshll.u32 v8, $0x1  }
0x1f7: {  	[tilespmem:$0x138D0] =	vst v2;
	v2 =	vor.u32 v0, v3;
	v3 =	vshll.u32 v59, $0x1  }
0x1f8: {  	[tilespmem:$0x138E0] =	vst v2;
	v2 =	vor.u32 v0, v3  }
0x1f9: {  	[tilespmem:$0x138F0] =	vst v2  }
0x1fa: {  	[tilespmem:s28], [sflag:$0x3] =	stream.indirect.gather [hbm4b:s1+s11], $0x80, s0, s11, $0xb8;
	[tilespmem:$0x1E678] =	vst v63  }
0x1fb: {  	s5 =	simm.s32 $0x138C0  }
0x1fc: {  	[tilespmem:s13], [sflag:$0x3] =	stream.indirect.gather [hbm4b:s1+s11], $0x80, s5, s11, $0xb8;
	[tilespmem:$0x1E678] =	vst v63  }
0x1fd: {  	v2 =	vld [tilespmem:$0x13880];
	_ =	sdelay $0x4  }
0x1fe: {  	v2 =	vshrl.u32 v2, $0x1;
	_ =	sdelay $0x2  }
0x1ff: {  	v3 =	vld [tilespmem:$0x13890]  }
0x200: {  	v60 =	vld [tilespmem:$0x13A80]  }
0x201: {  	v2 =	vld.idx.msk [tilespmem:v2+s30+$0x0], $0xffff;
	_ =	sdelay $0x2  }
0x202: {  	v3 =	vshrl.u32 v3, $0x1;
	_ =	sdelay $0x1  }
0x203: {  	v2 =	vmul.f32 v2, v60  }
0x204: {  	v61 =	vld [tilespmem:$0x138A0]  }
0x205: {  	[tilespmem:$0x13A80] =	vst v2;
	v2 =	vld [tilespmem:$0x13A90]  }
0x206: {  	v3 =	vld.idx.msk [tilespmem:v3+s30+$0x0], $0xffff;
	_ =	sdelay $0x2  }
0x207: {  	v4 =	vshrl.u32 v61, $0x1;
	_ =	sdelay $0x1  }
0x208: {  	v2 =	vmul.f32 v3, v2  }
0x209: {  	v3 =	vld [tilespmem:$0x138B0]  }
0x20a: {  	[tilespmem:$0x13A90] =	vst v2;
	v2 =	vld [tilespmem:$0x13AA0]  }
0x20b: {  	v4 =	vld.idx.msk [tilespmem:v4+s30+$0x0], $0xffff;
	_ =	sdelay $0x2  }
0x20c: {  	v3 =	vshrl.u32 v3, $0x1;
	_ =	sdelay $0x1  }
0x20d: {  	v2 =	vmul.f32 v4, v2  }
0x20e: {  	v62 =	vld [tilespmem:$0x138C0]  }
0x20f: {  	[tilespmem:$0x13AA0] =	vst v2;
	v2 =	vld [tilespmem:$0x13AB0]  }
0x210: {  	v3 =	vld.idx.msk [tilespmem:v3+s30+$0x0], $0xffff;
	_ =	sdelay $0x2  }
0x211: {  	v4 =	vshrl.u32 v62, $0x1;
	_ =	sdelay $0x1  }
0x212: {  	v2 =	vmul.f32 v3, v2  }
0x213: {  	v3 =	vld [tilespmem:$0x138D0]  }
0x214: {  	[tilespmem:$0x13AB0] =	vst v2;
	v2 =	vld [tilespmem:$0x13AC0]  }
0x215: {  	v4 =	vld.idx.msk [tilespmem:v4+s30+$0x0], $0xffff;
	_ =	sdelay $0x2  }
0x216: {  	v3 =	vshrl.u32 v3, $0x1;
	_ =	sdelay $0x1  }
0x217: {  	v2 =	vmul.f32 v4, v2  }
0x218: {  	v63 =	vld [tilespmem:$0x138E0]  }
0x219: {  	[tilespmem:$0x13AC0] =	vst v2;
	v2 =	vld [tilespmem:$0x13AD0]  }
0x21a: {  	v3 =	vld.idx.msk [tilespmem:v3+s30+$0x0], $0xffff;
	_ =	sdelay $0x2  }
0x21b: {  	v4 =	vshrl.u32 v63, $0x1;
	_ =	sdelay $0x1  }
0x21c: {  	v2 =	vmul.f32 v3, v2  }
0x21d: {  	v3 =	vld [tilespmem:$0x138F0]  }
0x21e: {  	[tilespmem:$0x13AD0] =	vst v2;
	v2 =	vld [tilespmem:$0x13AE0]  }
0x21f: {  	v4 =	vld.idx.msk [tilespmem:v4+s30+$0x0], $0xffff;
	_ =	sdelay $0x2  }
0x220: {  	v3 =	vshrl.u32 v3, $0x1;
	_ =	sdelay $0x1  }
0x221: {  	v2 =	vmul.f32 v4, v2;
	_ =	sdelay $0x1  }
0x222: {  	[tilespmem:$0x13AE0] =	vst v2;
	v2 =	vld [tilespmem:$0x13AF0]  }
0x223: {  	v3 =	vld.idx.msk [tilespmem:v3+s30+$0x0], $0xffff;
	_ =	sdelay $0x4  }
0x224: {  	v2 =	vmul.f32 v3, v2;
	_ =	sdelay $0x1  }
0x225: {  	[tilespmem:$0x13AF0] =	vst v2  }
.LBB2_12:
.Ltmp10:
0x226: {  	(pc) =	sbr.rel @p3 .LBB2_16-.Ltmp10, $1  }
0x227: {  	_ =	sdelay $0x3  }
0x228: {  	_ =	swait.ge [sflag:s22], $0x2000  }
0x229: {  	[sflag:s22] =	ssyncset.done $0x0  }
0x22a: {  	[sflag:s22] =	ssyncadd.s32 $0xFFFFE000  }
0x22b: {  	_ =	swait.ge [sflag:s22], $0x2000  }
0x22c: {  	[sflag:s22] =	ssyncset.done $0x0  }
0x22d: {  	[sflag:s22] =	ssyncadd.s32 $0xFFFFE000  }
0x22e: {  	v2 =	vld [tilespmem:$0x13A00]  }
0x22f: {  	v3 =	vld [tilespmem:$0x13A10]  }
0x230: {  	v4 =	vld [tilespmem:$0x13A20]  }
0x231: {  	v5 =	vld [tilespmem:$0x13A30]  }
0x232: {  	s5 =	simm.s32 $0x0;
	v6 =	vld [tilespmem:$0x13A40]  }
0x233: {  	s19 =	simm.s32 $0x2;
	v7 =	vmov s5;
	[tilespmem:$0x1BB80] =	vst v2;
	v2 =	vld [tilespmem:$0x13A50]  }
0x234: {  	v8 =	vmov s19;
	v7 =	vand.u32 $0xFFFFFFFC, v7;
	[tilespmem:$0x1BB90] =	vst v3;
	v3 =	vld [tilespmem:$0x13A60]  }
0x235: {  	v8 =	vand.u32 $0xFFFFFFFE, v8;
	v7 =	vbroadcast v7, $0x0;
	[tilespmem:$0x1BBA0] =	vst v4;
	v4 =	vld [tilespmem:$0x13A70]  }
0x236: {  	[tilespmem:$0x1BBB0] =	vst v5;
	v5 =	vbroadcast v8, $0x0  }
0x237: {  	[tilespmem:$0x1BC00] =	vst v6  }
0x238: {  	[tilespmem:$0x1BC10] =	vst v2  }
0x239: {  	[tilespmem:$0x1BC20] =	vst v3  }
0x23a: {  	[tilespmem:$0x1BC30] =	vst v4  }
0x23b: {  	v2 =	vld.idx.msk [tilespmem:v7+s16+$0x0], $0xffff  }
0x23c: {  	s31 =	simm.s32 $0x17C80;
	v3 =	vld.idx.msk [tilespmem:v5+s16+$0x0], $0xffff  }
0x23d: {  	s12 =	simm.s32 $0x1;
	v5 =	vld [tilespmem:s31+$0x70]  }
0x23e: {  	v4 =	vmov s12;
	v6 =	vld [tilespmem:s31+$0xFFFFFF00]  }
0x23f: {  	v4 =	vand.u32 $0xFFFFFFFD, v4;
	v7 =	vld [tilespmem:s31+$0xFFFFFF10]  }
0x240: {  	v8 =	vld [tilespmem:s31+$0xFFFFFF20];
	v4 =	vbroadcast v4, $0x0  }
0x241: {  	v9 =	vld [tilespmem:s31+$0xFFFFFF30]  }
0x242: {  	v10 =	vld [tilespmem:s31+$0xFFFFFF40]  }
0x243: {  	v11 =	vld [tilespmem:s31+$0xFFFFFF50]  }
0x244: {  	v12 =	vld [tilespmem:s31+$0xFFFFFF60];
	v6 =	vmul.f32 v6, v2  }
0x245: {  	v14 =	vld [tilespmem:s31+$0x40];
	v5 =	vmul.f32 v5, v3  }
0x246: {  	v4 =	vld.idx.msk [tilespmem:v4+s16+$0x0], $0xffff;
	[tilespmem:s31+$0xFFFFFF00] =	vst v6;
	v6 =	vmul.f32 v7, v2  }
0x247: {  	v7 =	vld [tilespmem:s31+$0xFFFFFF70];
	[tilespmem:s31+$0x70] =	vst v5;
	v5 =	vmul.f32 v8, v2  }
0x248: {  	v8 =	vld [tilespmem:s31+$0xFFFFFF80];
	[tilespmem:s31+$0xFFFFFF10] =	vst v6;
	v6 =	vmul.f32 v9, v2  }
0x249: {  	v9 =	vld [tilespmem:s31+$0xFFFFFF90];
	[tilespmem:s31+$0xFFFFFF20] =	vst v5;
	v5 =	vmul.f32 v10, v2  }
0x24a: {  	v10 =	vld [tilespmem:s31+$0xFFFFFFA0];
	[tilespmem:s31+$0xFFFFFF30] =	vst v6;
	v6 =	vmul.f32 v11, v2  }
0x24b: {  	v11 =	vld [tilespmem:s31+$0xFFFFFFB0];
	[tilespmem:s31+$0xFFFFFF40] =	vst v5;
	v5 =	vmul.f32 v12, v2  }
0x24c: {  	v12 =	vld [tilespmem:s31+$0xFFFFFFC0];
	v7 =	vmul.f32 v7, v2;
	[tilespmem:s31+$0xFFFFFF50] =	vst v6  }
0x24d: {  	v6 =	vmul.f32 v8, v4;
	v8 =	vld [tilespmem:s31+$0xFFFFFFD0];
	[tilespmem:s31+$0xFFFFFF60] =	vst v5  }
0x24e: {  	s19 =	simm.s32 $0x3;
	v5 =	vld [tilespmem:s31+$0xFFFFFFE0];
	v9 =	vmul.f32 v9, v4;
	[tilespmem:s31+$0xFFFFFF70] =	vst v7  }
0x24f: {  	v13 =	vmov s19;
	v7 =	vld [tilespmem:s31+$0xFFFFFFF0];
	[tilespmem:s31+$0xFFFFFF80] =	vst v6;
	v6 =	vmul.f32 v10, v4  }
0x250: {  	v10 =	vld [tilespmem:s31+$0x0];
	[tilespmem:s31+$0xFFFFFF90] =	vst v9;
	v9 =	vmul.f32 v11, v4  }
0x251: {  	v11 =	vld [tilespmem:s31+$0x10];
	[tilespmem:s31+$0xFFFFFFA0] =	vst v6;
	v6 =	vmul.f32 v12, v4  }
0x252: {  	[tilespmem:s31+$0xFFFFFFB0] =	vst v9;
	v8 =	vmul.f32 v8, v4;
	v9 =	vld [tilespmem:s31+$0x20]  }
0x253: {  	v12 =	vld [tilespmem:s31+$0x30];
	v5 =	vmul.f32 v5, v4;
	[tilespmem:s31+$0xFFFFFFC0] =	vst v6  }
0x254: {  	v2 =	vld.idx.msk [tilespmem:v13+s16+$0x0], $0xffff;
	v4 =	vmul.f32 v7, v4;
	[tilespmem:s31+$0xFFFFFFD0] =	vst v8  }
0x255: {  	[tilespmem:s31+$0xFFFFFFE0] =	vst v5;
	v6 =	vmul.f32 v10, v3;
	v5 =	vld [tilespmem:s31+$0x50]  }
0x256: {  	s12 =	simm.s32 $0x4;
	[tilespmem:s31+$0xFFFFFFF0] =	vst v4;
	v7 =	vmul.f32 v11, v3;
	v4 =	vld [tilespmem:s31+$0x60]  }
0x257: {  	s19 =	simm.s32 $0x7;
	v8 =	vmov s12;
	[tilespmem:s31+$0x0] =	vst v6;
	v10 =	vmul.f32 v9, v3;
	v9 =	vld [tilespmem:s31+$0x80]  }
0x258: {  	s12 =	simm.s32 $0x5;
	v13 =	vand.u32 $0xFFFFFFFC, v8;
	v8 =	vld [tilespmem:s31+$0x90];
	v6 =	vmov s19;
	v11 =	vmul.f32 v12, v3;
	[tilespmem:s31+$0x10] =	vst v7  }
0x259: {  	s29 =	simm.s32 $0x8;
	s5 =	simm.s32 $0x17C80;
	s19 =	simm.s32 $0x6;
	v12 =	vmul.f32 v14, v3;
	v7 =	vbroadcast v13, $0x0;
	v13 =	vmov s12;
	[tilespmem:s31+$0x20] =	vst v10;
	v10 =	vld [tilespmem:s31+$0xA0]  }
.LBB2_14:
0x25a: {  	p3 =	slt.u32 s29, $0x7C;
	v13 =	vand.u32 $0xFFFFFFFD, v13;
	v14 =	vmov s19;
	[tilespmem:s31+$0x30] =	vst v11;
	v5 =	vmul.f32 v5, v3;
	v11 =	vld [tilespmem:s31+$0xB0]  }
0x25b: {  	v3 =	vmul.f32 v4, v3;
	v13 =	vbroadcast v13, $0x0;
	v14 =	vand.u32 $0xFFFFFFFE, v14;
	[tilespmem:s31+$0x40] =	vst v12;
	v4 =	vld [tilespmem:s31+$0xC0]  }
0x25c: {  	v12 =	vbroadcast v14, $0x0;
	[tilespmem:s31+$0x50] =	vst v5;
	v5 =	vmul.f32 v9, v2;
	v9 =	vld [tilespmem:s31+$0xD0]  }
0x25d: {  	[tilespmem:s31+$0x60] =	vst v3;
	v3 =	vmul.f32 v8, v2;
	v8 =	vld [tilespmem:s31+$0xE0]  }
0x25e: {  	[tilespmem:s31+$0x80] =	vst v5;
	v5 =	vmul.f32 v10, v2;
	v10 =	vld [tilespmem:s31+$0xF0]  }
0x25f: {  	v6 =	vld.idx.msk [tilespmem:v6+s16+$0x0], $0xffff;
	[tilespmem:s31+$0x90] =	vst v3;
	v3 =	vmul.f32 v11, v2  }
0x260: {  	v7 =	vld.idx.msk [tilespmem:v7+s16+$0x0], $0xffff;
	[tilespmem:s31+$0xA0] =	vst v5;
	v4 =	vmul.f32 v4, v2  }
0x261: {  	v5 =	vld.idx.msk [tilespmem:v13+s16+$0x0], $0xffff;
	[tilespmem:s31+$0xB0] =	vst v3;
	v9 =	vmul.f32 v9, v2  }
0x262: {  	s31 =	sadd.s32 $0x200, s31;
	v3 =	vld.idx.msk [tilespmem:v12+s16+$0x0], $0xffff;
	[tilespmem:s5+$0xC0] =	vst v4;
	v4 =	vmul.f32 v8, v2  }
0x263: {  	v8 =	vld [tilespmem:s31+$0x70];
	[tilespmem:s5+$0xD0] =	vst v9;
	v10 =	vmul.f32 v10, v2  }
0x264: {  	v9 =	vld [tilespmem:s31+$0xFFFFFF00];
	[tilespmem:s5+$0xE0] =	vst v4  }
0x265: {  	v2 =	vmov v6;
	v4 =	vld [tilespmem:s31+$0xFFFFFF10];
	[tilespmem:s5+$0xF0] =	vst v10;
	s5 =	smov.u32 s31  }
0x266: {  	v6 =	vld [tilespmem:s31+$0xFFFFFF20]  }
0x267: {  	v10 =	vld [tilespmem:s31+$0xFFFFFF30]  }
0x268: {  	v11 =	vld [tilespmem:s31+$0xFFFFFF40];
	v8 =	vmul.f32 v8, v3  }
0x269: {  	v9 =	vmul.f32 v9, v7;
	v12 =	vld [tilespmem:s31+$0xFFFFFF50]  }
0x26a: {  	v4 =	vmul.f32 v4, v7;
	v13 =	vld [tilespmem:s31+$0xFFFFFF60];
	[tilespmem:s31+$0x70] =	vst v8  }
0x26b: {  	[tilespmem:s31+$0xFFFFFF00] =	vst v9;
	v6 =	vmul.f32 v6, v7;
	v8 =	vld [tilespmem:s31+$0xFFFFFF70]  }
0x26c: {  	[tilespmem:s31+$0xFFFFFF10] =	vst v4;
	v4 =	vmul.f32 v10, v7;
	v9 =	vld [tilespmem:s31+$0xFFFFFF80]  }
0x26d: {  	[tilespmem:s31+$0xFFFFFF20] =	vst v6;
	v6 =	vmul.f32 v11, v7;
	v10 =	vld [tilespmem:s31+$0xFFFFFF90]  }
0x26e: {  	[tilespmem:s31+$0xFFFFFF30] =	vst v4;
	v4 =	vmul.f32 v12, v7;
	v11 =	vld [tilespmem:s31+$0xFFFFFFA0]  }
0x26f: {  	[tilespmem:s31+$0xFFFFFF40] =	vst v6;
	v6 =	vmul.f32 v13, v7;
	v12 =	vld [tilespmem:s31+$0xFFFFFFB0]  }
0x270: {  	[tilespmem:s31+$0xFFFFFF50] =	vst v4;
	v4 =	vmul.f32 v8, v7;
	v7 =	vld [tilespmem:s31+$0xFFFFFFC0]  }
0x271: {  	[tilespmem:s31+$0xFFFFFF60] =	vst v6;
	v6 =	vmul.f32 v9, v5;
	v8 =	vld [tilespmem:s31+$0xFFFFFFD0]  }
0x272: {  	[tilespmem:s31+$0xFFFFFF70] =	vst v4;
	v4 =	vmul.f32 v10, v5;
	v9 =	vld [tilespmem:s31+$0xFFFFFFE0]  }
0x273: {  	[tilespmem:s31+$0xFFFFFF80] =	vst v6;
	v6 =	vmul.f32 v11, v5;
	v10 =	vld [tilespmem:s31+$0xFFFFFFF0]  }
0x274: {  	[tilespmem:s31+$0xFFFFFF90] =	vst v4;
	v4 =	vmul.f32 v12, v5;
	v11 =	vld [tilespmem:s31+$0x0]  }
0x275: {  	[tilespmem:s31+$0xFFFFFFA0] =	vst v6;
	v6 =	vmul.f32 v7, v5;
	v7 =	vld [tilespmem:s31+$0x10]  }
0x276: {  	[tilespmem:s31+$0xFFFFFFB0] =	vst v4;
	v4 =	vmul.f32 v8, v5;
	v8 =	vld [tilespmem:s31+$0x20]  }
0x277: {  	[tilespmem:s31+$0xFFFFFFC0] =	vst v6;
	v6 =	vmul.f32 v9, v5;
	v12 =	vld [tilespmem:s31+$0x30]  }
0x278: {  	[tilespmem:s31+$0xFFFFFFD0] =	vst v4;
	v4 =	vmul.f32 v10, v5;
	v10 =	vld [tilespmem:s31+$0x40]  }
.Ltmp11:
0x279: {  	[tilespmem:s31+$0xFFFFFFE0] =	vst v6;
	v6 =	vmul.f32 v11, v3;
	v5 =	vld [tilespmem:s31+$0x50];
	(pc) =	sbr.rel @p3 .LBB2_14-.Ltmp11, $4  }
0x27a: {  	[tilespmem:s31+$0xFFFFFFF0] =	vst v4;
	v7 =	vmul.f32 v7, v3;
	v4 =	vld [tilespmem:s31+$0x60]  }
0x27b: {  	s12 =	sadd.s32 $0x3, s29;
	v11 =	vmov s29;
	[tilespmem:s31+$0x0] =	vst v6;
	v14 =	vmul.f32 v8, v3;
	v9 =	vld [tilespmem:s31+$0x80]  }
0x27c: {  	s19 =	sadd.s32 $0x1, s29;
	v13 =	vand.u32 $0xFFFFFFFC, v11;
	v6 =	vmov s12;
	[tilespmem:s31+$0x10] =	vst v7;
	v11 =	vmul.f32 v12, v3;
	v8 =	vld [tilespmem:s31+$0x90]  }
0x27d: {  	v7 =	vbroadcast v13, $0x0;
	v13 =	vmov s19;
	s19 =	sadd.s32 $0x2, s29;
	s29 =	sadd.s32 $0x4, s29;
	[tilespmem:s31+$0x20] =	vst v14;
	v12 =	vmul.f32 v10, v3;
	v10 =	vld [tilespmem:s31+$0xA0]  }
.Ltmp12:
0x27e: {  	_ = 	snop;
	(pc) =	sbr.rel .LBB2_15-.Ltmp12, $1  }
0x27f: {  	_ =	sdelay $0x3  }
.LBB2_18:
0x280: {  	_ =	sfence.sel $0x180000  }
0x281: {  	[bflag:$0x0] =	sbarrier.arrive $0xFFFF  }
0x282: {  	_ =	strace $0x9000004D  }
0x283: {  	[bflag:$0x2] =	sbarrier.arrive $0xFFFF  }
0x284: {  	p0 =	sne.s32 s6, $0x0;
	s0 =	rddreg [dreg:$0x5]  }
0x285: {  	s0 =	sadd.s32 @!p0 $0x100000, s0  }
0x286: {  	[sflag:s0] =	ssyncadd.tile.s32 @!p0 $0x1;
	_ =	shalt  }
.Lfunc_end2:
_tile_overlayer_lowered:
.L_overlay_start_2:
0x287: {  	(tag) =	ssettag $0x2  }
0x288: {  	s0 =	rddreg [dreg:$0x0];
	s2 =	stileid.u32  }
0x289: {  	s1 =	rddreg [dreg:$0x1];
	p0 =	sne.s32 s2, $0x0  }
0x28a: {  	s3 =	rddreg [dreg:$0x2];
	[bflag:$0x3] =	sbarrier.arrive $0xFFFF;
	s2 =	simm.s32 @!p0 $0x1C06  }
0x28b: {  	[timem:s3], [sflag:s2] =	dma.local @!p0 [hbm:s0], s1  }
0x28c: {  	s0 =	simm.s32 @!p0 $0x6  }
0x28d: {  	_ =	swait.ge @!p0 [sflag:s0], s1  }
0x28e: {  	s1 =	ssub.s32 @!p0 $0x0, s1;
	[sflag:s0] =	ssyncset.done @!p0 $0x0  }
0x28f: {  	[sflag:s0] =	ssyncadd.s32 @!p0 s1  }
0x290: {  	[bflag:$0x3] =	sbarrier.arrive $0xFFFF  }
0x291: {  	_ =	shalt  }

// kernel: kernel.8.cloned.1.call-start
scs
__scs_entry_jumppad:
0x0: {  	(pc) =	sbr.rel $0x88, $3  }
0x1: {  	(tag) =	ssettag $0x0;
	lr =	simm.s32 $0x1  }
0x2: {  	[smem:$0x3F9A] =	sst lr;
	_ =	strace $0xD0000000  }
0x3: {  	_ = 	snop  }
0x4: {  	_ = 	snop  }
0x5: {  	_ = 	snop  }
0x6: {  	_ = 	snop  }
0x7: {  	_ = 	snop  }
__scs_overlays_trampoline_lowered:
0x8: {  	[smem:$0x3FA9] =	sst s0  }
0x9: {  	[smem:$0x3FAA] =	sst s1  }
0xa: {  	[smem:$0x3FAB] =	sst s2  }
0xb: {  	[smem:$0x3FAC] =	sst s3  }
0xc: {  	[smem:$0x3FAD] =	sst s4  }
0xd: {  	[smem:$0x3FAE] =	sst s5  }
0xe: {  	[smem:$0x3FAF] =	sst s6  }
0xf: {  	[smem:$0x3FB0] =	sst s7  }
0x10: {  	[smem:$0x3FB1] =	sst s8  }
0x11: {  	[smem:$0x3FB2] =	sst s9;
	s0 =	simm.s32 @!p0 $0x0  }
0x12: {  	s1 =	sld [smem:$0x3F98];
	s0 =	simm.s32 @p0 $0x1  }
0x13: {  	[smem:$0x3FB3] =	sst s0;
	s0 =	simm.s32 @!p1 $0x0  }
0x14: {  	s2 =	sld [smem:$0x3F97];
	s0 =	simm.s32 @p1 $0x1  }
0x15: {  	[smem:$0x3FB4] =	sst s0;
	s0 =	simm.s32 @!p2 $0x0  }
0x16: {  	s3 =	sld [smem:$0x3FDB];
	s0 =	simm.s32 @p2 $0x1  }
0x17: {  	s4 =	simm.s32 $0x1BF5;
	[smem:$0x3FB6] =	sst s0  }
0x18: {  	s0 =	sld [smem:$0x3F99];
	_ =	swait.ge [sflag:s4], $0x0  }
0x19: {  	s7 =	sld [smem:$0x3F9A]  }
0x1a: {  	s8 =	sadd.s32 $0xFFFFE003, lr  }
0x1b: {  	s9 =	sadd.s32 $0xFFFFFEF7, lr;
	s5 =	simm.s32 $0xFFFFFFFF;
	p2 =	slt.u32 s8, $0xFFFFF086  }
0x1c: {  	p1 =	slt.u32 s9, $0xF7A;
	s5 =	simm.s32 @!p2 $0x0  }
0x1d: {  	s5 =	simm.s32 @p1 $0x1;
	p0 =	seq.s32 s7, s2  }
0x1e: {  	s7 =	smul.u32 @!p0 $0xF7A, s2;
	p2 =	seq.s32 @!p0 s5, $0x0  }
0x1f: {  	s9 =	smul.u32 $0xF7A, s1;
	s8 =	simm.s32 @!p0 $0x1BF5;
	p2 =	por !p2, p0  }
0x20: {  	[sflag:s8] =	ssyncset.s32 @!p0 $0xFFFFF086;
	s6 =	sadd.s32 @!p0 s3, s7;
	s7 =	simm.s32 @!p0 $0x108  }
0x21: {  	s3 =	sadd.s32 s3, s9;
	s6 =	sadd.s32 @!p0 $0x88, s6;
	s7 =	simm.s32 @p2 $0x1082  }
0x22: {  	[simem:s7], [sflag:s8] =	dma.local @!p0 [hbm:s6], $0xF7A  }
0x23: {  	s9 =	sor.u32 $0xD0000000, s2;
	s6 =	simm.s32 $0x108;
	_ =	swait.ge @!p0 [sflag:s8], $0x0  }
0x24: {  	s3 =	sadd.s32 $0x88, s3;
	s6 =	simm.s32 @!p1 $0x1082;
	[sflag:s4] =	ssyncset.s32 $0xFFFFF086  }
0x25: {  	[simem:s6], [sflag:s4] =	dma.local [hbm:s3], $0xF7A  }
0x26: {  	[smem:$0x3F9A] =	sst s1;
	(tag) =	ssettag s2;
	_ =	strace s9  }
0x27: {  	s1 =	sld [smem:$0x3FAA]  }
0x28: {  	s2 =	sld [smem:$0x3FAB]  }
0x29: {  	s4 =	sld [smem:$0x3FAD]  }
0x2a: {  	p0 =	seq.s32 s5, $0x0;
	s5 =	sld [smem:$0x3FAE]  }
0x2b: {  	s6 =	sld [smem:$0x3FAF]  }
0x2c: {  	s7 =	sld [smem:$0x3FB0]  }
0x2d: {  	s3 =	simm.s32 $0x108;
	s8 =	sld [smem:$0x3FB1]  }
0x2e: {  	s3 =	simm.s32 @!p0 $0x1082;
	s9 =	sld [smem:$0x3FB2]  }
0x2f: {  	lr =	sadd.s32 s0, s3;
	s0 =	sld [smem:$0x3FA9]  }
0x30: {  	s3 =	sld [smem:$0x3FAC]  }
0x31: {  	[smem:$0x3FB5] =	sst s10  }
0x32: {  	s10 =	sld [smem:$0x3FB3];
	_ =	sdelay $0x3  }
0x33: {  	p0 =	seq.s32 s10, $0x1;
	s10 =	sld [smem:$0x3FB5];
	_ =	sdelay $0x3  }
0x34: {  	[smem:$0x3FB5] =	sst s10  }
0x35: {  	s10 =	sld [smem:$0x3FB4];
	_ =	sdelay $0x3  }
0x36: {  	p1 =	seq.s32 s10, $0x1;
	s10 =	sld [smem:$0x3FB5];
	_ =	sdelay $0x3  }
0x37: {  	[smem:$0x3FB5] =	sst s10  }
0x38: {  	s10 =	sld [smem:$0x3FB6]  }
0x39: {  	_ = 	snop;
	(pc) =	sbr.ind lr, $3  }
0x3a: {  	_ = 	snop  }
0x3b: {  	_ = 	snop  }
0x3c: {  	p2 =	seq.s32 s10, $0x1;
	s10 =	sld [smem:$0x3FB5]  }
0x3d: {  	_ =	shalt  }
0x3e: {  	_ =	shalt  }
0x3f: {  	_ =	shalt  }
0x40: {  	_ =	shalt  }
0x41: {  	_ =	shalt  }
0x42: {  	_ =	shalt  }
0x43: {  	_ =	shalt  }
0x44: {  	_ =	shalt  }
0x45: {  	_ =	shalt  }
0x46: {  	_ =	shalt  }
0x47: {  	_ =	shalt  }
0x48: {  	_ =	shalt  }
0x49: {  	_ =	shalt  }
0x4a: {  	_ =	shalt  }
0x4b: {  	_ =	shalt  }
0x4c: {  	_ =	shalt  }
0x4d: {  	_ =	shalt  }
0x4e: {  	_ =	shalt  }
0x4f: {  	_ =	shalt  }
0x50: {  	_ =	shalt  }
0x51: {  	_ =	shalt  }
0x52: {  	_ =	shalt  }
0x53: {  	_ =	shalt  }
0x54: {  	_ =	shalt  }
0x55: {  	_ =	shalt  }
0x56: {  	_ =	shalt  }
0x57: {  	_ =	shalt  }
0x58: {  	_ =	shalt  }
0x59: {  	_ =	shalt  }
0x5a: {  	_ =	shalt  }
0x5b: {  	_ =	shalt  }
0x5c: {  	_ =	shalt  }
0x5d: {  	_ =	shalt  }
0x5e: {  	_ =	shalt  }
0x5f: {  	_ =	shalt  }
0x60: {  	_ =	shalt  }
0x61: {  	_ =	shalt  }
0x62: {  	_ =	shalt  }
0x63: {  	_ =	shalt  }
0x64: {  	_ =	shalt  }
0x65: {  	_ =	shalt  }
0x66: {  	_ =	shalt  }
0x67: {  	_ =	shalt  }
0x68: {  	_ =	shalt  }
0x69: {  	_ =	shalt  }
0x6a: {  	_ =	shalt  }
0x6b: {  	_ =	shalt  }
0x6c: {  	_ =	shalt  }
0x6d: {  	_ =	shalt  }
0x6e: {  	_ =	shalt  }
0x6f: {  	_ =	shalt  }
0x70: {  	_ =	shalt  }
0x71: {  	_ =	shalt  }
0x72: {  	_ =	shalt  }
0x73: {  	_ =	shalt  }
0x74: {  	_ =	shalt  }
0x75: {  	_ =	shalt  }
0x76: {  	_ =	shalt  }
0x77: {  	_ =	shalt  }
0x78: {  	_ =	shalt  }
0x79: {  	_ =	shalt  }
0x7a: {  	_ =	shalt  }
0x7b: {  	_ =	shalt  }
0x7c: {  	_ =	shalt  }
0x7d: {  	_ =	shalt  }
0x7e: {  	_ =	shalt  }
0x7f: {  	_ =	shalt  }
0x80: {  	_ =	shalt  }
0x81: {  	_ =	shalt  }
0x82: {  	_ =	shalt  }
0x83: {  	_ =	shalt  }
0x84: {  	_ =	shalt  }
0x85: {  	_ =	shalt  }
0x86: {  	_ =	shalt  }
0x87: {  	_ =	shalt  }
.Lfunc_end0:
.L_simem_size_0:
called_computation_lowered:
.L_overlay_start_0:
0x88: {  	s2 =	sld [smem:$0x3FD9]  }
0x89: {  	s3 =	sld [smem:$0x3FFE];
	_ =	sdelay $0x1  }
0x8a: {  	s1 =	srdreg.scid  }
0x8b: {  	s0 =	sand.u32 $0x1, s1  }
0x8c: {  	s16 =	sshll.u32 s0, $0xA;
	s2 =	sadd.s32 s3, s2  }
0x8d: {  	s2 =	sadd.s32 s2, s16  }
0x8e: {  	[smem:$0x3FC1] =	sst s2  }
0x8f: {  	_ = 	snop  }
0x90: {  	(tm) =	ssettm $0x1  }
0x91: {  	s17 =	sld [smem:$0x3FFB];
	_ =	sdelay $0x3  }
0x92: {  	_ =	strace s17  }
0x93: {  	s2 =	sld [smem:$0x3FFC];
	_ =	sdelay $0x3  }
0x94: {  	_ =	strace s2  }
0x95: {  	s2 =	sld [smem:$0x3FFD];
	_ =	sdelay $0x3  }
0x96: {  	_ =	strace s2  }
0x97: {  	_ =	strace $0x8FFFFFFF  }
0x98: {  	s18 =	sld [smem:$0x3FDB];
	_ =	sdelay $0x1  }
0x99: {  	s19 =	simm.s32 $_scs_section_size  }
0x9a: {  	s4 =	simm.s32 $_size__tile_overlayer_lowered;
	s5 =	simm.s32 $_tile_overlayer_lowered  }
0x9b: {  	s22 =	simm.s32 $0x1BFF;
	s21 =	sshll.u32 s5, $0x1;
	s2 =	sadd.s32 s19, s18  }
0x9c: {  	s6 =	simm.s32 $0x0;
	s20 =	sshll.u32 s4, $0x1;
	s4 =	sadd.s32 s21, s2  }
0x9d: {  	[timem:s6], [sflag:s22] =	dma.local [hbm:s4], s20  }
0x9e: {  	_ =	swait.ge [sflag:s22], s20  }
0x9f: {  	s3 =	ssub.s32 $0x0, s20;
	[sflag:s22] =	ssyncset.done $0x0  }
0xa0: {  	[sflag:s22] =	ssyncadd.s32 s3;
	_ =	sdelay $0x1  }
0xa1: {  	s23 =	simm.s32 $0x1B8B  }
0xa2: {  	_ =	swait.ge [sflag:s23], $0x1  }
0xa3: {  	[sflag:s23] =	ssyncset.done $0x0  }
0xa4: {  	s25 =	simm.s32 $0x1B8E;
	s24 =	sld [smem:$0x3FFE];
	[sflag:s23] =	ssyncadd.s32 $0xFFFFFFFF  }
0xa5: {  	s26 =	simm.s32 $execute0_lowered;
	[smem:$0x3FD2] =	sst s25  }
0xa6: {  	s4 =	sshll.u32 s26, $0x1;
	_ =	strace $0x80000046;
	[dreg:$0x1] =	wrdreg $0xFFFFFFFF  }
0xa7: {  	s28 =	simm.s32 $_size_execute0_lowered;
	s2 =	sadd.s32 s2, s4;
	[dreg:$0x0] =	wrdreg $0x0  }
0xa8: {  	s4 =	sshll.u32 s28, $0x1;
	[dreg:$0x2] =	wrdreg s2  }
0xa9: {  	[dreg:$0x3] =	wrdreg s4  }
0xaa: {  	[dreg:$0x4] =	wrdreg $0xC0  }
0xab: {  	_ =	task [dreg:s6], $0x5FFFF  }
0xac: {  	[dreg:$0x1] =	wrdreg $0xFFFFFFFF  }
0xad: {  	[dreg:$0x0] =	wrdreg $0x60  }
0xae: {  	[dreg:$0x2] =	wrdreg s24  }
0xaf: {  	[dreg:$0x3] =	wrdreg $0x0  }
0xb0: {  	[dreg:$0x4] =	wrdreg $0x9  }
0xb1: {  	_ =	task.clear_ibuf [dreg:s6], $0x5FFFF;
	_ =	strace $0x90000046  }
0xb2: {  	s29 =	simm.s32 $0x9;
	_ =	strace $0x80000048  }
0xb3: {  	_ =	swait.ge [sflag:s29], $0x1  }
0xb4: {  	[sflag:s29] =	ssyncadd.s32 $0xFFFFFFFF  }
0xb5: {  	_ =	strace $0x90000048  }
0xb6: {  	_ =	sfence  }
0xb7: {  	s30 =	sld [smem:$0x0];
	_ =	sdelay $0x2  }
0xb8: {  	s31 =	sshll.u32 s1, $0xD;
	s1 =	sshrl.u32 s1, $0x2  }
0xb9: {  	s3 =	sand.u32 $0x4000, s31;
	s1 =	sadd.s32 s1, s30  }
0xba: {  	s0 =	sor.u32 s3, s0;
	s1 =	sshll.u32 s1, $0x11  }
0xbb: {  	s0 =	sor.u32 s1, s0  }
0xbc: {  	s0 =	sadd.s32 $0x8F2B, s0  }
0xbd: {  	[sflag:s0] =	ssyncadd.remote.s32 $0x1  }
0xbe: {  	_ =	sfence.sel $0xFFFF  }
0xbf: {  	[dreg:$0x0] =	wrdreg $0xFFFFFFFF;
	(pc) =	sbr.abs _section_cstart, $3  }
0xc0: {  	[dreg:$0x1] =	wrdreg $0xFFFFFFFF  }
0xc1: {  	_ =	task.clear_ibuf [dreg:s6], $0x2FFFF;
	_ =	strace $0x9FFFFFFF  }
0xc2: {  	(tm) =	ssettm $0x7FFFFFFF  }
0xc3: {  	_ =	shalt  }
tec
execute0_lowered:
.L_overlay_start_1:
0x0: {  	(tag) =	ssettag $0x1  }
0x1: {  	s4 =	rddreg [dreg:$0x0]  }
0x2: {  	s1 =	rddreg [dreg:$0x1];
	s3 =	srdreg.scid  }
0x3: {  	s0 =	rddreg [dreg:$0x2];
	s2 =	simm.s32 $0x0;
	s7 =	simm.s32 $0x6A00  }
0x4: {  	s10 =	simm.s32 $0x1;
	s11 =	simm.s32 $0x380;
	s12 =	simm.s32 $0x2  }
0x5: {  	s14 =	simm.s32 $0x2B80;
	s15 =	simm.s32 $0x3;
	s5 =	sand.u32 $0x1, s3  }
0x6: {  	s17 =	simm.s32 $0x0;
	[smem:$0x7FF] =	sst s2;
	s3 =	smul.u32 $0x500, s5  }
0x7: {  	_ =	strace $0x80000047;
	p0 =	seq.s32 s5, $0x0;
	s5 =	ssub.s32 $0x2, s5  }
0x8: {  	s7 =	simm.s32 @!p0 $0x1A00;
	s8 =	sshrl.u32 s5, $0x1;
	s6 =	sadd.s32 s3, s4  }
0x9: {  	s3 =	stileid.u32;
	s7 =	sadd.s32 s7, s4;
	s8 =	ssub.s32 s5, s8  }
0xa: {  	s9 =	sshll.u32 s3, $0x4;
	s4 =	sadd.s32 $0xBA00, s6;
	s6 =	smax.u32 s8, $0x1  }
0xb: {  	v0 =	vlaneseq.u32;
	s13 =	sor.u32 $0x4E0, s3;
	p0 =	sne.s32 s3, $0x0;
	s8 =	simm.s32 $0x280  }
0xc: {  	v1 =	vimm.f32 $0.0e+00;
	v6 =	vimm.f32 $1.000000000e+00;
	v2 =	vor.u32 $0x10, v0;
	s5 =	sadd.s32 s7, s9;
	s9 =	simm.s32 $0x300;
	p1 =	sgt.u32 s13, $0x4E1  }
0xd: {  	v3 =	vor.u32 $0x20, v0;
	v4 =	vor.u32 $0x30, v0;
	v5 =	vor.u32 $0x40, v0;
	s13 =	simm.s32 $0x50;
	s16 =	sshrl.u32 @!p0 s1, $0x3;
	s7 =	sadd.s32 $0x200, s5  }
.LBB2_1:
0xe: {  	s18 =	simm.s32 $0x0;
	s19 =	simm.s32 $0x200  }
.LBB2_2:
0xf: {  	p2 =	sne.s32 s19, $0x9E00;
	[tilespmem:s18+$0x3F0] =	vst v1  }
0x10: {  	[tilespmem:s18+$0x380] =	vst v1  }
0x11: {  	[tilespmem:s18+$0x390] =	vst v1  }
.Ltmp0:
0x12: {  	[tilespmem:s18+$0x3A0] =	vst v1;
	(pc) =	sbr.rel @p2 .LBB2_2-.Ltmp0, $4  }
0x13: {  	[tilespmem:s18+$0x3B0] =	vst v1  }
0x14: {  	[tilespmem:s18+$0x3C0] =	vst v1  }
0x15: {  	[tilespmem:s18+$0x3D0] =	vst v1  }
0x16: {  	[tilespmem:s18+$0x3E0] =	vst v1;
	s18 =	sshra.s32 s19, $0x2;
	s19 =	sadd.s32 $0x200, s19  }
0x17: {  	[tilespmem:s18+$0x3F0] =	vst v1  }
0x18: {  	[tilespmem:s18+$0x380] =	vst v1  }
0x19: {  	[tilespmem:s18+$0x390] =	vst v1  }
0x1a: {  	[tilespmem:s18+$0x3A0] =	vst v1  }
0x1b: {  	[tilespmem:s18+$0x3B0] =	vst v1  }
0x1c: {  	[tilespmem:s18+$0x3C0] =	vst v1  }
0x1d: {  	[tilespmem:s18+$0x3D0] =	vst v1  }
0x1e: {  	[tilespmem:s18+$0x3E0] =	vst v1  }
0x1f: {  	[tilespmem:$0x2B80] =	vst v0  }
0x20: {  	[tilespmem:$0x2B90] =	vst v2  }
0x21: {  	[tilespmem:$0x2BA0] =	vst v3  }
0x22: {  	[tilespmem:$0x2BB0] =	vst v4  }
0x23: {  	s18 =	simm.s32 @!p0 $0x380;
	[tilespmem:$0x2BC0] =	vst v5  }
0x24: {  	[spmem:s1] =	stream.linear.scatter @!p0 [tilespmem:s18], [sflag:$0x3], $0x2800, $0x38;
	[tilespmem:$0x2C00] =	vst v63  }
0x25: {  	s18 =	simm.s32 @!p0 $0x3  }
0x26: {  	_ =	swait.ge @!p0 [sflag:s18], $0x2800  }
0x27: {  	[sflag:s18] =	ssyncset.done @!p0 $0x0  }
0x28: {  	[sflag:s18] =	ssyncadd.s32 @!p0 $0xFFFFD800  }
0x29: {  	s19 =	smov.u32 s7;
	s18 =	simm.s32 $0x20;
	[bflag:$0x0] =	sbarrier.arrive $0xFFFF  }
0x2a: {  	[tilespmem:s8], [sflag:$0x1] =	stream.linear.gather [hbm4b:s5+s2], $0x80, $0x38;
	[tilespmem:$0x2C00] =	vst v63  }
.LBB2_4:
0x2b: {  	s20 =	sadd.s32 $0xFFFFFF00, s19  }
0x2c: {  	[tilespmem:s9], [sflag:$0x2] =	stream.linear.gather [hbm4b:s20+s2], $0x80, $0x38;
	[tilespmem:$0x2C00] =	vst v63  }
0x2d: {  	_ =	swait.ge [sflag:s10], $0x80  }
0x2e: {  	[sflag:s10] =	ssyncset.done $0x0  }
0x2f: {  	[sflag:s10] =	ssyncadd.s32 $0xFFFFFF80  }
0x30: {  	v7 =	vld [tilespmem:$0x280];
	_ =	sdelay $0x7  }
0x31: {  	[tilespmem:v7+s11+$0x0] =	vst.idx.add.f32.msk $0xffff, v6  }
0x32: {  	v7 =	vld [tilespmem:$0x290];
	_ =	sdelay $0x7  }
0x33: {  	[tilespmem:v7+s11+$0x0] =	vst.idx.add.f32.msk $0xffff, v6  }
0x34: {  	v7 =	vld [tilespmem:$0x2A0];
	_ =	sdelay $0x7  }
0x35: {  	[tilespmem:v7+s11+$0x0] =	vst.idx.add.f32.msk $0xffff, v6  }
0x36: {  	v7 =	vld [tilespmem:$0x2B0];
	_ =	sdelay $0x7  }
0x37: {  	[tilespmem:v7+s11+$0x0] =	vst.idx.add.f32.msk $0xffff, v6  }
0x38: {  	v7 =	vld [tilespmem:$0x2C0];
	_ =	sdelay $0x7  }
0x39: {  	[tilespmem:v7+s11+$0x0] =	vst.idx.add.f32.msk $0xffff, v6  }
0x3a: {  	v7 =	vld [tilespmem:$0x2D0];
	_ =	sdelay $0x7  }
0x3b: {  	[tilespmem:v7+s11+$0x0] =	vst.idx.add.f32.msk $0xffff, v6  }
0x3c: {  	v7 =	vld [tilespmem:$0x2E0];
	_ =	sdelay $0x7  }
0x3d: {  	[tilespmem:v7+s11+$0x0] =	vst.idx.add.f32.msk $0xffff, v6  }
0x3e: {  	v7 =	vld [tilespmem:$0x2F0];
	_ =	sdelay $0x5  }
0x3f: {  	s31 =	sadd.s32 s18, s3  }
0x40: {  	p2 =	sgt.u32 s31, $0x4E1  }
0x41: {  	s20 =	simm.s32 @!p2 $0x0;
	s21 =	simm.s32 @!p2 $0x280;
	[tilespmem:v7+s11+$0x0] =	vst.idx.add.f32.msk $0xffff, v6  }
0x42: {  	[tilespmem:s21], [sflag:$0x1] =	stream.linear.gather @!p2 [hbm4b:s19+s20], $0x80, $0x38;
	[tilespmem:$0x2C00] =	vst v63  }
0x43: {  	_ =	swait.ge [sflag:s12], $0x80  }
0x44: {  	[sflag:s12] =	ssyncset.done $0x0  }
0x45: {  	[sflag:s12] =	ssyncadd.s32 $0xFFFFFF80  }
0x46: {  	v7 =	vld [tilespmem:$0x300];
	_ =	sdelay $0x7  }
0x47: {  	[tilespmem:v7+s11+$0x0] =	vst.idx.add.f32.msk $0xffff, v6  }
0x48: {  	v7 =	vld [tilespmem:$0x310];
	_ =	sdelay $0x7  }
0x49: {  	[tilespmem:v7+s11+$0x0] =	vst.idx.add.f32.msk $0xffff, v6  }
0x4a: {  	v7 =	vld [tilespmem:$0x320];
	_ =	sdelay $0x7  }
0x4b: {  	[tilespmem:v7+s11+$0x0] =	vst.idx.add.f32.msk $0xffff, v6  }
0x4c: {  	v7 =	vld [tilespmem:$0x330];
	_ =	sdelay $0x7  }
0x4d: {  	[tilespmem:v7+s11+$0x0] =	vst.idx.add.f32.msk $0xffff, v6  }
0x4e: {  	v7 =	vld [tilespmem:$0x340];
	_ =	sdelay $0x7  }
0x4f: {  	[tilespmem:v7+s11+$0x0] =	vst.idx.add.f32.msk $0xffff, v6  }
0x50: {  	v7 =	vld [tilespmem:$0x350];
	_ =	sdelay $0x7  }
0x51: {  	[tilespmem:v7+s11+$0x0] =	vst.idx.add.f32.msk $0xffff, v6  }
0x52: {  	v7 =	vld [tilespmem:$0x360];
	_ =	sdelay $0x7  }
0x53: {  	[tilespmem:v7+s11+$0x0] =	vst.idx.add.f32.msk $0xffff, v6  }
0x54: {  	v7 =	vld [tilespmem:$0x370];
	_ =	sdelay $0x1  }
0x55: {  	s18 =	sadd.s32 $0x20, s18  }
0x56: {  	p2 =	sne.s32 s18, $0x500  }
.Ltmp1:
0x57: {  	_ = 	snop;
	(pc) =	sbr.rel @p2 .LBB2_4-.Ltmp1, $2  }
0x58: {  	_ =	sdelay $0x2  }
0x59: {  	s19 =	sadd.s32 $0x200, s19;
	[tilespmem:v7+s11+$0x0] =	vst.idx.add.f32.msk $0xffff, v6  }
0x5a: {  	s18 =	simm.s32 @!p1 $0x1  }
0x5b: {  	_ =	swait.ge @!p1 [sflag:s18], $0x80  }
0x5c: {  	[sflag:s18] =	ssyncset.done @!p1 $0x0  }
0x5d: {  	[sflag:s18] =	ssyncadd.s32 @!p1 $0xFFFFFF80  }
0x5e: {  	v7 =	vld @!p1 [tilespmem:$0x280];
	_ =	sdelay $0x6  }
0x5f: {  	v8 =	vimm.f32 @!p1 $1.000000000e+00;
	s18 =	simm.s32 @!p1 $0x380  }
0x60: {  	[tilespmem:v7+s18+$0x0] =	vst.idx.add.f32.msk @!p1 $0xffff, v8  }
0x61: {  	v7 =	vld @!p1 [tilespmem:$0x290];
	_ =	sdelay $0x7  }
0x62: {  	[tilespmem:v7+s18+$0x0] =	vst.idx.add.f32.msk @!p1 $0xffff, v8  }
0x63: {  	v7 =	vld @!p1 [tilespmem:$0x2A0];
	_ =	sdelay $0x7  }
0x64: {  	[tilespmem:v7+s18+$0x0] =	vst.idx.add.f32.msk @!p1 $0xffff, v8  }
0x65: {  	v7 =	vld @!p1 [tilespmem:$0x2B0];
	_ =	sdelay $0x7  }
0x66: {  	[tilespmem:v7+s18+$0x0] =	vst.idx.add.f32.msk @!p1 $0xffff, v8  }
0x67: {  	v7 =	vld @!p1 [tilespmem:$0x2C0];
	_ =	sdelay $0x7  }
0x68: {  	[tilespmem:v7+s18+$0x0] =	vst.idx.add.f32.msk @!p1 $0xffff, v8  }
0x69: {  	v7 =	vld @!p1 [tilespmem:$0x2D0];
	_ =	sdelay $0x7  }
0x6a: {  	[tilespmem:v7+s18+$0x0] =	vst.idx.add.f32.msk @!p1 $0xffff, v8  }
0x6b: {  	v7 =	vld @!p1 [tilespmem:$0x2E0];
	_ =	sdelay $0x7  }
0x6c: {  	[tilespmem:v7+s18+$0x0] =	vst.idx.add.f32.msk @!p1 $0xffff, v8  }
0x6d: {  	v7 =	vld @!p1 [tilespmem:$0x2F0];
	_ =	sdelay $0x7  }
0x6e: {  	[tilespmem:v7+s18+$0x0] =	vst.idx.add.f32.msk @!p1 $0xffff, v8  }
0x6f: {  	[spmem:s1] =	stream.indirect.scatter.add.f32 [tilespmem:s11], [sflag:$0x3], $0x80, s14, s13, $0xb8;
	[tilespmem:$0x2C00] =	vst v63  }
0x70: {  	_ =	swait.ge [sflag:s15], $0x2800  }
0x71: {  	[sflag:s15] =	ssyncset.done $0x0  }
0x72: {  	s17 =	sadd.s32 $0x1, s17;
	[sflag:s15] =	ssyncadd.s32 $0xFFFFD800  }
0x73: {  	p2 =	sne.s32 s17, s6;
	s18 =	simm.s32 @!p0 $0x1C03;
	[bflag:$0x0] =	sbarrier.arrive $0xFFFF  }
0x74: {  	[hbm:s4], [sflag:s18] =	dma.local @!p0 [spmem:s16], $0x500  }
.Ltmp2:
0x75: {  	_ = 	snop;
	(pc) =	sbr.rel @p2 .LBB2_1-.Ltmp2, $4  }
0x76: {  	s18 =	simm.s32 @!p0 $0x3  }
0x77: {  	_ =	swait.ge @!p0 [sflag:s18], $0x500  }
0x78: {  	[sflag:s18] =	ssyncset.done @!p0 $0x0  }
0x79: {  	[sflag:s18] =	ssyncadd.s32 @!p0 $0xFFFFFB00  }
0x7a: {  	_ =	sfence.sel $0x180000  }
0x7b: {  	[bflag:$0x0] =	sbarrier.arrive $0xFFFF  }
0x7c: {  	_ =	strace $0x90000047  }
0x7d: {  	s0 =	sadd.s32 @!p0 $0x100000, s0;
	[bflag:$0x2] =	sbarrier.arrive $0xFFFF  }
0x7e: {  	[sflag:s0] =	ssyncadd.tile.s32 @!p0 $0x1;
	_ =	shalt  }
.Lfunc_end2:
_tile_overlayer_lowered:
.L_overlay_start_2:
0x7f: {  	(tag) =	ssettag $0x2  }
0x80: {  	s0 =	rddreg [dreg:$0x0];
	s2 =	stileid.u32  }
0x81: {  	s1 =	rddreg [dreg:$0x1];
	p0 =	sne.s32 s2, $0x0  }
0x82: {  	s3 =	rddreg [dreg:$0x2];
	[bflag:$0x3] =	sbarrier.arrive $0xFFFF;
	s2 =	simm.s32 @!p0 $0x1C03  }
0x83: {  	[timem:s3], [sflag:s2] =	dma.local @!p0 [hbm:s0], s1  }
0x84: {  	s0 =	simm.s32 @!p0 $0x3  }
0x85: {  	_ =	swait.ge @!p0 [sflag:s0], s1  }
0x86: {  	s1 =	ssub.s32 @!p0 $0x0, s1;
	[sflag:s0] =	ssyncset.done @!p0 $0x0  }
0x87: {  	[sflag:s0] =	ssyncadd.s32 @!p0 s1  }
0x88: {  	[bflag:$0x3] =	sbarrier.arrive $0xFFFF  }
0x89: {  	_ =	shalt  }

</sc_bundles>
